<compile_context>
chip_gen: v7x
topology: tpu7x:2x2x1
jax: 0.10.2.dev20260603
libtpu: 0.0.44.dev20260713+nightly
codegen_flags: <defaults>
</compile_context>

<pallas_src>
import functools

import jax
import jax.numpy as jnp
from jax import lax
from jax.experimental import pallas as pl
from jax.experimental.pallas import tpu as pltpu
from jax.experimental.pallas import tpu_sc as plsc

N = 10000
E = 320000
D = 128
NC = 2
NS = 16
NW = NC * NS
C = 80
NCH = 125
EPW = NCH * C
RPT = 632
NPAD = RPT * NS
BR = 1000
GRID = N // BR


def _leaky(v):
    return jnp.where(v > 0, v, 0.1 * v)


@functools.cache
def _get_sc_segsum():
    mesh = plsc.VectorSubcoreMesh(core_axis_name="c", subcore_axis_name="s")
    return functools.partial(
        pl.kernel,
        out_type=(
            jax.ShapeDtypeStruct((NPAD, D), jnp.float32),
            jax.ShapeDtypeStruct((NPAD, D), jnp.float32),
        ),
        mesh=mesh,
        scratch_types=dict(
            sbufs=[pltpu.VMEM((C,), jnp.int32)] * 8,
            dbufs=[pltpu.VMEM((C,), jnp.int32)] * 8,
            rbufs=[pltpu.VMEM((C, D), jnp.float32)] * 4,
            zbuf=pltpu.VMEM((8, D), jnp.float32),
            acc_sh=pltpu.VMEM_SHARED((NPAD, D), jnp.float32),
            gsem=pltpu.SemaphoreType.DMA,
            isem=pltpu.SemaphoreType.DMA,
            ssem=pltpu.SemaphoreType.DMA,
        ),
    )(_sc_segsum_body)


def _sc_segsum(g, ei):
    return _get_sc_segsum()(g, ei)


def _sc_segsum_body(g_hbm, ei_hbm, out0, out1,
                    sbufs, dbufs, rbufs, zbuf, acc_sh, gsem, isem, ssem):
    cid = lax.axis_index("c")
    sid = lax.axis_index("s")
    wid = sid * NC + cid

    r0 = sid * RPT
    base0 = wid * EPW
    for k in range(3):
        pltpu.sync_copy(ei_hbm.at[pl.ds(base0 + k * C, C)], sbufs[k])
        pltpu.sync_copy(ei_hbm.at[pl.ds(E + base0 + k * C, C)], dbufs[k])
    pltpu.async_copy(ei_hbm.at[pl.ds(base0 + 3 * C, C)], sbufs[3], isem)
    pltpu.async_copy(ei_hbm.at[pl.ds(E + base0 + 3 * C, C)], dbufs[3], isem)
    for k in range(3):
        pltpu.async_copy(g_hbm.at[sbufs[k]], rbufs[k], gsem)
    z16 = jnp.zeros((16,), jnp.float32)
    for i in range(8):
        for k in range(D // 16):
            zbuf[i, pl.ds(k * 16, 16)] = z16
    def zloop(k, carry):
        pltpu.sync_copy(zbuf, acc_sh.at[pl.ds(r0 + k * 8, 8)])
        return carry
    lax.fori_loop(0, RPT // 8, zloop, 0)
    plsc.subcore_barrier()

    def outer(o, carry):
        for b in range(8):
            j = o * 8 + b

            @pl.when(j < NCH)
            def _():
                pltpu.make_async_copy(
                    g_hbm.at[sbufs[b]], rbufs[b % 4], gsem).wait()

                @pl.when(j + 3 < NCH)
                def _():
                    b3 = (b + 3) % 8
                    pltpu.make_async_copy(
                        ei_hbm.at[pl.ds(base0, C)], sbufs[b3], isem).wait()
                    pltpu.make_async_copy(
                        ei_hbm.at[pl.ds(base0, C)], dbufs[b3], isem).wait()

                    @pl.when(j > 0)
                    def _():
                        pltpu.make_async_copy(
                            rbufs[(b + 3) % 4], acc_sh.at[dbufs[b]],
                            ssem).wait()

                    pltpu.async_copy(g_hbm.at[sbufs[b3]], rbufs[(b + 3) % 4],
                                     gsem)

                @pl.when(j + 4 < NCH)
                def _():
                    b4 = (b + 4) % 8
                    base = base0 + (j + 4) * C
                    pltpu.async_copy(ei_hbm.at[pl.ds(base, C)], sbufs[b4], isem)
                    pltpu.async_copy(ei_hbm.at[pl.ds(E + base, C)], dbufs[b4],
                                     isem)

                pltpu.async_copy(rbufs[b % 4], acc_sh.at[dbufs[b]], ssem,
                                 add=True)
        return carry

    lax.fori_loop(0, (NCH + 7) // 8, outer, 0)
    for _ in range(4):
        pltpu.make_async_copy(rbufs[0], acc_sh.at[dbufs[0]], ssem).wait()
    plsc.subcore_barrier()

    @pl.when(cid == 0)
    def _():
        pltpu.sync_copy(acc_sh.at[pl.ds(r0, RPT)], out0.at[pl.ds(r0, RPT)])

    @pl.when(cid == 1)
    def _():
        pltpu.sync_copy(acc_sh.at[pl.ds(r0, RPT)], out1.at[pl.ds(r0, RPT)])


def _mm_body(x_ref, w_ref, o_ref):
    o_ref[...] = jnp.dot(x_ref[...], w_ref[...], preferred_element_type=jnp.float32)


def _tc_matmul(x, w):
    return pl.pallas_call(
        _mm_body,
        grid=(GRID,),
        in_specs=[
            pl.BlockSpec((BR, D), lambda i: (i, 0)),
            pl.BlockSpec((D, D), lambda i: (0, 0)),
        ],
        out_specs=pl.BlockSpec((BR, D), lambda i: (i, 0)),
        out_shape=jax.ShapeDtypeStruct((N, D), jnp.float32),
    )(x, w)


def _fuse_body(p0_ref, p1_ref, b_ref, w_ref, h_ref, g_ref):
    h = _leaky(p0_ref[...] + p1_ref[...] + b_ref[...])
    h_ref[...] = h
    g_ref[...] = jnp.dot(h, w_ref[...], preferred_element_type=jnp.float32)


def _tc_fuse(p0, p1, b, w):
    return pl.pallas_call(
        _fuse_body,
        grid=(GRID,),
        in_specs=[
            pl.BlockSpec((BR, D), lambda i: (i, 0)),
            pl.BlockSpec((BR, D), lambda i: (i, 0)),
            pl.BlockSpec((1, D), lambda i: (0, 0)),
            pl.BlockSpec((D, D), lambda i: (0, 0)),
        ],
        out_specs=[
            pl.BlockSpec((BR, D), lambda i: (i, 0)),
            pl.BlockSpec((BR, D), lambda i: (i, 0)),
        ],
        out_shape=[
            jax.ShapeDtypeStruct((N, D), jnp.float32),
            jax.ShapeDtypeStruct((N, D), jnp.float32),
        ],
    )(p0, p1, b.reshape(1, D), w)


def _final_body(p0_ref, p1_ref, b2_ref, x_ref, h1_ref, h2_ref, wo_ref, bo_ref,
                o_ref):
    h3 = _leaky(p0_ref[...] + p1_ref[...] + b2_ref[...])
    wo = wo_ref[...]
    acc = jnp.dot(x_ref[...], wo[0:D], preferred_element_type=jnp.float32)
    acc += jnp.dot(h1_ref[...], wo[D:2 * D], preferred_element_type=jnp.float32)
    acc += jnp.dot(h2_ref[...], wo[2 * D:3 * D], preferred_element_type=jnp.float32)
    acc += jnp.dot(h3, wo[3 * D:4 * D], preferred_element_type=jnp.float32)
    o_ref[...] = _leaky(acc + bo_ref[...])


def _tc_final(p0, p1, b2, x, h1, h2, wout, bout):
    row = pl.BlockSpec((BR, D), lambda i: (i, 0))
    return pl.pallas_call(
        _final_body,
        grid=(GRID,),
        in_specs=[
            row, row,
            pl.BlockSpec((1, D), lambda i: (0, 0)),
            row, row, row,
            pl.BlockSpec((4 * D, D), lambda i: (0, 0)),
            pl.BlockSpec((1, D), lambda i: (0, 0)),
        ],
        out_specs=row,
        out_shape=jax.ShapeDtypeStruct((N, D), jnp.float32),
    )(p0, p1, b2.reshape(1, D), x, h1, h2, wout, bout.reshape(1, D))


def kernel(x, edge_index, W0, b0, W1, b1, W2, b2, Wout, bout):
    ei = edge_index.reshape(2 * E)

    g0 = _tc_matmul(x, W0)
    p0a, p0b = _sc_segsum(g0, ei)
    h1, g1 = _tc_fuse(p0a, p0b, b0, W1)
    p1a, p1b = _sc_segsum(g1, ei)
    h2, g2 = _tc_fuse(p1a, p1b, b1, W2)
    p2a, p2b = _sc_segsum(g2, ei)
    return _tc_final(p2a, p2b, b2, x, h1, h2, Wout, bout)

# --- scband reference (transcript-rebuilt; emitter-appended) ---
"""Pipeline reference for scband-model-7876970021388 (READ-ONLY COPY).

The authoritative reference and input builder live on the scoring server;
editing this copy changes nothing except your own understanding.
"""

import jax, jax.numpy as jnp
import numpy as np

N = 10000
E = 320000
D = 128   # site_input_dim
H = 128   # hidden_site
DEPTH = 3 # GNNsite_depth
HP = 128  # hidden_prot


def _leaky(v):
    return jnp.where(v > 0, v, 0.1 * v)


def setup_inputs(seed: int = 0) -> dict:
    key = jax.random.key(seed)
    ks = jax.random.split(key, 12)
    x = jax.random.normal(ks[0], (N, D), dtype=jnp.float32)
    edge_index = jax.random.randint(ks[1], (2, E), 0, N, dtype=jnp.int32)
    # AtomConv layer weights (linear applied to the aggregated neighborhood)
    W0 = jax.random.normal(ks[2], (D, H), dtype=jnp.float32) / np.sqrt(D)
    b0 = jnp.zeros((H,), dtype=jnp.float32)
    W1 = jax.random.normal(ks[3], (H, H), dtype=jnp.float32) / np.sqrt(H)
    b1 = jnp.zeros((H,), dtype=jnp.float32)
    W2 = jax.random.normal(ks[4], (H, H), dtype=jnp.float32) / np.sqrt(H)
    b2 = jnp.zeros((H,), dtype=jnp.float32)
    # AMMAtom_output: Linear(site_input_dim + depth*hidden_site, hidden_prot) + LeakyReLU(0.1)
    Wout = jax.random.normal(ks[5], (D + DEPTH * H, HP), dtype=jnp.float32) / np.sqrt(D + DEPTH * H)
    bout = jnp.zeros((HP,), dtype=jnp.float32)
    return {"x": x, "edge_index": edge_index,
            "W0": W0, "b0": b0, "W1": W1, "b1": b1, "W2": W2, "b2": b2,
            "Wout": Wout, "bout": bout}


def reference(x, edge_index, W0, b0, W1, b1, W2, b2, Wout, bout):
    # Faithful translation of Model.AtomConv_module:
    #   site_feature_list = [x]
    #   for i in range(GNNsite_depth): x = AMMAtom[i](x, edge_index); append
    #   out = AMMAtom_output(concat(site_feature_list))
    # AtomConv = scatter-sum message passing (sum of source features into dst)
    # followed by Linear + LeakyReLU(0.1).
    src = edge_index[0]
    dst = edge_index[1]
    Ws = [(W0, b0), (W1, b1), (W2, b2)]
    feats = [x]
    h = x
    for (W, b) in Ws:
        msg = jnp.take(h, src, axis=0)                      # gather [E, d]
        agg = jax.ops.segment_sum(msg, dst, num_segments=N)  # scatter-add [N, d]
        h = _leaky(agg @ W + b)
        feats.append(h)
    cat = jnp.concatenate(feats, axis=-1)
    out = _leaky(cat @ Wout + bout)
    return out

if __name__ == "__main__":
    import jax
    _d = setup_inputs()
    print(jax.jit(kernel)(*tuple(_d.values())))

</pallas_src>

<mosaic_0001>
#map = affine_map<(d0, d1) -> (0, 0)>
#map1 = affine_map<(d0, d1) -> (0)>
module attributes {stable_mosaic.version = 14 : i64} {
  func.func @_sc_segsum_body(%arg0: i32, %arg1: i32, %arg2: memref<10000x128xf32, #tpu.memory_space<hbm>>, %arg3: memref<640000xi32, #tpu.memory_space<hbm>>, %arg4: memref<10112x128xf32, #tpu.memory_space<hbm>>, %arg5: memref<10112x128xf32, #tpu.memory_space<hbm>>, %arg6: memref<10112x128xf32, #tpu.memory_space<vmem_shared>>, %arg7: memref<80xi32, #tpu.memory_space<vmem>>, %arg8: memref<80xi32, #tpu.memory_space<vmem>>, %arg9: memref<80xi32, #tpu.memory_space<vmem>>, %arg10: memref<80xi32, #tpu.memory_space<vmem>>, %arg11: memref<80xi32, #tpu.memory_space<vmem>>, %arg12: memref<80xi32, #tpu.memory_space<vmem>>, %arg13: memref<80xi32, #tpu.memory_space<vmem>>, %arg14: memref<80xi32, #tpu.memory_space<vmem>>, %arg15: memref<!tpu.dma_semaphore, #tpu.memory_space<semaphore_mem>>, %arg16: memref<!tpu.dma_semaphore, #tpu.memory_space<semaphore_mem>>, %arg17: memref<80x128xf32, #tpu.memory_space<vmem>>, %arg18: memref<80x128xf32, #tpu.memory_space<vmem>>, %arg19: memref<80x128xf32, #tpu.memory_space<vmem>>, %arg20: memref<80x128xf32, #tpu.memory_space<vmem>>, %arg21: memref<80xi32, #tpu.memory_space<vmem>>, %arg22: memref<80xi32, #tpu.memory_space<vmem>>, %arg23: memref<80xi32, #tpu.memory_space<vmem>>, %arg24: memref<80xi32, #tpu.memory_space<vmem>>, %arg25: memref<80xi32, #tpu.memory_space<vmem>>, %arg26: memref<80xi32, #tpu.memory_space<vmem>>, %arg27: memref<80xi32, #tpu.memory_space<vmem>>, %arg28: memref<80xi32, #tpu.memory_space<vmem>>, %arg29: memref<!tpu.dma_semaphore, #tpu.memory_space<semaphore_mem>>, %arg30: memref<8x128xf32, #tpu.memory_space<vmem>>) attributes {dimension_semantics = [#tpu.dimension_semantics<core_parallel>, #tpu.dimension_semantics<subcore_parallel>], iteration_bounds = array<i64: 2, 16>, scalar_prefetch = 0 : i64, scratch_operands = 25 : i64, tpu.core_type = #tpu.core_type<sc_vector_subcore>, window_params = [{transform_indices = #map}, {transform_indices = #map1}, {transform_indices = #map}, {transform_indices = #map}]} {
    %mul3A = arith.constant 2 : i32
    %mul3A_0 = arith.muli %arg1, %mul3A : i32
    %add3A = arith.addi %mul3A_0, %arg0 : i32
    %mul3A_1 = arith.constant 632 : i32
    %mul3A_2 = arith.muli %arg1, %mul3A_1 : i32
    %mul3A_3 = arith.constant 10000 : i32
    %mul3A_4 = arith.muli %add3A, %mul3A_3 : i32
    %add3A_5 = arith.constant 0 : i32
    %add3A_6 = arith.addi %mul3A_4, %add3A_5 : i32
    "tpu.region"() ({
      %run_scoped3A = tpu.sem_alloc : memref<!tpu.dma_semaphore, #tpu.memory_space<semaphore_mem>>
      %dma_start3A_455 = tpu.memref_slice %arg3[%add3A_6] : memref<640000xi32, #tpu.memory_space<hbm>> -> memref<80xi32, #tpu.memory_space<hbm>>
      %dma_start3A_456 = tpu.memref_slice %arg3[%add3A_6] : memref<640000xi32, #tpu.memory_space<hbm>> -> memref<80xi32, #tpu.memory_space<hbm>>
      tpu.enqueue_dma source(%dma_start3A_456 : memref<80xi32, #tpu.memory_space<hbm>>) target(%arg21 : memref<80xi32, #tpu.memory_space<vmem>>) target_semaphore(%run_scoped3A : memref<!tpu.dma_semaphore, #tpu.memory_space<semaphore_mem>>)
      %dma_wait3A_457 = tpu.memref_slice %arg3[%add3A_6] : memref<640000xi32, #tpu.memory_space<hbm>> -> memref<80xi32, #tpu.memory_space<hbm>>
      %dma_wait3A_458 = tpu.memref_slice %arg3[%add3A_6] : memref<640000xi32, #tpu.memory_space<hbm>> -> memref<80xi32, #tpu.memory_space<hbm>>
      tpu.wait_dma2 semaphore(%run_scoped3A : memref<!tpu.dma_semaphore, #tpu.memory_space<semaphore_mem>>) src(%dma_wait3A_458 : memref<80xi32, #tpu.memory_space<hbm>>) dst(%arg21 : memref<80xi32, #tpu.memory_space<vmem>>)
      tpu.yield
    }) : () -> ()
    %add3A_7 = arith.constant 320000 : i32
    %add3A_8 = arith.addi %add3A_7, %mul3A_4 : i32
    %add3A_9 = arith.constant 0 : i32
    %add3A_10 = arith.addi %add3A_8, %add3A_9 : i32
    "tpu.region"() ({
      %run_scoped3A = tpu.sem_alloc : memref<!tpu.dma_semaphore, #tpu.memory_space<semaphore_mem>>
      %dma_start3A_455 = tpu.memref_slice %arg3[%add3A_10] : memref<640000xi32, #tpu.memory_space<hbm>> -> memref<80xi32, #tpu.memory_space<hbm>>
      %dma_start3A_456 = tpu.memref_slice %arg3[%add3A_10] : memref<640000xi32, #tpu.memory_space<hbm>> -> memref<80xi32, #tpu.memory_space<hbm>>
      tpu.enqueue_dma source(%dma_start3A_456 : memref<80xi32, #tpu.memory_space<hbm>>) target(%arg7 : memref<80xi32, #tpu.memory_space<vmem>>) target_semaphore(%run_scoped3A : memref<!tpu.dma_semaphore, #tpu.memory_space<semaphore_mem>>)
      %dma_wait3A_457 = tpu.memref_slice %arg3[%add3A_10] : memref<640000xi32, #tpu.memory_space<hbm>> -> memref<80xi32, #tpu.memory_space<hbm>>
      %dma_wait3A_458 = tpu.memref_slice %arg3[%add3A_10] : memref<640000xi32, #tpu.memory_space<hbm>> -> memref<80xi32, #tpu.memory_space<hbm>>
      tpu.wait_dma2 semaphore(%run_scoped3A : memref<!tpu.dma_semaphore, #tpu.memory_space<semaphore_mem>>) src(%dma_wait3A_458 : memref<80xi32, #tpu.memory_space<hbm>>) dst(%arg7 : memref<80xi32, #tpu.memory_space<vmem>>)
      tpu.yield
    }) : () -> ()
    %add3A_11 = arith.constant 80 : i32
    %add3A_12 = arith.addi %mul3A_4, %add3A_11 : i32
    "tpu.region"() ({
      %run_scoped3A = tpu.sem_alloc : memref<!tpu.dma_semaphore, #tpu.memory_space<semaphore_mem>>
      %dma_start3A_455 = tpu.memref_slice %arg3[%add3A_12] : memref<640000xi32, #tpu.memory_space<hbm>> -> memref<80xi32, #tpu.memory_space<hbm>>
      %dma_start3A_456 = tpu.memref_slice %arg3[%add3A_12] : memref<640000xi32, #tpu.memory_space<hbm>> -> memref<80xi32, #tpu.memory_space<hbm>>
      tpu.enqueue_dma source(%dma_start3A_456 : memref<80xi32, #tpu.memory_space<hbm>>) target(%arg22 : memref<80xi32, #tpu.memory_space<vmem>>) target_semaphore(%run_scoped3A : memref<!tpu.dma_semaphore, #tpu.memory_space<semaphore_mem>>)
      %dma_wait3A_457 = tpu.memref_slice %arg3[%add3A_12] : memref<640000xi32, #tpu.memory_space<hbm>> -> memref<80xi32, #tpu.memory_space<hbm>>
      %dma_wait3A_458 = tpu.memref_slice %arg3[%add3A_12] : memref<640000xi32, #tpu.memory_space<hbm>> -> memref<80xi32, #tpu.memory_space<hbm>>
      tpu.wait_dma2 semaphore(%run_scoped3A : memref<!tpu.dma_semaphore, #tpu.memory_space<semaphore_mem>>) src(%dma_wait3A_458 : memref<80xi32, #tpu.memory_space<hbm>>) dst(%arg22 : memref<80xi32, #tpu.memory_space<vmem>>)
      tpu.yield
    }) : () -> ()
    %add3A_13 = arith.constant 320000 : i32
    %add3A_14 = arith.addi %add3A_13, %mul3A_4 : i32
    %add3A_15 = arith.constant 80 : i32
    %add3A_16 = arith.addi %add3A_14, %add3A_15 : i32
    "tpu.region"() ({
      %run_scoped3A = tpu.sem_alloc : memref<!tpu.dma_semaphore, #tpu.memory_space<semaphore_mem>>
      %dma_start3A_455 = tpu.memref_slice %arg3[%add3A_16] : memref<640000xi32, #tpu.memory_space<hbm>> -> memref<80xi32, #tpu.memory_space<hbm>>
      %dma_start3A_456 = tpu.memref_slice %arg3[%add3A_16] : memref<640000xi32, #tpu.memory_space<hbm>> -> memref<80xi32, #tpu.memory_space<hbm>>
      tpu.enqueue_dma source(%dma_start3A_456 : memref<80xi32, #tpu.memory_space<hbm>>) target(%arg8 : memref<80xi32, #tpu.memory_space<vmem>>) target_semaphore(%run_scoped3A : memref<!tpu.dma_semaphore, #tpu.memory_space<semaphore_mem>>)
      %dma_wait3A_457 = tpu.memref_slice %arg3[%add3A_16] : memref<640000xi32, #tpu.memory_space<hbm>> -> memref<80xi32, #tpu.memory_space<hbm>>
      %dma_wait3A_458 = tpu.memref_slice %arg3[%add3A_16] : memref<640000xi32, #tpu.memory_space<hbm>> -> memref<80xi32, #tpu.memory_space<hbm>>
      tpu.wait_dma2 semaphore(%run_scoped3A : memref<!tpu.dma_semaphore, #tpu.memory_space<semaphore_mem>>) src(%dma_wait3A_458 : memref<80xi32, #tpu.memory_space<hbm>>) dst(%arg8 : memref<80xi32, #tpu.memory_space<vmem>>)
      tpu.yield
    }) : () -> ()
    %add3A_17 = arith.constant 160 : i32
    %add3A_18 = arith.addi %mul3A_4, %add3A_17 : i32
    "tpu.region"() ({
      %run_scoped3A = tpu.sem_alloc : memref<!tpu.dma_semaphore, #tpu.memory_space<semaphore_mem>>
      %dma_start3A_455 = tpu.memref_slice %arg3[%add3A_18] : memref<640000xi32, #tpu.memory_space<hbm>> -> memref<80xi32, #tpu.memory_space<hbm>>
      %dma_start3A_456 = tpu.memref_slice %arg3[%add3A_18] : memref<640000xi32, #tpu.memory_space<hbm>> -> memref<80xi32, #tpu.memory_space<hbm>>
      tpu.enqueue_dma source(%dma_start3A_456 : memref<80xi32, #tpu.memory_space<hbm>>) target(%arg23 : memref<80xi32, #tpu.memory_space<vmem>>) target_semaphore(%run_scoped3A : memref<!tpu.dma_semaphore, #tpu.memory_space<semaphore_mem>>)
      %dma_wait3A_457 = tpu.memref_slice %arg3[%add3A_18] : memref<640000xi32, #tpu.memory_space<hbm>> -> memref<80xi32, #tpu.memory_space<hbm>>
      %dma_wait3A_458 = tpu.memref_slice %arg3[%add3A_18] : memref<640000xi32, #tpu.memory_space<hbm>> -> memref<80xi32, #tpu.memory_space<hbm>>
      tpu.wait_dma2 semaphore(%run_scoped3A : memref<!tpu.dma_semaphore, #tpu.memory_space<semaphore_mem>>) src(%dma_wait3A_458 : memref<80xi32, #tpu.memory_space<hbm>>) dst(%arg23 : memref<80xi32, #tpu.memory_space<vmem>>)
      tpu.yield
    }) : () -> ()
    %add3A_19 = arith.constant 320000 : i32
    %add3A_20 = arith.addi %add3A_19, %mul3A_4 : i32
    %add3A_21 = arith.constant 160 : i32
    %add3A_22 = arith.addi %add3A_20, %add3A_21 : i32
    "tpu.region"() ({
      %run_scoped3A = tpu.sem_alloc : memref<!tpu.dma_semaphore, #tpu.memory_space<semaphore_mem>>
      %dma_start3A_455 = tpu.memref_slice %arg3[%add3A_22] : memref<640000xi32, #tpu.memory_space<hbm>> -> memref<80xi32, #tpu.memory_space<hbm>>
      %dma_start3A_456 = tpu.memref_slice %arg3[%add3A_22] : memref<640000xi32, #tpu.memory_space<hbm>> -> memref<80xi32, #tpu.memory_space<hbm>>
      tpu.enqueue_dma source(%dma_start3A_456 : memref<80xi32, #tpu.memory_space<hbm>>) target(%arg9 : memref<80xi32, #tpu.memory_space<vmem>>) target_semaphore(%run_scoped3A : memref<!tpu.dma_semaphore, #tpu.memory_space<semaphore_mem>>)
      %dma_wait3A_457 = tpu.memref_slice %arg3[%add3A_22] : memref<640000xi32, #tpu.memory_space<hbm>> -> memref<80xi32, #tpu.memory_space<hbm>>
      %dma_wait3A_458 = tpu.memref_slice %arg3[%add3A_22] : memref<640000xi32, #tpu.memory_space<hbm>> -> memref<80xi32, #tpu.memory_space<hbm>>
      tpu.wait_dma2 semaphore(%run_scoped3A : memref<!tpu.dma_semaphore, #tpu.memory_space<semaphore_mem>>) src(%dma_wait3A_458 : memref<80xi32, #tpu.memory_space<hbm>>) dst(%arg9 : memref<80xi32, #tpu.memory_space<vmem>>)
      tpu.yield
    }) : () -> ()
    %add3A_23 = arith.constant 240 : i32
    %add3A_24 = arith.addi %mul3A_4, %add3A_23 : i32
    %dma_start3A = tpu.memref_slice %arg3[%add3A_24] : memref<640000xi32, #tpu.memory_space<hbm>> -> memref<80xi32, #tpu.memory_space<hbm>>
    %dma_start3A_25 = tpu.memref_slice %arg3[%add3A_24] : memref<640000xi32, #tpu.memory_space<hbm>> -> memref<80xi32, #tpu.memory_space<hbm>>
    tpu.enqueue_dma source(%dma_start3A_25 : memref<80xi32, #tpu.memory_space<hbm>>) target(%arg24 : memref<80xi32, #tpu.memory_space<vmem>>) target_semaphore(%arg16 : memref<!tpu.dma_semaphore, #tpu.memory_space<semaphore_mem>>)
    %add3A_26 = arith.constant 320000 : i32
    %add3A_27 = arith.addi %add3A_26, %mul3A_4 : i32
    %add3A_28 = arith.constant 240 : i32
    %add3A_29 = arith.addi %add3A_27, %add3A_28 : i32
    %dma_start3A_30 = tpu.memref_slice %arg3[%add3A_29] : memref<640000xi32, #tpu.memory_space<hbm>> -> memref<80xi32, #tpu.memory_space<hbm>>
    %dma_start3A_31 = tpu.memref_slice %arg3[%add3A_29] : memref<640000xi32, #tpu.memory_space<hbm>> -> memref<80xi32, #tpu.memory_space<hbm>>
    tpu.enqueue_dma source(%dma_start3A_31 : memref<80xi32, #tpu.memory_space<hbm>>) target(%arg10 : memref<80xi32, #tpu.memory_space<vmem>>) target_semaphore(%arg16 : memref<!tpu.dma_semaphore, #tpu.memory_space<semaphore_mem>>)
    %dma_start3A_32 = arith.constant 0 : i32
    %dma_start3A_33 = arith.constant 0 : i32
    %dma_start3A_34 = tpu.memref_slice %arg2[%dma_start3A_32, %dma_start3A_33] : memref<10000x128xf32, #tpu.memory_space<hbm>> -> memref<10000x128xf32, #tpu.memory_space<hbm>>
    tpu.enqueue_indirect_dma source(%dma_start3A_34 : memref<10000x128xf32, #tpu.memory_space<hbm>>) target(%arg17 : memref<80x128xf32, #tpu.memory_space<vmem>>) offsets(%arg21 : memref<80xi32, #tpu.memory_space<vmem>>) semaphore(%arg15 : memref<!tpu.dma_semaphore, #tpu.memory_space<semaphore_mem>>)
    %dma_start3A_35 = arith.constant 0 : i32
    %dma_start3A_36 = arith.constant 0 : i32
    %dma_start3A_37 = tpu.memref_slice %arg2[%dma_start3A_35, %dma_start3A_36] : memref<10000x128xf32, #tpu.memory_space<hbm>> -> memref<10000x128xf32, #tpu.memory_space<hbm>>
    tpu.enqueue_indirect_dma source(%dma_start3A_37 : memref<10000x128xf32, #tpu.memory_space<hbm>>) target(%arg18 : memref<80x128xf32, #tpu.memory_space<vmem>>) offsets(%arg22 : memref<80xi32, #tpu.memory_space<vmem>>) semaphore(%arg15 : memref<!tpu.dma_semaphore, #tpu.memory_space<semaphore_mem>>)
    %dma_start3A_38 = arith.constant 0 : i32
    %dma_start3A_39 = arith.constant 0 : i32
    %dma_start3A_40 = tpu.memref_slice %arg2[%dma_start3A_38, %dma_start3A_39] : memref<10000x128xf32, #tpu.memory_space<hbm>> -> memref<10000x128xf32, #tpu.memory_space<hbm>>
    tpu.enqueue_indirect_dma source(%dma_start3A_40 : memref<10000x128xf32, #tpu.memory_space<hbm>>) target(%arg19 : memref<80x128xf32, #tpu.memory_space<vmem>>) offsets(%arg23 : memref<80xi32, #tpu.memory_space<vmem>>) semaphore(%arg15 : memref<!tpu.dma_semaphore, #tpu.memory_space<semaphore_mem>>)
    %broadcast_in_dim3A = arith.constant 0.000000e+00 : f32
    %broadcast_in_dim3A_41 = vector.broadcast %broadcast_in_dim3A : f32 to vector<16xf32>
    %swap3A = arith.constant 0 : i32
    %swap3A_42 = arith.index_cast %swap3A : i32 to index
    %swap3A_43 = arith.constant 0 : index
    %swap3A_44 = tpu.vector_load %arg30[%swap3A_42, %swap3A_43] {strides = array<i32>} : memref<8x128xf32, #tpu.memory_space<vmem>>, vector<1x16xf32>,
    %swap3A_45 = vector.shape_cast %swap3A_44 : vector<1x16xf32> to vector<16xf32>
    %swap3A_46 = vector.shape_cast %broadcast_in_dim3A_41 : vector<16xf32> to vector<1x16xf32>
    tpu.vector_store %arg30[%swap3A_42, %swap3A_43], %swap3A_46 {strides = array<i32>} : memref<8x128xf32, #tpu.memory_space<vmem>>, vector<1x16xf32>,
    %swap3A_47 = arith.constant 0 : i32
    %swap3A_48 = arith.index_cast %swap3A_47 : i32 to index
    %swap3A_49 = arith.constant 16 : index
    %swap3A_50 = tpu.vector_load %arg30[%swap3A_48, %swap3A_49] {strides = array<i32>} : memref<8x128xf32, #tpu.memory_space<vmem>>, vector<1x16xf32>,
    %swap3A_51 = vector.shape_cast %swap3A_50 : vector<1x16xf32> to vector<16xf32>
    %swap3A_52 = vector.shape_cast %broadcast_in_dim3A_41 : vector<16xf32> to vector<1x16xf32>
    tpu.vector_store %arg30[%swap3A_48, %swap3A_49], %swap3A_52 {strides = array<i32>} : memref<8x128xf32, #tpu.memory_space<vmem>>, vector<1x16xf32>,
    %swap3A_53 = arith.constant 0 : i32
    %swap3A_54 = arith.index_cast %swap3A_53 : i32 to index
    %swap3A_55 = arith.constant 32 : index
    %swap3A_56 = tpu.vector_load %arg30[%swap3A_54, %swap3A_55] {strides = array<i32>} : memref<8x128xf32, #tpu.memory_space<vmem>>, vector<1x16xf32>,
    %swap3A_57 = vector.shape_cast %swap3A_56 : vector<1x16xf32> to vector<16xf32>
    %swap3A_58 = vector.shape_cast %broadcast_in_dim3A_41 : vector<16xf32> to vector<1x16xf32>
    tpu.vector_store %arg30[%swap3A_54, %swap3A_55], %swap3A_58 {strides = array<i32>} : memref<8x128xf32, #tpu.memory_space<vmem>>, vector<1x16xf32>,
    %swap3A_59 = arith.constant 0 : i32
    %swap3A_60 = arith.index_cast %swap3A_59 : i32 to index
    %swap3A_61 = arith.constant 48 : index
    %swap3A_62 = tpu.vector_load %arg30[%swap3A_60, %swap3A_61] {strides = array<i32>} : memref<8x128xf32, #tpu.memory_space<vmem>>, vector<1x16xf32>,
    %swap3A_63 = vector.shape_cast %swap3A_62 : vector<1x16xf32> to vector<16xf32>
    %swap3A_64 = vector.shape_cast %broadcast_in_dim3A_41 : vector<16xf32> to vector<1x16xf32>
    tpu.vector_store %arg30[%swap3A_60, %swap3A_61], %swap3A_64 {strides = array<i32>} : memref<8x128xf32, #tpu.memory_space<vmem>>, vector<1x16xf32>,
    %swap3A_65 = arith.constant 0 : i32
    %swap3A_66 = arith.index_cast %swap3A_65 : i32 to index
    %swap3A_67 = arith.constant 64 : index
    %swap3A_68 = tpu.vector_load %arg30[%swap3A_66, %swap3A_67] {strides = array<i32>} : memref<8x128xf32, #tpu.memory_space<vmem>>, vector<1x16xf32>,
    %swap3A_69 = vector.shape_cast %swap3A_68 : vector<1x16xf32> to vector<16xf32>
    %swap3A_70 = vector.shape_cast %broadcast_in_dim3A_41 : vector<16xf32> to vector<1x16xf32>
    tpu.vector_store %arg30[%swap3A_66, %swap3A_67], %swap3A_70 {strides = array<i32>} : memref<8x128xf32, #tpu.memory_space<vmem>>, vector<1x16xf32>,
    %swap3A_71 = arith.constant 0 : i32
    %swap3A_72 = arith.index_cast %swap3A_71 : i32 to index
    %swap3A_73 = arith.constant 80 : index
    %swap3A_74 = tpu.vector_load %arg30[%swap3A_72, %swap3A_73] {strides = array<i32>} : memref<8x128xf32, #tpu.memory_space<vmem>>, vector<1x16xf32>,
    %swap3A_75 = vector.shape_cast %swap3A_74 : vector<1x16xf32> to vector<16xf32>
    %swap3A_76 = vector.shape_cast %broadcast_in_dim3A_41 : vector<16xf32> to vector<1x16xf32>
    tpu.vector_store %arg30[%swap3A_72, %swap3A_73], %swap3A_76 {strides = array<i32>} : memref<8x128xf32, #tpu.memory_space<vmem>>, vector<1x16xf32>,
    %swap3A_77 = arith.constant 0 : i32
    %swap3A_78 = arith.index_cast %swap3A_77 : i32 to index
    %swap3A_79 = arith.constant 96 : index
    %swap3A_80 = tpu.vector_load %arg30[%swap3A_78, %swap3A_79] {strides = array<i32>} : memref<8x128xf32, #tpu.memory_space<vmem>>, vector<1x16xf32>,
    %swap3A_81 = vector.shape_cast %swap3A_80 : vector<1x16xf32> to vector<16xf32>
    %swap3A_82 = vector.shape_cast %broadcast_in_dim3A_41 : vector<16xf32> to vector<1x16xf32>
    tpu.vector_store %arg30[%swap3A_78, %swap3A_79], %swap3A_82 {strides = array<i32>} : memref<8x128xf32, #tpu.memory_space<vmem>>, vector<1x16xf32>,
    %swap3A_83 = arith.constant 0 : i32
    %swap3A_84 = arith.index_cast %swap3A_83 : i32 to index
    %swap3A_85 = arith.constant 112 : index
    %swap3A_86 = tpu.vector_load %arg30[%swap3A_84, %swap3A_85] {strides = array<i32>} : memref<8x128xf32, #tpu.memory_space<vmem>>, vector<1x16xf32>,
    %swap3A_87 = vector.shape_cast %swap3A_86 : vector<1x16xf32> to vector<16xf32>
    %swap3A_88 = vector.shape_cast %broadcast_in_dim3A_41 : vector<16xf32> to vector<1x16xf32>
    tpu.vector_store %arg30[%swap3A_84, %swap3A_85], %swap3A_88 {strides = array<i32>} : memref<8x128xf32, #tpu.memory_space<vmem>>, vector<1x16xf32>,
    %swap3A_89 = arith.constant 1 : i32
    %swap3A_90 = arith.index_cast %swap3A_89 : i32 to index
    %swap3A_91 = arith.constant 0 : index
    %swap3A_92 = tpu.vector_load %arg30[%swap3A_90, %swap3A_91] {strides = array<i32>} : memref<8x128xf32, #tpu.memory_space<vmem>>, vector<1x16xf32>,
    %swap3A_93 = vector.shape_cast %swap3A_92 : vector<1x16xf32> to vector<16xf32>
    %swap3A_94 = vector.shape_cast %broadcast_in_dim3A_41 : vector<16xf32> to vector<1x16xf32>
    tpu.vector_store %arg30[%swap3A_90, %swap3A_91], %swap3A_94 {strides = array<i32>} : memref<8x128xf32, #tpu.memory_space<vmem>>, vector<1x16xf32>,
    %swap3A_95 = arith.constant 1 : i32
    %swap3A_96 = arith.index_cast %swap3A_95 : i32 to index
    %swap3A_97 = arith.constant 16 : index
    %swap3A_98 = tpu.vector_load %arg30[%swap3A_96, %swap3A_97] {strides = array<i32>} : memref<8x128xf32, #tpu.memory_space<vmem>>, vector<1x16xf32>,
    %swap3A_99 = vector.shape_cast %swap3A_98 : vector<1x16xf32> to vector<16xf32>
    %swap3A_100 = vector.shape_cast %broadcast_in_dim3A_41 : vector<16xf32> to vector<1x16xf32>
    tpu.vector_store %arg30[%swap3A_96, %swap3A_97], %swap3A_100 {strides = array<i32>} : memref<8x128xf32, #tpu.memory_space<vmem>>, vector<1x16xf32>,
    %swap3A_101 = arith.constant 1 : i32
    %swap3A_102 = arith.index_cast %swap3A_101 : i32 to index
    %swap3A_103 = arith.constant 32 : index
    %swap3A_104 = tpu.vector_load %arg30[%swap3A_102, %swap3A_103] {strides = array<i32>} : memref<8x128xf32, #tpu.memory_space<vmem>>, vector<1x16xf32>,
    %swap3A_105 = vector.shape_cast %swap3A_104 : vector<1x16xf32> to vector<16xf32>
    %swap3A_106 = vector.shape_cast %broadcast_in_dim3A_41 : vector<16xf32> to vector<1x16xf32>
    tpu.vector_store %arg30[%swap3A_102, %swap3A_103], %swap3A_106 {strides = array<i32>} : memref<8x128xf32, #tpu.memory_space<vmem>>, vector<1x16xf32>,
    %swap3A_107 = arith.constant 1 : i32
    %swap3A_108 = arith.index_cast %swap3A_107 : i32 to index
    %swap3A_109 = arith.constant 48 : index
    %swap3A_110 = tpu.vector_load %arg30[%swap3A_108, %swap3A_109] {strides = array<i32>} : memref<8x128xf32, #tpu.memory_space<vmem>>, vector<1x16xf32>,
    %swap3A_111 = vector.shape_cast %swap3A_110 : vector<1x16xf32> to vector<16xf32>
    %swap3A_112 = vector.shape_cast %broadcast_in_dim3A_41 : vector<16xf32> to vector<1x16xf32>
    tpu.vector_store %arg30[%swap3A_108, %swap3A_109], %swap3A_112 {strides = array<i32>} : memref<8x128xf32, #tpu.memory_space<vmem>>, vector<1x16xf32>,
    %swap3A_113 = arith.constant 1 : i32
    %swap3A_114 = arith.index_cast %swap3A_113 : i32 to index
    %swap3A_115 = arith.constant 64 : index
    %swap3A_116 = tpu.vector_load %arg30[%swap3A_114, %swap3A_115] {strides = array<i32>} : memref<8x128xf32, #tpu.memory_space<vmem>>, vector<1x16xf32>,
    %swap3A_117 = vector.shape_cast %swap3A_116 : vector<1x16xf32> to vector<16xf32>
    %swap3A_118 = vector.shape_cast %broadcast_in_dim3A_41 : vector<16xf32> to vector<1x16xf32>
    tpu.vector_store %arg30[%swap3A_114, %swap3A_115], %swap3A_118 {strides = array<i32>} : memref<8x128xf32, #tpu.memory_space<vmem>>, vector<1x16xf32>,
    %swap3A_119 = arith.constant 1 : i32
    %swap3A_120 = arith.index_cast %swap3A_119 : i32 to index
    %swap3A_121 = arith.constant 80 : index
    %swap3A_122 = tpu.vector_load %arg30[%swap3A_120, %swap3A_121] {strides = array<i32>} : memref<8x128xf32, #tpu.memory_space<vmem>>, vector<1x16xf32>,
    %swap3A_123 = vector.shape_cast %swap3A_122 : vector<1x16xf32> to vector<16xf32>
    %swap3A_124 = vector.shape_cast %broadcast_in_dim3A_41 : vector<16xf32> to vector<1x16xf32>
    tpu.vector_store %arg30[%swap3A_120, %swap3A_121], %swap3A_124 {strides = array<i32>} : memref<8x128xf32, #tpu.memory_space<vmem>>, vector<1x16xf32>,
    %swap3A_125 = arith.constant 1 : i32
    %swap3A_126 = arith.index_cast %swap3A_125 : i32 to index
    %swap3A_127 = arith.constant 96 : index
    %swap3A_128 = tpu.vector_load %arg30[%swap3A_126, %swap3A_127] {strides = array<i32>} : memref<8x128xf32, #tpu.memory_space<vmem>>, vector<1x16xf32>,
    %swap3A_129 = vector.shape_cast %swap3A_128 : vector<1x16xf32> to vector<16xf32>
    %swap3A_130 = vector.shape_cast %broadcast_in_dim3A_41 : vector<16xf32> to vector<1x16xf32>
    tpu.vector_store %arg30[%swap3A_126, %swap3A_127], %swap3A_130 {strides = array<i32>} : memref<8x128xf32, #tpu.memory_space<vmem>>, vector<1x16xf32>,
    %swap3A_131 = arith.constant 1 : i32
    %swap3A_132 = arith.index_cast %swap3A_131 : i32 to index
    %swap3A_133 = arith.constant 112 : index
    %swap3A_134 = tpu.vector_load %arg30[%swap3A_132, %swap3A_133] {strides = array<i32>} : memref<8x128xf32, #tpu.memory_space<vmem>>, vector<1x16xf32>,
    %swap3A_135 = vector.shape_cast %swap3A_134 : vector<1x16xf32> to vector<16xf32>
    %swap3A_136 = vector.shape_cast %broadcast_in_dim3A_41 : vector<16xf32> to vector<1x16xf32>
    tpu.vector_store %arg30[%swap3A_132, %swap3A_133], %swap3A_136 {strides = array<i32>} : memref<8x128xf32, #tpu.memory_space<vmem>>, vector<1x16xf32>,
    %swap3A_137 = arith.constant 2 : i32
    %swap3A_138 = arith.index_cast %swap3A_137 : i32 to index
    %swap3A_139 = arith.constant 0 : index
    %swap3A_140 = tpu.vector_load %arg30[%swap3A_138, %swap3A_139] {strides = array<i32>} : memref<8x128xf32, #tpu.memory_space<vmem>>, vector<1x16xf32>,
    %swap3A_141 = vector.shape_cast %swap3A_140 : vector<1x16xf32> to vector<16xf32>
    %swap3A_142 = vector.shape_cast %broadcast_in_dim3A_41 : vector<16xf32> to vector<1x16xf32>
    tpu.vector_store %arg30[%swap3A_138, %swap3A_139], %swap3A_142 {strides = array<i32>} : memref<8x128xf32, #tpu.memory_space<vmem>>, vector<1x16xf32>,
    %swap3A_143 = arith.constant 2 : i32
    %swap3A_144 = arith.index_cast %swap3A_143 : i32 to index
    %swap3A_145 = arith.constant 16 : index
    %swap3A_146 = tpu.vector_load %arg30[%swap3A_144, %swap3A_145] {strides = array<i32>} : memref<8x128xf32, #tpu.memory_space<vmem>>, vector<1x16xf32>,
    %swap3A_147 = vector.shape_cast %swap3A_146 : vector<1x16xf32> to vector<16xf32>
    %swap3A_148 = vector.shape_cast %broadcast_in_dim3A_41 : vector<16xf32> to vector<1x16xf32>
    tpu.vector_store %arg30[%swap3A_144, %swap3A_145], %swap3A_148 {strides = array<i32>} : memref<8x128xf32, #tpu.memory_space<vmem>>, vector<1x16xf32>,
    %swap3A_149 = arith.constant 2 : i32
    %swap3A_150 = arith.index_cast %swap3A_149 : i32 to index
    %swap3A_151 = arith.constant 32 : index
    %swap3A_152 = tpu.vector_load %arg30[%swap3A_150, %swap3A_151] {strides = array<i32>} : memref<8x128xf32, #tpu.memory_space<vmem>>, vector<1x16xf32>,
    %swap3A_153 = vector.shape_cast %swap3A_152 : vector<1x16xf32> to vector<16xf32>
    %swap3A_154 = vector.shape_cast %broadcast_in_dim3A_41 : vector<16xf32> to vector<1x16xf32>
    tpu.vector_store %arg30[%swap3A_150, %swap3A_151], %swap3A_154 {strides = array<i32>} : memref<8x128xf32, #tpu.memory_space<vmem>>, vector<1x16xf32>,
    %swap3A_155 = arith.constant 2 : i32
    %swap3A_156 = arith.index_cast %swap3A_155 : i32 to index
    %swap3A_157 = arith.constant 48 : index
    %swap3A_158 = tpu.vector_load %arg30[%swap3A_156, %swap3A_157] {strides = array<i32>} : memref<8x128xf32, #tpu.memory_space<vmem>>, vector<1x16xf32>,
    %swap3A_159 = vector.shape_cast %swap3A_158 : vector<1x16xf32> to vector<16xf32>
    %swap3A_160 = vector.shape_cast %broadcast_in_dim3A_41 : vector<16xf32> to vector<1x16xf32>
    tpu.vector_store %arg30[%swap3A_156, %swap3A_157], %swap3A_160 {strides = array<i32>} : memref<8x128xf32, #tpu.memory_space<vmem>>, vector<1x16xf32>,
    %swap3A_161 = arith.constant 2 : i32
    %swap3A_162 = arith.index_cast %swap3A_161 : i32 to index
    %swap3A_163 = arith.constant 64 : index
    %swap3A_164 = tpu.vector_load %arg30[%swap3A_162, %swap3A_163] {strides = array<i32>} : memref<8x128xf32, #tpu.memory_space<vmem>>, vector<1x16xf32>,
    %swap3A_165 = vector.shape_cast %swap3A_164 : vector<1x16xf32> to vector<16xf32>
    %swap3A_166 = vector.shape_cast %broadcast_in_dim3A_41 : vector<16xf32> to vector<1x16xf32>
    tpu.vector_store %arg30[%swap3A_162, %swap3A_163], %swap3A_166 {strides = array<i32>} : memref<8x128xf32, #tpu.memory_space<vmem>>, vector<1x16xf32>,
    %swap3A_167 = arith.constant 2 : i32
    %swap3A_168 = arith.index_cast %swap3A_167 : i32 to index
    %swap3A_169 = arith.constant 80 : index
    %swap3A_170 = tpu.vector_load %arg30[%swap3A_168, %swap3A_169] {strides = array<i32>} : memref<8x128xf32, #tpu.memory_space<vmem>>, vector<1x16xf32>,
    %swap3A_171 = vector.shape_cast %swap3A_170 : vector<1x16xf32> to vector<16xf32>
    %swap3A_172 = vector.shape_cast %broadcast_in_dim3A_41 : vector<16xf32> to vector<1x16xf32>
    tpu.vector_store %arg30[%swap3A_168, %swap3A_169], %swap3A_172 {strides = array<i32>} : memref<8x128xf32, #tpu.memory_space<vmem>>, vector<1x16xf32>,
    %swap3A_173 = arith.constant 2 : i32
    %swap3A_174 = arith.index_cast %swap3A_173 : i32 to index
    %swap3A_175 = arith.constant 96 : index
    %swap3A_176 = tpu.vector_load %arg30[%swap3A_174, %swap3A_175] {strides = array<i32>} : memref<8x128xf32, #tpu.memory_space<vmem>>, vector<1x16xf32>,
    %swap3A_177 = vector.shape_cast %swap3A_176 : vector<1x16xf32> to vector<16xf32>
    %swap3A_178 = vector.shape_cast %broadcast_in_dim3A_41 : vector<16xf32> to vector<1x16xf32>
    tpu.vector_store %arg30[%swap3A_174, %swap3A_175], %swap3A_178 {strides = array<i32>} : memref<8x128xf32, #tpu.memory_space<vmem>>, vector<1x16xf32>,
    %swap3A_179 = arith.constant 2 : i32
    %swap3A_180 = arith.index_cast %swap3A_179 : i32 to index
    %swap3A_181 = arith.constant 112 : index
    %swap3A_182 = tpu.vector_load %arg30[%swap3A_180, %swap3A_181] {strides = array<i32>} : memref<8x128xf32, #tpu.memory_space<vmem>>, vector<1x16xf32>,
    %swap3A_183 = vector.shape_cast %swap3A_182 : vector<1x16xf32> to vector<16xf32>
    %swap3A_184 = vector.shape_cast %broadcast_in_dim3A_41 : vector<16xf32> to vector<1x16xf32>
    tpu.vector_store %arg30[%swap3A_180, %swap3A_181], %swap3A_184 {strides = array<i32>} : memref<8x128xf32, #tpu.memory_space<vmem>>, vector<1x16xf32>,
    %swap3A_185 = arith.constant 3 : i32
    %swap3A_186 = arith.index_cast %swap3A_185 : i32 to index
    %swap3A_187 = arith.constant 0 : index
    %swap3A_188 = tpu.vector_load %arg30[%swap3A_186, %swap3A_187] {strides = array<i32>} : memref<8x128xf32, #tpu.memory_space<vmem>>, vector<1x16xf32>,
    %swap3A_189 = vector.shape_cast %swap3A_188 : vector<1x16xf32> to vector<16xf32>
    %swap3A_190 = vector.shape_cast %broadcast_in_dim3A_41 : vector<16xf32> to vector<1x16xf32>
    tpu.vector_store %arg30[%swap3A_186, %swap3A_187], %swap3A_190 {strides = array<i32>} : memref<8x128xf32, #tpu.memory_space<vmem>>, vector<1x16xf32>,
    %swap3A_191 = arith.constant 3 : i32
    %swap3A_192 = arith.index_cast %swap3A_191 : i32 to index
    %swap3A_193 = arith.constant 16 : index
    %swap3A_194 = tpu.vector_load %arg30[%swap3A_192, %swap3A_193] {strides = array<i32>} : memref<8x128xf32, #tpu.memory_space<vmem>>, vector<1x16xf32>,
    %swap3A_195 = vector.shape_cast %swap3A_194 : vector<1x16xf32> to vector<16xf32>
    %swap3A_196 = vector.shape_cast %broadcast_in_dim3A_41 : vector<16xf32> to vector<1x16xf32>
    tpu.vector_store %arg30[%swap3A_192, %swap3A_193], %swap3A_196 {strides = array<i32>} : memref<8x128xf32, #tpu.memory_space<vmem>>, vector<1x16xf32>,
    %swap3A_197 = arith.constant 3 : i32
    %swap3A_198 = arith.index_cast %swap3A_197 : i32 to index
    %swap3A_199 = arith.constant 32 : index
    %swap3A_200 = tpu.vector_load %arg30[%swap3A_198, %swap3A_199] {strides = array<i32>} : memref<8x128xf32, #tpu.memory_space<vmem>>, vector<1x16xf32>,
    %swap3A_201 = vector.shape_cast %swap3A_200 : vector<1x16xf32> to vector<16xf32>
    %swap3A_202 = vector.shape_cast %broadcast_in_dim3A_41 : vector<16xf32> to vector<1x16xf32>
    tpu.vector_store %arg30[%swap3A_198, %swap3A_199], %swap3A_202 {strides = array<i32>} : memref<8x128xf32, #tpu.memory_space<vmem>>, vector<1x16xf32>,
    %swap3A_203 = arith.constant 3 : i32
    %swap3A_204 = arith.index_cast %swap3A_203 : i32 to index
    %swap3A_205 = arith.constant 48 : index
    %swap3A_206 = tpu.vector_load %arg30[%swap3A_204, %swap3A_205] {strides = array<i32>} : memref<8x128xf32, #tpu.memory_space<vmem>>, vector<1x16xf32>,
    %swap3A_207 = vector.shape_cast %swap3A_206 : vector<1x16xf32> to vector<16xf32>
    %swap3A_208 = vector.shape_cast %broadcast_in_dim3A_41 : vector<16xf32> to vector<1x16xf32>
    tpu.vector_store %arg30[%swap3A_204, %swap3A_205], %swap3A_208 {strides = array<i32>} : memref<8x128xf32, #tpu.memory_space<vmem>>, vector<1x16xf32>,
    %swap3A_209 = arith.constant 3 : i32
    %swap3A_210 = arith.index_cast %swap3A_209 : i32 to index
    %swap3A_211 = arith.constant 64 : index
    %swap3A_212 = tpu.vector_load %arg30[%swap3A_210, %swap3A_211] {strides = array<i32>} : memref<8x128xf32, #tpu.memory_space<vmem>>, vector<1x16xf32>,
    %swap3A_213 = vector.shape_cast %swap3A_212 : vector<1x16xf32> to vector<16xf32>
    %swap3A_214 = vector.shape_cast %broadcast_in_dim3A_41 : vector<16xf32> to vector<1x16xf32>
    tpu.vector_store %arg30[%swap3A_210, %swap3A_211], %swap3A_214 {strides = array<i32>} : memref<8x128xf32, #tpu.memory_space<vmem>>, vector<1x16xf32>,
    %swap3A_215 = arith.constant 3 : i32
    %swap3A_216 = arith.index_cast %swap3A_215 : i32 to index
    %swap3A_217 = arith.constant 80 : index
    %swap3A_218 = tpu.vector_load %arg30[%swap3A_216, %swap3A_217] {strides = array<i32>} : memref<8x128xf32, #tpu.memory_space<vmem>>, vector<1x16xf32>,
    %swap3A_219 = vector.shape_cast %swap3A_218 : vector<1x16xf32> to vector<16xf32>
    %swap3A_220 = vector.shape_cast %broadcast_in_dim3A_41 : vector<16xf32> to vector<1x16xf32>
    tpu.vector_store %arg30[%swap3A_216, %swap3A_217], %swap3A_220 {strides = array<i32>} : memref<8x128xf32, #tpu.memory_space<vmem>>, vector<1x16xf32>,
    %swap3A_221 = arith.constant 3 : i32
    %swap3A_222 = arith.index_cast %swap3A_221 : i32 to index
    %swap3A_223 = arith.constant 96 : index
    %swap3A_224 = tpu.vector_load %arg30[%swap3A_222, %swap3A_223] {strides = array<i32>} : memref<8x128xf32, #tpu.memory_space<vmem>>, vector<1x16xf32>,
    %swap3A_225 = vector.shape_cast %swap3A_224 : vector<1x16xf32> to vector<16xf32>
    %swap3A_226 = vector.shape_cast %broadcast_in_dim3A_41 : vector<16xf32> to vector<1x16xf32>
    tpu.vector_store %arg30[%swap3A_222, %swap3A_223], %swap3A_226 {strides = array<i32>} : memref<8x128xf32, #tpu.memory_space<vmem>>, vector<1x16xf32>,
    %swap3A_227 = arith.constant 3 : i32
    %swap3A_228 = arith.index_cast %swap3A_227 : i32 to index
    %swap3A_229 = arith.constant 112 : index
    %swap3A_230 = tpu.vector_load %arg30[%swap3A_228, %swap3A_229] {strides = array<i32>} : memref<8x128xf32, #tpu.memory_space<vmem>>, vector<1x16xf32>,
    %swap3A_231 = vector.shape_cast %swap3A_230 : vector<1x16xf32> to vector<16xf32>
    %swap3A_232 = vector.shape_cast %broadcast_in_dim3A_41 : vector<16xf32> to vector<1x16xf32>
    tpu.vector_store %arg30[%swap3A_228, %swap3A_229], %swap3A_232 {strides = array<i32>} : memref<8x128xf32, #tpu.memory_space<vmem>>, vector<1x16xf32>,
    %swap3A_233 = arith.constant 4 : i32
    %swap3A_234 = arith.index_cast %swap3A_233 : i32 to index
    %swap3A_235 = arith.constant 0 : index
    %swap3A_236 = tpu.vector_load %arg30[%swap3A_234, %swap3A_235] {strides = array<i32>} : memref<8x128xf32, #tpu.memory_space<vmem>>, vector<1x16xf32>,
    %swap3A_237 = vector.shape_cast %swap3A_236 : vector<1x16xf32> to vector<16xf32>
    %swap3A_238 = vector.shape_cast %broadcast_in_dim3A_41 : vector<16xf32> to vector<1x16xf32>
    tpu.vector_store %arg30[%swap3A_234, %swap3A_235], %swap3A_238 {strides = array<i32>} : memref<8x128xf32, #tpu.memory_space<vmem>>, vector<1x16xf32>,
    %swap3A_239 = arith.constant 4 : i32
    %swap3A_240 = arith.index_cast %swap3A_239 : i32 to index
    %swap3A_241 = arith.constant 16 : index
    %swap3A_242 = tpu.vector_load %arg30[%swap3A_240, %swap3A_241] {strides = array<i32>} : memref<8x128xf32, #tpu.memory_space<vmem>>, vector<1x16xf32>,
    %swap3A_243 = vector.shape_cast %swap3A_242 : vector<1x16xf32> to vector<16xf32>
    %swap3A_244 = vector.shape_cast %broadcast_in_dim3A_41 : vector<16xf32> to vector<1x16xf32>
    tpu.vector_store %arg30[%swap3A_240, %swap3A_241], %swap3A_244 {strides = array<i32>} : memref<8x128xf32, #tpu.memory_space<vmem>>, vector<1x16xf32>,
    %swap3A_245 = arith.constant 4 : i32
    %swap3A_246 = arith.index_cast %swap3A_245 : i32 to index
    %swap3A_247 = arith.constant 32 : index
    %swap3A_248 = tpu.vector_load %arg30[%swap3A_246, %swap3A_247] {strides = array<i32>} : memref<8x128xf32, #tpu.memory_space<vmem>>, vector<1x16xf32>,
    %swap3A_249 = vector.shape_cast %swap3A_248 : vector<1x16xf32> to vector<16xf32>
    %swap3A_250 = vector.shape_cast %broadcast_in_dim3A_41 : vector<16xf32> to vector<1x16xf32>
    tpu.vector_store %arg30[%swap3A_246, %swap3A_247], %swap3A_250 {strides = array<i32>} : memref<8x128xf32, #tpu.memory_space<vmem>>, vector<1x16xf32>,
    %swap3A_251 = arith.constant 4 : i32
    %swap3A_252 = arith.index_cast %swap3A_251 : i32 to index
    %swap3A_253 = arith.constant 48 : index
    %swap3A_254 = tpu.vector_load %arg30[%swap3A_252, %swap3A_253] {strides = array<i32>} : memref<8x128xf32, #tpu.memory_space<vmem>>, vector<1x16xf32>,
    %swap3A_255 = vector.shape_cast %swap3A_254 : vector<1x16xf32> to vector<16xf32>
    %swap3A_256 = vector.shape_cast %broadcast_in_dim3A_41 : vector<16xf32> to vector<1x16xf32>
    tpu.vector_store %arg30[%swap3A_252, %swap3A_253], %swap3A_256 {strides = array<i32>} : memref<8x128xf32, #tpu.memory_space<vmem>>, vector<1x16xf32>,
    %swap3A_257 = arith.constant 4 : i32
    %swap3A_258 = arith.index_cast %swap3A_257 : i32 to index
    %swap3A_259 = arith.constant 64 : index
    %swap3A_260 = tpu.vector_load %arg30[%swap3A_258, %swap3A_259] {strides = array<i32>} : memref<8x128xf32, #tpu.memory_space<vmem>>, vector<1x16xf32>,
    %swap3A_261 = vector.shape_cast %swap3A_260 : vector<1x16xf32> to vector<16xf32>
    %swap3A_262 = vector.shape_cast %broadcast_in_dim3A_41 : vector<16xf32> to vector<1x16xf32>
    tpu.vector_store %arg30[%swap3A_258, %swap3A_259], %swap3A_262 {strides = array<i32>} : memref<8x128xf32, #tpu.memory_space<vmem>>, vector<1x16xf32>,
    %swap3A_263 = arith.constant 4 : i32
    %swap3A_264 = arith.index_cast %swap3A_263 : i32 to index
    %swap3A_265 = arith.constant 80 : index
    %swap3A_266 = tpu.vector_load %arg30[%swap3A_264, %swap3A_265] {strides = array<i32>} : memref<8x128xf32, #tpu.memory_space<vmem>>, vector<1x16xf32>,
    %swap3A_267 = vector.shape_cast %swap3A_266 : vector<1x16xf32> to vector<16xf32>
    %swap3A_268 = vector.shape_cast %broadcast_in_dim3A_41 : vector<16xf32> to vector<1x16xf32>
    tpu.vector_store %arg30[%swap3A_264, %swap3A_265], %swap3A_268 {strides = array<i32>} : memref<8x128xf32, #tpu.memory_space<vmem>>, vector<1x16xf32>,
    %swap3A_269 = arith.constant 4 : i32
    %swap3A_270 = arith.index_cast %swap3A_269 : i32 to index
    %swap3A_271 = arith.constant 96 : index
    %swap3A_272 = tpu.vector_load %arg30[%swap3A_270, %swap3A_271] {strides = array<i32>} : memref<8x128xf32, #tpu.memory_space<vmem>>, vector<1x16xf32>,
    %swap3A_273 = vector.shape_cast %swap3A_272 : vector<1x16xf32> to vector<16xf32>
    %swap3A_274 = vector.shape_cast %broadcast_in_dim3A_41 : vector<16xf32> to vector<1x16xf32>
    tpu.vector_store %arg30[%swap3A_270, %swap3A_271], %swap3A_274 {strides = array<i32>} : memref<8x128xf32, #tpu.memory_space<vmem>>, vector<1x16xf32>,
    %swap3A_275 = arith.constant 4 : i32
    %swap3A_276 = arith.index_cast %swap3A_275 : i32 to index
    %swap3A_277 = arith.constant 112 : index
    %swap3A_278 = tpu.vector_load %arg30[%swap3A_276, %swap3A_277] {strides = array<i32>} : memref<8x128xf32, #tpu.memory_space<vmem>>, vector<1x16xf32>,
    %swap3A_279 = vector.shape_cast %swap3A_278 : vector<1x16xf32> to vector<16xf32>
    %swap3A_280 = vector.shape_cast %broadcast_in_dim3A_41 : vector<16xf32> to vector<1x16xf32>
    tpu.vector_store %arg30[%swap3A_276, %swap3A_277], %swap3A_280 {strides = array<i32>} : memref<8x128xf32, #tpu.memory_space<vmem>>, vector<1x16xf32>,
    %swap3A_281 = arith.constant 5 : i32
    %swap3A_282 = arith.index_cast %swap3A_281 : i32 to index
    %swap3A_283 = arith.constant 0 : index
    %swap3A_284 = tpu.vector_load %arg30[%swap3A_282, %swap3A_283] {strides = array<i32>} : memref<8x128xf32, #tpu.memory_space<vmem>>, vector<1x16xf32>,
    %swap3A_285 = vector.shape_cast %swap3A_284 : vector<1x16xf32> to vector<16xf32>
    %swap3A_286 = vector.shape_cast %broadcast_in_dim3A_41 : vector<16xf32> to vector<1x16xf32>
    tpu.vector_store %arg30[%swap3A_282, %swap3A_283], %swap3A_286 {strides = array<i32>} : memref<8x128xf32, #tpu.memory_space<vmem>>, vector<1x16xf32>,
    %swap3A_287 = arith.constant 5 : i32
    %swap3A_288 = arith.index_cast %swap3A_287 : i32 to index
    %swap3A_289 = arith.constant 16 : index
    %swap3A_290 = tpu.vector_load %arg30[%swap3A_288, %swap3A_289] {strides = array<i32>} : memref<8x128xf32, #tpu.memory_space<vmem>>, vector<1x16xf32>,
    %swap3A_291 = vector.shape_cast %swap3A_290 : vector<1x16xf32> to vector<16xf32>
    %swap3A_292 = vector.shape_cast %broadcast_in_dim3A_41 : vector<16xf32> to vector<1x16xf32>
    tpu.vector_store %arg30[%swap3A_288, %swap3A_289], %swap3A_292 {strides = array<i32>} : memref<8x128xf32, #tpu.memory_space<vmem>>, vector<1x16xf32>,
    %swap3A_293 = arith.constant 5 : i32
    %swap3A_294 = arith.index_cast %swap3A_293 : i32 to index
    %swap3A_295 = arith.constant 32 : index
    %swap3A_296 = tpu.vector_load %arg30[%swap3A_294, %swap3A_295] {strides = array<i32>} : memref<8x128xf32, #tpu.memory_space<vmem>>, vector<1x16xf32>,
    %swap3A_297 = vector.shape_cast %swap3A_296 : vector<1x16xf32> to vector<16xf32>
    %swap3A_298 = vector.shape_cast %broadcast_in_dim3A_41 : vector<16xf32> to vector<1x16xf32>
    tpu.vector_store %arg30[%swap3A_294, %swap3A_295], %swap3A_298 {strides = array<i32>} : memref<8x128xf32, #tpu.memory_space<vmem>>, vector<1x16xf32>,
    %swap3A_299 = arith.constant 5 : i32
    %swap3A_300 = arith.index_cast %swap3A_299 : i32 to index
    %swap3A_301 = arith.constant 48 : index
    %swap3A_302 = tpu.vector_load %arg30[%swap3A_300, %swap3A_301] {strides = array<i32>} : memref<8x128xf32, #tpu.memory_space<vmem>>, vector<1x16xf32>,
    %swap3A_303 = vector.shape_cast %swap3A_302 : vector<1x16xf32> to vector<16xf32>
    %swap3A_304 = vector.shape_cast %broadcast_in_dim3A_41 : vector<16xf32> to vector<1x16xf32>
    tpu.vector_store %arg30[%swap3A_300, %swap3A_301], %swap3A_304 {strides = array<i32>} : memref<8x128xf32, #tpu.memory_space<vmem>>, vector<1x16xf32>,
    %swap3A_305 = arith.constant 5 : i32
    %swap3A_306 = arith.index_cast %swap3A_305 : i32 to index
    %swap3A_307 = arith.constant 64 : index
    %swap3A_308 = tpu.vector_load %arg30[%swap3A_306, %swap3A_307] {strides = array<i32>} : memref<8x128xf32, #tpu.memory_space<vmem>>, vector<1x16xf32>,
    %swap3A_309 = vector.shape_cast %swap3A_308 : vector<1x16xf32> to vector<16xf32>
    %swap3A_310 = vector.shape_cast %broadcast_in_dim3A_41 : vector<16xf32> to vector<1x16xf32>
    tpu.vector_store %arg30[%swap3A_306, %swap3A_307], %swap3A_310 {strides = array<i32>} : memref<8x128xf32, #tpu.memory_space<vmem>>, vector<1x16xf32>,
    %swap3A_311 = arith.constant 5 : i32
    %swap3A_312 = arith.index_cast %swap3A_311 : i32 to index
    %swap3A_313 = arith.constant 80 : index
    %swap3A_314 = tpu.vector_load %arg30[%swap3A_312, %swap3A_313] {strides = array<i32>} : memref<8x128xf32, #tpu.memory_space<vmem>>, vector<1x16xf32>,
    %swap3A_315 = vector.shape_cast %swap3A_314 : vector<1x16xf32> to vector<16xf32>
    %swap3A_316 = vector.shape_cast %broadcast_in_dim3A_41 : vector<16xf32> to vector<1x16xf32>
    tpu.vector_store %arg30[%swap3A_312, %swap3A_313], %swap3A_316 {strides = array<i32>} : memref<8x128xf32, #tpu.memory_space<vmem>>, vector<1x16xf32>,
    %swap3A_317 = arith.constant 5 : i32
    %swap3A_318 = arith.index_cast %swap3A_317 : i32 to index
    %swap3A_319 = arith.constant 96 : index
    %swap3A_320 = tpu.vector_load %arg30[%swap3A_318, %swap3A_319] {strides = array<i32>} : memref<8x128xf32, #tpu.memory_space<vmem>>, vector<1x16xf32>,
    %swap3A_321 = vector.shape_cast %swap3A_320 : vector<1x16xf32> to vector<16xf32>
    %swap3A_322 = vector.shape_cast %broadcast_in_dim3A_41 : vector<16xf32> to vector<1x16xf32>
    tpu.vector_store %arg30[%swap3A_318, %swap3A_319], %swap3A_322 {strides = array<i32>} : memref<8x128xf32, #tpu.memory_space<vmem>>, vector<1x16xf32>,
    %swap3A_323 = arith.constant 5 : i32
    %swap3A_324 = arith.index_cast %swap3A_323 : i32 to index
    %swap3A_325 = arith.constant 112 : index
    %swap3A_326 = tpu.vector_load %arg30[%swap3A_324, %swap3A_325] {strides = array<i32>} : memref<8x128xf32, #tpu.memory_space<vmem>>, vector<1x16xf32>,
    %swap3A_327 = vector.shape_cast %swap3A_326 : vector<1x16xf32> to vector<16xf32>
    %swap3A_328 = vector.shape_cast %broadcast_in_dim3A_41 : vector<16xf32> to vector<1x16xf32>
    tpu.vector_store %arg30[%swap3A_324, %swap3A_325], %swap3A_328 {strides = array<i32>} : memref<8x128xf32, #tpu.memory_space<vmem>>, vector<1x16xf32>,
    %swap3A_329 = arith.constant 6 : i32
    %swap3A_330 = arith.index_cast %swap3A_329 : i32 to index
    %swap3A_331 = arith.constant 0 : index
    %swap3A_332 = tpu.vector_load %arg30[%swap3A_330, %swap3A_331] {strides = array<i32>} : memref<8x128xf32, #tpu.memory_space<vmem>>, vector<1x16xf32>,
    %swap3A_333 = vector.shape_cast %swap3A_332 : vector<1x16xf32> to vector<16xf32>
    %swap3A_334 = vector.shape_cast %broadcast_in_dim3A_41 : vector<16xf32> to vector<1x16xf32>
    tpu.vector_store %arg30[%swap3A_330, %swap3A_331], %swap3A_334 {strides = array<i32>} : memref<8x128xf32, #tpu.memory_space<vmem>>, vector<1x16xf32>,
    %swap3A_335 = arith.constant 6 : i32
    %swap3A_336 = arith.index_cast %swap3A_335 : i32 to index
    %swap3A_337 = arith.constant 16 : index
    %swap3A_338 = tpu.vector_load %arg30[%swap3A_336, %swap3A_337] {strides = array<i32>} : memref<8x128xf32, #tpu.memory_space<vmem>>, vector<1x16xf32>,
    %swap3A_339 = vector.shape_cast %swap3A_338 : vector<1x16xf32> to vector<16xf32>
    %swap3A_340 = vector.shape_cast %broadcast_in_dim3A_41 : vector<16xf32> to vector<1x16xf32>
    tpu.vector_store %arg30[%swap3A_336, %swap3A_337], %swap3A_340 {strides = array<i32>} : memref<8x128xf32, #tpu.memory_space<vmem>>, vector<1x16xf32>,
    %swap3A_341 = arith.constant 6 : i32
    %swap3A_342 = arith.index_cast %swap3A_341 : i32 to index
    %swap3A_343 = arith.constant 32 : index
    %swap3A_344 = tpu.vector_load %arg30[%swap3A_342, %swap3A_343] {strides = array<i32>} : memref<8x128xf32, #tpu.memory_space<vmem>>, vector<1x16xf32>,
    %swap3A_345 = vector.shape_cast %swap3A_344 : vector<1x16xf32> to vector<16xf32>
    %swap3A_346 = vector.shape_cast %broadcast_in_dim3A_41 : vector<16xf32> to vector<1x16xf32>
    tpu.vector_store %arg30[%swap3A_342, %swap3A_343], %swap3A_346 {strides = array<i32>} : memref<8x128xf32, #tpu.memory_space<vmem>>, vector<1x16xf32>,
    %swap3A_347 = arith.constant 6 : i32
    %swap3A_348 = arith.index_cast %swap3A_347 : i32 to index
    %swap3A_349 = arith.constant 48 : index
    %swap3A_350 = tpu.vector_load %arg30[%swap3A_348, %swap3A_349] {strides = array<i32>} : memref<8x128xf32, #tpu.memory_space<vmem>>, vector<1x16xf32>,
    %swap3A_351 = vector.shape_cast %swap3A_350 : vector<1x16xf32> to vector<16xf32>
    %swap3A_352 = vector.shape_cast %broadcast_in_dim3A_41 : vector<16xf32> to vector<1x16xf32>
    tpu.vector_store %arg30[%swap3A_348, %swap3A_349], %swap3A_352 {strides = array<i32>} : memref<8x128xf32, #tpu.memory_space<vmem>>, vector<1x16xf32>,
    %swap3A_353 = arith.constant 6 : i32
    %swap3A_354 = arith.index_cast %swap3A_353 : i32 to index
    %swap3A_355 = arith.constant 64 : index
    %swap3A_356 = tpu.vector_load %arg30[%swap3A_354, %swap3A_355] {strides = array<i32>} : memref<8x128xf32, #tpu.memory_space<vmem>>, vector<1x16xf32>,
    %swap3A_357 = vector.shape_cast %swap3A_356 : vector<1x16xf32> to vector<16xf32>
    %swap3A_358 = vector.shape_cast %broadcast_in_dim3A_41 : vector<16xf32> to vector<1x16xf32>
    tpu.vector_store %arg30[%swap3A_354, %swap3A_355], %swap3A_358 {strides = array<i32>} : memref<8x128xf32, #tpu.memory_space<vmem>>, vector<1x16xf32>,
    %swap3A_359 = arith.constant 6 : i32
    %swap3A_360 = arith.index_cast %swap3A_359 : i32 to index
    %swap3A_361 = arith.constant 80 : index
    %swap3A_362 = tpu.vector_load %arg30[%swap3A_360, %swap3A_361] {strides = array<i32>} : memref<8x128xf32, #tpu.memory_space<vmem>>, vector<1x16xf32>,
    %swap3A_363 = vector.shape_cast %swap3A_362 : vector<1x16xf32> to vector<16xf32>
    %swap3A_364 = vector.shape_cast %broadcast_in_dim3A_41 : vector<16xf32> to vector<1x16xf32>
    tpu.vector_store %arg30[%swap3A_360, %swap3A_361], %swap3A_364 {strides = array<i32>} : memref<8x128xf32, #tpu.memory_space<vmem>>, vector<1x16xf32>,
    %swap3A_365 = arith.constant 6 : i32
    %swap3A_366 = arith.index_cast %swap3A_365 : i32 to index
    %swap3A_367 = arith.constant 96 : index
    %swap3A_368 = tpu.vector_load %arg30[%swap3A_366, %swap3A_367] {strides = array<i32>} : memref<8x128xf32, #tpu.memory_space<vmem>>, vector<1x16xf32>,
    %swap3A_369 = vector.shape_cast %swap3A_368 : vector<1x16xf32> to vector<16xf32>
    %swap3A_370 = vector.shape_cast %broadcast_in_dim3A_41 : vector<16xf32> to vector<1x16xf32>
    tpu.vector_store %arg30[%swap3A_366, %swap3A_367], %swap3A_370 {strides = array<i32>} : memref<8x128xf32, #tpu.memory_space<vmem>>, vector<1x16xf32>,
    %swap3A_371 = arith.constant 6 : i32
    %swap3A_372 = arith.index_cast %swap3A_371 : i32 to index
    %swap3A_373 = arith.constant 112 : index
    %swap3A_374 = tpu.vector_load %arg30[%swap3A_372, %swap3A_373] {strides = array<i32>} : memref<8x128xf32, #tpu.memory_space<vmem>>, vector<1x16xf32>,
    %swap3A_375 = vector.shape_cast %swap3A_374 : vector<1x16xf32> to vector<16xf32>
    %swap3A_376 = vector.shape_cast %broadcast_in_dim3A_41 : vector<16xf32> to vector<1x16xf32>
    tpu.vector_store %arg30[%swap3A_372, %swap3A_373], %swap3A_376 {strides = array<i32>} : memref<8x128xf32, #tpu.memory_space<vmem>>, vector<1x16xf32>,
    %swap3A_377 = arith.constant 7 : i32
    %swap3A_378 = arith.index_cast %swap3A_377 : i32 to index
    %swap3A_379 = arith.constant 0 : index
    %swap3A_380 = tpu.vector_load %arg30[%swap3A_378, %swap3A_379] {strides = array<i32>} : memref<8x128xf32, #tpu.memory_space<vmem>>, vector<1x16xf32>,
    %swap3A_381 = vector.shape_cast %swap3A_380 : vector<1x16xf32> to vector<16xf32>
    %swap3A_382 = vector.shape_cast %broadcast_in_dim3A_41 : vector<16xf32> to vector<1x16xf32>
    tpu.vector_store %arg30[%swap3A_378, %swap3A_379], %swap3A_382 {strides = array<i32>} : memref<8x128xf32, #tpu.memory_space<vmem>>, vector<1x16xf32>,
    %swap3A_383 = arith.constant 7 : i32
    %swap3A_384 = arith.index_cast %swap3A_383 : i32 to index
    %swap3A_385 = arith.constant 16 : index
    %swap3A_386 = tpu.vector_load %arg30[%swap3A_384, %swap3A_385] {strides = array<i32>} : memref<8x128xf32, #tpu.memory_space<vmem>>, vector<1x16xf32>,
    %swap3A_387 = vector.shape_cast %swap3A_386 : vector<1x16xf32> to vector<16xf32>
    %swap3A_388 = vector.shape_cast %broadcast_in_dim3A_41 : vector<16xf32> to vector<1x16xf32>
    tpu.vector_store %arg30[%swap3A_384, %swap3A_385], %swap3A_388 {strides = array<i32>} : memref<8x128xf32, #tpu.memory_space<vmem>>, vector<1x16xf32>,
    %swap3A_389 = arith.constant 7 : i32
    %swap3A_390 = arith.index_cast %swap3A_389 : i32 to index
    %swap3A_391 = arith.constant 32 : index
    %swap3A_392 = tpu.vector_load %arg30[%swap3A_390, %swap3A_391] {strides = array<i32>} : memref<8x128xf32, #tpu.memory_space<vmem>>, vector<1x16xf32>,
    %swap3A_393 = vector.shape_cast %swap3A_392 : vector<1x16xf32> to vector<16xf32>
    %swap3A_394 = vector.shape_cast %broadcast_in_dim3A_41 : vector<16xf32> to vector<1x16xf32>
    tpu.vector_store %arg30[%swap3A_390, %swap3A_391], %swap3A_394 {strides = array<i32>} : memref<8x128xf32, #tpu.memory_space<vmem>>, vector<1x16xf32>,
    %swap3A_395 = arith.constant 7 : i32
    %swap3A_396 = arith.index_cast %swap3A_395 : i32 to index
    %swap3A_397 = arith.constant 48 : index
    %swap3A_398 = tpu.vector_load %arg30[%swap3A_396, %swap3A_397] {strides = array<i32>} : memref<8x128xf32, #tpu.memory_space<vmem>>, vector<1x16xf32>,
    %swap3A_399 = vector.shape_cast %swap3A_398 : vector<1x16xf32> to vector<16xf32>
    %swap3A_400 = vector.shape_cast %broadcast_in_dim3A_41 : vector<16xf32> to vector<1x16xf32>
    tpu.vector_store %arg30[%swap3A_396, %swap3A_397], %swap3A_400 {strides = array<i32>} : memref<8x128xf32, #tpu.memory_space<vmem>>, vector<1x16xf32>,
    %swap3A_401 = arith.constant 7 : i32
    %swap3A_402 = arith.index_cast %swap3A_401 : i32 to index
    %swap3A_403 = arith.constant 64 : index
    %swap3A_404 = tpu.vector_load %arg30[%swap3A_402, %swap3A_403] {strides = array<i32>} : memref<8x128xf32, #tpu.memory_space<vmem>>, vector<1x16xf32>,
    %swap3A_405 = vector.shape_cast %swap3A_404 : vector<1x16xf32> to vector<16xf32>
    %swap3A_406 = vector.shape_cast %broadcast_in_dim3A_41 : vector<16xf32> to vector<1x16xf32>
    tpu.vector_store %arg30[%swap3A_402, %swap3A_403], %swap3A_406 {strides = array<i32>} : memref<8x128xf32, #tpu.memory_space<vmem>>, vector<1x16xf32>,
    %swap3A_407 = arith.constant 7 : i32
    %swap3A_408 = arith.index_cast %swap3A_407 : i32 to index
    %swap3A_409 = arith.constant 80 : index
    %swap3A_410 = tpu.vector_load %arg30[%swap3A_408, %swap3A_409] {strides = array<i32>} : memref<8x128xf32, #tpu.memory_space<vmem>>, vector<1x16xf32>,
    %swap3A_411 = vector.shape_cast %swap3A_410 : vector<1x16xf32> to vector<16xf32>
    %swap3A_412 = vector.shape_cast %broadcast_in_dim3A_41 : vector<16xf32> to vector<1x16xf32>
    tpu.vector_store %arg30[%swap3A_408, %swap3A_409], %swap3A_412 {strides = array<i32>} : memref<8x128xf32, #tpu.memory_space<vmem>>, vector<1x16xf32>,
    %swap3A_413 = arith.constant 7 : i32
    %swap3A_414 = arith.index_cast %swap3A_413 : i32 to index
    %swap3A_415 = arith.constant 96 : index
    %swap3A_416 = tpu.vector_load %arg30[%swap3A_414, %swap3A_415] {strides = array<i32>} : memref<8x128xf32, #tpu.memory_space<vmem>>, vector<1x16xf32>,
    %swap3A_417 = vector.shape_cast %swap3A_416 : vector<1x16xf32> to vector<16xf32>
    %swap3A_418 = vector.shape_cast %broadcast_in_dim3A_41 : vector<16xf32> to vector<1x16xf32>
    tpu.vector_store %arg30[%swap3A_414, %swap3A_415], %swap3A_418 {strides = array<i32>} : memref<8x128xf32, #tpu.memory_space<vmem>>, vector<1x16xf32>,
    %swap3A_419 = arith.constant 7 : i32
    %swap3A_420 = arith.index_cast %swap3A_419 : i32 to index
    %swap3A_421 = arith.constant 112 : index
    %swap3A_422 = tpu.vector_load %arg30[%swap3A_420, %swap3A_421] {strides = array<i32>} : memref<8x128xf32, #tpu.memory_space<vmem>>, vector<1x16xf32>,
    %swap3A_423 = vector.shape_cast %swap3A_422 : vector<1x16xf32> to vector<16xf32>
    %swap3A_424 = vector.shape_cast %broadcast_in_dim3A_41 : vector<16xf32> to vector<1x16xf32>
    tpu.vector_store %arg30[%swap3A_420, %swap3A_421], %swap3A_424 {strides = array<i32>} : memref<8x128xf32, #tpu.memory_space<vmem>>, vector<1x16xf32>,
    %scan3A = arith.constant 0 : i32
    %scan3A_425 = arith.constant 0 : i32
    %scan3A_426 = arith.constant 79 : i32
    %scan3A_427 = arith.addi %scan3A_425, %scan3A_426 : i32
    %scan3A_428 = arith.constant 1 : i32
    scf.for %scan3A_455 = %scan3A_425 to %scan3A_427 step %scan3A_428  : i32 {
      %mul3A_456 = arith.constant 8 : i32
      %mul3A_457 = arith.muli %scan3A_455, %mul3A_456 : i32
      %add3A_458 = arith.addi %mul3A_2, %mul3A_457 : i32
      "tpu.region"() ({
        %run_scoped3A = tpu.sem_alloc : memref<!tpu.dma_semaphore, #tpu.memory_space<semaphore_mem>>
        %dma_start3A_459 = arith.constant 0 : i32
        %dma_start3A_460 = tpu.memref_slice %arg6[%add3A_458, %dma_start3A_459] : memref<10112x128xf32, #tpu.memory_space<vmem_shared>> -> memref<8x128xf32, #tpu.memory_space<vmem_shared>>
        %dma_start3A_461 = arith.constant 0 : i32
        %dma_start3A_462 = tpu.memref_slice %arg6[%add3A_458, %dma_start3A_461] : memref<10112x128xf32, #tpu.memory_space<vmem_shared>> -> memref<8x128xf32, #tpu.memory_space<vmem_shared>>
        tpu.enqueue_dma source(%arg30 : memref<8x128xf32, #tpu.memory_space<vmem>>) target(%dma_start3A_462 : memref<8x128xf32, #tpu.memory_space<vmem_shared>>) target_semaphore(%run_scoped3A : memref<!tpu.dma_semaphore, #tpu.memory_space<semaphore_mem>>)
        %dma_wait3A_463 = arith.constant 0 : i32
        %dma_wait3A_464 = tpu.memref_slice %arg6[%add3A_458, %dma_wait3A_463] : memref<10112x128xf32, #tpu.memory_space<vmem_shared>> -> memref<8x128xf32, #tpu.memory_space<vmem_shared>>
        %dma_wait3A_465 = arith.constant 0 : i32
        %dma_wait3A_466 = tpu.memref_slice %arg6[%add3A_458, %dma_wait3A_465] : memref<10112x128xf32, #tpu.memory_space<vmem_shared>> -> memref<8x128xf32, #tpu.memory_space<vmem_shared>>
        tpu.wait_dma2 semaphore(%run_scoped3A : memref<!tpu.dma_semaphore, #tpu.memory_space<semaphore_mem>>) src(%arg30 : memref<8x128xf32, #tpu.memory_space<vmem>>) dst(%dma_wait3A_466 : memref<8x128xf32, #tpu.memory_space<vmem_shared>>)
        tpu.yield
      }) : () -> ()
    }
    %scan3A_429 = arith.constant 79 : i32
    %barrier3A = arith.constant 0 : index
    tpu.barrier barrier_id(%barrier3A)
    %scan3A_430 = arith.constant 0 : i32
    %scan3A_431 = arith.constant 0 : i32
    %scan3A_432 = arith.constant 16 : i32
    %scan3A_433 = arith.addi %scan3A_431, %scan3A_432 : i32
    %scan3A_434 = arith.constant 1 : i32
    scf.for %scan3A_455 = %scan3A_431 to %scan3A_433 step %scan3A_434  : i32 {
      %mul3A_456 = arith.constant 8 : i32
      %mul3A_457 = arith.muli %scan3A_455, %mul3A_456 : i32
      %add3A_458 = arith.constant 0 : i32
      %add3A_459 = arith.addi %mul3A_457, %add3A_458 : i32
      %lt3A = arith.constant 125 : i32
      %lt3A_460 = arith.cmpi slt, %add3A_459, %lt3A : i32
      %convert_element_type3A_461 = arith.extui %lt3A_460 : i1 to i32
      %cond3A_462 = arith.constant 0 : i32
      %cond3A_463 = arith.cmpi ne, %convert_element_type3A_461, %cond3A_462 : i32
      scf.if %cond3A_463 {
        %dma_wait3A_527 = arith.constant 0 : i32
        %dma_wait3A_528 = arith.constant 0 : i32
        %dma_wait3A_529 = tpu.memref_slice %arg2[%dma_wait3A_527, %dma_wait3A_528] : memref<10000x128xf32, #tpu.memory_space<hbm>> -> memref<10000x128xf32, #tpu.memory_space<hbm>>
        tpu.wait_indirect_dma semaphore(%arg15 : memref<!tpu.dma_semaphore, #tpu.memory_space<semaphore_mem>>) src(%dma_wait3A_529 : memref<10000x128xf32, #tpu.memory_space<hbm>>) dst(%arg17 : memref<80x128xf32, #tpu.memory_space<vmem>>)
        %add3A_530 = arith.constant 3 : i32
        %add3A_531 = arith.addi %add3A_459, %add3A_530 : i32
        %lt3A_532 = arith.constant 125 : i32
        %lt3A_533 = arith.cmpi slt, %add3A_531, %lt3A_532 : i32
        %convert_element_type3A_534 = arith.extui %lt3A_533 : i1 to i32
        %cond3A_535 = arith.constant 0 : i32
        %cond3A_536 = arith.cmpi ne, %convert_element_type3A_534, %cond3A_535 : i32
        scf.if %cond3A_536 {
          %dma_wait3A_547 = tpu.memref_slice %arg3[%mul3A_4] : memref<640000xi32, #tpu.memory_space<hbm>> -> memref<80xi32, #tpu.memory_space<hbm>>
          %dma_wait3A_548 = tpu.memref_slice %arg3[%mul3A_4] : memref<640000xi32, #tpu.memory_space<hbm>> -> memref<80xi32, #tpu.memory_space<hbm>>
          tpu.wait_dma2 semaphore(%arg16 : memref<!tpu.dma_semaphore, #tpu.memory_space<semaphore_mem>>) src(%dma_wait3A_548 : memref<80xi32, #tpu.memory_space<hbm>>) dst(%arg24 : memref<80xi32, #tpu.memory_space<vmem>>)
          %dma_wait3A_549 = tpu.memref_slice %arg3[%mul3A_4] : memref<640000xi32, #tpu.memory_space<hbm>> -> memref<80xi32, #tpu.memory_space<hbm>>
          %dma_wait3A_550 = tpu.memref_slice %arg3[%mul3A_4] : memref<640000xi32, #tpu.memory_space<hbm>> -> memref<80xi32, #tpu.memory_space<hbm>>
          tpu.wait_dma2 semaphore(%arg16 : memref<!tpu.dma_semaphore, #tpu.memory_space<semaphore_mem>>) src(%dma_wait3A_550 : memref<80xi32, #tpu.memory_space<hbm>>) dst(%arg10 : memref<80xi32, #tpu.memory_space<vmem>>)
          %gt3A = arith.constant 0 : i32
          %gt3A_551 = arith.cmpi sgt, %add3A_459, %gt3A : i32
          %convert_element_type3A_552 = arith.extui %gt3A_551 : i1 to i32
          %cond3A_553 = arith.constant 0 : i32
          %cond3A_554 = arith.cmpi ne, %convert_element_type3A_552, %cond3A_553 : i32
          scf.if %cond3A_554 {
            %dma_wait3A_558 = arith.constant 0 : i32
            %dma_wait3A_559 = arith.constant 0 : i32
            %dma_wait3A_560 = tpu.memref_slice %arg6[%dma_wait3A_558, %dma_wait3A_559] : memref<10112x128xf32, #tpu.memory_space<vmem_shared>> -> memref<10112x128xf32, #tpu.memory_space<vmem_shared>>
            tpu.wait_indirect_dma semaphore(%arg29 : memref<!tpu.dma_semaphore, #tpu.memory_space<semaphore_mem>>) src(%arg20 : memref<80x128xf32, #tpu.memory_space<vmem>>) dst(%dma_wait3A_560 : memref<10112x128xf32, #tpu.memory_space<vmem_shared>>)
          } else {
          }
          %dma_start3A_555 = arith.constant 0 : i32
          %dma_start3A_556 = arith.constant 0 : i32
          %dma_start3A_557 = tpu.memref_slice %arg2[%dma_start3A_555, %dma_start3A_556] : memref<10000x128xf32, #tpu.memory_space<hbm>> -> memref<10000x128xf32, #tpu.memory_space<hbm>>
          tpu.enqueue_indirect_dma source(%dma_start3A_557 : memref<10000x128xf32, #tpu.memory_space<hbm>>) target(%arg20 : memref<80x128xf32, #tpu.memory_space<vmem>>) offsets(%arg24 : memref<80xi32, #tpu.memory_space<vmem>>) semaphore(%arg15 : memref<!tpu.dma_semaphore, #tpu.memory_space<semaphore_mem>>)
        } else {
        }
        %add3A_537 = arith.constant 4 : i32
        %add3A_538 = arith.addi %add3A_459, %add3A_537 : i32
        %lt3A_539 = arith.constant 125 : i32
        %lt3A_540 = arith.cmpi slt, %add3A_538, %lt3A_539 : i32
        %convert_element_type3A_541 = arith.extui %lt3A_540 : i1 to i32
        %cond3A_542 = arith.constant 0 : i32
        %cond3A_543 = arith.cmpi ne, %convert_element_type3A_541, %cond3A_542 : i32
        scf.if %cond3A_543 {
          %add3A_547 = arith.constant 4 : i32
          %add3A_548 = arith.addi %add3A_459, %add3A_547 : i32
          %mul3A_549 = arith.constant 80 : i32
          %mul3A_550 = arith.muli %add3A_548, %mul3A_549 : i32
          %add3A_551 = arith.addi %mul3A_4, %mul3A_550 : i32
          %dma_start3A_552 = tpu.memref_slice %arg3[%add3A_551] : memref<640000xi32, #tpu.memory_space<hbm>> -> memref<80xi32, #tpu.memory_space<hbm>>
          %dma_start3A_553 = tpu.memref_slice %arg3[%add3A_551] : memref<640000xi32, #tpu.memory_space<hbm>> -> memref<80xi32, #tpu.memory_space<hbm>>
          tpu.enqueue_dma source(%dma_start3A_553 : memref<80xi32, #tpu.memory_space<hbm>>) target(%arg25 : memref<80xi32, #tpu.memory_space<vmem>>) target_semaphore(%arg16 : memref<!tpu.dma_semaphore, #tpu.memory_space<semaphore_mem>>)
          %add3A_554 = arith.constant 320000 : i32
          %add3A_555 = arith.addi %add3A_554, %add3A_551 : i32
          %dma_start3A_556 = tpu.memref_slice %arg3[%add3A_555] : memref<640000xi32, #tpu.memory_space<hbm>> -> memref<80xi32, #tpu.memory_space<hbm>>
          %dma_start3A_557 = tpu.memref_slice %arg3[%add3A_555] : memref<640000xi32, #tpu.memory_space<hbm>> -> memref<80xi32, #tpu.memory_space<hbm>>
          tpu.enqueue_dma source(%dma_start3A_557 : memref<80xi32, #tpu.memory_space<hbm>>) target(%arg11 : memref<80xi32, #tpu.memory_space<vmem>>) target_semaphore(%arg16 : memref<!tpu.dma_semaphore, #tpu.memory_space<semaphore_mem>>)
        } else {
        }
        %dma_start3A_544 = arith.constant 0 : i32
        %dma_start3A_545 = arith.constant 0 : i32
        %dma_start3A_546 = tpu.memref_slice %arg6[%dma_start3A_544, %dma_start3A_545] : memref<10112x128xf32, #tpu.memory_space<vmem_shared>> -> memref<10112x128xf32, #tpu.memory_space<vmem_shared>>
        tpu.enqueue_indirect_dma source(%arg17 : memref<80x128xf32, #tpu.memory_space<vmem>>) target(%dma_start3A_546 : memref<10112x128xf32, #tpu.memory_space<vmem_shared>>) offsets(%arg7 : memref<80xi32, #tpu.memory_space<vmem>>) semaphore(%arg29 : memref<!tpu.dma_semaphore, #tpu.memory_space<semaphore_mem>>) {add = true}
      } else {
      }
      %mul3A_464 = arith.constant 8 : i32
      %mul3A_465 = arith.muli %scan3A_455, %mul3A_464 : i32
      %add3A_466 = arith.constant 1 : i32
      %add3A_467 = arith.addi %mul3A_465, %add3A_466 : i32
      %lt3A_468 = arith.constant 125 : i32
      %lt3A_469 = arith.cmpi slt, %add3A_467, %lt3A_468 : i32
      %convert_element_type3A_470 = arith.extui %lt3A_469 : i1 to i32
      %cond3A_471 = arith.constant 0 : i32
      %cond3A_472 = arith.cmpi ne, %convert_element_type3A_470, %cond3A_471 : i32
      scf.if %cond3A_472 {
        %dma_wait3A_527 = arith.constant 0 : i32
        %dma_wait3A_528 = arith.constant 0 : i32
        %dma_wait3A_529 = tpu.memref_slice %arg2[%dma_wait3A_527, %dma_wait3A_528] : memref<10000x128xf32, #tpu.memory_space<hbm>> -> memref<10000x128xf32, #tpu.memory_space<hbm>>
        tpu.wait_indirect_dma semaphore(%arg15 : memref<!tpu.dma_semaphore, #tpu.memory_space<semaphore_mem>>) src(%dma_wait3A_529 : memref<10000x128xf32, #tpu.memory_space<hbm>>) dst(%arg18 : memref<80x128xf32, #tpu.memory_space<vmem>>)
        %add3A_530 = arith.constant 3 : i32
        %add3A_531 = arith.addi %add3A_467, %add3A_530 : i32
        %lt3A_532 = arith.constant 125 : i32
        %lt3A_533 = arith.cmpi slt, %add3A_531, %lt3A_532 : i32
        %convert_element_type3A_534 = arith.extui %lt3A_533 : i1 to i32
        %cond3A_535 = arith.constant 0 : i32
        %cond3A_536 = arith.cmpi ne, %convert_element_type3A_534, %cond3A_535 : i32
        scf.if %cond3A_536 {
          %dma_wait3A_547 = tpu.memref_slice %arg3[%mul3A_4] : memref<640000xi32, #tpu.memory_space<hbm>> -> memref<80xi32, #tpu.memory_space<hbm>>
          %dma_wait3A_548 = tpu.memref_slice %arg3[%mul3A_4] : memref<640000xi32, #tpu.memory_space<hbm>> -> memref<80xi32, #tpu.memory_space<hbm>>
          tpu.wait_dma2 semaphore(%arg16 : memref<!tpu.dma_semaphore, #tpu.memory_space<semaphore_mem>>) src(%dma_wait3A_548 : memref<80xi32, #tpu.memory_space<hbm>>) dst(%arg25 : memref<80xi32, #tpu.memory_space<vmem>>)
          %dma_wait3A_549 = tpu.memref_slice %arg3[%mul3A_4] : memref<640000xi32, #tpu.memory_space<hbm>> -> memref<80xi32, #tpu.memory_space<hbm>>
          %dma_wait3A_550 = tpu.memref_slice %arg3[%mul3A_4] : memref<640000xi32, #tpu.memory_space<hbm>> -> memref<80xi32, #tpu.memory_space<hbm>>
          tpu.wait_dma2 semaphore(%arg16 : memref<!tpu.dma_semaphore, #tpu.memory_space<semaphore_mem>>) src(%dma_wait3A_550 : memref<80xi32, #tpu.memory_space<hbm>>) dst(%arg11 : memref<80xi32, #tpu.memory_space<vmem>>)
          %gt3A = arith.constant 0 : i32
          %gt3A_551 = arith.cmpi sgt, %add3A_467, %gt3A : i32
          %convert_element_type3A_552 = arith.extui %gt3A_551 : i1 to i32
          %cond3A_553 = arith.constant 0 : i32
          %cond3A_554 = arith.cmpi ne, %convert_element_type3A_552, %cond3A_553 : i32
          scf.if %cond3A_554 {
            %dma_wait3A_558 = arith.constant 0 : i32
            %dma_wait3A_559 = arith.constant 0 : i32
            %dma_wait3A_560 = tpu.memref_slice %arg6[%dma_wait3A_558, %dma_wait3A_559] : memref<10112x128xf32, #tpu.memory_space<vmem_shared>> -> memref<10112x128xf32, #tpu.memory_space<vmem_shared>>
            tpu.wait_indirect_dma semaphore(%arg29 : memref<!tpu.dma_semaphore, #tpu.memory_space<semaphore_mem>>) src(%arg17 : memref<80x128xf32, #tpu.memory_space<vmem>>) dst(%dma_wait3A_560 : memref<10112x128xf32, #tpu.memory_space<vmem_shared>>)
          } else {
          }
          %dma_start3A_555 = arith.constant 0 : i32
          %dma_start3A_556 = arith.constant 0 : i32
          %dma_start3A_557 = tpu.memref_slice %arg2[%dma_start3A_555, %dma_start3A_556] : memref<10000x128xf32, #tpu.memory_space<hbm>> -> memref<10000x128xf32, #tpu.memory_space<hbm>>
          tpu.enqueue_indirect_dma source(%dma_start3A_557 : memref<10000x128xf32, #tpu.memory_space<hbm>>) target(%arg17 : memref<80x128xf32, #tpu.memory_space<vmem>>) offsets(%arg25 : memref<80xi32, #tpu.memory_space<vmem>>) semaphore(%arg15 : memref<!tpu.dma_semaphore, #tpu.memory_space<semaphore_mem>>)
        } else {
        }
        %add3A_537 = arith.constant 4 : i32
        %add3A_538 = arith.addi %add3A_467, %add3A_537 : i32
        %lt3A_539 = arith.constant 125 : i32
        %lt3A_540 = arith.cmpi slt, %add3A_538, %lt3A_539 : i32
        %convert_element_type3A_541 = arith.extui %lt3A_540 : i1 to i32
        %cond3A_542 = arith.constant 0 : i32
        %cond3A_543 = arith.cmpi ne, %convert_element_type3A_541, %cond3A_542 : i32
        scf.if %cond3A_543 {
          %add3A_547 = arith.constant 4 : i32
          %add3A_548 = arith.addi %add3A_467, %add3A_547 : i32
          %mul3A_549 = arith.constant 80 : i32
          %mul3A_550 = arith.muli %add3A_548, %mul3A_549 : i32
          %add3A_551 = arith.addi %mul3A_4, %mul3A_550 : i32
          %dma_start3A_552 = tpu.memref_slice %arg3[%add3A_551] : memref<640000xi32, #tpu.memory_space<hbm>> -> memref<80xi32, #tpu.memory_space<hbm>>
          %dma_start3A_553 = tpu.memref_slice %arg3[%add3A_551] : memref<640000xi32, #tpu.memory_space<hbm>> -> memref<80xi32, #tpu.memory_space<hbm>>
          tpu.enqueue_dma source(%dma_start3A_553 : memref<80xi32, #tpu.memory_space<hbm>>) target(%arg26 : memref<80xi32, #tpu.memory_space<vmem>>) target_semaphore(%arg16 : memref<!tpu.dma_semaphore, #tpu.memory_space<semaphore_mem>>)
          %add3A_554 = arith.constant 320000 : i32
          %add3A_555 = arith.addi %add3A_554, %add3A_551 : i32
          %dma_start3A_556 = tpu.memref_slice %arg3[%add3A_555] : memref<640000xi32, #tpu.memory_space<hbm>> -> memref<80xi32, #tpu.memory_space<hbm>>
          %dma_start3A_557 = tpu.memref_slice %arg3[%add3A_555] : memref<640000xi32, #tpu.memory_space<hbm>> -> memref<80xi32, #tpu.memory_space<hbm>>
          tpu.enqueue_dma source(%dma_start3A_557 : memref<80xi32, #tpu.memory_space<hbm>>) target(%arg12 : memref<80xi32, #tpu.memory_space<vmem>>) target_semaphore(%arg16 : memref<!tpu.dma_semaphore, #tpu.memory_space<semaphore_mem>>)
        } else {
        }
        %dma_start3A_544 = arith.constant 0 : i32
        %dma_start3A_545 = arith.constant 0 : i32
        %dma_start3A_546 = tpu.memref_slice %arg6[%dma_start3A_544, %dma_start3A_545] : memref<10112x128xf32, #tpu.memory_space<vmem_shared>> -> memref<10112x128xf32, #tpu.memory_space<vmem_shared>>
        tpu.enqueue_indirect_dma source(%arg18 : memref<80x128xf32, #tpu.memory_space<vmem>>) target(%dma_start3A_546 : memref<10112x128xf32, #tpu.memory_space<vmem_shared>>) offsets(%arg8 : memref<80xi32, #tpu.memory_space<vmem>>) semaphore(%arg29 : memref<!tpu.dma_semaphore, #tpu.memory_space<semaphore_mem>>) {add = true}
      } else {
      }
      %mul3A_473 = arith.constant 8 : i32
      %mul3A_474 = arith.muli %scan3A_455, %mul3A_473 : i32
      %add3A_475 = arith.constant 2 : i32
      %add3A_476 = arith.addi %mul3A_474, %add3A_475 : i32
      %lt3A_477 = arith.constant 125 : i32
      %lt3A_478 = arith.cmpi slt, %add3A_476, %lt3A_477 : i32
      %convert_element_type3A_479 = arith.extui %lt3A_478 : i1 to i32
      %cond3A_480 = arith.constant 0 : i32
      %cond3A_481 = arith.cmpi ne, %convert_element_type3A_479, %cond3A_480 : i32
      scf.if %cond3A_481 {
        %dma_wait3A_527 = arith.constant 0 : i32
        %dma_wait3A_528 = arith.constant 0 : i32
        %dma_wait3A_529 = tpu.memref_slice %arg2[%dma_wait3A_527, %dma_wait3A_528] : memref<10000x128xf32, #tpu.memory_space<hbm>> -> memref<10000x128xf32, #tpu.memory_space<hbm>>
        tpu.wait_indirect_dma semaphore(%arg15 : memref<!tpu.dma_semaphore, #tpu.memory_space<semaphore_mem>>) src(%dma_wait3A_529 : memref<10000x128xf32, #tpu.memory_space<hbm>>) dst(%arg19 : memref<80x128xf32, #tpu.memory_space<vmem>>)
        %add3A_530 = arith.constant 3 : i32
        %add3A_531 = arith.addi %add3A_476, %add3A_530 : i32
        %lt3A_532 = arith.constant 125 : i32
        %lt3A_533 = arith.cmpi slt, %add3A_531, %lt3A_532 : i32
        %convert_element_type3A_534 = arith.extui %lt3A_533 : i1 to i32
        %cond3A_535 = arith.constant 0 : i32
        %cond3A_536 = arith.cmpi ne, %convert_element_type3A_534, %cond3A_535 : i32
        scf.if %cond3A_536 {
          %dma_wait3A_547 = tpu.memref_slice %arg3[%mul3A_4] : memref<640000xi32, #tpu.memory_space<hbm>> -> memref<80xi32, #tpu.memory_space<hbm>>
          %dma_wait3A_548 = tpu.memref_slice %arg3[%mul3A_4] : memref<640000xi32, #tpu.memory_space<hbm>> -> memref<80xi32, #tpu.memory_space<hbm>>
          tpu.wait_dma2 semaphore(%arg16 : memref<!tpu.dma_semaphore, #tpu.memory_space<semaphore_mem>>) src(%dma_wait3A_548 : memref<80xi32, #tpu.memory_space<hbm>>) dst(%arg26 : memref<80xi32, #tpu.memory_space<vmem>>)
          %dma_wait3A_549 = tpu.memref_slice %arg3[%mul3A_4] : memref<640000xi32, #tpu.memory_space<hbm>> -> memref<80xi32, #tpu.memory_space<hbm>>
          %dma_wait3A_550 = tpu.memref_slice %arg3[%mul3A_4] : memref<640000xi32, #tpu.memory_space<hbm>> -> memref<80xi32, #tpu.memory_space<hbm>>
          tpu.wait_dma2 semaphore(%arg16 : memref<!tpu.dma_semaphore, #tpu.memory_space<semaphore_mem>>) src(%dma_wait3A_550 : memref<80xi32, #tpu.memory_space<hbm>>) dst(%arg12 : memref<80xi32, #tpu.memory_space<vmem>>)
          %gt3A = arith.constant 0 : i32
          %gt3A_551 = arith.cmpi sgt, %add3A_476, %gt3A : i32
          %convert_element_type3A_552 = arith.extui %gt3A_551 : i1 to i32
          %cond3A_553 = arith.constant 0 : i32
          %cond3A_554 = arith.cmpi ne, %convert_element_type3A_552, %cond3A_553 : i32
          scf.if %cond3A_554 {
            %dma_wait3A_558 = arith.constant 0 : i32
            %dma_wait3A_559 = arith.constant 0 : i32
            %dma_wait3A_560 = tpu.memref_slice %arg6[%dma_wait3A_558, %dma_wait3A_559] : memref<10112x128xf32, #tpu.memory_space<vmem_shared>> -> memref<10112x128xf32, #tpu.memory_space<vmem_shared>>
            tpu.wait_indirect_dma semaphore(%arg29 : memref<!tpu.dma_semaphore, #tpu.memory_space<semaphore_mem>>) src(%arg18 : memref<80x128xf32, #tpu.memory_space<vmem>>) dst(%dma_wait3A_560 : memref<10112x128xf32, #tpu.memory_space<vmem_shared>>)
          } else {
          }
          %dma_start3A_555 = arith.constant 0 : i32
          %dma_start3A_556 = arith.constant 0 : i32
          %dma_start3A_557 = tpu.memref_slice %arg2[%dma_start3A_555, %dma_start3A_556] : memref<10000x128xf32, #tpu.memory_space<hbm>> -> memref<10000x128xf32, #tpu.memory_space<hbm>>
          tpu.enqueue_indirect_dma source(%dma_start3A_557 : memref<10000x128xf32, #tpu.memory_space<hbm>>) target(%arg18 : memref<80x128xf32, #tpu.memory_space<vmem>>) offsets(%arg26 : memref<80xi32, #tpu.memory_space<vmem>>) semaphore(%arg15 : memref<!tpu.dma_semaphore, #tpu.memory_space<semaphore_mem>>)
        } else {
        }
        %add3A_537 = arith.constant 4 : i32
        %add3A_538 = arith.addi %add3A_476, %add3A_537 : i32
        %lt3A_539 = arith.constant 125 : i32
        %lt3A_540 = arith.cmpi slt, %add3A_538, %lt3A_539 : i32
        %convert_element_type3A_541 = arith.extui %lt3A_540 : i1 to i32
        %cond3A_542 = arith.constant 0 : i32
        %cond3A_543 = arith.cmpi ne, %convert_element_type3A_541, %cond3A_542 : i32
        scf.if %cond3A_543 {
          %add3A_547 = arith.constant 4 : i32
          %add3A_548 = arith.addi %add3A_476, %add3A_547 : i32
          %mul3A_549 = arith.constant 80 : i32
          %mul3A_550 = arith.muli %add3A_548, %mul3A_549 : i32
          %add3A_551 = arith.addi %mul3A_4, %mul3A_550 : i32
          %dma_start3A_552 = tpu.memref_slice %arg3[%add3A_551] : memref<640000xi32, #tpu.memory_space<hbm>> -> memref<80xi32, #tpu.memory_space<hbm>>
          %dma_start3A_553 = tpu.memref_slice %arg3[%add3A_551] : memref<640000xi32, #tpu.memory_space<hbm>> -> memref<80xi32, #tpu.memory_space<hbm>>
          tpu.enqueue_dma source(%dma_start3A_553 : memref<80xi32, #tpu.memory_space<hbm>>) target(%arg27 : memref<80xi32, #tpu.memory_space<vmem>>) target_semaphore(%arg16 : memref<!tpu.dma_semaphore, #tpu.memory_space<semaphore_mem>>)
          %add3A_554 = arith.constant 320000 : i32
          %add3A_555 = arith.addi %add3A_554, %add3A_551 : i32
          %dma_start3A_556 = tpu.memref_slice %arg3[%add3A_555] : memref<640000xi32, #tpu.memory_space<hbm>> -> memref<80xi32, #tpu.memory_space<hbm>>
          %dma_start3A_557 = tpu.memref_slice %arg3[%add3A_555] : memref<640000xi32, #tpu.memory_space<hbm>> -> memref<80xi32, #tpu.memory_space<hbm>>
          tpu.enqueue_dma source(%dma_start3A_557 : memref<80xi32, #tpu.memory_space<hbm>>) target(%arg13 : memref<80xi32, #tpu.memory_space<vmem>>) target_semaphore(%arg16 : memref<!tpu.dma_semaphore, #tpu.memory_space<semaphore_mem>>)
        } else {
        }
        %dma_start3A_544 = arith.constant 0 : i32
        %dma_start3A_545 = arith.constant 0 : i32
        %dma_start3A_546 = tpu.memref_slice %arg6[%dma_start3A_544, %dma_start3A_545] : memref<10112x128xf32, #tpu.memory_space<vmem_shared>> -> memref<10112x128xf32, #tpu.memory_space<vmem_shared>>
        tpu.enqueue_indirect_dma source(%arg19 : memref<80x128xf32, #tpu.memory_space<vmem>>) target(%dma_start3A_546 : memref<10112x128xf32, #tpu.memory_space<vmem_shared>>) offsets(%arg9 : memref<80xi32, #tpu.memory_space<vmem>>) semaphore(%arg29 : memref<!tpu.dma_semaphore, #tpu.memory_space<semaphore_mem>>) {add = true}
      } else {
      }
      %mul3A_482 = arith.constant 8 : i32
      %mul3A_483 = arith.muli %scan3A_455, %mul3A_482 : i32
      %add3A_484 = arith.constant 3 : i32
      %add3A_485 = arith.addi %mul3A_483, %add3A_484 : i32
      %lt3A_486 = arith.constant 125 : i32
      %lt3A_487 = arith.cmpi slt, %add3A_485, %lt3A_486 : i32
      %convert_element_type3A_488 = arith.extui %lt3A_487 : i1 to i32
      %cond3A_489 = arith.constant 0 : i32
      %cond3A_490 = arith.cmpi ne, %convert_element_type3A_488, %cond3A_489 : i32
      scf.if %cond3A_490 {
        %dma_wait3A_527 = arith.constant 0 : i32
        %dma_wait3A_528 = arith.constant 0 : i32
        %dma_wait3A_529 = tpu.memref_slice %arg2[%dma_wait3A_527, %dma_wait3A_528] : memref<10000x128xf32, #tpu.memory_space<hbm>> -> memref<10000x128xf32, #tpu.memory_space<hbm>>
        tpu.wait_indirect_dma semaphore(%arg15 : memref<!tpu.dma_semaphore, #tpu.memory_space<semaphore_mem>>) src(%dma_wait3A_529 : memref<10000x128xf32, #tpu.memory_space<hbm>>) dst(%arg20 : memref<80x128xf32, #tpu.memory_space<vmem>>)
        %add3A_530 = arith.constant 3 : i32
        %add3A_531 = arith.addi %add3A_485, %add3A_530 : i32
        %lt3A_532 = arith.constant 125 : i32
        %lt3A_533 = arith.cmpi slt, %add3A_531, %lt3A_532 : i32
        %convert_element_type3A_534 = arith.extui %lt3A_533 : i1 to i32
        %cond3A_535 = arith.constant 0 : i32
        %cond3A_536 = arith.cmpi ne, %convert_element_type3A_534, %cond3A_535 : i32
        scf.if %cond3A_536 {
          %dma_wait3A_547 = tpu.memref_slice %arg3[%mul3A_4] : memref<640000xi32, #tpu.memory_space<hbm>> -> memref<80xi32, #tpu.memory_space<hbm>>
          %dma_wait3A_548 = tpu.memref_slice %arg3[%mul3A_4] : memref<640000xi32, #tpu.memory_space<hbm>> -> memref<80xi32, #tpu.memory_space<hbm>>
          tpu.wait_dma2 semaphore(%arg16 : memref<!tpu.dma_semaphore, #tpu.memory_space<semaphore_mem>>) src(%dma_wait3A_548 : memref<80xi32, #tpu.memory_space<hbm>>) dst(%arg27 : memref<80xi32, #tpu.memory_space<vmem>>)
          %dma_wait3A_549 = tpu.memref_slice %arg3[%mul3A_4] : memref<640000xi32, #tpu.memory_space<hbm>> -> memref<80xi32, #tpu.memory_space<hbm>>
          %dma_wait3A_550 = tpu.memref_slice %arg3[%mul3A_4] : memref<640000xi32, #tpu.memory_space<hbm>> -> memref<80xi32, #tpu.memory_space<hbm>>
          tpu.wait_dma2 semaphore(%arg16 : memref<!tpu.dma_semaphore, #tpu.memory_space<semaphore_mem>>) src(%dma_wait3A_550 : memref<80xi32, #tpu.memory_space<hbm>>) dst(%arg13 : memref<80xi32, #tpu.memory_space<vmem>>)
          %gt3A = arith.constant 0 : i32
          %gt3A_551 = arith.cmpi sgt, %add3A_485, %gt3A : i32
          %convert_element_type3A_552 = arith.extui %gt3A_551 : i1 to i32
          %cond3A_553 = arith.constant 0 : i32
          %cond3A_554 = arith.cmpi ne, %convert_element_type3A_552, %cond3A_553 : i32
          scf.if %cond3A_554 {
            %dma_wait3A_558 = arith.constant 0 : i32
            %dma_wait3A_559 = arith.constant 0 : i32
            %dma_wait3A_560 = tpu.memref_slice %arg6[%dma_wait3A_558, %dma_wait3A_559] : memref<10112x128xf32, #tpu.memory_space<vmem_shared>> -> memref<10112x128xf32, #tpu.memory_space<vmem_shared>>
            tpu.wait_indirect_dma semaphore(%arg29 : memref<!tpu.dma_semaphore, #tpu.memory_space<semaphore_mem>>) src(%arg19 : memref<80x128xf32, #tpu.memory_space<vmem>>) dst(%dma_wait3A_560 : memref<10112x128xf32, #tpu.memory_space<vmem_shared>>)
          } else {
          }
          %dma_start3A_555 = arith.constant 0 : i32
          %dma_start3A_556 = arith.constant 0 : i32
          %dma_start3A_557 = tpu.memref_slice %arg2[%dma_start3A_555, %dma_start3A_556] : memref<10000x128xf32, #tpu.memory_space<hbm>> -> memref<10000x128xf32, #tpu.memory_space<hbm>>
          tpu.enqueue_indirect_dma source(%dma_start3A_557 : memref<10000x128xf32, #tpu.memory_space<hbm>>) target(%arg19 : memref<80x128xf32, #tpu.memory_space<vmem>>) offsets(%arg27 : memref<80xi32, #tpu.memory_space<vmem>>) semaphore(%arg15 : memref<!tpu.dma_semaphore, #tpu.memory_space<semaphore_mem>>)
        } else {
        }
        %add3A_537 = arith.constant 4 : i32
        %add3A_538 = arith.addi %add3A_485, %add3A_537 : i32
        %lt3A_539 = arith.constant 125 : i32
        %lt3A_540 = arith.cmpi slt, %add3A_538, %lt3A_539 : i32
        %convert_element_type3A_541 = arith.extui %lt3A_540 : i1 to i32
        %cond3A_542 = arith.constant 0 : i32
        %cond3A_543 = arith.cmpi ne, %convert_element_type3A_541, %cond3A_542 : i32
        scf.if %cond3A_543 {
          %add3A_547 = arith.constant 4 : i32
          %add3A_548 = arith.addi %add3A_485, %add3A_547 : i32
          %mul3A_549 = arith.constant 80 : i32
          %mul3A_550 = arith.muli %add3A_548, %mul3A_549 : i32
          %add3A_551 = arith.addi %mul3A_4, %mul3A_550 : i32
          %dma_start3A_552 = tpu.memref_slice %arg3[%add3A_551] : memref<640000xi32, #tpu.memory_space<hbm>> -> memref<80xi32, #tpu.memory_space<hbm>>
          %dma_start3A_553 = tpu.memref_slice %arg3[%add3A_551] : memref<640000xi32, #tpu.memory_space<hbm>> -> memref<80xi32, #tpu.memory_space<hbm>>
          tpu.enqueue_dma source(%dma_start3A_553 : memref<80xi32, #tpu.memory_space<hbm>>) target(%arg28 : memref<80xi32, #tpu.memory_space<vmem>>) target_semaphore(%arg16 : memref<!tpu.dma_semaphore, #tpu.memory_space<semaphore_mem>>)
          %add3A_554 = arith.constant 320000 : i32
          %add3A_555 = arith.addi %add3A_554, %add3A_551 : i32
          %dma_start3A_556 = tpu.memref_slice %arg3[%add3A_555] : memref<640000xi32, #tpu.memory_space<hbm>> -> memref<80xi32, #tpu.memory_space<hbm>>
          %dma_start3A_557 = tpu.memref_slice %arg3[%add3A_555] : memref<640000xi32, #tpu.memory_space<hbm>> -> memref<80xi32, #tpu.memory_space<hbm>>
          tpu.enqueue_dma source(%dma_start3A_557 : memref<80xi32, #tpu.memory_space<hbm>>) target(%arg14 : memref<80xi32, #tpu.memory_space<vmem>>) target_semaphore(%arg16 : memref<!tpu.dma_semaphore, #tpu.memory_space<semaphore_mem>>)
        } else {
        }
        %dma_start3A_544 = arith.constant 0 : i32
        %dma_start3A_545 = arith.constant 0 : i32
        %dma_start3A_546 = tpu.memref_slice %arg6[%dma_start3A_544, %dma_start3A_545] : memref<10112x128xf32, #tpu.memory_space<vmem_shared>> -> memref<10112x128xf32, #tpu.memory_space<vmem_shared>>
        tpu.enqueue_indirect_dma source(%arg20 : memref<80x128xf32, #tpu.memory_space<vmem>>) target(%dma_start3A_546 : memref<10112x128xf32, #tpu.memory_space<vmem_shared>>) offsets(%arg10 : memref<80xi32, #tpu.memory_space<vmem>>) semaphore(%arg29 : memref<!tpu.dma_semaphore, #tpu.memory_space<semaphore_mem>>) {add = true}
      } else {
      }
      %mul3A_491 = arith.constant 8 : i32
      %mul3A_492 = arith.muli %scan3A_455, %mul3A_491 : i32
      %add3A_493 = arith.constant 4 : i32
      %add3A_494 = arith.addi %mul3A_492, %add3A_493 : i32
      %lt3A_495 = arith.constant 125 : i32
      %lt3A_496 = arith.cmpi slt, %add3A_494, %lt3A_495 : i32
      %convert_element_type3A_497 = arith.extui %lt3A_496 : i1 to i32
      %cond3A_498 = arith.constant 0 : i32
      %cond3A_499 = arith.cmpi ne, %convert_element_type3A_497, %cond3A_498 : i32
      scf.if %cond3A_499 {
        %dma_wait3A_527 = arith.constant 0 : i32
        %dma_wait3A_528 = arith.constant 0 : i32
        %dma_wait3A_529 = tpu.memref_slice %arg2[%dma_wait3A_527, %dma_wait3A_528] : memref<10000x128xf32, #tpu.memory_space<hbm>> -> memref<10000x128xf32, #tpu.memory_space<hbm>>
        tpu.wait_indirect_dma semaphore(%arg15 : memref<!tpu.dma_semaphore, #tpu.memory_space<semaphore_mem>>) src(%dma_wait3A_529 : memref<10000x128xf32, #tpu.memory_space<hbm>>) dst(%arg17 : memref<80x128xf32, #tpu.memory_space<vmem>>)
        %add3A_530 = arith.constant 3 : i32
        %add3A_531 = arith.addi %add3A_494, %add3A_530 : i32
        %lt3A_532 = arith.constant 125 : i32
        %lt3A_533 = arith.cmpi slt, %add3A_531, %lt3A_532 : i32
        %convert_element_type3A_534 = arith.extui %lt3A_533 : i1 to i32
        %cond3A_535 = arith.constant 0 : i32
        %cond3A_536 = arith.cmpi ne, %convert_element_type3A_534, %cond3A_535 : i32
        scf.if %cond3A_536 {
          %dma_wait3A_547 = tpu.memref_slice %arg3[%mul3A_4] : memref<640000xi32, #tpu.memory_space<hbm>> -> memref<80xi32, #tpu.memory_space<hbm>>
          %dma_wait3A_548 = tpu.memref_slice %arg3[%mul3A_4] : memref<640000xi32, #tpu.memory_space<hbm>> -> memref<80xi32, #tpu.memory_space<hbm>>
          tpu.wait_dma2 semaphore(%arg16 : memref<!tpu.dma_semaphore, #tpu.memory_space<semaphore_mem>>) src(%dma_wait3A_548 : memref<80xi32, #tpu.memory_space<hbm>>) dst(%arg28 : memref<80xi32, #tpu.memory_space<vmem>>)
          %dma_wait3A_549 = tpu.memref_slice %arg3[%mul3A_4] : memref<640000xi32, #tpu.memory_space<hbm>> -> memref<80xi32, #tpu.memory_space<hbm>>
          %dma_wait3A_550 = tpu.memref_slice %arg3[%mul3A_4] : memref<640000xi32, #tpu.memory_space<hbm>> -> memref<80xi32, #tpu.memory_space<hbm>>
          tpu.wait_dma2 semaphore(%arg16 : memref<!tpu.dma_semaphore, #tpu.memory_space<semaphore_mem>>) src(%dma_wait3A_550 : memref<80xi32, #tpu.memory_space<hbm>>) dst(%arg14 : memref<80xi32, #tpu.memory_space<vmem>>)
          %gt3A = arith.constant 0 : i32
          %gt3A_551 = arith.cmpi sgt, %add3A_494, %gt3A : i32
          %convert_element_type3A_552 = arith.extui %gt3A_551 : i1 to i32
          %cond3A_553 = arith.constant 0 : i32
          %cond3A_554 = arith.cmpi ne, %convert_element_type3A_552, %cond3A_553 : i32
          scf.if %cond3A_554 {
            %dma_wait3A_558 = arith.constant 0 : i32
            %dma_wait3A_559 = arith.constant 0 : i32
            %dma_wait3A_560 = tpu.memref_slice %arg6[%dma_wait3A_558, %dma_wait3A_559] : memref<10112x128xf32, #tpu.memory_space<vmem_shared>> -> memref<10112x128xf32, #tpu.memory_space<vmem_shared>>
            tpu.wait_indirect_dma semaphore(%arg29 : memref<!tpu.dma_semaphore, #tpu.memory_space<semaphore_mem>>) src(%arg20 : memref<80x128xf32, #tpu.memory_space<vmem>>) dst(%dma_wait3A_560 : memref<10112x128xf32, #tpu.memory_space<vmem_shared>>)
          } else {
          }
          %dma_start3A_555 = arith.constant 0 : i32
          %dma_start3A_556 = arith.constant 0 : i32
          %dma_start3A_557 = tpu.memref_slice %arg2[%dma_start3A_555, %dma_start3A_556] : memref<10000x128xf32, #tpu.memory_space<hbm>> -> memref<10000x128xf32, #tpu.memory_space<hbm>>
          tpu.enqueue_indirect_dma source(%dma_start3A_557 : memref<10000x128xf32, #tpu.memory_space<hbm>>) target(%arg20 : memref<80x128xf32, #tpu.memory_space<vmem>>) offsets(%arg28 : memref<80xi32, #tpu.memory_space<vmem>>) semaphore(%arg15 : memref<!tpu.dma_semaphore, #tpu.memory_space<semaphore_mem>>)
        } else {
        }
        %add3A_537 = arith.constant 4 : i32
        %add3A_538 = arith.addi %add3A_494, %add3A_537 : i32
        %lt3A_539 = arith.constant 125 : i32
        %lt3A_540 = arith.cmpi slt, %add3A_538, %lt3A_539 : i32
        %convert_element_type3A_541 = arith.extui %lt3A_540 : i1 to i32
        %cond3A_542 = arith.constant 0 : i32
        %cond3A_543 = arith.cmpi ne, %convert_element_type3A_541, %cond3A_542 : i32
        scf.if %cond3A_543 {
          %add3A_547 = arith.constant 4 : i32
          %add3A_548 = arith.addi %add3A_494, %add3A_547 : i32
          %mul3A_549 = arith.constant 80 : i32
          %mul3A_550 = arith.muli %add3A_548, %mul3A_549 : i32
          %add3A_551 = arith.addi %mul3A_4, %mul3A_550 : i32
          %dma_start3A_552 = tpu.memref_slice %arg3[%add3A_551] : memref<640000xi32, #tpu.memory_space<hbm>> -> memref<80xi32, #tpu.memory_space<hbm>>
          %dma_start3A_553 = tpu.memref_slice %arg3[%add3A_551] : memref<640000xi32, #tpu.memory_space<hbm>> -> memref<80xi32, #tpu.memory_space<hbm>>
          tpu.enqueue_dma source(%dma_start3A_553 : memref<80xi32, #tpu.memory_space<hbm>>) target(%arg21 : memref<80xi32, #tpu.memory_space<vmem>>) target_semaphore(%arg16 : memref<!tpu.dma_semaphore, #tpu.memory_space<semaphore_mem>>)
          %add3A_554 = arith.constant 320000 : i32
          %add3A_555 = arith.addi %add3A_554, %add3A_551 : i32
          %dma_start3A_556 = tpu.memref_slice %arg3[%add3A_555] : memref<640000xi32, #tpu.memory_space<hbm>> -> memref<80xi32, #tpu.memory_space<hbm>>
          %dma_start3A_557 = tpu.memref_slice %arg3[%add3A_555] : memref<640000xi32, #tpu.memory_space<hbm>> -> memref<80xi32, #tpu.memory_space<hbm>>
          tpu.enqueue_dma source(%dma_start3A_557 : memref<80xi32, #tpu.memory_space<hbm>>) target(%arg7 : memref<80xi32, #tpu.memory_space<vmem>>) target_semaphore(%arg16 : memref<!tpu.dma_semaphore, #tpu.memory_space<semaphore_mem>>)
        } else {
        }
        %dma_start3A_544 = arith.constant 0 : i32
        %dma_start3A_545 = arith.constant 0 : i32
        %dma_start3A_546 = tpu.memref_slice %arg6[%dma_start3A_544, %dma_start3A_545] : memref<10112x128xf32, #tpu.memory_space<vmem_shared>> -> memref<10112x128xf32, #tpu.memory_space<vmem_shared>>
        tpu.enqueue_indirect_dma source(%arg17 : memref<80x128xf32, #tpu.memory_space<vmem>>) target(%dma_start3A_546 : memref<10112x128xf32, #tpu.memory_space<vmem_shared>>) offsets(%arg11 : memref<80xi32, #tpu.memory_space<vmem>>) semaphore(%arg29 : memref<!tpu.dma_semaphore, #tpu.memory_space<semaphore_mem>>) {add = true}
      } else {
      }
      %mul3A_500 = arith.constant 8 : i32
      %mul3A_501 = arith.muli %scan3A_455, %mul3A_500 : i32
      %add3A_502 = arith.constant 5 : i32
      %add3A_503 = arith.addi %mul3A_501, %add3A_502 : i32
      %lt3A_504 = arith.constant 125 : i32
      %lt3A_505 = arith.cmpi slt, %add3A_503, %lt3A_504 : i32
      %convert_element_type3A_506 = arith.extui %lt3A_505 : i1 to i32
      %cond3A_507 = arith.constant 0 : i32
      %cond3A_508 = arith.cmpi ne, %convert_element_type3A_506, %cond3A_507 : i32
      scf.if %cond3A_508 {
        %dma_wait3A_527 = arith.constant 0 : i32
        %dma_wait3A_528 = arith.constant 0 : i32
        %dma_wait3A_529 = tpu.memref_slice %arg2[%dma_wait3A_527, %dma_wait3A_528] : memref<10000x128xf32, #tpu.memory_space<hbm>> -> memref<10000x128xf32, #tpu.memory_space<hbm>>
        tpu.wait_indirect_dma semaphore(%arg15 : memref<!tpu.dma_semaphore, #tpu.memory_space<semaphore_mem>>) src(%dma_wait3A_529 : memref<10000x128xf32, #tpu.memory_space<hbm>>) dst(%arg18 : memref<80x128xf32, #tpu.memory_space<vmem>>)
        %add3A_530 = arith.constant 3 : i32
        %add3A_531 = arith.addi %add3A_503, %add3A_530 : i32
        %lt3A_532 = arith.constant 125 : i32
        %lt3A_533 = arith.cmpi slt, %add3A_531, %lt3A_532 : i32
        %convert_element_type3A_534 = arith.extui %lt3A_533 : i1 to i32
        %cond3A_535 = arith.constant 0 : i32
        %cond3A_536 = arith.cmpi ne, %convert_element_type3A_534, %cond3A_535 : i32
        scf.if %cond3A_536 {
          %dma_wait3A_547 = tpu.memref_slice %arg3[%mul3A_4] : memref<640000xi32, #tpu.memory_space<hbm>> -> memref<80xi32, #tpu.memory_space<hbm>>
          %dma_wait3A_548 = tpu.memref_slice %arg3[%mul3A_4] : memref<640000xi32, #tpu.memory_space<hbm>> -> memref<80xi32, #tpu.memory_space<hbm>>
          tpu.wait_dma2 semaphore(%arg16 : memref<!tpu.dma_semaphore, #tpu.memory_space<semaphore_mem>>) src(%dma_wait3A_548 : memref<80xi32, #tpu.memory_space<hbm>>) dst(%arg21 : memref<80xi32, #tpu.memory_space<vmem>>)
          %dma_wait3A_549 = tpu.memref_slice %arg3[%mul3A_4] : memref<640000xi32, #tpu.memory_space<hbm>> -> memref<80xi32, #tpu.memory_space<hbm>>
          %dma_wait3A_550 = tpu.memref_slice %arg3[%mul3A_4] : memref<640000xi32, #tpu.memory_space<hbm>> -> memref<80xi32, #tpu.memory_space<hbm>>
          tpu.wait_dma2 semaphore(%arg16 : memref<!tpu.dma_semaphore, #tpu.memory_space<semaphore_mem>>) src(%dma_wait3A_550 : memref<80xi32, #tpu.memory_space<hbm>>) dst(%arg7 : memref<80xi32, #tpu.memory_space<vmem>>)
          %gt3A = arith.constant 0 : i32
          %gt3A_551 = arith.cmpi sgt, %add3A_503, %gt3A : i32
          %convert_element_type3A_552 = arith.extui %gt3A_551 : i1 to i32
          %cond3A_553 = arith.constant 0 : i32
          %cond3A_554 = arith.cmpi ne, %convert_element_type3A_552, %cond3A_553 : i32
          scf.if %cond3A_554 {
            %dma_wait3A_558 = arith.constant 0 : i32
            %dma_wait3A_559 = arith.constant 0 : i32
            %dma_wait3A_560 = tpu.memref_slice %arg6[%dma_wait3A_558, %dma_wait3A_559] : memref<10112x128xf32, #tpu.memory_space<vmem_shared>> -> memref<10112x128xf32, #tpu.memory_space<vmem_shared>>
            tpu.wait_indirect_dma semaphore(%arg29 : memref<!tpu.dma_semaphore, #tpu.memory_space<semaphore_mem>>) src(%arg17 : memref<80x128xf32, #tpu.memory_space<vmem>>) dst(%dma_wait3A_560 : memref<10112x128xf32, #tpu.memory_space<vmem_shared>>)
          } else {
          }
          %dma_start3A_555 = arith.constant 0 : i32
          %dma_start3A_556 = arith.constant 0 : i32
          %dma_start3A_557 = tpu.memref_slice %arg2[%dma_start3A_555, %dma_start3A_556] : memref<10000x128xf32, #tpu.memory_space<hbm>> -> memref<10000x128xf32, #tpu.memory_space<hbm>>
          tpu.enqueue_indirect_dma source(%dma_start3A_557 : memref<10000x128xf32, #tpu.memory_space<hbm>>) target(%arg17 : memref<80x128xf32, #tpu.memory_space<vmem>>) offsets(%arg21 : memref<80xi32, #tpu.memory_space<vmem>>) semaphore(%arg15 : memref<!tpu.dma_semaphore, #tpu.memory_space<semaphore_mem>>)
        } else {
        }
        %add3A_537 = arith.constant 4 : i32
        %add3A_538 = arith.addi %add3A_503, %add3A_537 : i32
        %lt3A_539 = arith.constant 125 : i32
        %lt3A_540 = arith.cmpi slt, %add3A_538, %lt3A_539 : i32
        %convert_element_type3A_541 = arith.extui %lt3A_540 : i1 to i32
        %cond3A_542 = arith.constant 0 : i32
        %cond3A_543 = arith.cmpi ne, %convert_element_type3A_541, %cond3A_542 : i32
        scf.if %cond3A_543 {
          %add3A_547 = arith.constant 4 : i32
          %add3A_548 = arith.addi %add3A_503, %add3A_547 : i32
          %mul3A_549 = arith.constant 80 : i32
          %mul3A_550 = arith.muli %add3A_548, %mul3A_549 : i32
          %add3A_551 = arith.addi %mul3A_4, %mul3A_550 : i32
          %dma_start3A_552 = tpu.memref_slice %arg3[%add3A_551] : memref<640000xi32, #tpu.memory_space<hbm>> -> memref<80xi32, #tpu.memory_space<hbm>>
          %dma_start3A_553 = tpu.memref_slice %arg3[%add3A_551] : memref<640000xi32, #tpu.memory_space<hbm>> -> memref<80xi32, #tpu.memory_space<hbm>>
          tpu.enqueue_dma source(%dma_start3A_553 : memref<80xi32, #tpu.memory_space<hbm>>) target(%arg22 : memref<80xi32, #tpu.memory_space<vmem>>) target_semaphore(%arg16 : memref<!tpu.dma_semaphore, #tpu.memory_space<semaphore_mem>>)
          %add3A_554 = arith.constant 320000 : i32
          %add3A_555 = arith.addi %add3A_554, %add3A_551 : i32
          %dma_start3A_556 = tpu.memref_slice %arg3[%add3A_555] : memref<640000xi32, #tpu.memory_space<hbm>> -> memref<80xi32, #tpu.memory_space<hbm>>
          %dma_start3A_557 = tpu.memref_slice %arg3[%add3A_555] : memref<640000xi32, #tpu.memory_space<hbm>> -> memref<80xi32, #tpu.memory_space<hbm>>
          tpu.enqueue_dma source(%dma_start3A_557 : memref<80xi32, #tpu.memory_space<hbm>>) target(%arg8 : memref<80xi32, #tpu.memory_space<vmem>>) target_semaphore(%arg16 : memref<!tpu.dma_semaphore, #tpu.memory_space<semaphore_mem>>)
        } else {
        }
        %dma_start3A_544 = arith.constant 0 : i32
        %dma_start3A_545 = arith.constant 0 : i32
        %dma_start3A_546 = tpu.memref_slice %arg6[%dma_start3A_544, %dma_start3A_545] : memref<10112x128xf32, #tpu.memory_space<vmem_shared>> -> memref<10112x128xf32, #tpu.memory_space<vmem_shared>>
        tpu.enqueue_indirect_dma source(%arg18 : memref<80x128xf32, #tpu.memory_space<vmem>>) target(%dma_start3A_546 : memref<10112x128xf32, #tpu.memory_space<vmem_shared>>) offsets(%arg12 : memref<80xi32, #tpu.memory_space<vmem>>) semaphore(%arg29 : memref<!tpu.dma_semaphore, #tpu.memory_space<semaphore_mem>>) {add = true}
      } else {
      }
      %mul3A_509 = arith.constant 8 : i32
      %mul3A_510 = arith.muli %scan3A_455, %mul3A_509 : i32
      %add3A_511 = arith.constant 6 : i32
      %add3A_512 = arith.addi %mul3A_510, %add3A_511 : i32
      %lt3A_513 = arith.constant 125 : i32
      %lt3A_514 = arith.cmpi slt, %add3A_512, %lt3A_513 : i32
      %convert_element_type3A_515 = arith.extui %lt3A_514 : i1 to i32
      %cond3A_516 = arith.constant 0 : i32
      %cond3A_517 = arith.cmpi ne, %convert_element_type3A_515, %cond3A_516 : i32
      scf.if %cond3A_517 {
        %dma_wait3A_527 = arith.constant 0 : i32
        %dma_wait3A_528 = arith.constant 0 : i32
        %dma_wait3A_529 = tpu.memref_slice %arg2[%dma_wait3A_527, %dma_wait3A_528] : memref<10000x128xf32, #tpu.memory_space<hbm>> -> memref<10000x128xf32, #tpu.memory_space<hbm>>
        tpu.wait_indirect_dma semaphore(%arg15 : memref<!tpu.dma_semaphore, #tpu.memory_space<semaphore_mem>>) src(%dma_wait3A_529 : memref<10000x128xf32, #tpu.memory_space<hbm>>) dst(%arg19 : memref<80x128xf32, #tpu.memory_space<vmem>>)
        %add3A_530 = arith.constant 3 : i32
        %add3A_531 = arith.addi %add3A_512, %add3A_530 : i32
        %lt3A_532 = arith.constant 125 : i32
        %lt3A_533 = arith.cmpi slt, %add3A_531, %lt3A_532 : i32
        %convert_element_type3A_534 = arith.extui %lt3A_533 : i1 to i32
        %cond3A_535 = arith.constant 0 : i32
        %cond3A_536 = arith.cmpi ne, %convert_element_type3A_534, %cond3A_535 : i32
        scf.if %cond3A_536 {
          %dma_wait3A_547 = tpu.memref_slice %arg3[%mul3A_4] : memref<640000xi32, #tpu.memory_space<hbm>> -> memref<80xi32, #tpu.memory_space<hbm>>
          %dma_wait3A_548 = tpu.memref_slice %arg3[%mul3A_4] : memref<640000xi32, #tpu.memory_space<hbm>> -> memref<80xi32, #tpu.memory_space<hbm>>
          tpu.wait_dma2 semaphore(%arg16 : memref<!tpu.dma_semaphore, #tpu.memory_space<semaphore_mem>>) src(%dma_wait3A_548 : memref<80xi32, #tpu.memory_space<hbm>>) dst(%arg22 : memref<80xi32, #tpu.memory_space<vmem>>)
          %dma_wait3A_549 = tpu.memref_slice %arg3[%mul3A_4] : memref<640000xi32, #tpu.memory_space<hbm>> -> memref<80xi32, #tpu.memory_space<hbm>>
          %dma_wait3A_550 = tpu.memref_slice %arg3[%mul3A_4] : memref<640000xi32, #tpu.memory_space<hbm>> -> memref<80xi32, #tpu.memory_space<hbm>>
          tpu.wait_dma2 semaphore(%arg16 : memref<!tpu.dma_semaphore, #tpu.memory_space<semaphore_mem>>) src(%dma_wait3A_550 : memref<80xi32, #tpu.memory_space<hbm>>) dst(%arg8 : memref<80xi32, #tpu.memory_space<vmem>>)
          %gt3A = arith.constant 0 : i32
          %gt3A_551 = arith.cmpi sgt, %add3A_512, %gt3A : i32
          %convert_element_type3A_552 = arith.extui %gt3A_551 : i1 to i32
          %cond3A_553 = arith.constant 0 : i32
          %cond3A_554 = arith.cmpi ne, %convert_element_type3A_552, %cond3A_553 : i32
          scf.if %cond3A_554 {
            %dma_wait3A_558 = arith.constant 0 : i32
            %dma_wait3A_559 = arith.constant 0 : i32
            %dma_wait3A_560 = tpu.memref_slice %arg6[%dma_wait3A_558, %dma_wait3A_559] : memref<10112x128xf32, #tpu.memory_space<vmem_shared>> -> memref<10112x128xf32, #tpu.memory_space<vmem_shared>>
            tpu.wait_indirect_dma semaphore(%arg29 : memref<!tpu.dma_semaphore, #tpu.memory_space<semaphore_mem>>) src(%arg18 : memref<80x128xf32, #tpu.memory_space<vmem>>) dst(%dma_wait3A_560 : memref<10112x128xf32, #tpu.memory_space<vmem_shared>>)
          } else {
          }
          %dma_start3A_555 = arith.constant 0 : i32
          %dma_start3A_556 = arith.constant 0 : i32
          %dma_start3A_557 = tpu.memref_slice %arg2[%dma_start3A_555, %dma_start3A_556] : memref<10000x128xf32, #tpu.memory_space<hbm>> -> memref<10000x128xf32, #tpu.memory_space<hbm>>
          tpu.enqueue_indirect_dma source(%dma_start3A_557 : memref<10000x128xf32, #tpu.memory_space<hbm>>) target(%arg18 : memref<80x128xf32, #tpu.memory_space<vmem>>) offsets(%arg22 : memref<80xi32, #tpu.memory_space<vmem>>) semaphore(%arg15 : memref<!tpu.dma_semaphore, #tpu.memory_space<semaphore_mem>>)
        } else {
        }
        %add3A_537 = arith.constant 4 : i32
        %add3A_538 = arith.addi %add3A_512, %add3A_537 : i32
        %lt3A_539 = arith.constant 125 : i32
        %lt3A_540 = arith.cmpi slt, %add3A_538, %lt3A_539 : i32
        %convert_element_type3A_541 = arith.extui %lt3A_540 : i1 to i32
        %cond3A_542 = arith.constant 0 : i32
        %cond3A_543 = arith.cmpi ne, %convert_element_type3A_541, %cond3A_542 : i32
        scf.if %cond3A_543 {
          %add3A_547 = arith.constant 4 : i32
          %add3A_548 = arith.addi %add3A_512, %add3A_547 : i32
          %mul3A_549 = arith.constant 80 : i32
          %mul3A_550 = arith.muli %add3A_548, %mul3A_549 : i32
          %add3A_551 = arith.addi %mul3A_4, %mul3A_550 : i32
          %dma_start3A_552 = tpu.memref_slice %arg3[%add3A_551] : memref<640000xi32, #tpu.memory_space<hbm>> -> memref<80xi32, #tpu.memory_space<hbm>>
          %dma_start3A_553 = tpu.memref_slice %arg3[%add3A_551] : memref<640000xi32, #tpu.memory_space<hbm>> -> memref<80xi32, #tpu.memory_space<hbm>>
          tpu.enqueue_dma source(%dma_start3A_553 : memref<80xi32, #tpu.memory_space<hbm>>) target(%arg23 : memref<80xi32, #tpu.memory_space<vmem>>) target_semaphore(%arg16 : memref<!tpu.dma_semaphore, #tpu.memory_space<semaphore_mem>>)
          %add3A_554 = arith.constant 320000 : i32
          %add3A_555 = arith.addi %add3A_554, %add3A_551 : i32
          %dma_start3A_556 = tpu.memref_slice %arg3[%add3A_555] : memref<640000xi32, #tpu.memory_space<hbm>> -> memref<80xi32, #tpu.memory_space<hbm>>
          %dma_start3A_557 = tpu.memref_slice %arg3[%add3A_555] : memref<640000xi32, #tpu.memory_space<hbm>> -> memref<80xi32, #tpu.memory_space<hbm>>
          tpu.enqueue_dma source(%dma_start3A_557 : memref<80xi32, #tpu.memory_space<hbm>>) target(%arg9 : memref<80xi32, #tpu.memory_space<vmem>>) target_semaphore(%arg16 : memref<!tpu.dma_semaphore, #tpu.memory_space<semaphore_mem>>)
        } else {
        }
        %dma_start3A_544 = arith.constant 0 : i32
        %dma_start3A_545 = arith.constant 0 : i32
        %dma_start3A_546 = tpu.memref_slice %arg6[%dma_start3A_544, %dma_start3A_545] : memref<10112x128xf32, #tpu.memory_space<vmem_shared>> -> memref<10112x128xf32, #tpu.memory_space<vmem_shared>>
        tpu.enqueue_indirect_dma source(%arg19 : memref<80x128xf32, #tpu.memory_space<vmem>>) target(%dma_start3A_546 : memref<10112x128xf32, #tpu.memory_space<vmem_shared>>) offsets(%arg13 : memref<80xi32, #tpu.memory_space<vmem>>) semaphore(%arg29 : memref<!tpu.dma_semaphore, #tpu.memory_space<semaphore_mem>>) {add = true}
      } else {
      }
      %mul3A_518 = arith.constant 8 : i32
      %mul3A_519 = arith.muli %scan3A_455, %mul3A_518 : i32
      %add3A_520 = arith.constant 7 : i32
      %add3A_521 = arith.addi %mul3A_519, %add3A_520 : i32
      %lt3A_522 = arith.constant 125 : i32
      %lt3A_523 = arith.cmpi slt, %add3A_521, %lt3A_522 : i32
      %convert_element_type3A_524 = arith.extui %lt3A_523 : i1 to i32
      %cond3A_525 = arith.constant 0 : i32
      %cond3A_526 = arith.cmpi ne, %convert_element_type3A_524, %cond3A_525 : i32
      scf.if %cond3A_526 {
        %dma_wait3A_527 = arith.constant 0 : i32
        %dma_wait3A_528 = arith.constant 0 : i32
        %dma_wait3A_529 = tpu.memref_slice %arg2[%dma_wait3A_527, %dma_wait3A_528] : memref<10000x128xf32, #tpu.memory_space<hbm>> -> memref<10000x128xf32, #tpu.memory_space<hbm>>
        tpu.wait_indirect_dma semaphore(%arg15 : memref<!tpu.dma_semaphore, #tpu.memory_space<semaphore_mem>>) src(%dma_wait3A_529 : memref<10000x128xf32, #tpu.memory_space<hbm>>) dst(%arg20 : memref<80x128xf32, #tpu.memory_space<vmem>>)
        %add3A_530 = arith.constant 3 : i32
        %add3A_531 = arith.addi %add3A_521, %add3A_530 : i32
        %lt3A_532 = arith.constant 125 : i32
        %lt3A_533 = arith.cmpi slt, %add3A_531, %lt3A_532 : i32
        %convert_element_type3A_534 = arith.extui %lt3A_533 : i1 to i32
        %cond3A_535 = arith.constant 0 : i32
        %cond3A_536 = arith.cmpi ne, %convert_element_type3A_534, %cond3A_535 : i32
        scf.if %cond3A_536 {
          %dma_wait3A_547 = tpu.memref_slice %arg3[%mul3A_4] : memref<640000xi32, #tpu.memory_space<hbm>> -> memref<80xi32, #tpu.memory_space<hbm>>
          %dma_wait3A_548 = tpu.memref_slice %arg3[%mul3A_4] : memref<640000xi32, #tpu.memory_space<hbm>> -> memref<80xi32, #tpu.memory_space<hbm>>
          tpu.wait_dma2 semaphore(%arg16 : memref<!tpu.dma_semaphore, #tpu.memory_space<semaphore_mem>>) src(%dma_wait3A_548 : memref<80xi32, #tpu.memory_space<hbm>>) dst(%arg23 : memref<80xi32, #tpu.memory_space<vmem>>)
          %dma_wait3A_549 = tpu.memref_slice %arg3[%mul3A_4] : memref<640000xi32, #tpu.memory_space<hbm>> -> memref<80xi32, #tpu.memory_space<hbm>>
          %dma_wait3A_550 = tpu.memref_slice %arg3[%mul3A_4] : memref<640000xi32, #tpu.memory_space<hbm>> -> memref<80xi32, #tpu.memory_space<hbm>>
          tpu.wait_dma2 semaphore(%arg16 : memref<!tpu.dma_semaphore, #tpu.memory_space<semaphore_mem>>) src(%dma_wait3A_550 : memref<80xi32, #tpu.memory_space<hbm>>) dst(%arg9 : memref<80xi32, #tpu.memory_space<vmem>>)
          %gt3A = arith.constant 0 : i32
          %gt3A_551 = arith.cmpi sgt, %add3A_521, %gt3A : i32
          %convert_element_type3A_552 = arith.extui %gt3A_551 : i1 to i32
          %cond3A_553 = arith.constant 0 : i32
          %cond3A_554 = arith.cmpi ne, %convert_element_type3A_552, %cond3A_553 : i32
          scf.if %cond3A_554 {
            %dma_wait3A_558 = arith.constant 0 : i32
            %dma_wait3A_559 = arith.constant 0 : i32
            %dma_wait3A_560 = tpu.memref_slice %arg6[%dma_wait3A_558, %dma_wait3A_559] : memref<10112x128xf32, #tpu.memory_space<vmem_shared>> -> memref<10112x128xf32, #tpu.memory_space<vmem_shared>>
            tpu.wait_indirect_dma semaphore(%arg29 : memref<!tpu.dma_semaphore, #tpu.memory_space<semaphore_mem>>) src(%arg19 : memref<80x128xf32, #tpu.memory_space<vmem>>) dst(%dma_wait3A_560 : memref<10112x128xf32, #tpu.memory_space<vmem_shared>>)
          } else {
          }
          %dma_start3A_555 = arith.constant 0 : i32
          %dma_start3A_556 = arith.constant 0 : i32
          %dma_start3A_557 = tpu.memref_slice %arg2[%dma_start3A_555, %dma_start3A_556] : memref<10000x128xf32, #tpu.memory_space<hbm>> -> memref<10000x128xf32, #tpu.memory_space<hbm>>
          tpu.enqueue_indirect_dma source(%dma_start3A_557 : memref<10000x128xf32, #tpu.memory_space<hbm>>) target(%arg19 : memref<80x128xf32, #tpu.memory_space<vmem>>) offsets(%arg23 : memref<80xi32, #tpu.memory_space<vmem>>) semaphore(%arg15 : memref<!tpu.dma_semaphore, #tpu.memory_space<semaphore_mem>>)
        } else {
        }
        %add3A_537 = arith.constant 4 : i32
        %add3A_538 = arith.addi %add3A_521, %add3A_537 : i32
        %lt3A_539 = arith.constant 125 : i32
        %lt3A_540 = arith.cmpi slt, %add3A_538, %lt3A_539 : i32
        %convert_element_type3A_541 = arith.extui %lt3A_540 : i1 to i32
        %cond3A_542 = arith.constant 0 : i32
        %cond3A_543 = arith.cmpi ne, %convert_element_type3A_541, %cond3A_542 : i32
        scf.if %cond3A_543 {
          %add3A_547 = arith.constant 4 : i32
          %add3A_548 = arith.addi %add3A_521, %add3A_547 : i32
          %mul3A_549 = arith.constant 80 : i32
          %mul3A_550 = arith.muli %add3A_548, %mul3A_549 : i32
          %add3A_551 = arith.addi %mul3A_4, %mul3A_550 : i32
          %dma_start3A_552 = tpu.memref_slice %arg3[%add3A_551] : memref<640000xi32, #tpu.memory_space<hbm>> -> memref<80xi32, #tpu.memory_space<hbm>>
          %dma_start3A_553 = tpu.memref_slice %arg3[%add3A_551] : memref<640000xi32, #tpu.memory_space<hbm>> -> memref<80xi32, #tpu.memory_space<hbm>>
          tpu.enqueue_dma source(%dma_start3A_553 : memref<80xi32, #tpu.memory_space<hbm>>) target(%arg24 : memref<80xi32, #tpu.memory_space<vmem>>) target_semaphore(%arg16 : memref<!tpu.dma_semaphore, #tpu.memory_space<semaphore_mem>>)
          %add3A_554 = arith.constant 320000 : i32
          %add3A_555 = arith.addi %add3A_554, %add3A_551 : i32
          %dma_start3A_556 = tpu.memref_slice %arg3[%add3A_555] : memref<640000xi32, #tpu.memory_space<hbm>> -> memref<80xi32, #tpu.memory_space<hbm>>
          %dma_start3A_557 = tpu.memref_slice %arg3[%add3A_555] : memref<640000xi32, #tpu.memory_space<hbm>> -> memref<80xi32, #tpu.memory_space<hbm>>
          tpu.enqueue_dma source(%dma_start3A_557 : memref<80xi32, #tpu.memory_space<hbm>>) target(%arg10 : memref<80xi32, #tpu.memory_space<vmem>>) target_semaphore(%arg16 : memref<!tpu.dma_semaphore, #tpu.memory_space<semaphore_mem>>)
        } else {
        }
        %dma_start3A_544 = arith.constant 0 : i32
        %dma_start3A_545 = arith.constant 0 : i32
        %dma_start3A_546 = tpu.memref_slice %arg6[%dma_start3A_544, %dma_start3A_545] : memref<10112x128xf32, #tpu.memory_space<vmem_shared>> -> memref<10112x128xf32, #tpu.memory_space<vmem_shared>>
        tpu.enqueue_indirect_dma source(%arg20 : memref<80x128xf32, #tpu.memory_space<vmem>>) target(%dma_start3A_546 : memref<10112x128xf32, #tpu.memory_space<vmem_shared>>) offsets(%arg14 : memref<80xi32, #tpu.memory_space<vmem>>) semaphore(%arg29 : memref<!tpu.dma_semaphore, #tpu.memory_space<semaphore_mem>>) {add = true}
      } else {
      }
    }
    %scan3A_435 = arith.constant 16 : i32
    %dma_wait3A = arith.constant 0 : i32
    %dma_wait3A_436 = arith.constant 0 : i32
    %dma_wait3A_437 = tpu.memref_slice %arg6[%dma_wait3A, %dma_wait3A_436] : memref<10112x128xf32, #tpu.memory_space<vmem_shared>> -> memref<10112x128xf32, #tpu.memory_space<vmem_shared>>
    tpu.wait_indirect_dma semaphore(%arg29 : memref<!tpu.dma_semaphore, #tpu.memory_space<semaphore_mem>>) src(%arg17 : memref<80x128xf32, #tpu.memory_space<vmem>>) dst(%dma_wait3A_437 : memref<10112x128xf32, #tpu.memory_space<vmem_shared>>)
    %dma_wait3A_438 = arith.constant 0 : i32
    %dma_wait3A_439 = arith.constant 0 : i32
    %dma_wait3A_440 = tpu.memref_slice %arg6[%dma_wait3A_438, %dma_wait3A_439] : memref<10112x128xf32, #tpu.memory_space<vmem_shared>> -> memref<10112x128xf32, #tpu.memory_space<vmem_shared>>
    tpu.wait_indirect_dma semaphore(%arg29 : memref<!tpu.dma_semaphore, #tpu.memory_space<semaphore_mem>>) src(%arg17 : memref<80x128xf32, #tpu.memory_space<vmem>>) dst(%dma_wait3A_440 : memref<10112x128xf32, #tpu.memory_space<vmem_shared>>)
    %dma_wait3A_441 = arith.constant 0 : i32
    %dma_wait3A_442 = arith.constant 0 : i32
    %dma_wait3A_443 = tpu.memref_slice %arg6[%dma_wait3A_441, %dma_wait3A_442] : memref<10112x128xf32, #tpu.memory_space<vmem_shared>> -> memref<10112x128xf32, #tpu.memory_space<vmem_shared>>
    tpu.wait_indirect_dma semaphore(%arg29 : memref<!tpu.dma_semaphore, #tpu.memory_space<semaphore_mem>>) src(%arg17 : memref<80x128xf32, #tpu.memory_space<vmem>>) dst(%dma_wait3A_443 : memref<10112x128xf32, #tpu.memory_space<vmem_shared>>)
    %dma_wait3A_444 = arith.constant 0 : i32
    %dma_wait3A_445 = arith.constant 0 : i32
    %dma_wait3A_446 = tpu.memref_slice %arg6[%dma_wait3A_444, %dma_wait3A_445] : memref<10112x128xf32, #tpu.memory_space<vmem_shared>> -> memref<10112x128xf32, #tpu.memory_space<vmem_shared>>
    tpu.wait_indirect_dma semaphore(%arg29 : memref<!tpu.dma_semaphore, #tpu.memory_space<semaphore_mem>>) src(%arg17 : memref<80x128xf32, #tpu.memory_space<vmem>>) dst(%dma_wait3A_446 : memref<10112x128xf32, #tpu.memory_space<vmem_shared>>)
    %barrier3A_447 = arith.constant 0 : index
    tpu.barrier barrier_id(%barrier3A_447)
    %eq3A = arith.constant 0 : i32
    %eq3A_448 = arith.cmpi eq, %arg0, %eq3A : i32
    %convert_element_type3A = arith.extui %eq3A_448 : i1 to i32
    %cond3A = arith.constant 0 : i32
    %cond3A_449 = arith.cmpi ne, %convert_element_type3A, %cond3A : i32
    scf.if %cond3A_449 {
      "tpu.region"() ({
        %run_scoped3A = tpu.sem_alloc : memref<!tpu.dma_semaphore, #tpu.memory_space<semaphore_mem>>
        %dma_start3A_455 = arith.constant 0 : i32
        %dma_start3A_456 = tpu.memref_slice %arg4[%mul3A_2, %dma_start3A_455] : memref<10112x128xf32, #tpu.memory_space<hbm>> -> memref<632x128xf32, #tpu.memory_space<hbm>>
        %dma_start3A_457 = arith.constant 0 : i32
        %dma_start3A_458 = tpu.memref_slice %arg6[%mul3A_2, %dma_start3A_457] : memref<10112x128xf32, #tpu.memory_space<vmem_shared>> -> memref<632x128xf32, #tpu.memory_space<vmem_shared>>
        tpu.enqueue_dma source(%dma_start3A_458 : memref<632x128xf32, #tpu.memory_space<vmem_shared>>) target(%dma_start3A_456 : memref<632x128xf32, #tpu.memory_space<hbm>>) target_semaphore(%run_scoped3A : memref<!tpu.dma_semaphore, #tpu.memory_space<semaphore_mem>>)
        %dma_wait3A_459 = arith.constant 0 : i32
        %dma_wait3A_460 = tpu.memref_slice %arg4[%mul3A_2, %dma_wait3A_459] : memref<10112x128xf32, #tpu.memory_space<hbm>> -> memref<632x128xf32, #tpu.memory_space<hbm>>
        %dma_wait3A_461 = arith.constant 0 : i32
        %dma_wait3A_462 = tpu.memref_slice %arg6[%mul3A_2, %dma_wait3A_461] : memref<10112x128xf32, #tpu.memory_space<vmem_shared>> -> memref<632x128xf32, #tpu.memory_space<vmem_shared>>
        tpu.wait_dma2 semaphore(%run_scoped3A : memref<!tpu.dma_semaphore, #tpu.memory_space<semaphore_mem>>) src(%dma_wait3A_462 : memref<632x128xf32, #tpu.memory_space<vmem_shared>>) dst(%dma_wait3A_460 : memref<632x128xf32, #tpu.memory_space<hbm>>)
        tpu.yield
      }) : () -> ()
    } else {
    }
    %eq3A_450 = arith.constant 1 : i32
    %eq3A_451 = arith.cmpi eq, %arg0, %eq3A_450 : i32
    %convert_element_type3A_452 = arith.extui %eq3A_451 : i1 to i32
    %cond3A_453 = arith.constant 0 : i32
    %cond3A_454 = arith.cmpi ne, %convert_element_type3A_452, %cond3A_453 : i32
    scf.if %cond3A_454 {
      "tpu.region"() ({
        %run_scoped3A = tpu.sem_alloc : memref<!tpu.dma_semaphore, #tpu.memory_space<semaphore_mem>>
        %dma_start3A_455 = arith.constant 0 : i32
        %dma_start3A_456 = tpu.memref_slice %arg5[%mul3A_2, %dma_start3A_455] : memref<10112x128xf32, #tpu.memory_space<hbm>> -> memref<632x128xf32, #tpu.memory_space<hbm>>
        %dma_start3A_457 = arith.constant 0 : i32
        %dma_start3A_458 = tpu.memref_slice %arg6[%mul3A_2, %dma_start3A_457] : memref<10112x128xf32, #tpu.memory_space<vmem_shared>> -> memref<632x128xf32, #tpu.memory_space<vmem_shared>>
        tpu.enqueue_dma source(%dma_start3A_458 : memref<632x128xf32, #tpu.memory_space<vmem_shared>>) target(%dma_start3A_456 : memref<632x128xf32, #tpu.memory_space<hbm>>) target_semaphore(%run_scoped3A : memref<!tpu.dma_semaphore, #tpu.memory_space<semaphore_mem>>)
        %dma_wait3A_459 = arith.constant 0 : i32
        %dma_wait3A_460 = tpu.memref_slice %arg5[%mul3A_2, %dma_wait3A_459] : memref<10112x128xf32, #tpu.memory_space<hbm>> -> memref<632x128xf32, #tpu.memory_space<hbm>>
        %dma_wait3A_461 = arith.constant 0 : i32
        %dma_wait3A_462 = tpu.memref_slice %arg6[%mul3A_2, %dma_wait3A_461] : memref<10112x128xf32, #tpu.memory_space<vmem_shared>> -> memref<632x128xf32, #tpu.memory_space<vmem_shared>>
        tpu.wait_dma2 semaphore(%run_scoped3A : memref<!tpu.dma_semaphore, #tpu.memory_space<semaphore_mem>>) src(%dma_wait3A_462 : memref<632x128xf32, #tpu.memory_space<vmem_shared>>) dst(%dma_wait3A_460 : memref<632x128xf32, #tpu.memory_space<hbm>>)
        tpu.yield
      }) : () -> ()
    } else {
    }
    return
  }
}

#map = affine_map<(d0, d1) -> (0, 0)>
#map1 = affine_map<(d0, d1) -> (0)>
module attributes {stable_mosaic.version = 14 : i64} {
  func.func @_sc_segsum_body(%arg0: i32, %arg1: i32, %arg2: memref<10000x128xf32, #tpu.memory_space<hbm>>, %arg3: memref<640000xi32, #tpu.memory_space<hbm>>, %arg4: memref<10112x128xf32, #tpu.memory_space<hbm>>, %arg5: memref<10112x128xf32, #tpu.memory_space<hbm>>, %arg6: memref<10112x128xf32, #tpu.memory_space<vmem_shared>>, %arg7: memref<80xi32, #tpu.memory_space<vmem>>, %arg8: memref<80xi32, #tpu.memory_space<vmem>>, %arg9: memref<80xi32, #tpu.memory_space<vmem>>, %arg10: memref<80xi32, #tpu.memory_space<vmem>>, %arg11: memref<80xi32, #tpu.memory_space<vmem>>, %arg12: memref<80xi32, #tpu.memory_space<vmem>>, %arg13: memref<80xi32, #tpu.memory_space<vmem>>, %arg14: memref<80xi32, #tpu.memory_space<vmem>>, %arg15: memref<!tpu.dma_semaphore, #tpu.memory_space<semaphore_mem>>, %arg16: memref<!tpu.dma_semaphore, #tpu.memory_space<semaphore_mem>>, %arg17: memref<80x128xf32, #tpu.memory_space<vmem>>, %arg18: memref<80x128xf32, #tpu.memory_space<vmem>>, %arg19: memref<80x128xf32, #tpu.memory_space<vmem>>, %arg20: memref<80x128xf32, #tpu.memory_space<vmem>>, %arg21: memref<80xi32, #tpu.memory_space<vmem>>, %arg22: memref<80xi32, #tpu.memory_space<vmem>>, %arg23: memref<80xi32, #tpu.memory_space<vmem>>, %arg24: memref<80xi32, #tpu.memory_space<vmem>>, %arg25: memref<80xi32, #tpu.memory_space<vmem>>, %arg26: memref<80xi32, #tpu.memory_space<vmem>>, %arg27: memref<80xi32, #tpu.memory_space<vmem>>, %arg28: memref<80xi32, #tpu.memory_space<vmem>>, %arg29: memref<!tpu.dma_semaphore, #tpu.memory_space<semaphore_mem>>, %arg30: memref<8x128xf32, #tpu.memory_space<vmem>>) attributes {dimension_semantics = [#tpu.dimension_semantics<core_parallel>, #tpu.dimension_semantics<subcore_parallel>], iteration_bounds = array<i64: 2, 16>, scalar_prefetch = 0 : i64, scratch_operands = 25 : i64, tpu.core_type = #tpu.core_type<sc_vector_subcore>, window_params = [{transform_indices = #map}, {transform_indices = #map1}, {transform_indices = #map}, {transform_indices = #map}]} {
    %mul3A = arith.constant 2 : i32
    %mul3A_0 = arith.muli %arg1, %mul3A : i32
    %add3A = arith.addi %mul3A_0, %arg0 : i32
    %mul3A_1 = arith.constant 632 : i32
    %mul3A_2 = arith.muli %arg1, %mul3A_1 : i32
    %mul3A_3 = arith.constant 10000 : i32
    %mul3A_4 = arith.muli %add3A, %mul3A_3 : i32
    %add3A_5 = arith.constant 0 : i32
    %add3A_6 = arith.addi %mul3A_4, %add3A_5 : i32
    "tpu.region"() ({
      %run_scoped3A = tpu.sem_alloc : memref<!tpu.dma_semaphore, #tpu.memory_space<semaphore_mem>>
      %dma_start3A_455 = tpu.memref_slice %arg3[%add3A_6] : memref<640000xi32, #tpu.memory_space<hbm>> -> memref<80xi32, #tpu.memory_space<hbm>>
      %dma_start3A_456 = tpu.memref_slice %arg3[%add3A_6] : memref<640000xi32, #tpu.memory_space<hbm>> -> memref<80xi32, #tpu.memory_space<hbm>>
      tpu.enqueue_dma source(%dma_start3A_456 : memref<80xi32, #tpu.memory_space<hbm>>) target(%arg21 : memref<80xi32, #tpu.memory_space<vmem>>) target_semaphore(%run_scoped3A : memref<!tpu.dma_semaphore, #tpu.memory_space<semaphore_mem>>)
      %dma_wait3A_457 = tpu.memref_slice %arg3[%add3A_6] : memref<640000xi32, #tpu.memory_space<hbm>> -> memref<80xi32, #tpu.memory_space<hbm>>
      %dma_wait3A_458 = tpu.memref_slice %arg3[%add3A_6] : memref<640000xi32, #tpu.memory_space<hbm>> -> memref<80xi32, #tpu.memory_space<hbm>>
      tpu.wait_dma2 semaphore(%run_scoped3A : memref<!tpu.dma_semaphore, #tpu.memory_space<semaphore_mem>>) src(%dma_wait3A_458 : memref<80xi32, #tpu.memory_space<hbm>>) dst(%arg21 : memref<80xi32, #tpu.memory_space<vmem>>)
      tpu.yield
    }) : () -> ()
    %add3A_7 = arith.constant 320000 : i32
    %add3A_8 = arith.addi %add3A_7, %mul3A_4 : i32
    %add3A_9 = arith.constant 0 : i32
    %add3A_10 = arith.addi %add3A_8, %add3A_9 : i32
    "tpu.region"() ({
      %run_scoped3A = tpu.sem_alloc : memref<!tpu.dma_semaphore, #tpu.memory_space<semaphore_mem>>
      %dma_start3A_455 = tpu.memref_slice %arg3[%add3A_10] : memref<640000xi32, #tpu.memory_space<hbm>> -> memref<80xi32, #tpu.memory_space<hbm>>
      %dma_start3A_456 = tpu.memref_slice %arg3[%add3A_10] : memref<640000xi32, #tpu.memory_space<hbm>> -> memref<80xi32, #tpu.memory_space<hbm>>
      tpu.enqueue_dma source(%dma_start3A_456 : memref<80xi32, #tpu.memory_space<hbm>>) target(%arg7 : memref<80xi32, #tpu.memory_space<vmem>>) target_semaphore(%run_scoped3A : memref<!tpu.dma_semaphore, #tpu.memory_space<semaphore_mem>>)
      %dma_wait3A_457 = tpu.memref_slice %arg3[%add3A_10] : memref<640000xi32, #tpu.memory_space<hbm>> -> memref<80xi32, #tpu.memory_space<hbm>>
      %dma_wait3A_458 = tpu.memref_slice %arg3[%add3A_10] : memref<640000xi32, #tpu.memory_space<hbm>> -> memref<80xi32, #tpu.memory_space<hbm>>
      tpu.wait_dma2 semaphore(%run_scoped3A : memref<!tpu.dma_semaphore, #tpu.memory_space<semaphore_mem>>) src(%dma_wait3A_458 : memref<80xi32, #tpu.memory_space<hbm>>) dst(%arg7 : memref<80xi32, #tpu.memory_space<vmem>>)
      tpu.yield
    }) : () -> ()
    %add3A_11 = arith.constant 80 : i32
    %add3A_12 = arith.addi %mul3A_4, %add3A_11 : i32
    "tpu.region"() ({
      %run_scoped3A = tpu.sem_alloc : memref<!tpu.dma_semaphore, #tpu.memory_space<semaphore_mem>>
      %dma_start3A_455 = tpu.memref_slice %arg3[%add3A_12] : memref<640000xi32, #tpu.memory_space<hbm>> -> memref<80xi32, #tpu.memory_space<hbm>>
      %dma_start3A_456 = tpu.memref_slice %arg3[%add3A_12] : memref<640000xi32, #tpu.memory_space<hbm>> -> memref<80xi32, #tpu.memory_space<hbm>>
      tpu.enqueue_dma source(%dma_start3A_456 : memref<80xi32, #tpu.memory_space<hbm>>) target(%arg22 : memref<80xi32, #tpu.memory_space<vmem>>) target_semaphore(%run_scoped3A : memref<!tpu.dma_semaphore, #tpu.memory_space<semaphore_mem>>)
      %dma_wait3A_457 = tpu.memref_slice %arg3[%add3A_12] : memref<640000xi32, #tpu.memory_space<hbm>> -> memref<80xi32, #tpu.memory_space<hbm>>
      %dma_wait3A_458 = tpu.memref_slice %arg3[%add3A_12] : memref<640000xi32, #tpu.memory_space<hbm>> -> memref<80xi32, #tpu.memory_space<hbm>>
      tpu.wait_dma2 semaphore(%run_scoped3A : memref<!tpu.dma_semaphore, #tpu.memory_space<semaphore_mem>>) src(%dma_wait3A_458 : memref<80xi32, #tpu.memory_space<hbm>>) dst(%arg22 : memref<80xi32, #tpu.memory_space<vmem>>)
      tpu.yield
    }) : () -> ()
    %add3A_13 = arith.constant 320000 : i32
    %add3A_14 = arith.addi %add3A_13, %mul3A_4 : i32
    %add3A_15 = arith.constant 80 : i32
    %add3A_16 = arith.addi %add3A_14, %add3A_15 : i32
    "tpu.region"() ({
      %run_scoped3A = tpu.sem_alloc : memref<!tpu.dma_semaphore, #tpu.memory_space<semaphore_mem>>
      %dma_start3A_455 = tpu.memref_slice %arg3[%add3A_16] : memref<640000xi32, #tpu.memory_space<hbm>> -> memref<80xi32, #tpu.memory_space<hbm>>
      %dma_start3A_456 = tpu.memref_slice %arg3[%add3A_16] : memref<640000xi32, #tpu.memory_space<hbm>> -> memref<80xi32, #tpu.memory_space<hbm>>
      tpu.enqueue_dma source(%dma_start3A_456 : memref<80xi32, #tpu.memory_space<hbm>>) target(%arg8 : memref<80xi32, #tpu.memory_space<vmem>>) target_semaphore(%run_scoped3A : memref<!tpu.dma_semaphore, #tpu.memory_space<semaphore_mem>>)
      %dma_wait3A_457 = tpu.memref_slice %arg3[%add3A_16] : memref<640000xi32, #tpu.memory_space<hbm>> -> memref<80xi32, #tpu.memory_space<hbm>>
      %dma_wait3A_458 = tpu.memref_slice %arg3[%add3A_16] : memref<640000xi32, #tpu.memory_space<hbm>> -> memref<80xi32, #tpu.memory_space<hbm>>
      tpu.wait_dma2 semaphore(%run_scoped3A : memref<!tpu.dma_semaphore, #tpu.memory_space<semaphore_mem>>) src(%dma_wait3A_458 : memref<80xi32, #tpu.memory_space<hbm>>) dst(%arg8 : memref<80xi32, #tpu.memory_space<vmem>>)
      tpu.yield
    }) : () -> ()
    %add3A_17 = arith.constant 160 : i32
    %add3A_18 = arith.addi %mul3A_4, %add3A_17 : i32
    "tpu.region"() ({
      %run_scoped3A = tpu.sem_alloc : memref<!tpu.dma_semaphore, #tpu.memory_space<semaphore_mem>>
      %dma_start3A_455 = tpu.memref_slice %arg3[%add3A_18] : memref<640000xi32, #tpu.memory_space<hbm>> -> memref<80xi32, #tpu.memory_space<hbm>>
      %dma_start3A_456 = tpu.memref_slice %arg3[%add3A_18] : memref<640000xi32, #tpu.memory_space<hbm>> -> memref<80xi32, #tpu.memory_space<hbm>>
      tpu.enqueue_dma source(%dma_start3A_456 : memref<80xi32, #tpu.memory_space<hbm>>) target(%arg23 : memref<80xi32, #tpu.memory_space<vmem>>) target_semaphore(%run_scoped3A : memref<!tpu.dma_semaphore, #tpu.memory_space<semaphore_mem>>)
      %dma_wait3A_457 = tpu.memref_slice %arg3[%add3A_18] : memref<640000xi32, #tpu.memory_space<hbm>> -> memref<80xi32, #tpu.memory_space<hbm>>
      %dma_wait3A_458 = tpu.memref_slice %arg3[%add3A_18] : memref<640000xi32, #tpu.memory_space<hbm>> -> memref<80xi32, #tpu.memory_space<hbm>>
      tpu.wait_dma2 semaphore(%run_scoped3A : memref<!tpu.dma_semaphore, #tpu.memory_space<semaphore_mem>>) src(%dma_wait3A_458 : memref<80xi32, #tpu.memory_space<hbm>>) dst(%arg23 : memref<80xi32, #tpu.memory_space<vmem>>)
      tpu.yield
    }) : () -> ()
    %add3A_19 = arith.constant 320000 : i32
    %add3A_20 = arith.addi %add3A_19, %mul3A_4 : i32
    %add3A_21 = arith.constant 160 : i32
    %add3A_22 = arith.addi %add3A_20, %add3A_21 : i32
    "tpu.region"() ({
      %run_scoped3A = tpu.sem_alloc : memref<!tpu.dma_semaphore, #tpu.memory_space<semaphore_mem>>
      %dma_start3A_455 = tpu.memref_slice %arg3[%add3A_22] : memref<640000xi32, #tpu.memory_space<hbm>> -> memref<80xi32, #tpu.memory_space<hbm>>
      %dma_start3A_456 = tpu.memref_slice %arg3[%add3A_22] : memref<640000xi32, #tpu.memory_space<hbm>> -> memref<80xi32, #tpu.memory_space<hbm>>
      tpu.enqueue_dma source(%dma_start3A_456 : memref<80xi32, #tpu.memory_space<hbm>>) target(%arg9 : memref<80xi32, #tpu.memory_space<vmem>>) target_semaphore(%run_scoped3A : memref<!tpu.dma_semaphore, #tpu.memory_space<semaphore_mem>>)
      %dma_wait3A_457 = tpu.memref_slice %arg3[%add3A_22] : memref<640000xi32, #tpu.memory_space<hbm>> -> memref<80xi32, #tpu.memory_space<hbm>>
      %dma_wait3A_458 = tpu.memref_slice %arg3[%add3A_22] : memref<640000xi32, #tpu.memory_space<hbm>> -> memref<80xi32, #tpu.memory_space<hbm>>
      tpu.wait_dma2 semaphore(%run_scoped3A : memref<!tpu.dma_semaphore, #tpu.memory_space<semaphore_mem>>) src(%dma_wait3A_458 : memref<80xi32, #tpu.memory_space<hbm>>) dst(%arg9 : memref<80xi32, #tpu.memory_space<vmem>>)
      tpu.yield
    }) : () -> ()
    %add3A_23 = arith.constant 240 : i32
    %add3A_24 = arith.addi %mul3A_4, %add3A_23 : i32
    %dma_start3A = tpu.memref_slice %arg3[%add3A_24] : memref<640000xi32, #tpu.memory_space<hbm>> -> memref<80xi32, #tpu.memory_space<hbm>>
    %dma_start3A_25 = tpu.memref_slice %arg3[%add3A_24] : memref<640000xi32, #tpu.memory_space<hbm>> -> memref<80xi32, #tpu.memory_space<hbm>>
    tpu.enqueue_dma source(%dma_start3A_25 : memref<80xi32, #tpu.memory_space<hbm>>) target(%arg24 : memref<80xi32, #tpu.memory_space<vmem>>) target_semaphore(%arg16 : memref<!tpu.dma_semaphore, #tpu.memory_space<semaphore_mem>>)
    %add3A_26 = arith.constant 320000 : i32
    %add3A_27 = arith.addi %add3A_26, %mul3A_4 : i32
    %add3A_28 = arith.constant 240 : i32
    %add3A_29 = arith.addi %add3A_27, %add3A_28 : i32
    %dma_start3A_30 = tpu.memref_slice %arg3[%add3A_29] : memref<640000xi32, #tpu.memory_space<hbm>> -> memref<80xi32, #tpu.memory_space<hbm>>
    %dma_start3A_31 = tpu.memref_slice %arg3[%add3A_29] : memref<640000xi32, #tpu.memory_space<hbm>> -> memref<80xi32, #tpu.memory_space<hbm>>
    tpu.enqueue_dma source(%dma_start3A_31 : memref<80xi32, #tpu.memory_space<hbm>>) target(%arg10 : memref<80xi32, #tpu.memory_space<vmem>>) target_semaphore(%arg16 : memref<!tpu.dma_semaphore, #tpu.memory_space<semaphore_mem>>)
    %dma_start3A_32 = arith.constant 0 : i32
    %dma_start3A_33 = arith.constant 0 : i32
    %dma_start3A_34 = tpu.memref_slice %arg2[%dma_start3A_32, %dma_start3A_33] : memref<10000x128xf32, #tpu.memory_space<hbm>> -> memref<10000x128xf32, #tpu.memory_space<hbm>>
    tpu.enqueue_indirect_dma source(%dma_start3A_34 : memref<10000x128xf32, #tpu.memory_space<hbm>>) target(%arg17 : memref<80x128xf32, #tpu.memory_space<vmem>>) offsets(%arg21 : memref<80xi32, #tpu.memory_space<vmem>>) semaphore(%arg15 : memref<!tpu.dma_semaphore, #tpu.memory_space<semaphore_mem>>)
    %dma_start3A_35 = arith.constant 0 : i32
    %dma_start3A_36 = arith.constant 0 : i32
    %dma_start3A_37 = tpu.memref_slice %arg2[%dma_start3A_35, %dma_start3A_36] : memref<10000x128xf32, #tpu.memory_space<hbm>> -> memref<10000x128xf32, #tpu.memory_space<hbm>>
    tpu.enqueue_indirect_dma source(%dma_start3A_37 : memref<10000x128xf32, #tpu.memory_space<hbm>>) target(%arg18 : memref<80x128xf32, #tpu.memory_space<vmem>>) offsets(%arg22 : memref<80xi32, #tpu.memory_space<vmem>>) semaphore(%arg15 : memref<!tpu.dma_semaphore, #tpu.memory_space<semaphore_mem>>)
    %dma_start3A_38 = arith.constant 0 : i32
    %dma_start3A_39 = arith.constant 0 : i32
    %dma_start3A_40 = tpu.memref_slice %arg2[%dma_start3A_38, %dma_start3A_39] : memref<10000x128xf32, #tpu.memory_space<hbm>> -> memref<10000x128xf32, #tpu.memory_space<hbm>>
    tpu.enqueue_indirect_dma source(%dma_start3A_40 : memref<10000x128xf32, #tpu.memory_space<hbm>>) target(%arg19 : memref<80x128xf32, #tpu.memory_space<vmem>>) offsets(%arg23 : memref<80xi32, #tpu.memory_space<vmem>>) semaphore(%arg15 : memref<!tpu.dma_semaphore, #tpu.memory_space<semaphore_mem>>)
    %broadcast_in_dim3A = arith.constant 0.000000e+00 : f32
    %broadcast_in_dim3A_41 = vector.broadcast %broadcast_in_dim3A : f32 to vector<16xf32>
    %swap3A = arith.constant 0 : i32
    %swap3A_42 = arith.index_cast %swap3A : i32 to index
    %swap3A_43 = arith.constant 0 : index
    %swap3A_44 = tpu.vector_load %arg30[%swap3A_42, %swap3A_43] {strides = array<i32>} : memref<8x128xf32, #tpu.memory_space<vmem>>, vector<1x16xf32>,
    %swap3A_45 = vector.shape_cast %swap3A_44 : vector<1x16xf32> to vector<16xf32>
    %swap3A_46 = vector.shape_cast %broadcast_in_dim3A_41 : vector<16xf32> to vector<1x16xf32>
    tpu.vector_store %arg30[%swap3A_42, %swap3A_43], %swap3A_46 {strides = array<i32>} : memref<8x128xf32, #tpu.memory_space<vmem>>, vector<1x16xf32>,
    %swap3A_47 = arith.constant 0 : i32
    %swap3A_48 = arith.index_cast %swap3A_47 : i32 to index
    %swap3A_49 = arith.constant 16 : index
    %swap3A_50 = tpu.vector_load %arg30[%swap3A_48, %swap3A_49] {strides = array<i32>} : memref<8x128xf32, #tpu.memory_space<vmem>>, vector<1x16xf32>,
    %swap3A_51 = vector.shape_cast %swap3A_50 : vector<1x16xf32> to vector<16xf32>
    %swap3A_52 = vector.shape_cast %broadcast_in_dim3A_41 : vector<16xf32> to vector<1x16xf32>
    tpu.vector_store %arg30[%swap3A_48, %swap3A_49], %swap3A_52 {strides = array<i32>} : memref<8x128xf32, #tpu.memory_space<vmem>>, vector<1x16xf32>,
    %swap3A_53 = arith.constant 0 : i32
    %swap3A_54 = arith.index_cast %swap3A_53 : i32 to index
    %swap3A_55 = arith.constant 32 : index
    %swap3A_56 = tpu.vector_load %arg30[%swap3A_54, %swap3A_55] {strides = array<i32>} : memref<8x128xf32, #tpu.memory_space<vmem>>, vector<1x16xf32>,
    %swap3A_57 = vector.shape_cast %swap3A_56 : vector<1x16xf32> to vector<16xf32>
    %swap3A_58 = vector.shape_cast %broadcast_in_dim3A_41 : vector<16xf32> to vector<1x16xf32>
    tpu.vector_store %arg30[%swap3A_54, %swap3A_55], %swap3A_58 {strides = array<i32>} : memref<8x128xf32, #tpu.memory_space<vmem>>, vector<1x16xf32>,
    %swap3A_59 = arith.constant 0 : i32
    %swap3A_60 = arith.index_cast %swap3A_59 : i32 to index
    %swap3A_61 = arith.constant 48 : index
    %swap3A_62 = tpu.vector_load %arg30[%swap3A_60, %swap3A_61] {strides = array<i32>} : memref<8x128xf32, #tpu.memory_space<vmem>>, vector<1x16xf32>,
    %swap3A_63 = vector.shape_cast %swap3A_62 : vector<1x16xf32> to vector<16xf32>
    %swap3A_64 = vector.shape_cast %broadcast_in_dim3A_41 : vector<16xf32> to vector<1x16xf32>
    tpu.vector_store %arg30[%swap3A_60, %swap3A_61], %swap3A_64 {strides = array<i32>} : memref<8x128xf32, #tpu.memory_space<vmem>>, vector<1x16xf32>,
    %swap3A_65 = arith.constant 0 : i32
    %swap3A_66 = arith.index_cast %swap3A_65 : i32 to index
    %swap3A_67 = arith.constant 64 : index
    %swap3A_68 = tpu.vector_load %arg30[%swap3A_66, %swap3A_67] {strides = array<i32>} : memref<8x128xf32, #tpu.memory_space<vmem>>, vector<1x16xf32>,
    %swap3A_69 = vector.shape_cast %swap3A_68 : vector<1x16xf32> to vector<16xf32>
    %swap3A_70 = vector.shape_cast %broadcast_in_dim3A_41 : vector<16xf32> to vector<1x16xf32>
    tpu.vector_store %arg30[%swap3A_66, %swap3A_67], %swap3A_70 {strides = array<i32>} : memref<8x128xf32, #tpu.memory_space<vmem>>, vector<1x16xf32>,
    %swap3A_71 = arith.constant 0 : i32
    %swap3A_72 = arith.index_cast %swap3A_71 : i32 to index
    %swap3A_73 = arith.constant 80 : index
    %swap3A_74 = tpu.vector_load %arg30[%swap3A_72, %swap3A_73] {strides = array<i32>} : memref<8x128xf32, #tpu.memory_space<vmem>>, vector<1x16xf32>,
    %swap3A_75 = vector.shape_cast %swap3A_74 : vector<1x16xf32> to vector<16xf32>
    %swap3A_76 = vector.shape_cast %broadcast_in_dim3A_41 : vector<16xf32> to vector<1x16xf32>
    tpu.vector_store %arg30[%swap3A_72, %swap3A_73], %swap3A_76 {strides = array<i32>} : memref<8x128xf32, #tpu.memory_space<vmem>>, vector<1x16xf32>,
    %swap3A_77 = arith.constant 0 : i32
    %swap3A_78 = arith.index_cast %swap3A_77 : i32 to index
    %swap3A_79 = arith.constant 96 : index
    %swap3A_80 = tpu.vector_load %arg30[%swap3A_78, %swap3A_79] {strides = array<i32>} : memref<8x128xf32, #tpu.memory_space<vmem>>, vector<1x16xf32>,
    %swap3A_81 = vector.shape_cast %swap3A_80 : vector<1x16xf32> to vector<16xf32>
    %swap3A_82 = vector.shape_cast %broadcast_in_dim3A_41 : vector<16xf32> to vector<1x16xf32>
    tpu.vector_store %arg30[%swap3A_78, %swap3A_79], %swap3A_82 {strides = array<i32>} : memref<8x128xf32, #tpu.memory_space<vmem>>, vector<1x16xf32>,
    %swap3A_83 = arith.constant 0 : i32
    %swap3A_84 = arith.index_cast %swap3A_83 : i32 to index
    %swap3A_85 = arith.constant 112 : index
    %swap3A_86 = tpu.vector_load %arg30[%swap3A_84, %swap3A_85] {strides = array<i32>} : memref<8x128xf32, #tpu.memory_space<vmem>>, vector<1x16xf32>,
    %swap3A_87 = vector.shape_cast %swap3A_86 : vector<1x16xf32> to vector<16xf32>
    %swap3A_88 = vector.shape_cast %broadcast_in_dim3A_41 : vector<16xf32> to vector<1x16xf32>
    tpu.vector_store %arg30[%swap3A_84, %swap3A_85], %swap3A_88 {strides = array<i32>} : memref<8x128xf32, #tpu.memory_space<vmem>>, vector<1x16xf32>,
    %swap3A_89 = arith.constant 1 : i32
    %swap3A_90 = arith.index_cast %swap3A_89 : i32 to index
    %swap3A_91 = arith.constant 0 : index
    %swap3A_92 = tpu.vector_load %arg30[%swap3A_90, %swap3A_91] {strides = array<i32>} : memref<8x128xf32, #tpu.memory_space<vmem>>, vector<1x16xf32>,
    %swap3A_93 = vector.shape_cast %swap3A_92 : vector<1x16xf32> to vector<16xf32>
    %swap3A_94 = vector.shape_cast %broadcast_in_dim3A_41 : vector<16xf32> to vector<1x16xf32>
    tpu.vector_store %arg30[%swap3A_90, %swap3A_91], %swap3A_94 {strides = array<i32>} : memref<8x128xf32, #tpu.memory_space<vmem>>, vector<1x16xf32>,
    %swap3A_95 = arith.constant 1 : i32
    %swap3A_96 = arith.index_cast %swap3A_95 : i32 to index
    %swap3A_97 = arith.constant 16 : index
    %swap3A_98 = tpu.vector_load %arg30[%swap3A_96, %swap3A_97] {strides = array<i32>} : memref<8x128xf32, #tpu.memory_space<vmem>>, vector<1x16xf32>,
    %swap3A_99 = vector.shape_cast %swap3A_98 : vector<1x16xf32> to vector<16xf32>
    %swap3A_100 = vector.shape_cast %broadcast_in_dim3A_41 : vector<16xf32> to vector<1x16xf32>
    tpu.vector_store %arg30[%swap3A_96, %swap3A_97], %swap3A_100 {strides = array<i32>} : memref<8x128xf32, #tpu.memory_space<vmem>>, vector<1x16xf32>,
    %swap3A_101 = arith.constant 1 : i32
    %swap3A_102 = arith.index_cast %swap3A_101 : i32 to index
    %swap3A_103 = arith.constant 32 : index
    %swap3A_104 = tpu.vector_load %arg30[%swap3A_102, %swap3A_103] {strides = array<i32>} : memref<8x128xf32, #tpu.memory_space<vmem>>, vector<1x16xf32>,
    %swap3A_105 = vector.shape_cast %swap3A_104 : vector<1x16xf32> to vector<16xf32>
    %swap3A_106 = vector.shape_cast %broadcast_in_dim3A_41 : vector<16xf32> to vector<1x16xf32>
    tpu.vector_store %arg30[%swap3A_102, %swap3A_103], %swap3A_106 {strides = array<i32>} : memref<8x128xf32, #tpu.memory_space<vmem>>, vector<1x16xf32>,
    %swap3A_107 = arith.constant 1 : i32
    %swap3A_108 = arith.index_cast %swap3A_107 : i32 to index
    %swap3A_109 = arith.constant 48 : index
    %swap3A_110 = tpu.vector_load %arg30[%swap3A_108, %swap3A_109] {strides = array<i32>} : memref<8x128xf32, #tpu.memory_space<vmem>>, vector<1x16xf32>,
    %swap3A_111 = vector.shape_cast %swap3A_110 : vector<1x16xf32> to vector<16xf32>
    %swap3A_112 = vector.shape_cast %broadcast_in_dim3A_41 : vector<16xf32> to vector<1x16xf32>
    tpu.vector_store %arg30[%swap3A_108, %swap3A_109], %swap3A_112 {strides = array<i32>} : memref<8x128xf32, #tpu.memory_space<vmem>>, vector<1x16xf32>,
    %swap3A_113 = arith.constant 1 : i32
    %swap3A_114 = arith.index_cast %swap3A_113 : i32 to index
    %swap3A_115 = arith.constant 64 : index
    %swap3A_116 = tpu.vector_load %arg30[%swap3A_114, %swap3A_115] {strides = array<i32>} : memref<8x128xf32, #tpu.memory_space<vmem>>, vector<1x16xf32>,
    %swap3A_117 = vector.shape_cast %swap3A_116 : vector<1x16xf32> to vector<16xf32>
    %swap3A_118 = vector.shape_cast %broadcast_in_dim3A_41 : vector<16xf32> to vector<1x16xf32>
    tpu.vector_store %arg30[%swap3A_114, %swap3A_115], %swap3A_118 {strides = array<i32>} : memref<8x128xf32, #tpu.memory_space<vmem>>, vector<1x16xf32>,
    %swap3A_119 = arith.constant 1 : i32
    %swap3A_120 = arith.index_cast %swap3A_119 : i32 to index
    %swap3A_121 = arith.constant 80 : index
    %swap3A_122 = tpu.vector_load %arg30[%swap3A_120, %swap3A_121] {strides = array<i32>} : memref<8x128xf32, #tpu.memory_space<vmem>>, vector<1x16xf32>,
    %swap3A_123 = vector.shape_cast %swap3A_122 : vector<1x16xf32> to vector<16xf32>
    %swap3A_124 = vector.shape_cast %broadcast_in_dim3A_41 : vector<16xf32> to vector<1x16xf32>
    tpu.vector_store %arg30[%swap3A_120, %swap3A_121], %swap3A_124 {strides = array<i32>} : memref<8x128xf32, #tpu.memory_space<vmem>>, vector<1x16xf32>,
    %swap3A_125 = arith.constant 1 : i32
    %swap3A_126 = arith.index_cast %swap3A_125 : i32 to index
    %swap3A_127 = arith.constant 96 : index
    %swap3A_128 = tpu.vector_load %arg30[%swap3A_126, %swap3A_127] {strides = array<i32>} : memref<8x128xf32, #tpu.memory_space<vmem>>, vector<1x16xf32>,
    %swap3A_129 = vector.shape_cast %swap3A_128 : vector<1x16xf32> to vector<16xf32>
    %swap3A_130 = vector.shape_cast %broadcast_in_dim3A_41 : vector<16xf32> to vector<1x16xf32>
    tpu.vector_store %arg30[%swap3A_126, %swap3A_127], %swap3A_130 {strides = array<i32>} : memref<8x128xf32, #tpu.memory_space<vmem>>, vector<1x16xf32>,
    %swap3A_131 = arith.constant 1 : i32
    %swap3A_132 = arith.index_cast %swap3A_131 : i32 to index
    %swap3A_133 = arith.constant 112 : index
    %swap3A_134 = tpu.vector_load %arg30[%swap3A_132, %swap3A_133] {strides = array<i32>} : memref<8x128xf32, #tpu.memory_space<vmem>>, vector<1x16xf32>,
    %swap3A_135 = vector.shape_cast %swap3A_134 : vector<1x16xf32> to vector<16xf32>
    %swap3A_136 = vector.shape_cast %broadcast_in_dim3A_41 : vector<16xf32> to vector<1x16xf32>
    tpu.vector_store %arg30[%swap3A_132, %swap3A_133], %swap3A_136 {strides = array<i32>} : memref<8x128xf32, #tpu.memory_space<vmem>>, vector<1x16xf32>,
    %swap3A_137 = arith.constant 2 : i32
    %swap3A_138 = arith.index_cast %swap3A_137 : i32 to index
    %swap3A_139 = arith.constant 0 : index
    %swap3A_140 = tpu.vector_load %arg30[%swap3A_138, %swap3A_139] {strides = array<i32>} : memref<8x128xf32, #tpu.memory_space<vmem>>, vector<1x16xf32>,
    %swap3A_141 = vector.shape_cast %swap3A_140 : vector<1x16xf32> to vector<16xf32>
    %swap3A_142 = vector.shape_cast %broadcast_in_dim3A_41 : vector<16xf32> to vector<1x16xf32>
    tpu.vector_store %arg30[%swap3A_138, %swap3A_139], %swap3A_142 {strides = array<i32>} : memref<8x128xf32, #tpu.memory_space<vmem>>, vector<1x16xf32>,
    %swap3A_143 = arith.constant 2 : i32
    %swap3A_144 = arith.index_cast %swap3A_143 : i32 to index
    %swap3A_145 = arith.constant 16 : index
    %swap3A_146 = tpu.vector_load %arg30[%swap3A_144, %swap3A_145] {strides = array<i32>} : memref<8x128xf32, #tpu.memory_space<vmem>>, vector<1x16xf32>,
    %swap3A_147 = vector.shape_cast %swap3A_146 : vector<1x16xf32> to vector<16xf32>
    %swap3A_148 = vector.shape_cast %broadcast_in_dim3A_41 : vector<16xf32> to vector<1x16xf32>
    tpu.vector_store %arg30[%swap3A_144, %swap3A_145], %swap3A_148 {strides = array<i32>} : memref<8x128xf32, #tpu.memory_space<vmem>>, vector<1x16xf32>,
    %swap3A_149 = arith.constant 2 : i32
    %swap3A_150 = arith.index_cast %swap3A_149 : i32 to index
    %swap3A_151 = arith.constant 32 : index
    %swap3A_152 = tpu.vector_load %arg30[%swap3A_150, %swap3A_151] {strides = array<i32>} : memref<8x128xf32, #tpu.memory_space<vmem>>, vector<1x16xf32>,
    %swap3A_153 = vector.shape_cast %swap3A_152 : vector<1x16xf32> to vector<16xf32>
    %swap3A_154 = vector.shape_cast %broadcast_in_dim3A_41 : vector<16xf32> to vector<1x16xf32>
    tpu.vector_store %arg30[%swap3A_150, %swap3A_151], %swap3A_154 {strides = array<i32>} : memref<8x128xf32, #tpu.memory_space<vmem>>, vector<1x16xf32>,
    %swap3A_155 = arith.constant 2 : i32
    %swap3A_156 = arith.index_cast %swap3A_155 : i32 to index
    %swap3A_157 = arith.constant 48 : index
    %swap3A_158 = tpu.vector_load %arg30[%swap3A_156, %swap3A_157] {strides = array<i32>} : memref<8x128xf32, #tpu.memory_space<vmem>>, vector<1x16xf32>,
    %swap3A_159 = vector.shape_cast %swap3A_158 : vector<1x16xf32> to vector<16xf32>
    %swap3A_160 = vector.shape_cast %broadcast_in_dim3A_41 : vector<16xf32> to vector<1x16xf32>
    tpu.vector_store %arg30[%swap3A_156, %swap3A_157], %swap3A_160 {strides = array<i32>} : memref<8x128xf32, #tpu.memory_space<vmem>>, vector<1x16xf32>,
    %swap3A_161 = arith.constant 2 : i32
    %swap3A_162 = arith.index_cast %swap3A_161 : i32 to index
    %swap3A_163 = arith.constant 64 : index
    %swap3A_164 = tpu.vector_load %arg30[%swap3A_162, %swap3A_163] {strides = array<i32>} : memref<8x128xf32, #tpu.memory_space<vmem>>, vector<1x16xf32>,
    %swap3A_165 = vector.shape_cast %swap3A_164 : vector<1x16xf32> to vector<16xf32>
    %swap3A_166 = vector.shape_cast %broadcast_in_dim3A_41 : vector<16xf32> to vector<1x16xf32>
    tpu.vector_store %arg30[%swap3A_162, %swap3A_163], %swap3A_166 {strides = array<i32>} : memref<8x128xf32, #tpu.memory_space<vmem>>, vector<1x16xf32>,
    %swap3A_167 = arith.constant 2 : i32
    %swap3A_168 = arith.index_cast %swap3A_167 : i32 to index
    %swap3A_169 = arith.constant 80 : index
    %swap3A_170 = tpu.vector_load %arg30[%swap3A_168, %swap3A_169] {strides = array<i32>} : memref<8x128xf32, #tpu.memory_space<vmem>>, vector<1x16xf32>,
    %swap3A_171 = vector.shape_cast %swap3A_170 : vector<1x16xf32> to vector<16xf32>
    %swap3A_172 = vector.shape_cast %broadcast_in_dim3A_41 : vector<16xf32> to vector<1x16xf32>
    tpu.vector_store %arg30[%swap3A_168, %swap3A_169], %swap3A_172 {strides = array<i32>} : memref<8x128xf32, #tpu.memory_space<vmem>>, vector<1x16xf32>,
    %swap3A_173 = arith.constant 2 : i32
    %swap3A_174 = arith.index_cast %swap3A_173 : i32 to index
    %swap3A_175 = arith.constant 96 : index
    %swap3A_176 = tpu.vector_load %arg30[%swap3A_174, %swap3A_175] {strides = array<i32>} : memref<8x128xf32, #tpu.memory_space<vmem>>, vector<1x16xf32>,
    %swap3A_177 = vector.shape_cast %swap3A_176 : vector<1x16xf32> to vector<16xf32>
    %swap3A_178 = vector.shape_cast %broadcast_in_dim3A_41 : vector<16xf32> to vector<1x16xf32>
    tpu.vector_store %arg30[%swap3A_174, %swap3A_175], %swap3A_178 {strides = array<i32>} : memref<8x128xf32, #tpu.memory_space<vmem>>, vector<1x16xf32>,
    %swap3A_179 = arith.constant 2 : i32
    %swap3A_180 = arith.index_cast %swap3A_179 : i32 to index
    %swap3A_181 = arith.constant 112 : index
    %swap3A_182 = tpu.vector_load %arg30[%swap3A_180, %swap3A_181] {strides = array<i32>} : memref<8x128xf32, #tpu.memory_space<vmem>>, vector<1x16xf32>,
    %swap3A_183 = vector.shape_cast %swap3A_182 : vector<1x16xf32> to vector<16xf32>
    %swap3A_184 = vector.shape_cast %broadcast_in_dim3A_41 : vector<16xf32> to vector<1x16xf32>
    tpu.vector_store %arg30[%swap3A_180, %swap3A_181], %swap3A_184 {strides = array<i32>} : memref<8x128xf32, #tpu.memory_space<vmem>>, vector<1x16xf32>,
    %swap3A_185 = arith.constant 3 : i32
    %swap3A_186 = arith.index_cast %swap3A_185 : i32 to index
    %swap3A_187 = arith.constant 0 : index
    %swap3A_188 = tpu.vector_load %arg30[%swap3A_186, %swap3A_187] {strides = array<i32>} : memref<8x128xf32, #tpu.memory_space<vmem>>, vector<1x16xf32>,
    %swap3A_189 = vector.shape_cast %swap3A_188 : vector<1x16xf32> to vector<16xf32>
    %swap3A_190 = vector.shape_cast %broadcast_in_dim3A_41 : vector<16xf32> to vector<1x16xf32>
    tpu.vector_store %arg30[%swap3A_186, %swap3A_187], %swap3A_190 {strides = array<i32>} : memref<8x128xf32, #tpu.memory_space<vmem>>, vector<1x16xf32>,
    %swap3A_191 = arith.constant 3 : i32
    %swap3A_192 = arith.index_cast %swap3A_191 : i32 to index
    %swap3A_193 = arith.constant 16 : index
    %swap3A_194 = tpu.vector_load %arg30[%swap3A_192, %swap3A_193] {strides = array<i32>} : memref<8x128xf32, #tpu.memory_space<vmem>>, vector<1x16xf32>,
    %swap3A_195 = vector.shape_cast %swap3A_194 : vector<1x16xf32> to vector<16xf32>
    %swap3A_196 = vector.shape_cast %broadcast_in_dim3A_41 : vector<16xf32> to vector<1x16xf32>
    tpu.vector_store %arg30[%swap3A_192, %swap3A_193], %swap3A_196 {strides = array<i32>} : memref<8x128xf32, #tpu.memory_space<vmem>>, vector<1x16xf32>,
    %swap3A_197 = arith.constant 3 : i32
    %swap3A_198 = arith.index_cast %swap3A_197 : i32 to index
    %swap3A_199 = arith.constant 32 : index
    %swap3A_200 = tpu.vector_load %arg30[%swap3A_198, %swap3A_199] {strides = array<i32>} : memref<8x128xf32, #tpu.memory_space<vmem>>, vector<1x16xf32>,
    %swap3A_201 = vector.shape_cast %swap3A_200 : vector<1x16xf32> to vector<16xf32>
    %swap3A_202 = vector.shape_cast %broadcast_in_dim3A_41 : vector<16xf32> to vector<1x16xf32>
    tpu.vector_store %arg30[%swap3A_198, %swap3A_199], %swap3A_202 {strides = array<i32>} : memref<8x128xf32, #tpu.memory_space<vmem>>, vector<1x16xf32>,
    %swap3A_203 = arith.constant 3 : i32
    %swap3A_204 = arith.index_cast %swap3A_203 : i32 to index
    %swap3A_205 = arith.constant 48 : index
    %swap3A_206 = tpu.vector_load %arg30[%swap3A_204, %swap3A_205] {strides = array<i32>} : memref<8x128xf32, #tpu.memory_space<vmem>>, vector<1x16xf32>,
    %swap3A_207 = vector.shape_cast %swap3A_206 : vector<1x16xf32> to vector<16xf32>
    %swap3A_208 = vector.shape_cast %broadcast_in_dim3A_41 : vector<16xf32> to vector<1x16xf32>
    tpu.vector_store %arg30[%swap3A_204, %swap3A_205], %swap3A_208 {strides = array<i32>} : memref<8x128xf32, #tpu.memory_space<vmem>>, vector<1x16xf32>,
    %swap3A_209 = arith.constant 3 : i32
    %swap3A_210 = arith.index_cast %swap3A_209 : i32 to index
    %swap3A_211 = arith.constant 64 : index
    %swap3A_212 = tpu.vector_load %arg30[%swap3A_210, %swap3A_211] {strides = array<i32>} : memref<8x128xf32, #tpu.memory_space<vmem>>, vector<1x16xf32>,
    %swap3A_213 = vector.shape_cast %swap3A_212 : vector<1x16xf32> to vector<16xf32>
    %swap3A_214 = vector.shape_cast %broadcast_in_dim3A_41 : vector<16xf32> to vector<1x16xf32>
    tpu.vector_store %arg30[%swap3A_210, %swap3A_211], %swap3A_214 {strides = array<i32>} : memref<8x128xf32, #tpu.memory_space<vmem>>, vector<1x16xf32>,
    %swap3A_215 = arith.constant 3 : i32
    %swap3A_216 = arith.index_cast %swap3A_215 : i32 to index
    %swap3A_217 = arith.constant 80 : index
    %swap3A_218 = tpu.vector_load %arg30[%swap3A_216, %swap3A_217] {strides = array<i32>} : memref<8x128xf32, #tpu.memory_space<vmem>>, vector<1x16xf32>,
    %swap3A_219 = vector.shape_cast %swap3A_218 : vector<1x16xf32> to vector<16xf32>
    %swap3A_220 = vector.shape_cast %broadcast_in_dim3A_41 : vector<16xf32> to vector<1x16xf32>
    tpu.vector_store %arg30[%swap3A_216, %swap3A_217], %swap3A_220 {strides = array<i32>} : memref<8x128xf32, #tpu.memory_space<vmem>>, vector<1x16xf32>,
    %swap3A_221 = arith.constant 3 : i32
    %swap3A_222 = arith.index_cast %swap3A_221 : i32 to index
    %swap3A_223 = arith.constant 96 : index
    %swap3A_224 = tpu.vector_load %arg30[%swap3A_222, %swap3A_223] {strides = array<i32>} : memref<8x128xf32, #tpu.memory_space<vmem>>, vector<1x16xf32>,
    %swap3A_225 = vector.shape_cast %swap3A_224 : vector<1x16xf32> to vector<16xf32>
    %swap3A_226 = vector.shape_cast %broadcast_in_dim3A_41 : vector<16xf32> to vector<1x16xf32>
    tpu.vector_store %arg30[%swap3A_222, %swap3A_223], %swap3A_226 {strides = array<i32>} : memref<8x128xf32, #tpu.memory_space<vmem>>, vector<1x16xf32>,
    %swap3A_227 = arith.constant 3 : i32
    %swap3A_228 = arith.index_cast %swap3A_227 : i32 to index
    %swap3A_229 = arith.constant 112 : index
    %swap3A_230 = tpu.vector_load %arg30[%swap3A_228, %swap3A_229] {strides = array<i32>} : memref<8x128xf32, #tpu.memory_space<vmem>>, vector<1x16xf32>,
    %swap3A_231 = vector.shape_cast %swap3A_230 : vector<1x16xf32> to vector<16xf32>
    %swap3A_232 = vector.shape_cast %broadcast_in_dim3A_41 : vector<16xf32> to vector<1x16xf32>
    tpu.vector_store %arg30[%swap3A_228, %swap3A_229], %swap3A_232 {strides = array<i32>} : memref<8x128xf32, #tpu.memory_space<vmem>>, vector<1x16xf32>,
    %swap3A_233 = arith.constant 4 : i32
    %swap3A_234 = arith.index_cast %swap3A_233 : i32 to index
    %swap3A_235 = arith.constant 0 : index
    %swap3A_236 = tpu.vector_load %arg30[%swap3A_234, %swap3A_235] {strides = array<i32>} : memref<8x128xf32, #tpu.memory_space<vmem>>, vector<1x16xf32>,
    %swap3A_237 = vector.shape_cast %swap3A_236 : vector<1x16xf32> to vector<16xf32>
    %swap3A_238 = vector.shape_cast %broadcast_in_dim3A_41 : vector<16xf32> to vector<1x16xf32>
    tpu.vector_store %arg30[%swap3A_234, %swap3A_235], %swap3A_238 {strides = array<i32>} : memref<8x128xf32, #tpu.memory_space<vmem>>, vector<1x16xf32>,
    %swap3A_239 = arith.constant 4 : i32
    %swap3A_240 = arith.index_cast %swap3A_239 : i32 to index
    %swap3A_241 = arith.constant 16 : index
    %swap3A_242 = tpu.vector_load %arg30[%swap3A_240, %swap3A_241] {strides = array<i32>} : memref<8x128xf32, #tpu.memory_space<vmem>>, vector<1x16xf32>,
    %swap3A_243 = vector.shape_cast %swap3A_242 : vector<1x16xf32> to vector<16xf32>
    %swap3A_244 = vector.shape_cast %broadcast_in_dim3A_41 : vector<16xf32> to vector<1x16xf32>
    tpu.vector_store %arg30[%swap3A_240, %swap3A_241], %swap3A_244 {strides = array<i32>} : memref<8x128xf32, #tpu.memory_space<vmem>>, vector<1x16xf32>,
    %swap3A_245 = arith.constant 4 : i32
    %swap3A_246 = arith.index_cast %swap3A_245 : i32 to index
    %swap3A_247 = arith.constant 32 : index
    %swap3A_248 = tpu.vector_load %arg30[%swap3A_246, %swap3A_247] {strides = array<i32>} : memref<8x128xf32, #tpu.memory_space<vmem>>, vector<1x16xf32>,
    %swap3A_249 = vector.shape_cast %swap3A_248 : vector<1x16xf32> to vector<16xf32>
    %swap3A_250 = vector.shape_cast %broadcast_in_dim3A_41 : vector<16xf32> to vector<1x16xf32>
    tpu.vector_store %arg30[%swap3A_246, %swap3A_247], %swap3A_250 {strides = array<i32>} : memref<8x128xf32, #tpu.memory_space<vmem>>, vector<1x16xf32>,
    %swap3A_251 = arith.constant 4 : i32
    %swap3A_252 = arith.index_cast %swap3A_251 : i32 to index
    %swap3A_253 = arith.constant 48 : index
    %swap3A_254 = tpu.vector_load %arg30[%swap3A_252, %swap3A_253] {strides = array<i32>} : memref<8x128xf32, #tpu.memory_space<vmem>>, vector<1x16xf32>,
    %swap3A_255 = vector.shape_cast %swap3A_254 : vector<1x16xf32> to vector<16xf32>
    %swap3A_256 = vector.shape_cast %broadcast_in_dim3A_41 : vector<16xf32> to vector<1x16xf32>
    tpu.vector_store %arg30[%swap3A_252, %swap3A_253], %swap3A_256 {strides = array<i32>} : memref<8x128xf32, #tpu.memory_space<vmem>>, vector<1x16xf32>,
    %swap3A_257 = arith.constant 4 : i32
    %swap3A_258 = arith.index_cast %swap3A_257 : i32 to index
    %swap3A_259 = arith.constant 64 : index
    %swap3A_260 = tpu.vector_load %arg30[%swap3A_258, %swap3A_259] {strides = array<i32>} : memref<8x128xf32, #tpu.memory_space<vmem>>, vector<1x16xf32>,
    %swap3A_261 = vector.shape_cast %swap3A_260 : vector<1x16xf32> to vector<16xf32>
    %swap3A_262 = vector.shape_cast %broadcast_in_dim3A_41 : vector<16xf32> to vector<1x16xf32>
    tpu.vector_store %arg30[%swap3A_258, %swap3A_259], %swap3A_262 {strides = array<i32>} : memref<8x128xf32, #tpu.memory_space<vmem>>, vector<1x16xf32>,
    %swap3A_263 = arith.constant 4 : i32
    %swap3A_264 = arith.index_cast %swap3A_263 : i32 to index
    %swap3A_265 = arith.constant 80 : index
    %swap3A_266 = tpu.vector_load %arg30[%swap3A_264, %swap3A_265] {strides = array<i32>} : memref<8x128xf32, #tpu.memory_space<vmem>>, vector<1x16xf32>,
    %swap3A_267 = vector.shape_cast %swap3A_266 : vector<1x16xf32> to vector<16xf32>
    %swap3A_268 = vector.shape_cast %broadcast_in_dim3A_41 : vector<16xf32> to vector<1x16xf32>
    tpu.vector_store %arg30[%swap3A_264, %swap3A_265], %swap3A_268 {strides = array<i32>} : memref<8x128xf32, #tpu.memory_space<vmem>>, vector<1x16xf32>,
    %swap3A_269 = arith.constant 4 : i32
    %swap3A_270 = arith.index_cast %swap3A_269 : i32 to index
    %swap3A_271 = arith.constant 96 : index
    %swap3A_272 = tpu.vector_load %arg30[%swap3A_270, %swap3A_271] {strides = array<i32>} : memref<8x128xf32, #tpu.memory_space<vmem>>, vector<1x16xf32>,
    %swap3A_273 = vector.shape_cast %swap3A_272 : vector<1x16xf32> to vector<16xf32>
    %swap3A_274 = vector.shape_cast %broadcast_in_dim3A_41 : vector<16xf32> to vector<1x16xf32>
    tpu.vector_store %arg30[%swap3A_270, %swap3A_271], %swap3A_274 {strides = array<i32>} : memref<8x128xf32, #tpu.memory_space<vmem>>, vector<1x16xf32>,
    %swap3A_275 = arith.constant 4 : i32
    %swap3A_276 = arith.index_cast %swap3A_275 : i32 to index
    %swap3A_277 = arith.constant 112 : index
    %swap3A_278 = tpu.vector_load %arg30[%swap3A_276, %swap3A_277] {strides = array<i32>} : memref<8x128xf32, #tpu.memory_space<vmem>>, vector<1x16xf32>,
    %swap3A_279 = vector.shape_cast %swap3A_278 : vector<1x16xf32> to vector<16xf32>
    %swap3A_280 = vector.shape_cast %broadcast_in_dim3A_41 : vector<16xf32> to vector<1x16xf32>
    tpu.vector_store %arg30[%swap3A_276, %swap3A_277], %swap3A_280 {strides = array<i32>} : memref<8x128xf32, #tpu.memory_space<vmem>>, vector<1x16xf32>,
    %swap3A_281 = arith.constant 5 : i32
    %swap3A_282 = arith.index_cast %swap3A_281 : i32 to index
    %swap3A_283 = arith.constant 0 : index
    %swap3A_284 = tpu.vector_load %arg30[%swap3A_282, %swap3A_283] {strides = array<i32>} : memref<8x128xf32, #tpu.memory_space<vmem>>, vector<1x16xf32>,
    %swap3A_285 = vector.shape_cast %swap3A_284 : vector<1x16xf32> to vector<16xf32>
    %swap3A_286 = vector.shape_cast %broadcast_in_dim3A_41 : vector<16xf32> to vector<1x16xf32>
    tpu.vector_store %arg30[%swap3A_282, %swap3A_283], %swap3A_286 {strides = array<i32>} : memref<8x128xf32, #tpu.memory_space<vmem>>, vector<1x16xf32>,
    %swap3A_287 = arith.constant 5 : i32
    %swap3A_288 = arith.index_cast %swap3A_287 : i32 to index
    %swap3A_289 = arith.constant 16 : index
    %swap3A_290 = tpu.vector_load %arg30[%swap3A_288, %swap3A_289] {strides = array<i32>} : memref<8x128xf32, #tpu.memory_space<vmem>>, vector<1x16xf32>,
    %swap3A_291 = vector.shape_cast %swap3A_290 : vector<1x16xf32> to vector<16xf32>
    %swap3A_292 = vector.shape_cast %broadcast_in_dim3A_41 : vector<16xf32> to vector<1x16xf32>
    tpu.vector_store %arg30[%swap3A_288, %swap3A_289], %swap3A_292 {strides = array<i32>} : memref<8x128xf32, #tpu.memory_space<vmem>>, vector<1x16xf32>,
    %swap3A_293 = arith.constant 5 : i32
    %swap3A_294 = arith.index_cast %swap3A_293 : i32 to index
    %swap3A_295 = arith.constant 32 : index
    %swap3A_296 = tpu.vector_load %arg30[%swap3A_294, %swap3A_295] {strides = array<i32>} : memref<8x128xf32, #tpu.memory_space<vmem>>, vector<1x16xf32>,
    %swap3A_297 = vector.shape_cast %swap3A_296 : vector<1x16xf32> to vector<16xf32>
    %swap3A_298 = vector.shape_cast %broadcast_in_dim3A_41 : vector<16xf32> to vector<1x16xf32>
    tpu.vector_store %arg30[%swap3A_294, %swap3A_295], %swap3A_298 {strides = array<i32>} : memref<8x128xf32, #tpu.memory_space<vmem>>, vector<1x16xf32>,
    %swap3A_299 = arith.constant 5 : i32
    %swap3A_300 = arith.index_cast %swap3A_299 : i32 to index
    %swap3A_301 = arith.constant 48 : index
    %swap3A_302 = tpu.vector_load %arg30[%swap3A_300, %swap3A_301] {strides = array<i32>} : memref<8x128xf32, #tpu.memory_space<vmem>>, vector<1x16xf32>,
    %swap3A_303 = vector.shape_cast %swap3A_302 : vector<1x16xf32> to vector<16xf32>
    %swap3A_304 = vector.shape_cast %broadcast_in_dim3A_41 : vector<16xf32> to vector<1x16xf32>
    tpu.vector_store %arg30[%swap3A_300, %swap3A_301], %swap3A_304 {strides = array<i32>} : memref<8x128xf32, #tpu.memory_space<vmem>>, vector<1x16xf32>,
    %swap3A_305 = arith.constant 5 : i32
    %swap3A_306 = arith.index_cast %swap3A_305 : i32 to index
    %swap3A_307 = arith.constant 64 : index
    %swap3A_308 = tpu.vector_load %arg30[%swap3A_306, %swap3A_307] {strides = array<i32>} : memref<8x128xf32, #tpu.memory_space<vmem>>, vector<1x16xf32>,
    %swap3A_309 = vector.shape_cast %swap3A_308 : vector<1x16xf32> to vector<16xf32>
    %swap3A_310 = vector.shape_cast %broadcast_in_dim3A_41 : vector<16xf32> to vector<1x16xf32>
    tpu.vector_store %arg30[%swap3A_306, %swap3A_307], %swap3A_310 {strides = array<i32>} : memref<8x128xf32, #tpu.memory_space<vmem>>, vector<1x16xf32>,
    %swap3A_311 = arith.constant 5 : i32
    %swap3A_312 = arith.index_cast %swap3A_311 : i32 to index
    %swap3A_313 = arith.constant 80 : index
    %swap3A_314 = tpu.vector_load %arg30[%swap3A_312, %swap3A_313] {strides = array<i32>} : memref<8x128xf32, #tpu.memory_space<vmem>>, vector<1x16xf32>,
    %swap3A_315 = vector.shape_cast %swap3A_314 : vector<1x16xf32> to vector<16xf32>
    %swap3A_316 = vector.shape_cast %broadcast_in_dim3A_41 : vector<16xf32> to vector<1x16xf32>
    tpu.vector_store %arg30[%swap3A_312, %swap3A_313], %swap3A_316 {strides = array<i32>} : memref<8x128xf32, #tpu.memory_space<vmem>>, vector<1x16xf32>,
    %swap3A_317 = arith.constant 5 : i32
    %swap3A_318 = arith.index_cast %swap3A_317 : i32 to index
    %swap3A_319 = arith.constant 96 : index
    %swap3A_320 = tpu.vector_load %arg30[%swap3A_318, %swap3A_319] {strides = array<i32>} : memref<8x128xf32, #tpu.memory_space<vmem>>, vector<1x16xf32>,
    %swap3A_321 = vector.shape_cast %swap3A_320 : vector<1x16xf32> to vector<16xf32>
    %swap3A_322 = vector.shape_cast %broadcast_in_dim3A_41 : vector<16xf32> to vector<1x16xf32>
    tpu.vector_store %arg30[%swap3A_318, %swap3A_319], %swap3A_322 {strides = array<i32>} : memref<8x128xf32, #tpu.memory_space<vmem>>, vector<1x16xf32>,
    %swap3A_323 = arith.constant 5 : i32
    %swap3A_324 = arith.index_cast %swap3A_323 : i32 to index
    %swap3A_325 = arith.constant 112 : index
    %swap3A_326 = tpu.vector_load %arg30[%swap3A_324, %swap3A_325] {strides = array<i32>} : memref<8x128xf32, #tpu.memory_space<vmem>>, vector<1x16xf32>,
    %swap3A_327 = vector.shape_cast %swap3A_326 : vector<1x16xf32> to vector<16xf32>
    %swap3A_328 = vector.shape_cast %broadcast_in_dim3A_41 : vector<16xf32> to vector<1x16xf32>
    tpu.vector_store %arg30[%swap3A_324, %swap3A_325], %swap3A_328 {strides = array<i32>} : memref<8x128xf32, #tpu.memory_space<vmem>>, vector<1x16xf32>,
    %swap3A_329 = arith.constant 6 : i32
    %swap3A_330 = arith.index_cast %swap3A_329 : i32 to index
    %swap3A_331 = arith.constant 0 : index
    %swap3A_332 = tpu.vector_load %arg30[%swap3A_330, %swap3A_331] {strides = array<i32>} : memref<8x128xf32, #tpu.memory_space<vmem>>, vector<1x16xf32>,
    %swap3A_333 = vector.shape_cast %swap3A_332 : vector<1x16xf32> to vector<16xf32>
    %swap3A_334 = vector.shape_cast %broadcast_in_dim3A_41 : vector<16xf32> to vector<1x16xf32>
    tpu.vector_store %arg30[%swap3A_330, %swap3A_331], %swap3A_334 {strides = array<i32>} : memref<8x128xf32, #tpu.memory_space<vmem>>, vector<1x16xf32>,
    %swap3A_335 = arith.constant 6 : i32
    %swap3A_336 = arith.index_cast %swap3A_335 : i32 to index
    %swap3A_337 = arith.constant 16 : index
    %swap3A_338 = tpu.vector_load %arg30[%swap3A_336, %swap3A_337] {strides = array<i32>} : memref<8x128xf32, #tpu.memory_space<vmem>>, vector<1x16xf32>,
    %swap3A_339 = vector.shape_cast %swap3A_338 : vector<1x16xf32> to vector<16xf32>
    %swap3A_340 = vector.shape_cast %broadcast_in_dim3A_41 : vector<16xf32> to vector<1x16xf32>
    tpu.vector_store %arg30[%swap3A_336, %swap3A_337], %swap3A_340 {strides = array<i32>} : memref<8x128xf32, #tpu.memory_space<vmem>>, vector<1x16xf32>,
    %swap3A_341 = arith.constant 6 : i32
    %swap3A_342 = arith.index_cast %swap3A_341 : i32 to index
    %swap3A_343 = arith.constant 32 : index
    %swap3A_344 = tpu.vector_load %arg30[%swap3A_342, %swap3A_343] {strides = array<i32>} : memref<8x128xf32, #tpu.memory_space<vmem>>, vector<1x16xf32>,
    %swap3A_345 = vector.shape_cast %swap3A_344 : vector<1x16xf32> to vector<16xf32>
    %swap3A_346 = vector.shape_cast %broadcast_in_dim3A_41 : vector<16xf32> to vector<1x16xf32>
    tpu.vector_store %arg30[%swap3A_342, %swap3A_343], %swap3A_346 {strides = array<i32>} : memref<8x128xf32, #tpu.memory_space<vmem>>, vector<1x16xf32>,
    %swap3A_347 = arith.constant 6 : i32
    %swap3A_348 = arith.index_cast %swap3A_347 : i32 to index
    %swap3A_349 = arith.constant 48 : index
    %swap3A_350 = tpu.vector_load %arg30[%swap3A_348, %swap3A_349] {strides = array<i32>} : memref<8x128xf32, #tpu.memory_space<vmem>>, vector<1x16xf32>,
    %swap3A_351 = vector.shape_cast %swap3A_350 : vector<1x16xf32> to vector<16xf32>
    %swap3A_352 = vector.shape_cast %broadcast_in_dim3A_41 : vector<16xf32> to vector<1x16xf32>
    tpu.vector_store %arg30[%swap3A_348, %swap3A_349], %swap3A_352 {strides = array<i32>} : memref<8x128xf32, #tpu.memory_space<vmem>>, vector<1x16xf32>,
    %swap3A_353 = arith.constant 6 : i32
    %swap3A_354 = arith.index_cast %swap3A_353 : i32 to index
    %swap3A_355 = arith.constant 64 : index
    %swap3A_356 = tpu.vector_load %arg30[%swap3A_354, %swap3A_355] {strides = array<i32>} : memref<8x128xf32, #tpu.memory_space<vmem>>, vector<1x16xf32>,
    %swap3A_357 = vector.shape_cast %swap3A_356 : vector<1x16xf32> to vector<16xf32>
    %swap3A_358 = vector.shape_cast %broadcast_in_dim3A_41 : vector<16xf32> to vector<1x16xf32>
    tpu.vector_store %arg30[%swap3A_354, %swap3A_355], %swap3A_358 {strides = array<i32>} : memref<8x128xf32, #tpu.memory_space<vmem>>, vector<1x16xf32>,
    %swap3A_359 = arith.constant 6 : i32
    %swap3A_360 = arith.index_cast %swap3A_359 : i32 to index
    %swap3A_361 = arith.constant 80 : index
    %swap3A_362 = tpu.vector_load %arg30[%swap3A_360, %swap3A_361] {strides = array<i32>} : memref<8x128xf32, #tpu.memory_space<vmem>>, vector<1x16xf32>,
    %swap3A_363 = vector.shape_cast %swap3A_362 : vector<1x16xf32> to vector<16xf32>
    %swap3A_364 = vector.shape_cast %broadcast_in_dim3A_41 : vector<16xf32> to vector<1x16xf32>
    tpu.vector_store %arg30[%swap3A_360, %swap3A_361], %swap3A_364 {strides = array<i32>} : memref<8x128xf32, #tpu.memory_space<vmem>>, vector<1x16xf32>,
    %swap3A_365 = arith.constant 6 : i32
    %swap3A_366 = arith.index_cast %swap3A_365 : i32 to index
    %swap3A_367 = arith.constant 96 : index
    %swap3A_368 = tpu.vector_load %arg30[%swap3A_366, %swap3A_367] {strides = array<i32>} : memref<8x128xf32, #tpu.memory_space<vmem>>, vector<1x16xf32>,
    %swap3A_369 = vector.shape_cast %swap3A_368 : vector<1x16xf32> to vector<16xf32>
    %swap3A_370 = vector.shape_cast %broadcast_in_dim3A_41 : vector<16xf32> to vector<1x16xf32>
    tpu.vector_store %arg30[%swap3A_366, %swap3A_367], %swap3A_370 {strides = array<i32>} : memref<8x128xf32, #tpu.memory_space<vmem>>, vector<1x16xf32>,
    %swap3A_371 = arith.constant 6 : i32
    %swap3A_372 = arith.index_cast %swap3A_371 : i32 to index
    %swap3A_373 = arith.constant 112 : index
    %swap3A_374 = tpu.vector_load %arg30[%swap3A_372, %swap3A_373] {strides = array<i32>} : memref<8x128xf32, #tpu.memory_space<vmem>>, vector<1x16xf32>,
    %swap3A_375 = vector.shape_cast %swap3A_374 : vector<1x16xf32> to vector<16xf32>
    %swap3A_376 = vector.shape_cast %broadcast_in_dim3A_41 : vector<16xf32> to vector<1x16xf32>
    tpu.vector_store %arg30[%swap3A_372, %swap3A_373], %swap3A_376 {strides = array<i32>} : memref<8x128xf32, #tpu.memory_space<vmem>>, vector<1x16xf32>,
    %swap3A_377 = arith.constant 7 : i32
    %swap3A_378 = arith.index_cast %swap3A_377 : i32 to index
    %swap3A_379 = arith.constant 0 : index
    %swap3A_380 = tpu.vector_load %arg30[%swap3A_378, %swap3A_379] {strides = array<i32>} : memref<8x128xf32, #tpu.memory_space<vmem>>, vector<1x16xf32>,
    %swap3A_381 = vector.shape_cast %swap3A_380 : vector<1x16xf32> to vector<16xf32>
    %swap3A_382 = vector.shape_cast %broadcast_in_dim3A_41 : vector<16xf32> to vector<1x16xf32>
    tpu.vector_store %arg30[%swap3A_378, %swap3A_379], %swap3A_382 {strides = array<i32>} : memref<8x128xf32, #tpu.memory_space<vmem>>, vector<1x16xf32>,
    %swap3A_383 = arith.constant 7 : i32
    %swap3A_384 = arith.index_cast %swap3A_383 : i32 to index
    %swap3A_385 = arith.constant 16 : index
    %swap3A_386 = tpu.vector_load %arg30[%swap3A_384, %swap3A_385] {strides = array<i32>} : memref<8x128xf32, #tpu.memory_space<vmem>>, vector<1x16xf32>,
    %swap3A_387 = vector.shape_cast %swap3A_386 : vector<1x16xf32> to vector<16xf32>
    %swap3A_388 = vector.shape_cast %broadcast_in_dim3A_41 : vector<16xf32> to vector<1x16xf32>
    tpu.vector_store %arg30[%swap3A_384, %swap3A_385], %swap3A_388 {strides = array<i32>} : memref<8x128xf32, #tpu.memory_space<vmem>>, vector<1x16xf32>,
    %swap3A_389 = arith.constant 7 : i32
    %swap3A_390 = arith.index_cast %swap3A_389 : i32 to index
    %swap3A_391 = arith.constant 32 : index
    %swap3A_392 = tpu.vector_load %arg30[%swap3A_390, %swap3A_391] {strides = array<i32>} : memref<8x128xf32, #tpu.memory_space<vmem>>, vector<1x16xf32>,
    %swap3A_393 = vector.shape_cast %swap3A_392 : vector<1x16xf32> to vector<16xf32>
    %swap3A_394 = vector.shape_cast %broadcast_in_dim3A_41 : vector<16xf32> to vector<1x16xf32>
    tpu.vector_store %arg30[%swap3A_390, %swap3A_391], %swap3A_394 {strides = array<i32>} : memref<8x128xf32, #tpu.memory_space<vmem>>, vector<1x16xf32>,
    %swap3A_395 = arith.constant 7 : i32
    %swap3A_396 = arith.index_cast %swap3A_395 : i32 to index
    %swap3A_397 = arith.constant 48 : index
    %swap3A_398 = tpu.vector_load %arg30[%swap3A_396, %swap3A_397] {strides = array<i32>} : memref<8x128xf32, #tpu.memory_space<vmem>>, vector<1x16xf32>,
    %swap3A_399 = vector.shape_cast %swap3A_398 : vector<1x16xf32> to vector<16xf32>
    %swap3A_400 = vector.shape_cast %broadcast_in_dim3A_41 : vector<16xf32> to vector<1x16xf32>
    tpu.vector_store %arg30[%swap3A_396, %swap3A_397], %swap3A_400 {strides = array<i32>} : memref<8x128xf32, #tpu.memory_space<vmem>>, vector<1x16xf32>,
    %swap3A_401 = arith.constant 7 : i32
    %swap3A_402 = arith.index_cast %swap3A_401 : i32 to index
    %swap3A_403 = arith.constant 64 : index
    %swap3A_404 = tpu.vector_load %arg30[%swap3A_402, %swap3A_403] {strides = array<i32>} : memref<8x128xf32, #tpu.memory_space<vmem>>, vector<1x16xf32>,
    %swap3A_405 = vector.shape_cast %swap3A_404 : vector<1x16xf32> to vector<16xf32>
    %swap3A_406 = vector.shape_cast %broadcast_in_dim3A_41 : vector<16xf32> to vector<1x16xf32>
    tpu.vector_store %arg30[%swap3A_402, %swap3A_403], %swap3A_406 {strides = array<i32>} : memref<8x128xf32, #tpu.memory_space<vmem>>, vector<1x16xf32>,
    %swap3A_407 = arith.constant 7 : i32
    %swap3A_408 = arith.index_cast %swap3A_407 : i32 to index
    %swap3A_409 = arith.constant 80 : index
    %swap3A_410 = tpu.vector_load %arg30[%swap3A_408, %swap3A_409] {strides = array<i32>} : memref<8x128xf32, #tpu.memory_space<vmem>>, vector<1x16xf32>,
    %swap3A_411 = vector.shape_cast %swap3A_410 : vector<1x16xf32> to vector<16xf32>
    %swap3A_412 = vector.shape_cast %broadcast_in_dim3A_41 : vector<16xf32> to vector<1x16xf32>
    tpu.vector_store %arg30[%swap3A_408, %swap3A_409], %swap3A_412 {strides = array<i32>} : memref<8x128xf32, #tpu.memory_space<vmem>>, vector<1x16xf32>,
    %swap3A_413 = arith.constant 7 : i32
    %swap3A_414 = arith.index_cast %swap3A_413 : i32 to index
    %swap3A_415 = arith.constant 96 : index
    %swap3A_416 = tpu.vector_load %arg30[%swap3A_414, %swap3A_415] {strides = array<i32>} : memref<8x128xf32, #tpu.memory_space<vmem>>, vector<1x16xf32>,
    %swap3A_417 = vector.shape_cast %swap3A_416 : vector<1x16xf32> to vector<16xf32>
    %swap3A_418 = vector.shape_cast %broadcast_in_dim3A_41 : vector<16xf32> to vector<1x16xf32>
    tpu.vector_store %arg30[%swap3A_414, %swap3A_415], %swap3A_418 {strides = array<i32>} : memref<8x128xf32, #tpu.memory_space<vmem>>, vector<1x16xf32>,
    %swap3A_419 = arith.constant 7 : i32
    %swap3A_420 = arith.index_cast %swap3A_419 : i32 to index
    %swap3A_421 = arith.constant 112 : index
    %swap3A_422 = tpu.vector_load %arg30[%swap3A_420, %swap3A_421] {strides = array<i32>} : memref<8x128xf32, #tpu.memory_space<vmem>>, vector<1x16xf32>,
    %swap3A_423 = vector.shape_cast %swap3A_422 : vector<1x16xf32> to vector<16xf32>
    %swap3A_424 = vector.shape_cast %broadcast_in_dim3A_41 : vector<16xf32> to vector<1x16xf32>
    tpu.vector_store %arg30[%swap3A_420, %swap3A_421], %swap3A_424 {strides = array<i32>} : memref<8x128xf32, #tpu.memory_space<vmem>>, vector<1x16xf32>,
    %scan3A = arith.constant 0 : i32
    %scan3A_425 = arith.constant 0 : i32
    %scan3A_426 = arith.constant 79 : i32
    %scan3A_427 = arith.addi %scan3A_425, %scan3A_426 : i32
    %scan3A_428 = arith.constant 1 : i32
    scf.for %scan3A_455 = %scan3A_425 to %scan3A_427 step %scan3A_428  : i32 {
      %mul3A_456 = arith.constant 8 : i32
      %mul3A_457 = arith.muli %scan3A_455, %mul3A_456 : i32
      %add3A_458 = arith.addi %mul3A_2, %mul3A_457 : i32
      "tpu.region"() ({
        %run_scoped3A = tpu.sem_alloc : memref<!tpu.dma_semaphore, #tpu.memory_space<semaphore_mem>>
        %dma_start3A_459 = arith.constant 0 : i32
        %dma_start3A_460 = tpu.memref_slice %arg6[%add3A_458, %dma_start3A_459] : memref<10112x128xf32, #tpu.memory_space<vmem_shared>> -> memref<8x128xf32, #tpu.memory_space<vmem_shared>>
        %dma_start3A_461 = arith.constant 0 : i32
        %dma_start3A_462 = tpu.memref_slice %arg6[%add3A_458, %dma_start3A_461] : memref<10112x128xf32, #tpu.memory_space<vmem_shared>> -> memref<8x128xf32, #tpu.memory_space<vmem_shared>>
        tpu.enqueue_dma source(%arg30 : memref<8x128xf32, #tpu.memory_space<vmem>>) target(%dma_start3A_462 : memref<8x128xf32, #tpu.memory_space<vmem_shared>>) target_semaphore(%run_scoped3A : memref<!tpu.dma_semaphore, #tpu.memory_space<semaphore_mem>>)
        %dma_wait3A_463 = arith.constant 0 : i32
        %dma_wait3A_464 = tpu.memref_slice %arg6[%add3A_458, %dma_wait3A_463] : memref<10112x128xf32, #tpu.memory_space<vmem_shared>> -> memref<8x128xf32, #tpu.memory_space<vmem_shared>>
        %dma_wait3A_465 = arith.constant 0 : i32
        %dma_wait3A_466 = tpu.memref_slice %arg6[%add3A_458, %dma_wait3A_465] : memref<10112x128xf32, #tpu.memory_space<vmem_shared>> -> memref<8x128xf32, #tpu.memory_space<vmem_shared>>
        tpu.wait_dma2 semaphore(%run_scoped3A : memref<!tpu.dma_semaphore, #tpu.memory_space<semaphore_mem>>) src(%arg30 : memref<8x128xf32, #tpu.memory_space<vmem>>) dst(%dma_wait3A_466 : memref<8x128xf32, #tpu.memory_space<vmem_shared>>)
        tpu.yield
      }) : () -> ()
    }
    %scan3A_429 = arith.constant 79 : i32
    %barrier3A = arith.constant 0 : index
    tpu.barrier barrier_id(%barrier3A)
    %scan3A_430 = arith.constant 0 : i32
    %scan3A_431 = arith.constant 0 : i32
    %scan3A_432 = arith.constant 16 : i32
    %scan3A_433 = arith.addi %scan3A_431, %scan3A_432 : i32
    %scan3A_434 = arith.constant 1 : i32
    scf.for %scan3A_455 = %scan3A_431 to %scan3A_433 step %scan3A_434  : i32 {
      %mul3A_456 = arith.constant 8 : i32
      %mul3A_457 = arith.muli %scan3A_455, %mul3A_456 : i32
      %add3A_458 = arith.constant 0 : i32
      %add3A_459 = arith.addi %mul3A_457, %add3A_458 : i32
      %lt3A = arith.constant 125 : i32
      %lt3A_460 = arith.cmpi slt, %add3A_459, %lt3A : i32
      %convert_element_type3A_461 = arith.extui %lt3A_460 : i1 to i32
      %cond3A_462 = arith.constant 0 : i32
      %cond3A_463 = arith.cmpi ne, %convert_element_type3A_461, %cond3A_462 : i32
      scf.if %cond3A_463 {
        %dma_wait3A_527 = arith.constant 0 : i32
        %dma_wait3A_528 = arith.constant 0 : i32
        %dma_wait3A_529 = tpu.memref_slice %arg2[%dma_wait3A_527, %dma_wait3A_528] : memref<10000x128xf32, #tpu.memory_space<hbm>> -> memref<10000x128xf32, #tpu.memory_space<hbm>>
        tpu.wait_indirect_dma semaphore(%arg15 : memref<!tpu.dma_semaphore, #tpu.memory_space<semaphore_mem>>) src(%dma_wait3A_529 : memref<10000x128xf32, #tpu.memory_space<hbm>>) dst(%arg17 : memref<80x128xf32, #tpu.memory_space<vmem>>)
        %add3A_530 = arith.constant 3 : i32
        %add3A_531 = arith.addi %add3A_459, %add3A_530 : i32
        %lt3A_532 = arith.constant 125 : i32
        %lt3A_533 = arith.cmpi slt, %add3A_531, %lt3A_532 : i32
        %convert_element_type3A_534 = arith.extui %lt3A_533 : i1 to i32
        %cond3A_535 = arith.constant 0 : i32
        %cond3A_536 = arith.cmpi ne, %convert_element_type3A_534, %cond3A_535 : i32
        scf.if %cond3A_536 {
          %dma_wait3A_547 = tpu.memref_slice %arg3[%mul3A_4] : memref<640000xi32, #tpu.memory_space<hbm>> -> memref<80xi32, #tpu.memory_space<hbm>>
          %dma_wait3A_548 = tpu.memref_slice %arg3[%mul3A_4] : memref<640000xi32, #tpu.memory_space<hbm>> -> memref<80xi32, #tpu.memory_space<hbm>>
          tpu.wait_dma2 semaphore(%arg16 : memref<!tpu.dma_semaphore, #tpu.memory_space<semaphore_mem>>) src(%dma_wait3A_548 : memref<80xi32, #tpu.memory_space<hbm>>) dst(%arg24 : memref<80xi32, #tpu.memory_space<vmem>>)
          %dma_wait3A_549 = tpu.memref_slice %arg3[%mul3A_4] : memref<640000xi32, #tpu.memory_space<hbm>> -> memref<80xi32, #tpu.memory_space<hbm>>
          %dma_wait3A_550 = tpu.memref_slice %arg3[%mul3A_4] : memref<640000xi32, #tpu.memory_space<hbm>> -> memref<80xi32, #tpu.memory_space<hbm>>
          tpu.wait_dma2 semaphore(%arg16 : memref<!tpu.dma_semaphore, #tpu.memory_space<semaphore_mem>>) src(%dma_wait3A_550 : memref<80xi32, #tpu.memory_space<hbm>>) dst(%arg10 : memref<80xi32, #tpu.memory_space<vmem>>)
          %gt3A = arith.constant 0 : i32
          %gt3A_551 = arith.cmpi sgt, %add3A_459, %gt3A : i32
          %convert_element_type3A_552 = arith.extui %gt3A_551 : i1 to i32
          %cond3A_553 = arith.constant 0 : i32
          %cond3A_554 = arith.cmpi ne, %convert_element_type3A_552, %cond3A_553 : i32
          scf.if %cond3A_554 {
            %dma_wait3A_558 = arith.constant 0 : i32
            %dma_wait3A_559 = arith.constant 0 : i32
            %dma_wait3A_560 = tpu.memref_slice %arg6[%dma_wait3A_558, %dma_wait3A_559] : memref<10112x128xf32, #tpu.memory_space<vmem_shared>> -> memref<10112x128xf32, #tpu.memory_space<vmem_shared>>
            tpu.wait_indirect_dma semaphore(%arg29 : memref<!tpu.dma_semaphore, #tpu.memory_space<semaphore_mem>>) src(%arg20 : memref<80x128xf32, #tpu.memory_space<vmem>>) dst(%dma_wait3A_560 : memref<10112x128xf32, #tpu.memory_space<vmem_shared>>)
          } else {
          }
          %dma_start3A_555 = arith.constant 0 : i32
          %dma_start3A_556 = arith.constant 0 : i32
          %dma_start3A_557 = tpu.memref_slice %arg2[%dma_start3A_555, %dma_start3A_556] : memref<10000x128xf32, #tpu.memory_space<hbm>> -> memref<10000x128xf32, #tpu.memory_space<hbm>>
          tpu.enqueue_indirect_dma source(%dma_start3A_557 : memref<10000x128xf32, #tpu.memory_space<hbm>>) target(%arg20 : memref<80x128xf32, #tpu.memory_space<vmem>>) offsets(%arg24 : memref<80xi32, #tpu.memory_space<vmem>>) semaphore(%arg15 : memref<!tpu.dma_semaphore, #tpu.memory_space<semaphore_mem>>)
        } else {
        }
        %add3A_537 = arith.constant 4 : i32
        %add3A_538 = arith.addi %add3A_459, %add3A_537 : i32
        %lt3A_539 = arith.constant 125 : i32
        %lt3A_540 = arith.cmpi slt, %add3A_538, %lt3A_539 : i32
        %convert_element_type3A_541 = arith.extui %lt3A_540 : i1 to i32
        %cond3A_542 = arith.constant 0 : i32
        %cond3A_543 = arith.cmpi ne, %convert_element_type3A_541, %cond3A_542 : i32
        scf.if %cond3A_543 {
          %add3A_547 = arith.constant 4 : i32
          %add3A_548 = arith.addi %add3A_459, %add3A_547 : i32
          %mul3A_549 = arith.constant 80 : i32
          %mul3A_550 = arith.muli %add3A_548, %mul3A_549 : i32
          %add3A_551 = arith.addi %mul3A_4, %mul3A_550 : i32
          %dma_start3A_552 = tpu.memref_slice %arg3[%add3A_551] : memref<640000xi32, #tpu.memory_space<hbm>> -> memref<80xi32, #tpu.memory_space<hbm>>
          %dma_start3A_553 = tpu.memref_slice %arg3[%add3A_551] : memref<640000xi32, #tpu.memory_space<hbm>> -> memref<80xi32, #tpu.memory_space<hbm>>
          tpu.enqueue_dma source(%dma_start3A_553 : memref<80xi32, #tpu.memory_space<hbm>>) target(%arg25 : memref<80xi32, #tpu.memory_space<vmem>>) target_semaphore(%arg16 : memref<!tpu.dma_semaphore, #tpu.memory_space<semaphore_mem>>)
          %add3A_554 = arith.constant 320000 : i32
          %add3A_555 = arith.addi %add3A_554, %add3A_551 : i32
          %dma_start3A_556 = tpu.memref_slice %arg3[%add3A_555] : memref<640000xi32, #tpu.memory_space<hbm>> -> memref<80xi32, #tpu.memory_space<hbm>>
          %dma_start3A_557 = tpu.memref_slice %arg3[%add3A_555] : memref<640000xi32, #tpu.memory_space<hbm>> -> memref<80xi32, #tpu.memory_space<hbm>>
          tpu.enqueue_dma source(%dma_start3A_557 : memref<80xi32, #tpu.memory_space<hbm>>) target(%arg11 : memref<80xi32, #tpu.memory_space<vmem>>) target_semaphore(%arg16 : memref<!tpu.dma_semaphore, #tpu.memory_space<semaphore_mem>>)
        } else {
        }
        %dma_start3A_544 = arith.constant 0 : i32
        %dma_start3A_545 = arith.constant 0 : i32
        %dma_start3A_546 = tpu.memref_slice %arg6[%dma_start3A_544, %dma_start3A_545] : memref<10112x128xf32, #tpu.memory_space<vmem_shared>> -> memref<10112x128xf32, #tpu.memory_space<vmem_shared>>
        tpu.enqueue_indirect_dma source(%arg17 : memref<80x128xf32, #tpu.memory_space<vmem>>) target(%dma_start3A_546 : memref<10112x128xf32, #tpu.memory_space<vmem_shared>>) offsets(%arg7 : memref<80xi32, #tpu.memory_space<vmem>>) semaphore(%arg29 : memref<!tpu.dma_semaphore, #tpu.memory_space<semaphore_mem>>) {add = true}
      } else {
      }
      %mul3A_464 = arith.constant 8 : i32
      %mul3A_465 = arith.muli %scan3A_455, %mul3A_464 : i32
      %add3A_466 = arith.constant 1 : i32
      %add3A_467 = arith.addi %mul3A_465, %add3A_466 : i32
      %lt3A_468 = arith.constant 125 : i32
      %lt3A_469 = arith.cmpi slt, %add3A_467, %lt3A_468 : i32
      %convert_element_type3A_470 = arith.extui %lt3A_469 : i1 to i32
      %cond3A_471 = arith.constant 0 : i32
      %cond3A_472 = arith.cmpi ne, %convert_element_type3A_470, %cond3A_471 : i32
      scf.if %cond3A_472 {
        %dma_wait3A_527 = arith.constant 0 : i32
        %dma_wait3A_528 = arith.constant 0 : i32
        %dma_wait3A_529 = tpu.memref_slice %arg2[%dma_wait3A_527, %dma_wait3A_528] : memref<10000x128xf32, #tpu.memory_space<hbm>> -> memref<10000x128xf32, #tpu.memory_space<hbm>>
        tpu.wait_indirect_dma semaphore(%arg15 : memref<!tpu.dma_semaphore, #tpu.memory_space<semaphore_mem>>) src(%dma_wait3A_529 : memref<10000x128xf32, #tpu.memory_space<hbm>>) dst(%arg18 : memref<80x128xf32, #tpu.memory_space<vmem>>)
        %add3A_530 = arith.constant 3 : i32
        %add3A_531 = arith.addi %add3A_467, %add3A_530 : i32
        %lt3A_532 = arith.constant 125 : i32
        %lt3A_533 = arith.cmpi slt, %add3A_531, %lt3A_532 : i32
        %convert_element_type3A_534 = arith.extui %lt3A_533 : i1 to i32
        %cond3A_535 = arith.constant 0 : i32
        %cond3A_536 = arith.cmpi ne, %convert_element_type3A_534, %cond3A_535 : i32
        scf.if %cond3A_536 {
          %dma_wait3A_547 = tpu.memref_slice %arg3[%mul3A_4] : memref<640000xi32, #tpu.memory_space<hbm>> -> memref<80xi32, #tpu.memory_space<hbm>>
          %dma_wait3A_548 = tpu.memref_slice %arg3[%mul3A_4] : memref<640000xi32, #tpu.memory_space<hbm>> -> memref<80xi32, #tpu.memory_space<hbm>>
          tpu.wait_dma2 semaphore(%arg16 : memref<!tpu.dma_semaphore, #tpu.memory_space<semaphore_mem>>) src(%dma_wait3A_548 : memref<80xi32, #tpu.memory_space<hbm>>) dst(%arg25 : memref<80xi32, #tpu.memory_space<vmem>>)
          %dma_wait3A_549 = tpu.memref_slice %arg3[%mul3A_4] : memref<640000xi32, #tpu.memory_space<hbm>> -> memref<80xi32, #tpu.memory_space<hbm>>
          %dma_wait3A_550 = tpu.memref_slice %arg3[%mul3A_4] : memref<640000xi32, #tpu.memory_space<hbm>> -> memref<80xi32, #tpu.memory_space<hbm>>
          tpu.wait_dma2 semaphore(%arg16 : memref<!tpu.dma_semaphore, #tpu.memory_space<semaphore_mem>>) src(%dma_wait3A_550 : memref<80xi32, #tpu.memory_space<hbm>>) dst(%arg11 : memref<80xi32, #tpu.memory_space<vmem>>)
          %gt3A = arith.constant 0 : i32
          %gt3A_551 = arith.cmpi sgt, %add3A_467, %gt3A : i32
          %convert_element_type3A_552 = arith.extui %gt3A_551 : i1 to i32
          %cond3A_553 = arith.constant 0 : i32
          %cond3A_554 = arith.cmpi ne, %convert_element_type3A_552, %cond3A_553 : i32
          scf.if %cond3A_554 {
            %dma_wait3A_558 = arith.constant 0 : i32
            %dma_wait3A_559 = arith.constant 0 : i32
            %dma_wait3A_560 = tpu.memref_slice %arg6[%dma_wait3A_558, %dma_wait3A_559] : memref<10112x128xf32, #tpu.memory_space<vmem_shared>> -> memref<10112x128xf32, #tpu.memory_space<vmem_shared>>
            tpu.wait_indirect_dma semaphore(%arg29 : memref<!tpu.dma_semaphore, #tpu.memory_space<semaphore_mem>>) src(%arg17 : memref<80x128xf32, #tpu.memory_space<vmem>>) dst(%dma_wait3A_560 : memref<10112x128xf32, #tpu.memory_space<vmem_shared>>)
          } else {
          }
          %dma_start3A_555 = arith.constant 0 : i32
          %dma_start3A_556 = arith.constant 0 : i32
          %dma_start3A_557 = tpu.memref_slice %arg2[%dma_start3A_555, %dma_start3A_556] : memref<10000x128xf32, #tpu.memory_space<hbm>> -> memref<10000x128xf32, #tpu.memory_space<hbm>>
          tpu.enqueue_indirect_dma source(%dma_start3A_557 : memref<10000x128xf32, #tpu.memory_space<hbm>>) target(%arg17 : memref<80x128xf32, #tpu.memory_space<vmem>>) offsets(%arg25 : memref<80xi32, #tpu.memory_space<vmem>>) semaphore(%arg15 : memref<!tpu.dma_semaphore, #tpu.memory_space<semaphore_mem>>)
        } else {
        }
        %add3A_537 = arith.constant 4 : i32
        %add3A_538 = arith.addi %add3A_467, %add3A_537 : i32
        %lt3A_539 = arith.constant 125 : i32
        %lt3A_540 = arith.cmpi slt, %add3A_538, %lt3A_539 : i32
        %convert_element_type3A_541 = arith.extui %lt3A_540 : i1 to i32
        %cond3A_542 = arith.constant 0 : i32
        %cond3A_543 = arith.cmpi ne, %convert_element_type3A_541, %cond3A_542 : i32
        scf.if %cond3A_543 {
          %add3A_547 = arith.constant 4 : i32
          %add3A_548 = arith.addi %add3A_467, %add3A_547 : i32
          %mul3A_549 = arith.constant 80 : i32
          %mul3A_550 = arith.muli %add3A_548, %mul3A_549 : i32
          %add3A_551 = arith.addi %mul3A_4, %mul3A_550 : i32
          %dma_start3A_552 = tpu.memref_slice %arg3[%add3A_551] : memref<640000xi32, #tpu.memory_space<hbm>> -> memref<80xi32, #tpu.memory_space<hbm>>
          %dma_start3A_553 = tpu.memref_slice %arg3[%add3A_551] : memref<640000xi32, #tpu.memory_space<hbm>> -> memref<80xi32, #tpu.memory_space<hbm>>
          tpu.enqueue_dma source(%dma_start3A_553 : memref<80xi32, #tpu.memory_space<hbm>>) target(%arg26 : memref<80xi32, #tpu.memory_space<vmem>>) target_semaphore(%arg16 : memref<!tpu.dma_semaphore, #tpu.memory_space<semaphore_mem>>)
          %add3A_554 = arith.constant 320000 : i32
          %add3A_555 = arith.addi %add3A_554, %add3A_551 : i32
          %dma_start3A_556 = tpu.memref_slice %arg3[%add3A_555] : memref<640000xi32, #tpu.memory_space<hbm>> -> memref<80xi32, #tpu.memory_space<hbm>>
          %dma_start3A_557 = tpu.memref_slice %arg3[%add3A_555] : memref<640000xi32, #tpu.memory_space<hbm>> -> memref<80xi32, #tpu.memory_space<hbm>>
          tpu.enqueue_dma source(%dma_start3A_557 : memref<80xi32, #tpu.memory_space<hbm>>) target(%arg12 : memref<80xi32, #tpu.memory_space<vmem>>) target_semaphore(%arg16 : memref<!tpu.dma_semaphore, #tpu.memory_space<semaphore_mem>>)
        } else {
        }
        %dma_start3A_544 = arith.constant 0 : i32
        %dma_start3A_545 = arith.constant 0 : i32
        %dma_start3A_546 = tpu.memref_slice %arg6[%dma_start3A_544, %dma_start3A_545] : memref<10112x128xf32, #tpu.memory_space<vmem_shared>> -> memref<10112x128xf32, #tpu.memory_space<vmem_shared>>
        tpu.enqueue_indirect_dma source(%arg18 : memref<80x128xf32, #tpu.memory_space<vmem>>) target(%dma_start3A_546 : memref<10112x128xf32, #tpu.memory_space<vmem_shared>>) offsets(%arg8 : memref<80xi32, #tpu.memory_space<vmem>>) semaphore(%arg29 : memref<!tpu.dma_semaphore, #tpu.memory_space<semaphore_mem>>) {add = true}
      } else {
      }
      %mul3A_473 = arith.constant 8 : i32
      %mul3A_474 = arith.muli %scan3A_455, %mul3A_473 : i32
      %add3A_475 = arith.constant 2 : i32
      %add3A_476 = arith.addi %mul3A_474, %add3A_475 : i32
      %lt3A_477 = arith.constant 125 : i32
      %lt3A_478 = arith.cmpi slt, %add3A_476, %lt3A_477 : i32
      %convert_element_type3A_479 = arith.extui %lt3A_478 : i1 to i32
      %cond3A_480 = arith.constant 0 : i32
      %cond3A_481 = arith.cmpi ne, %convert_element_type3A_479, %cond3A_480 : i32
      scf.if %cond3A_481 {
        %dma_wait3A_527 = arith.constant 0 : i32
        %dma_wait3A_528 = arith.constant 0 : i32
        %dma_wait3A_529 = tpu.memref_slice %arg2[%dma_wait3A_527, %dma_wait3A_528] : memref<10000x128xf32, #tpu.memory_space<hbm>> -> memref<10000x128xf32, #tpu.memory_space<hbm>>
        tpu.wait_indirect_dma semaphore(%arg15 : memref<!tpu.dma_semaphore, #tpu.memory_space<semaphore_mem>>) src(%dma_wait3A_529 : memref<10000x128xf32, #tpu.memory_space<hbm>>) dst(%arg19 : memref<80x128xf32, #tpu.memory_space<vmem>>)
        %add3A_530 = arith.constant 3 : i32
        %add3A_531 = arith.addi %add3A_476, %add3A_530 : i32
        %lt3A_532 = arith.constant 125 : i32
        %lt3A_533 = arith.cmpi slt, %add3A_531, %lt3A_532 : i32
        %convert_element_type3A_534 = arith.extui %lt3A_533 : i1 to i32
        %cond3A_535 = arith.constant 0 : i32
        %cond3A_536 = arith.cmpi ne, %convert_element_type3A_534, %cond3A_535 : i32
        scf.if %cond3A_536 {
          %dma_wait3A_547 = tpu.memref_slice %arg3[%mul3A_4] : memref<640000xi32, #tpu.memory_space<hbm>> -> memref<80xi32, #tpu.memory_space<hbm>>
          %dma_wait3A_548 = tpu.memref_slice %arg3[%mul3A_4] : memref<640000xi32, #tpu.memory_space<hbm>> -> memref<80xi32, #tpu.memory_space<hbm>>
          tpu.wait_dma2 semaphore(%arg16 : memref<!tpu.dma_semaphore, #tpu.memory_space<semaphore_mem>>) src(%dma_wait3A_548 : memref<80xi32, #tpu.memory_space<hbm>>) dst(%arg26 : memref<80xi32, #tpu.memory_space<vmem>>)
          %dma_wait3A_549 = tpu.memref_slice %arg3[%mul3A_4] : memref<640000xi32, #tpu.memory_space<hbm>> -> memref<80xi32, #tpu.memory_space<hbm>>
          %dma_wait3A_550 = tpu.memref_slice %arg3[%mul3A_4] : memref<640000xi32, #tpu.memory_space<hbm>> -> memref<80xi32, #tpu.memory_space<hbm>>
          tpu.wait_dma2 semaphore(%arg16 : memref<!tpu.dma_semaphore, #tpu.memory_space<semaphore_mem>>) src(%dma_wait3A_550 : memref<80xi32, #tpu.memory_space<hbm>>) dst(%arg12 : memref<80xi32, #tpu.memory_space<vmem>>)
          %gt3A = arith.constant 0 : i32
          %gt3A_551 = arith.cmpi sgt, %add3A_476, %gt3A : i32
          %convert_element_type3A_552 = arith.extui %gt3A_551 : i1 to i32
          %cond3A_553 = arith.constant 0 : i32
          %cond3A_554 = arith.cmpi ne, %convert_element_type3A_552, %cond3A_553 : i32
          scf.if %cond3A_554 {
            %dma_wait3A_558 = arith.constant 0 : i32
            %dma_wait3A_559 = arith.constant 0 : i32
            %dma_wait3A_560 = tpu.memref_slice %arg6[%dma_wait3A_558, %dma_wait3A_559] : memref<10112x128xf32, #tpu.memory_space<vmem_shared>> -> memref<10112x128xf32, #tpu.memory_space<vmem_shared>>
            tpu.wait_indirect_dma semaphore(%arg29 : memref<!tpu.dma_semaphore, #tpu.memory_space<semaphore_mem>>) src(%arg18 : memref<80x128xf32, #tpu.memory_space<vmem>>) dst(%dma_wait3A_560 : memref<10112x128xf32, #tpu.memory_space<vmem_shared>>)
          } else {
          }
          %dma_start3A_555 = arith.constant 0 : i32
          %dma_start3A_556 = arith.constant 0 : i32
          %dma_start3A_557 = tpu.memref_slice %arg2[%dma_start3A_555, %dma_start3A_556] : memref<10000x128xf32, #tpu.memory_space<hbm>> -> memref<10000x128xf32, #tpu.memory_space<hbm>>
          tpu.enqueue_indirect_dma source(%dma_start3A_557 : memref<10000x128xf32, #tpu.memory_space<hbm>>) target(%arg18 : memref<80x128xf32, #tpu.memory_space<vmem>>) offsets(%arg26 : memref<80xi32, #tpu.memory_space<vmem>>) semaphore(%arg15 : memref<!tpu.dma_semaphore, #tpu.memory_space<semaphore_mem>>)
        } else {
        }
        %add3A_537 = arith.constant 4 : i32
        %add3A_538 = arith.addi %add3A_476, %add3A_537 : i32
        %lt3A_539 = arith.constant 125 : i32
        %lt3A_540 = arith.cmpi slt, %add3A_538, %lt3A_539 : i32
        %convert_element_type3A_541 = arith.extui %lt3A_540 : i1 to i32
        %cond3A_542 = arith.constant 0 : i32
        %cond3A_543 = arith.cmpi ne, %convert_element_type3A_541, %cond3A_542 : i32
        scf.if %cond3A_543 {
          %add3A_547 = arith.constant 4 : i32
          %add3A_548 = arith.addi %add3A_476, %add3A_547 : i32
          %mul3A_549 = arith.constant 80 : i32
          %mul3A_550 = arith.muli %add3A_548, %mul3A_549 : i32
          %add3A_551 = arith.addi %mul3A_4, %mul3A_550 : i32
          %dma_start3A_552 = tpu.memref_slice %arg3[%add3A_551] : memref<640000xi32, #tpu.memory_space<hbm>> -> memref<80xi32, #tpu.memory_space<hbm>>
          %dma_start3A_553 = tpu.memref_slice %arg3[%add3A_551] : memref<640000xi32, #tpu.memory_space<hbm>> -> memref<80xi32, #tpu.memory_space<hbm>>
          tpu.enqueue_dma source(%dma_start3A_553 : memref<80xi32, #tpu.memory_space<hbm>>) target(%arg27 : memref<80xi32, #tpu.memory_space<vmem>>) target_semaphore(%arg16 : memref<!tpu.dma_semaphore, #tpu.memory_space<semaphore_mem>>)
          %add3A_554 = arith.constant 320000 : i32
          %add3A_555 = arith.addi %add3A_554, %add3A_551 : i32
          %dma_start3A_556 = tpu.memref_slice %arg3[%add3A_555] : memref<640000xi32, #tpu.memory_space<hbm>> -> memref<80xi32, #tpu.memory_space<hbm>>
          %dma_start3A_557 = tpu.memref_slice %arg3[%add3A_555] : memref<640000xi32, #tpu.memory_space<hbm>> -> memref<80xi32, #tpu.memory_space<hbm>>
          tpu.enqueue_dma source(%dma_start3A_557 : memref<80xi32, #tpu.memory_space<hbm>>) target(%arg13 : memref<80xi32, #tpu.memory_space<vmem>>) target_semaphore(%arg16 : memref<!tpu.dma_semaphore, #tpu.memory_space<semaphore_mem>>)
        } else {
        }
        %dma_start3A_544 = arith.constant 0 : i32
        %dma_start3A_545 = arith.constant 0 : i32
        %dma_start3A_546 = tpu.memref_slice %arg6[%dma_start3A_544, %dma_start3A_545] : memref<10112x128xf32, #tpu.memory_space<vmem_shared>> -> memref<10112x128xf32, #tpu.memory_space<vmem_shared>>
        tpu.enqueue_indirect_dma source(%arg19 : memref<80x128xf32, #tpu.memory_space<vmem>>) target(%dma_start3A_546 : memref<10112x128xf32, #tpu.memory_space<vmem_shared>>) offsets(%arg9 : memref<80xi32, #tpu.memory_space<vmem>>) semaphore(%arg29 : memref<!tpu.dma_semaphore, #tpu.memory_space<semaphore_mem>>) {add = true}
      } else {
      }
      %mul3A_482 = arith.constant 8 : i32
      %mul3A_483 = arith.muli %scan3A_455, %mul3A_482 : i32
      %add3A_484 = arith.constant 3 : i32
      %add3A_485 = arith.addi %mul3A_483, %add3A_484 : i32
      %lt3A_486 = arith.constant 125 : i32
      %lt3A_487 = arith.cmpi slt, %add3A_485, %lt3A_486 : i32
      %convert_element_type3A_488 = arith.extui %lt3A_487 : i1 to i32
      %cond3A_489 = arith.constant 0 : i32
      %cond3A_490 = arith.cmpi ne, %convert_element_type3A_488, %cond3A_489 : i32
      scf.if %cond3A_490 {
        %dma_wait3A_527 = arith.constant 0 : i32
        %dma_wait3A_528 = arith.constant 0 : i32
        %dma_wait3A_529 = tpu.memref_slice %arg2[%dma_wait3A_527, %dma_wait3A_528] : memref<10000x128xf32, #tpu.memory_space<hbm>> -> memref<10000x128xf32, #tpu.memory_space<hbm>>
        tpu.wait_indirect_dma semaphore(%arg15 : memref<!tpu.dma_semaphore, #tpu.memory_space<semaphore_mem>>) src(%dma_wait3A_529 : memref<10000x128xf32, #tpu.memory_space<hbm>>) dst(%arg20 : memref<80x128xf32, #tpu.memory_space<vmem>>)
        %add3A_530 = arith.constant 3 : i32
        %add3A_531 = arith.addi %add3A_485, %add3A_530 : i32
        %lt3A_532 = arith.constant 125 : i32
        %lt3A_533 = arith.cmpi slt, %add3A_531, %lt3A_532 : i32
        %convert_element_type3A_534 = arith.extui %lt3A_533 : i1 to i32
        %cond3A_535 = arith.constant 0 : i32
        %cond3A_536 = arith.cmpi ne, %convert_element_type3A_534, %cond3A_535 : i32
        scf.if %cond3A_536 {
          %dma_wait3A_547 = tpu.memref_slice %arg3[%mul3A_4] : memref<640000xi32, #tpu.memory_space<hbm>> -> memref<80xi32, #tpu.memory_space<hbm>>
          %dma_wait3A_548 = tpu.memref_slice %arg3[%mul3A_4] : memref<640000xi32, #tpu.memory_space<hbm>> -> memref<80xi32, #tpu.memory_space<hbm>>
          tpu.wait_dma2 semaphore(%arg16 : memref<!tpu.dma_semaphore, #tpu.memory_space<semaphore_mem>>) src(%dma_wait3A_548 : memref<80xi32, #tpu.memory_space<hbm>>) dst(%arg27 : memref<80xi32, #tpu.memory_space<vmem>>)
          %dma_wait3A_549 = tpu.memref_slice %arg3[%mul3A_4] : memref<640000xi32, #tpu.memory_space<hbm>> -> memref<80xi32, #tpu.memory_space<hbm>>
          %dma_wait3A_550 = tpu.memref_slice %arg3[%mul3A_4] : memref<640000xi32, #tpu.memory_space<hbm>> -> memref<80xi32, #tpu.memory_space<hbm>>
          tpu.wait_dma2 semaphore(%arg16 : memref<!tpu.dma_semaphore, #tpu.memory_space<semaphore_mem>>) src(%dma_wait3A_550 : memref<80xi32, #tpu.memory_space<hbm>>) dst(%arg13 : memref<80xi32, #tpu.memory_space<vmem>>)
          %gt3A = arith.constant 0 : i32
          %gt3A_551 = arith.cmpi sgt, %add3A_485, %gt3A : i32
          %convert_element_type3A_552 = arith.extui %gt3A_551 : i1 to i32
          %cond3A_553 = arith.constant 0 : i32
          %cond3A_554 = arith.cmpi ne, %convert_element_type3A_552, %cond3A_553 : i32
          scf.if %cond3A_554 {
            %dma_wait3A_558 = arith.constant 0 : i32
            %dma_wait3A_559 = arith.constant 0 : i32
            %dma_wait3A_560 = tpu.memref_slice %arg6[%dma_wait3A_558, %dma_wait3A_559] : memref<10112x128xf32, #tpu.memory_space<vmem_shared>> -> memref<10112x128xf32, #tpu.memory_space<vmem_shared>>
            tpu.wait_indirect_dma semaphore(%arg29 : memref<!tpu.dma_semaphore, #tpu.memory_space<semaphore_mem>>) src(%arg19 : memref<80x128xf32, #tpu.memory_space<vmem>>) dst(%dma_wait3A_560 : memref<10112x128xf32, #tpu.memory_space<vmem_shared>>)
          } else {
          }
          %dma_start3A_555 = arith.constant 0 : i32
          %dma_start3A_556 = arith.constant 0 : i32
          %dma_start3A_557 = tpu.memref_slice %arg2[%dma_start3A_555, %dma_start3A_556] : memref<10000x128xf32, #tpu.memory_space<hbm>> -> memref<10000x128xf32, #tpu.memory_space<hbm>>
          tpu.enqueue_indirect_dma source(%dma_start3A_557 : memref<10000x128xf32, #tpu.memory_space<hbm>>) target(%arg19 : memref<80x128xf32, #tpu.memory_space<vmem>>) offsets(%arg27 : memref<80xi32, #tpu.memory_space<vmem>>) semaphore(%arg15 : memref<!tpu.dma_semaphore, #tpu.memory_space<semaphore_mem>>)
        } else {
        }
        %add3A_537 = arith.constant 4 : i32
        %add3A_538 = arith.addi %add3A_485, %add3A_537 : i32
        %lt3A_539 = arith.constant 125 : i32
        %lt3A_540 = arith.cmpi slt, %add3A_538, %lt3A_539 : i32
        %convert_element_type3A_541 = arith.extui %lt3A_540 : i1 to i32
        %cond3A_542 = arith.constant 0 : i32
        %cond3A_543 = arith.cmpi ne, %convert_element_type3A_541, %cond3A_542 : i32
        scf.if %cond3A_543 {
          %add3A_547 = arith.constant 4 : i32
          %add3A_548 = arith.addi %add3A_485, %add3A_547 : i32
          %mul3A_549 = arith.constant 80 : i32
          %mul3A_550 = arith.muli %add3A_548, %mul3A_549 : i32
          %add3A_551 = arith.addi %mul3A_4, %mul3A_550 : i32
          %dma_start3A_552 = tpu.memref_slice %arg3[%add3A_551] : memref<640000xi32, #tpu.memory_space<hbm>> -> memref<80xi32, #tpu.memory_space<hbm>>
          %dma_start3A_553 = tpu.memref_slice %arg3[%add3A_551] : memref<640000xi32, #tpu.memory_space<hbm>> -> memref<80xi32, #tpu.memory_space<hbm>>
          tpu.enqueue_dma source(%dma_start3A_553 : memref<80xi32, #tpu.memory_space<hbm>>) target(%arg28 : memref<80xi32, #tpu.memory_space<vmem>>) target_semaphore(%arg16 : memref<!tpu.dma_semaphore, #tpu.memory_space<semaphore_mem>>)
          %add3A_554 = arith.constant 320000 : i32
          %add3A_555 = arith.addi %add3A_554, %add3A_551 : i32
          %dma_start3A_556 = tpu.memref_slice %arg3[%add3A_555] : memref<640000xi32, #tpu.memory_space<hbm>> -> memref<80xi32, #tpu.memory_space<hbm>>
          %dma_start3A_557 = tpu.memref_slice %arg3[%add3A_555] : memref<640000xi32, #tpu.memory_space<hbm>> -> memref<80xi32, #tpu.memory_space<hbm>>
          tpu.enqueue_dma source(%dma_start3A_557 : memref<80xi32, #tpu.memory_space<hbm>>) target(%arg14 : memref<80xi32, #tpu.memory_space<vmem>>) target_semaphore(%arg16 : memref<!tpu.dma_semaphore, #tpu.memory_space<semaphore_mem>>)
        } else {
        }
        %dma_start3A_544 = arith.constant 0 : i32
        %dma_start3A_545 = arith.constant 0 : i32
        %dma_start3A_546 = tpu.memref_slice %arg6[%dma_start3A_544, %dma_start3A_545] : memref<10112x128xf32, #tpu.memory_space<vmem_shared>> -> memref<10112x128xf32, #tpu.memory_space<vmem_shared>>
        tpu.enqueue_indirect_dma source(%arg20 : memref<80x128xf32, #tpu.memory_space<vmem>>) target(%dma_start3A_546 : memref<10112x128xf32, #tpu.memory_space<vmem_shared>>) offsets(%arg10 : memref<80xi32, #tpu.memory_space<vmem>>) semaphore(%arg29 : memref<!tpu.dma_semaphore, #tpu.memory_space<semaphore_mem>>) {add = true}
      } else {
      }
      %mul3A_491 = arith.constant 8 : i32
      %mul3A_492 = arith.muli %scan3A_455, %mul3A_491 : i32
      %add3A_493 = arith.constant 4 : i32
      %add3A_494 = arith.addi %mul3A_492, %add3A_493 : i32
      %lt3A_495 = arith.constant 125 : i32
      %lt3A_496 = arith.cmpi slt, %add3A_494, %lt3A_495 : i32
      %convert_element_type3A_497 = arith.extui %lt3A_496 : i1 to i32
      %cond3A_498 = arith.constant 0 : i32
      %cond3A_499 = arith.cmpi ne, %convert_element_type3A_497, %cond3A_498 : i32
      scf.if %cond3A_499 {
        %dma_wait3A_527 = arith.constant 0 : i32
        %dma_wait3A_528 = arith.constant 0 : i32
        %dma_wait3A_529 = tpu.memref_slice %arg2[%dma_wait3A_527, %dma_wait3A_528] : memref<10000x128xf32, #tpu.memory_space<hbm>> -> memref<10000x128xf32, #tpu.memory_space<hbm>>
        tpu.wait_indirect_dma semaphore(%arg15 : memref<!tpu.dma_semaphore, #tpu.memory_space<semaphore_mem>>) src(%dma_wait3A_529 : memref<10000x128xf32, #tpu.memory_space<hbm>>) dst(%arg17 : memref<80x128xf32, #tpu.memory_space<vmem>>)
        %add3A_530 = arith.constant 3 : i32
        %add3A_531 = arith.addi %add3A_494, %add3A_530 : i32
        %lt3A_532 = arith.constant 125 : i32
        %lt3A_533 = arith.cmpi slt, %add3A_531, %lt3A_532 : i32
        %convert_element_type3A_534 = arith.extui %lt3A_533 : i1 to i32
        %cond3A_535 = arith.constant 0 : i32
        %cond3A_536 = arith.cmpi ne, %convert_element_type3A_534, %cond3A_535 : i32
        scf.if %cond3A_536 {
          %dma_wait3A_547 = tpu.memref_slice %arg3[%mul3A_4] : memref<640000xi32, #tpu.memory_space<hbm>> -> memref<80xi32, #tpu.memory_space<hbm>>
          %dma_wait3A_548 = tpu.memref_slice %arg3[%mul3A_4] : memref<640000xi32, #tpu.memory_space<hbm>> -> memref<80xi32, #tpu.memory_space<hbm>>
          tpu.wait_dma2 semaphore(%arg16 : memref<!tpu.dma_semaphore, #tpu.memory_space<semaphore_mem>>) src(%dma_wait3A_548 : memref<80xi32, #tpu.memory_space<hbm>>) dst(%arg28 : memref<80xi32, #tpu.memory_space<vmem>>)
          %dma_wait3A_549 = tpu.memref_slice %arg3[%mul3A_4] : memref<640000xi32, #tpu.memory_space<hbm>> -> memref<80xi32, #tpu.memory_space<hbm>>
          %dma_wait3A_550 = tpu.memref_slice %arg3[%mul3A_4] : memref<640000xi32, #tpu.memory_space<hbm>> -> memref<80xi32, #tpu.memory_space<hbm>>
          tpu.wait_dma2 semaphore(%arg16 : memref<!tpu.dma_semaphore, #tpu.memory_space<semaphore_mem>>) src(%dma_wait3A_550 : memref<80xi32, #tpu.memory_space<hbm>>) dst(%arg14 : memref<80xi32, #tpu.memory_space<vmem>>)
          %gt3A = arith.constant 0 : i32
          %gt3A_551 = arith.cmpi sgt, %add3A_494, %gt3A : i32
          %convert_element_type3A_552 = arith.extui %gt3A_551 : i1 to i32
          %cond3A_553 = arith.constant 0 : i32
          %cond3A_554 = arith.cmpi ne, %convert_element_type3A_552, %cond3A_553 : i32
          scf.if %cond3A_554 {
            %dma_wait3A_558 = arith.constant 0 : i32
            %dma_wait3A_559 = arith.constant 0 : i32
            %dma_wait3A_560 = tpu.memref_slice %arg6[%dma_wait3A_558, %dma_wait3A_559] : memref<10112x128xf32, #tpu.memory_space<vmem_shared>> -> memref<10112x128xf32, #tpu.memory_space<vmem_shared>>
            tpu.wait_indirect_dma semaphore(%arg29 : memref<!tpu.dma_semaphore, #tpu.memory_space<semaphore_mem>>) src(%arg20 : memref<80x128xf32, #tpu.memory_space<vmem>>) dst(%dma_wait3A_560 : memref<10112x128xf32, #tpu.memory_space<vmem_shared>>)
          } else {
          }
          %dma_start3A_555 = arith.constant 0 : i32
          %dma_start3A_556 = arith.constant 0 : i32
          %dma_start3A_557 = tpu.memref_slice %arg2[%dma_start3A_555, %dma_start3A_556] : memref<10000x128xf32, #tpu.memory_space<hbm>> -> memref<10000x128xf32, #tpu.memory_space<hbm>>
          tpu.enqueue_indirect_dma source(%dma_start3A_557 : memref<10000x128xf32, #tpu.memory_space<hbm>>) target(%arg20 : memref<80x128xf32, #tpu.memory_space<vmem>>) offsets(%arg28 : memref<80xi32, #tpu.memory_space<vmem>>) semaphore(%arg15 : memref<!tpu.dma_semaphore, #tpu.memory_space<semaphore_mem>>)
        } else {
        }
        %add3A_537 = arith.constant 4 : i32
        %add3A_538 = arith.addi %add3A_494, %add3A_537 : i32
        %lt3A_539 = arith.constant 125 : i32
        %lt3A_540 = arith.cmpi slt, %add3A_538, %lt3A_539 : i32
        %convert_element_type3A_541 = arith.extui %lt3A_540 : i1 to i32
        %cond3A_542 = arith.constant 0 : i32
        %cond3A_543 = arith.cmpi ne, %convert_element_type3A_541, %cond3A_542 : i32
        scf.if %cond3A_543 {
          %add3A_547 = arith.constant 4 : i32
          %add3A_548 = arith.addi %add3A_494, %add3A_547 : i32
          %mul3A_549 = arith.constant 80 : i32
          %mul3A_550 = arith.muli %add3A_548, %mul3A_549 : i32
          %add3A_551 = arith.addi %mul3A_4, %mul3A_550 : i32
          %dma_start3A_552 = tpu.memref_slice %arg3[%add3A_551] : memref<640000xi32, #tpu.memory_space<hbm>> -> memref<80xi32, #tpu.memory_space<hbm>>
          %dma_start3A_553 = tpu.memref_slice %arg3[%add3A_551] : memref<640000xi32, #tpu.memory_space<hbm>> -> memref<80xi32, #tpu.memory_space<hbm>>
          tpu.enqueue_dma source(%dma_start3A_553 : memref<80xi32, #tpu.memory_space<hbm>>) target(%arg21 : memref<80xi32, #tpu.memory_space<vmem>>) target_semaphore(%arg16 : memref<!tpu.dma_semaphore, #tpu.memory_space<semaphore_mem>>)
          %add3A_554 = arith.constant 320000 : i32
          %add3A_555 = arith.addi %add3A_554, %add3A_551 : i32
          %dma_start3A_556 = tpu.memref_slice %arg3[%add3A_555] : memref<640000xi32, #tpu.memory_space<hbm>> -> memref<80xi32, #tpu.memory_space<hbm>>
          %dma_start3A_557 = tpu.memref_slice %arg3[%add3A_555] : memref<640000xi32, #tpu.memory_space<hbm>> -> memref<80xi32, #tpu.memory_space<hbm>>
          tpu.enqueue_dma source(%dma_start3A_557 : memref<80xi32, #tpu.memory_space<hbm>>) target(%arg7 : memref<80xi32, #tpu.memory_space<vmem>>) target_semaphore(%arg16 : memref<!tpu.dma_semaphore, #tpu.memory_space<semaphore_mem>>)
        } else {
        }
        %dma_start3A_544 = arith.constant 0 : i32
        %dma_start3A_545 = arith.constant 0 : i32
        %dma_start3A_546 = tpu.memref_slice %arg6[%dma_start3A_544, %dma_start3A_545] : memref<10112x128xf32, #tpu.memory_space<vmem_shared>> -> memref<10112x128xf32, #tpu.memory_space<vmem_shared>>
        tpu.enqueue_indirect_dma source(%arg17 : memref<80x128xf32, #tpu.memory_space<vmem>>) target(%dma_start3A_546 : memref<10112x128xf32, #tpu.memory_space<vmem_shared>>) offsets(%arg11 : memref<80xi32, #tpu.memory_space<vmem>>) semaphore(%arg29 : memref<!tpu.dma_semaphore, #tpu.memory_space<semaphore_mem>>) {add = true}
      } else {
      }
      %mul3A_500 = arith.constant 8 : i32
      %mul3A_501 = arith.muli %scan3A_455, %mul3A_500 : i32
      %add3A_502 = arith.constant 5 : i32
      %add3A_503 = arith.addi %mul3A_501, %add3A_502 : i32
      %lt3A_504 = arith.constant 125 : i32
      %lt3A_505 = arith.cmpi slt, %add3A_503, %lt3A_504 : i32
      %convert_element_type3A_506 = arith.extui %lt3A_505 : i1 to i32
      %cond3A_507 = arith.constant 0 : i32
      %cond3A_508 = arith.cmpi ne, %convert_element_type3A_506, %cond3A_507 : i32
      scf.if %cond3A_508 {
        %dma_wait3A_527 = arith.constant 0 : i32
        %dma_wait3A_528 = arith.constant 0 : i32
        %dma_wait3A_529 = tpu.memref_slice %arg2[%dma_wait3A_527, %dma_wait3A_528] : memref<10000x128xf32, #tpu.memory_space<hbm>> -> memref<10000x128xf32, #tpu.memory_space<hbm>>
        tpu.wait_indirect_dma semaphore(%arg15 : memref<!tpu.dma_semaphore, #tpu.memory_space<semaphore_mem>>) src(%dma_wait3A_529 : memref<10000x128xf32, #tpu.memory_space<hbm>>) dst(%arg18 : memref<80x128xf32, #tpu.memory_space<vmem>>)
        %add3A_530 = arith.constant 3 : i32
        %add3A_531 = arith.addi %add3A_503, %add3A_530 : i32
        %lt3A_532 = arith.constant 125 : i32
        %lt3A_533 = arith.cmpi slt, %add3A_531, %lt3A_532 : i32
        %convert_element_type3A_534 = arith.extui %lt3A_533 : i1 to i32
        %cond3A_535 = arith.constant 0 : i32
        %cond3A_536 = arith.cmpi ne, %convert_element_type3A_534, %cond3A_535 : i32
        scf.if %cond3A_536 {
          %dma_wait3A_547 = tpu.memref_slice %arg3[%mul3A_4] : memref<640000xi32, #tpu.memory_space<hbm>> -> memref<80xi32, #tpu.memory_space<hbm>>
          %dma_wait3A_548 = tpu.memref_slice %arg3[%mul3A_4] : memref<640000xi32, #tpu.memory_space<hbm>> -> memref<80xi32, #tpu.memory_space<hbm>>
          tpu.wait_dma2 semaphore(%arg16 : memref<!tpu.dma_semaphore, #tpu.memory_space<semaphore_mem>>) src(%dma_wait3A_548 : memref<80xi32, #tpu.memory_space<hbm>>) dst(%arg21 : memref<80xi32, #tpu.memory_space<vmem>>)
          %dma_wait3A_549 = tpu.memref_slice %arg3[%mul3A_4] : memref<640000xi32, #tpu.memory_space<hbm>> -> memref<80xi32, #tpu.memory_space<hbm>>
          %dma_wait3A_550 = tpu.memref_slice %arg3[%mul3A_4] : memref<640000xi32, #tpu.memory_space<hbm>> -> memref<80xi32, #tpu.memory_space<hbm>>
          tpu.wait_dma2 semaphore(%arg16 : memref<!tpu.dma_semaphore, #tpu.memory_space<semaphore_mem>>) src(%dma_wait3A_550 : memref<80xi32, #tpu.memory_space<hbm>>) dst(%arg7 : memref<80xi32, #tpu.memory_space<vmem>>)
          %gt3A = arith.constant 0 : i32
          %gt3A_551 = arith.cmpi sgt, %add3A_503, %gt3A : i32
          %convert_element_type3A_552 = arith.extui %gt3A_551 : i1 to i32
          %cond3A_553 = arith.constant 0 : i32
          %cond3A_554 = arith.cmpi ne, %convert_element_type3A_552, %cond3A_553 : i32
          scf.if %cond3A_554 {
            %dma_wait3A_558 = arith.constant 0 : i32
            %dma_wait3A_559 = arith.constant 0 : i32
            %dma_wait3A_560 = tpu.memref_slice %arg6[%dma_wait3A_558, %dma_wait3A_559] : memref<10112x128xf32, #tpu.memory_space<vmem_shared>> -> memref<10112x128xf32, #tpu.memory_space<vmem_shared>>
            tpu.wait_indirect_dma semaphore(%arg29 : memref<!tpu.dma_semaphore, #tpu.memory_space<semaphore_mem>>) src(%arg17 : memref<80x128xf32, #tpu.memory_space<vmem>>) dst(%dma_wait3A_560 : memref<10112x128xf32, #tpu.memory_space<vmem_shared>>)
          } else {
          }
          %dma_start3A_555 = arith.constant 0 : i32
          %dma_start3A_556 = arith.constant 0 : i32
          %dma_start3A_557 = tpu.memref_slice %arg2[%dma_start3A_555, %dma_start3A_556] : memref<10000x128xf32, #tpu.memory_space<hbm>> -> memref<10000x128xf32, #tpu.memory_space<hbm>>
          tpu.enqueue_indirect_dma source(%dma_start3A_557 : memref<10000x128xf32, #tpu.memory_space<hbm>>) target(%arg17 : memref<80x128xf32, #tpu.memory_space<vmem>>) offsets(%arg21 : memref<80xi32, #tpu.memory_space<vmem>>) semaphore(%arg15 : memref<!tpu.dma_semaphore, #tpu.memory_space<semaphore_mem>>)
        } else {
        }
        %add3A_537 = arith.constant 4 : i32
        %add3A_538 = arith.addi %add3A_503, %add3A_537 : i32
        %lt3A_539 = arith.constant 125 : i32
        %lt3A_540 = arith.cmpi slt, %add3A_538, %lt3A_539 : i32
        %convert_element_type3A_541 = arith.extui %lt3A_540 : i1 to i32
        %cond3A_542 = arith.constant 0 : i32
        %cond3A_543 = arith.cmpi ne, %convert_element_type3A_541, %cond3A_542 : i32
        scf.if %cond3A_543 {
          %add3A_547 = arith.constant 4 : i32
          %add3A_548 = arith.addi %add3A_503, %add3A_547 : i32
          %mul3A_549 = arith.constant 80 : i32
          %mul3A_550 = arith.muli %add3A_548, %mul3A_549 : i32
          %add3A_551 = arith.addi %mul3A_4, %mul3A_550 : i32
          %dma_start3A_552 = tpu.memref_slice %arg3[%add3A_551] : memref<640000xi32, #tpu.memory_space<hbm>> -> memref<80xi32, #tpu.memory_space<hbm>>
          %dma_start3A_553 = tpu.memref_slice %arg3[%add3A_551] : memref<640000xi32, #tpu.memory_space<hbm>> -> memref<80xi32, #tpu.memory_space<hbm>>
          tpu.enqueue_dma source(%dma_start3A_553 : memref<80xi32, #tpu.memory_space<hbm>>) target(%arg22 : memref<80xi32, #tpu.memory_space<vmem>>) target_semaphore(%arg16 : memref<!tpu.dma_semaphore, #tpu.memory_space<semaphore_mem>>)
          %add3A_554 = arith.constant 320000 : i32
          %add3A_555 = arith.addi %add3A_554, %add3A_551 : i32
          %dma_start3A_556 = tpu.memref_slice %arg3[%add3A_555] : memref<640000xi32, #tpu.memory_space<hbm>> -> memref<80xi32, #tpu.memory_space<hbm>>
          %dma_start3A_557 = tpu.memref_slice %arg3[%add3A_555] : memref<640000xi32, #tpu.memory_space<hbm>> -> memref<80xi32, #tpu.memory_space<hbm>>
          tpu.enqueue_dma source(%dma_start3A_557 : memref<80xi32, #tpu.memory_space<hbm>>) target(%arg8 : memref<80xi32, #tpu.memory_space<vmem>>) target_semaphore(%arg16 : memref<!tpu.dma_semaphore, #tpu.memory_space<semaphore_mem>>)
        } else {
        }
        %dma_start3A_544 = arith.constant 0 : i32
        %dma_start3A_545 = arith.constant 0 : i32
        %dma_start3A_546 = tpu.memref_slice %arg6[%dma_start3A_544, %dma_start3A_545] : memref<10112x128xf32, #tpu.memory_space<vmem_shared>> -> memref<10112x128xf32, #tpu.memory_space<vmem_shared>>
        tpu.enqueue_indirect_dma source(%arg18 : memref<80x128xf32, #tpu.memory_space<vmem>>) target(%dma_start3A_546 : memref<10112x128xf32, #tpu.memory_space<vmem_shared>>) offsets(%arg12 : memref<80xi32, #tpu.memory_space<vmem>>) semaphore(%arg29 : memref<!tpu.dma_semaphore, #tpu.memory_space<semaphore_mem>>) {add = true}
      } else {
      }
      %mul3A_509 = arith.constant 8 : i32
      %mul3A_510 = arith.muli %scan3A_455, %mul3A_509 : i32
      %add3A_511 = arith.constant 6 : i32
      %add3A_512 = arith.addi %mul3A_510, %add3A_511 : i32
      %lt3A_513 = arith.constant 125 : i32
      %lt3A_514 = arith.cmpi slt, %add3A_512, %lt3A_513 : i32
      %convert_element_type3A_515 = arith.extui %lt3A_514 : i1 to i32
      %cond3A_516 = arith.constant 0 : i32
      %cond3A_517 = arith.cmpi ne, %convert_element_type3A_515, %cond3A_516 : i32
      scf.if %cond3A_517 {
        %dma_wait3A_527 = arith.constant 0 : i32
        %dma_wait3A_528 = arith.constant 0 : i32
        %dma_wait3A_529 = tpu.memref_slice %arg2[%dma_wait3A_527, %dma_wait3A_528] : memref<10000x128xf32, #tpu.memory_space<hbm>> -> memref<10000x128xf32, #tpu.memory_space<hbm>>
        tpu.wait_indirect_dma semaphore(%arg15 : memref<!tpu.dma_semaphore, #tpu.memory_space<semaphore_mem>>) src(%dma_wait3A_529 : memref<10000x128xf32, #tpu.memory_space<hbm>>) dst(%arg19 : memref<80x128xf32, #tpu.memory_space<vmem>>)
        %add3A_530 = arith.constant 3 : i32
        %add3A_531 = arith.addi %add3A_512, %add3A_530 : i32
        %lt3A_532 = arith.constant 125 : i32
        %lt3A_533 = arith.cmpi slt, %add3A_531, %lt3A_532 : i32
        %convert_element_type3A_534 = arith.extui %lt3A_533 : i1 to i32
        %cond3A_535 = arith.constant 0 : i32
        %cond3A_536 = arith.cmpi ne, %convert_element_type3A_534, %cond3A_535 : i32
        scf.if %cond3A_536 {
          %dma_wait3A_547 = tpu.memref_slice %arg3[%mul3A_4] : memref<640000xi32, #tpu.memory_space<hbm>> -> memref<80xi32, #tpu.memory_space<hbm>>
          %dma_wait3A_548 = tpu.memref_slice %arg3[%mul3A_4] : memref<640000xi32, #tpu.memory_space<hbm>> -> memref<80xi32, #tpu.memory_space<hbm>>
          tpu.wait_dma2 semaphore(%arg16 : memref<!tpu.dma_semaphore, #tpu.memory_space<semaphore_mem>>) src(%dma_wait3A_548 : memref<80xi32, #tpu.memory_space<hbm>>) dst(%arg22 : memref<80xi32, #tpu.memory_space<vmem>>)
          %dma_wait3A_549 = tpu.memref_slice %arg3[%mul3A_4] : memref<640000xi32, #tpu.memory_space<hbm>> -> memref<80xi32, #tpu.memory_space<hbm>>
          %dma_wait3A_550 = tpu.memref_slice %arg3[%mul3A_4] : memref<640000xi32, #tpu.memory_space<hbm>> -> memref<80xi32, #tpu.memory_space<hbm>>
          tpu.wait_dma2 semaphore(%arg16 : memref<!tpu.dma_semaphore, #tpu.memory_space<semaphore_mem>>) src(%dma_wait3A_550 : memref<80xi32, #tpu.memory_space<hbm>>) dst(%arg8 : memref<80xi32, #tpu.memory_space<vmem>>)
          %gt3A = arith.constant 0 : i32
          %gt3A_551 = arith.cmpi sgt, %add3A_512, %gt3A : i32
          %convert_element_type3A_552 = arith.extui %gt3A_551 : i1 to i32
          %cond3A_553 = arith.constant 0 : i32
          %cond3A_554 = arith.cmpi ne, %convert_element_type3A_552, %cond3A_553 : i32
          scf.if %cond3A_554 {
            %dma_wait3A_558 = arith.constant 0 : i32
            %dma_wait3A_559 = arith.constant 0 : i32
            %dma_wait3A_560 = tpu.memref_slice %arg6[%dma_wait3A_558, %dma_wait3A_559] : memref<10112x128xf32, #tpu.memory_space<vmem_shared>> -> memref<10112x128xf32, #tpu.memory_space<vmem_shared>>
            tpu.wait_indirect_dma semaphore(%arg29 : memref<!tpu.dma_semaphore, #tpu.memory_space<semaphore_mem>>) src(%arg18 : memref<80x128xf32, #tpu.memory_space<vmem>>) dst(%dma_wait3A_560 : memref<10112x128xf32, #tpu.memory_space<vmem_shared>>)
          } else {
          }
          %dma_start3A_555 = arith.constant 0 : i32
          %dma_start3A_556 = arith.constant 0 : i32
          %dma_start3A_557 = tpu.memref_slice %arg2[%dma_start3A_555, %dma_start3A_556] : memref<10000x128xf32, #tpu.memory_space<hbm>> -> memref<10000x128xf32, #tpu.memory_space<hbm>>
          tpu.enqueue_indirect_dma source(%dma_start3A_557 : memref<10000x128xf32, #tpu.memory_space<hbm>>) target(%arg18 : memref<80x128xf32, #tpu.memory_space<vmem>>) offsets(%arg22 : memref<80xi32, #tpu.memory_space<vmem>>) semaphore(%arg15 : memref<!tpu.dma_semaphore, #tpu.memory_space<semaphore_mem>>)
        } else {
        }
        %add3A_537 = arith.constant 4 : i32
        %add3A_538 = arith.addi %add3A_512, %add3A_537 : i32
        %lt3A_539 = arith.constant 125 : i32
        %lt3A_540 = arith.cmpi slt, %add3A_538, %lt3A_539 : i32
        %convert_element_type3A_541 = arith.extui %lt3A_540 : i1 to i32
        %cond3A_542 = arith.constant 0 : i32
        %cond3A_543 = arith.cmpi ne, %convert_element_type3A_541, %cond3A_542 : i32
        scf.if %cond3A_543 {
          %add3A_547 = arith.constant 4 : i32
          %add3A_548 = arith.addi %add3A_512, %add3A_547 : i32
          %mul3A_549 = arith.constant 80 : i32
          %mul3A_550 = arith.muli %add3A_548, %mul3A_549 : i32
          %add3A_551 = arith.addi %mul3A_4, %mul3A_550 : i32
          %dma_start3A_552 = tpu.memref_slice %arg3[%add3A_551] : memref<640000xi32, #tpu.memory_space<hbm>> -> memref<80xi32, #tpu.memory_space<hbm>>
          %dma_start3A_553 = tpu.memref_slice %arg3[%add3A_551] : memref<640000xi32, #tpu.memory_space<hbm>> -> memref<80xi32, #tpu.memory_space<hbm>>
          tpu.enqueue_dma source(%dma_start3A_553 : memref<80xi32, #tpu.memory_space<hbm>>) target(%arg23 : memref<80xi32, #tpu.memory_space<vmem>>) target_semaphore(%arg16 : memref<!tpu.dma_semaphore, #tpu.memory_space<semaphore_mem>>)
          %add3A_554 = arith.constant 320000 : i32
          %add3A_555 = arith.addi %add3A_554, %add3A_551 : i32
          %dma_start3A_556 = tpu.memref_slice %arg3[%add3A_555] : memref<640000xi32, #tpu.memory_space<hbm>> -> memref<80xi32, #tpu.memory_space<hbm>>
          %dma_start3A_557 = tpu.memref_slice %arg3[%add3A_555] : memref<640000xi32, #tpu.memory_space<hbm>> -> memref<80xi32, #tpu.memory_space<hbm>>
          tpu.enqueue_dma source(%dma_start3A_557 : memref<80xi32, #tpu.memory_space<hbm>>) target(%arg9 : memref<80xi32, #tpu.memory_space<vmem>>) target_semaphore(%arg16 : memref<!tpu.dma_semaphore, #tpu.memory_space<semaphore_mem>>)
        } else {
        }
        %dma_start3A_544 = arith.constant 0 : i32
        %dma_start3A_545 = arith.constant 0 : i32
        %dma_start3A_546 = tpu.memref_slice %arg6[%dma_start3A_544, %dma_start3A_545] : memref<10112x128xf32, #tpu.memory_space<vmem_shared>> -> memref<10112x128xf32, #tpu.memory_space<vmem_shared>>
        tpu.enqueue_indirect_dma source(%arg19 : memref<80x128xf32, #tpu.memory_space<vmem>>) target(%dma_start3A_546 : memref<10112x128xf32, #tpu.memory_space<vmem_shared>>) offsets(%arg13 : memref<80xi32, #tpu.memory_space<vmem>>) semaphore(%arg29 : memref<!tpu.dma_semaphore, #tpu.memory_space<semaphore_mem>>) {add = true}
      } else {
      }
      %mul3A_518 = arith.constant 8 : i32
      %mul3A_519 = arith.muli %scan3A_455, %mul3A_518 : i32
      %add3A_520 = arith.constant 7 : i32
      %add3A_521 = arith.addi %mul3A_519, %add3A_520 : i32
      %lt3A_522 = arith.constant 125 : i32
      %lt3A_523 = arith.cmpi slt, %add3A_521, %lt3A_522 : i32
      %convert_element_type3A_524 = arith.extui %lt3A_523 : i1 to i32
      %cond3A_525 = arith.constant 0 : i32
      %cond3A_526 = arith.cmpi ne, %convert_element_type3A_524, %cond3A_525 : i32
      scf.if %cond3A_526 {
        %dma_wait3A_527 = arith.constant 0 : i32
        %dma_wait3A_528 = arith.constant 0 : i32
        %dma_wait3A_529 = tpu.memref_slice %arg2[%dma_wait3A_527, %dma_wait3A_528] : memref<10000x128xf32, #tpu.memory_space<hbm>> -> memref<10000x128xf32, #tpu.memory_space<hbm>>
        tpu.wait_indirect_dma semaphore(%arg15 : memref<!tpu.dma_semaphore, #tpu.memory_space<semaphore_mem>>) src(%dma_wait3A_529 : memref<10000x128xf32, #tpu.memory_space<hbm>>) dst(%arg20 : memref<80x128xf32, #tpu.memory_space<vmem>>)
        %add3A_530 = arith.constant 3 : i32
        %add3A_531 = arith.addi %add3A_521, %add3A_530 : i32
        %lt3A_532 = arith.constant 125 : i32
        %lt3A_533 = arith.cmpi slt, %add3A_531, %lt3A_532 : i32
        %convert_element_type3A_534 = arith.extui %lt3A_533 : i1 to i32
        %cond3A_535 = arith.constant 0 : i32
        %cond3A_536 = arith.cmpi ne, %convert_element_type3A_534, %cond3A_535 : i32
        scf.if %cond3A_536 {
          %dma_wait3A_547 = tpu.memref_slice %arg3[%mul3A_4] : memref<640000xi32, #tpu.memory_space<hbm>> -> memref<80xi32, #tpu.memory_space<hbm>>
          %dma_wait3A_548 = tpu.memref_slice %arg3[%mul3A_4] : memref<640000xi32, #tpu.memory_space<hbm>> -> memref<80xi32, #tpu.memory_space<hbm>>
          tpu.wait_dma2 semaphore(%arg16 : memref<!tpu.dma_semaphore, #tpu.memory_space<semaphore_mem>>) src(%dma_wait3A_548 : memref<80xi32, #tpu.memory_space<hbm>>) dst(%arg23 : memref<80xi32, #tpu.memory_space<vmem>>)
          %dma_wait3A_549 = tpu.memref_slice %arg3[%mul3A_4] : memref<640000xi32, #tpu.memory_space<hbm>> -> memref<80xi32, #tpu.memory_space<hbm>>
          %dma_wait3A_550 = tpu.memref_slice %arg3[%mul3A_4] : memref<640000xi32, #tpu.memory_space<hbm>> -> memref<80xi32, #tpu.memory_space<hbm>>
          tpu.wait_dma2 semaphore(%arg16 : memref<!tpu.dma_semaphore, #tpu.memory_space<semaphore_mem>>) src(%dma_wait3A_550 : memref<80xi32, #tpu.memory_space<hbm>>) dst(%arg9 : memref<80xi32, #tpu.memory_space<vmem>>)
          %gt3A = arith.constant 0 : i32
          %gt3A_551 = arith.cmpi sgt, %add3A_521, %gt3A : i32
          %convert_element_type3A_552 = arith.extui %gt3A_551 : i1 to i32
          %cond3A_553 = arith.constant 0 : i32
          %cond3A_554 = arith.cmpi ne, %convert_element_type3A_552, %cond3A_553 : i32
          scf.if %cond3A_554 {
            %dma_wait3A_558 = arith.constant 0 : i32
            %dma_wait3A_559 = arith.constant 0 : i32
            %dma_wait3A_560 = tpu.memref_slice %arg6[%dma_wait3A_558, %dma_wait3A_559] : memref<10112x128xf32, #tpu.memory_space<vmem_shared>> -> memref<10112x128xf32, #tpu.memory_space<vmem_shared>>
            tpu.wait_indirect_dma semaphore(%arg29 : memref<!tpu.dma_semaphore, #tpu.memory_space<semaphore_mem>>) src(%arg19 : memref<80x128xf32, #tpu.memory_space<vmem>>) dst(%dma_wait3A_560 : memref<10112x128xf32, #tpu.memory_space<vmem_shared>>)
          } else {
          }
          %dma_start3A_555 = arith.constant 0 : i32
          %dma_start3A_556 = arith.constant 0 : i32
          %dma_start3A_557 = tpu.memref_slice %arg2[%dma_start3A_555, %dma_start3A_556] : memref<10000x128xf32, #tpu.memory_space<hbm>> -> memref<10000x128xf32, #tpu.memory_space<hbm>>
          tpu.enqueue_indirect_dma source(%dma_start3A_557 : memref<10000x128xf32, #tpu.memory_space<hbm>>) target(%arg19 : memref<80x128xf32, #tpu.memory_space<vmem>>) offsets(%arg23 : memref<80xi32, #tpu.memory_space<vmem>>) semaphore(%arg15 : memref<!tpu.dma_semaphore, #tpu.memory_space<semaphore_mem>>)
        } else {
        }
        %add3A_537 = arith.constant 4 : i32
        %add3A_538 = arith.addi %add3A_521, %add3A_537 : i32
        %lt3A_539 = arith.constant 125 : i32
        %lt3A_540 = arith.cmpi slt, %add3A_538, %lt3A_539 : i32
        %convert_element_type3A_541 = arith.extui %lt3A_540 : i1 to i32
        %cond3A_542 = arith.constant 0 : i32
        %cond3A_543 = arith.cmpi ne, %convert_element_type3A_541, %cond3A_542 : i32
        scf.if %cond3A_543 {
          %add3A_547 = arith.constant 4 : i32
          %add3A_548 = arith.addi %add3A_521, %add3A_547 : i32
          %mul3A_549 = arith.constant 80 : i32
          %mul3A_550 = arith.muli %add3A_548, %mul3A_549 : i32
          %add3A_551 = arith.addi %mul3A_4, %mul3A_550 : i32
          %dma_start3A_552 = tpu.memref_slice %arg3[%add3A_551] : memref<640000xi32, #tpu.memory_space<hbm>> -> memref<80xi32, #tpu.memory_space<hbm>>
          %dma_start3A_553 = tpu.memref_slice %arg3[%add3A_551] : memref<640000xi32, #tpu.memory_space<hbm>> -> memref<80xi32, #tpu.memory_space<hbm>>
          tpu.enqueue_dma source(%dma_start3A_553 : memref<80xi32, #tpu.memory_space<hbm>>) target(%arg24 : memref<80xi32, #tpu.memory_space<vmem>>) target_semaphore(%arg16 : memref<!tpu.dma_semaphore, #tpu.memory_space<semaphore_mem>>)
          %add3A_554 = arith.constant 320000 : i32
          %add3A_555 = arith.addi %add3A_554, %add3A_551 : i32
          %dma_start3A_556 = tpu.memref_slice %arg3[%add3A_555] : memref<640000xi32, #tpu.memory_space<hbm>> -> memref<80xi32, #tpu.memory_space<hbm>>
          %dma_start3A_557 = tpu.memref_slice %arg3[%add3A_555] : memref<640000xi32, #tpu.memory_space<hbm>> -> memref<80xi32, #tpu.memory_space<hbm>>
          tpu.enqueue_dma source(%dma_start3A_557 : memref<80xi32, #tpu.memory_space<hbm>>) target(%arg10 : memref<80xi32, #tpu.memory_space<vmem>>) target_semaphore(%arg16 : memref<!tpu.dma_semaphore, #tpu.memory_space<semaphore_mem>>)
        } else {
        }
        %dma_start3A_544 = arith.constant 0 : i32
        %dma_start3A_545 = arith.constant 0 : i32
        %dma_start3A_546 = tpu.memref_slice %arg6[%dma_start3A_544, %dma_start3A_545] : memref<10112x128xf32, #tpu.memory_space<vmem_shared>> -> memref<10112x128xf32, #tpu.memory_space<vmem_shared>>
        tpu.enqueue_indirect_dma source(%arg20 : memref<80x128xf32, #tpu.memory_space<vmem>>) target(%dma_start3A_546 : memref<10112x128xf32, #tpu.memory_space<vmem_shared>>) offsets(%arg14 : memref<80xi32, #tpu.memory_space<vmem>>) semaphore(%arg29 : memref<!tpu.dma_semaphore, #tpu.memory_space<semaphore_mem>>) {add = true}
      } else {
      }
    }
    %scan3A_435 = arith.constant 16 : i32
    %dma_wait3A = arith.constant 0 : i32
    %dma_wait3A_436 = arith.constant 0 : i32
    %dma_wait3A_437 = tpu.memref_slice %arg6[%dma_wait3A, %dma_wait3A_436] : memref<10112x128xf32, #tpu.memory_space<vmem_shared>> -> memref<10112x128xf32, #tpu.memory_space<vmem_shared>>
    tpu.wait_indirect_dma semaphore(%arg29 : memref<!tpu.dma_semaphore, #tpu.memory_space<semaphore_mem>>) src(%arg17 : memref<80x128xf32, #tpu.memory_space<vmem>>) dst(%dma_wait3A_437 : memref<10112x128xf32, #tpu.memory_space<vmem_shared>>)
    %dma_wait3A_438 = arith.constant 0 : i32
    %dma_wait3A_439 = arith.constant 0 : i32
    %dma_wait3A_440 = tpu.memref_slice %arg6[%dma_wait3A_438, %dma_wait3A_439] : memref<10112x128xf32, #tpu.memory_space<vmem_shared>> -> memref<10112x128xf32, #tpu.memory_space<vmem_shared>>
    tpu.wait_indirect_dma semaphore(%arg29 : memref<!tpu.dma_semaphore, #tpu.memory_space<semaphore_mem>>) src(%arg17 : memref<80x128xf32, #tpu.memory_space<vmem>>) dst(%dma_wait3A_440 : memref<10112x128xf32, #tpu.memory_space<vmem_shared>>)
    %dma_wait3A_441 = arith.constant 0 : i32
    %dma_wait3A_442 = arith.constant 0 : i32
    %dma_wait3A_443 = tpu.memref_slice %arg6[%dma_wait3A_441, %dma_wait3A_442] : memref<10112x128xf32, #tpu.memory_space<vmem_shared>> -> memref<10112x128xf32, #tpu.memory_space<vmem_shared>>
    tpu.wait_indirect_dma semaphore(%arg29 : memref<!tpu.dma_semaphore, #tpu.memory_space<semaphore_mem>>) src(%arg17 : memref<80x128xf32, #tpu.memory_space<vmem>>) dst(%dma_wait3A_443 : memref<10112x128xf32, #tpu.memory_space<vmem_shared>>)
    %dma_wait3A_444 = arith.constant 0 : i32
    %dma_wait3A_445 = arith.constant 0 : i32
    %dma_wait3A_446 = tpu.memref_slice %arg6[%dma_wait3A_444, %dma_wait3A_445] : memref<10112x128xf32, #tpu.memory_space<vmem_shared>> -> memref<10112x128xf32, #tpu.memory_space<vmem_shared>>
    tpu.wait_indirect_dma semaphore(%arg29 : memref<!tpu.dma_semaphore, #tpu.memory_space<semaphore_mem>>) src(%arg17 : memref<80x128xf32, #tpu.memory_space<vmem>>) dst(%dma_wait3A_446 : memref<10112x128xf32, #tpu.memory_space<vmem_shared>>)
    %barrier3A_447 = arith.constant 0 : index
    tpu.barrier barrier_id(%barrier3A_447)
    %eq3A = arith.constant 0 : i32
    %eq3A_448 = arith.cmpi eq, %arg0, %eq3A : i32
    %convert_element_type3A = arith.extui %eq3A_448 : i1 to i32
    %cond3A = arith.constant 0 : i32
    %cond3A_449 = arith.cmpi ne, %convert_element_type3A, %cond3A : i32
    scf.if %cond3A_449 {
      "tpu.region"() ({
        %run_scoped3A = tpu.sem_alloc : memref<!tpu.dma_semaphore, #tpu.memory_space<semaphore_mem>>
        %dma_start3A_455 = arith.constant 0 : i32
        %dma_start3A_456 = tpu.memref_slice %arg4[%mul3A_2, %dma_start3A_455] : memref<10112x128xf32, #tpu.memory_space<hbm>> -> memref<632x128xf32, #tpu.memory_space<hbm>>
        %dma_start3A_457 = arith.constant 0 : i32
        %dma_start3A_458 = tpu.memref_slice %arg6[%mul3A_2, %dma_start3A_457] : memref<10112x128xf32, #tpu.memory_space<vmem_shared>> -> memref<632x128xf32, #tpu.memory_space<vmem_shared>>
        tpu.enqueue_dma source(%dma_start3A_458 : memref<632x128xf32, #tpu.memory_space<vmem_shared>>) target(%dma_start3A_456 : memref<632x128xf32, #tpu.memory_space<hbm>>) target_semaphore(%run_scoped3A : memref<!tpu.dma_semaphore, #tpu.memory_space<semaphore_mem>>)
        %dma_wait3A_459 = arith.constant 0 : i32
        %dma_wait3A_460 = tpu.memref_slice %arg4[%mul3A_2, %dma_wait3A_459] : memref<10112x128xf32, #tpu.memory_space<hbm>> -> memref<632x128xf32, #tpu.memory_space<hbm>>
        %dma_wait3A_461 = arith.constant 0 : i32
        %dma_wait3A_462 = tpu.memref_slice %arg6[%mul3A_2, %dma_wait3A_461] : memref<10112x128xf32, #tpu.memory_space<vmem_shared>> -> memref<632x128xf32, #tpu.memory_space<vmem_shared>>
        tpu.wait_dma2 semaphore(%run_scoped3A : memref<!tpu.dma_semaphore, #tpu.memory_space<semaphore_mem>>) src(%dma_wait3A_462 : memref<632x128xf32, #tpu.memory_space<vmem_shared>>) dst(%dma_wait3A_460 : memref<632x128xf32, #tpu.memory_space<hbm>>)
        tpu.yield
      }) : () -> ()
    } else {
    }
    %eq3A_450 = arith.constant 1 : i32
    %eq3A_451 = arith.cmpi eq, %arg0, %eq3A_450 : i32
    %convert_element_type3A_452 = arith.extui %eq3A_451 : i1 to i32
    %cond3A_453 = arith.constant 0 : i32
    %cond3A_454 = arith.cmpi ne, %convert_element_type3A_452, %cond3A_453 : i32
    scf.if %cond3A_454 {
      "tpu.region"() ({
        %run_scoped3A = tpu.sem_alloc : memref<!tpu.dma_semaphore, #tpu.memory_space<semaphore_mem>>
        %dma_start3A_455 = arith.constant 0 : i32
        %dma_start3A_456 = tpu.memref_slice %arg5[%mul3A_2, %dma_start3A_455] : memref<10112x128xf32, #tpu.memory_space<hbm>> -> memref<632x128xf32, #tpu.memory_space<hbm>>
        %dma_start3A_457 = arith.constant 0 : i32
        %dma_start3A_458 = tpu.memref_slice %arg6[%mul3A_2, %dma_start3A_457] : memref<10112x128xf32, #tpu.memory_space<vmem_shared>> -> memref<632x128xf32, #tpu.memory_space<vmem_shared>>
        tpu.enqueue_dma source(%dma_start3A_458 : memref<632x128xf32, #tpu.memory_space<vmem_shared>>) target(%dma_start3A_456 : memref<632x128xf32, #tpu.memory_space<hbm>>) target_semaphore(%run_scoped3A : memref<!tpu.dma_semaphore, #tpu.memory_space<semaphore_mem>>)
        %dma_wait3A_459 = arith.constant 0 : i32
        %dma_wait3A_460 = tpu.memref_slice %arg5[%mul3A_2, %dma_wait3A_459] : memref<10112x128xf32, #tpu.memory_space<hbm>> -> memref<632x128xf32, #tpu.memory_space<hbm>>
        %dma_wait3A_461 = arith.constant 0 : i32
        %dma_wait3A_462 = tpu.memref_slice %arg6[%mul3A_2, %dma_wait3A_461] : memref<10112x128xf32, #tpu.memory_space<vmem_shared>> -> memref<632x128xf32, #tpu.memory_space<vmem_shared>>
        tpu.wait_dma2 semaphore(%run_scoped3A : memref<!tpu.dma_semaphore, #tpu.memory_space<semaphore_mem>>) src(%dma_wait3A_462 : memref<632x128xf32, #tpu.memory_space<vmem_shared>>) dst(%dma_wait3A_460 : memref<632x128xf32, #tpu.memory_space<hbm>>)
        tpu.yield
      }) : () -> ()
    } else {
    }
    return
  }
}

#map = affine_map<(d0, d1) -> (0, 0)>
#map1 = affine_map<(d0, d1) -> (0)>
module attributes {stable_mosaic.version = 14 : i64} {
  func.func @_sc_segsum_body(%arg0: i32, %arg1: i32, %arg2: memref<10000x128xf32, #tpu.memory_space<hbm>>, %arg3: memref<640000xi32, #tpu.memory_space<hbm>>, %arg4: memref<10112x128xf32, #tpu.memory_space<hbm>>, %arg5: memref<10112x128xf32, #tpu.memory_space<hbm>>, %arg6: memref<10112x128xf32, #tpu.memory_space<vmem_shared>>, %arg7: memref<80xi32, #tpu.memory_space<vmem>>, %arg8: memref<80xi32, #tpu.memory_space<vmem>>, %arg9: memref<80xi32, #tpu.memory_space<vmem>>, %arg10: memref<80xi32, #tpu.memory_space<vmem>>, %arg11: memref<80xi32, #tpu.memory_space<vmem>>, %arg12: memref<80xi32, #tpu.memory_space<vmem>>, %arg13: memref<80xi32, #tpu.memory_space<vmem>>, %arg14: memref<80xi32, #tpu.memory_space<vmem>>, %arg15: memref<!tpu.dma_semaphore, #tpu.memory_space<semaphore_mem>>, %arg16: memref<!tpu.dma_semaphore, #tpu.memory_space<semaphore_mem>>, %arg17: memref<80x128xf32, #tpu.memory_space<vmem>>, %arg18: memref<80x128xf32, #tpu.memory_space<vmem>>, %arg19: memref<80x128xf32, #tpu.memory_space<vmem>>, %arg20: memref<80x128xf32, #tpu.memory_space<vmem>>, %arg21: memref<80xi32, #tpu.memory_space<vmem>>, %arg22: memref<80xi32, #tpu.memory_space<vmem>>, %arg23: memref<80xi32, #tpu.memory_space<vmem>>, %arg24: memref<80xi32, #tpu.memory_space<vmem>>, %arg25: memref<80xi32, #tpu.memory_space<vmem>>, %arg26: memref<80xi32, #tpu.memory_space<vmem>>, %arg27: memref<80xi32, #tpu.memory_space<vmem>>, %arg28: memref<80xi32, #tpu.memory_space<vmem>>, %arg29: memref<!tpu.dma_semaphore, #tpu.memory_space<semaphore_mem>>, %arg30: memref<8x128xf32, #tpu.memory_space<vmem>>) attributes {dimension_semantics = [#tpu.dimension_semantics<core_parallel>, #tpu.dimension_semantics<subcore_parallel>], iteration_bounds = array<i64: 2, 16>, scalar_prefetch = 0 : i64, scratch_operands = 25 : i64, tpu.core_type = #tpu.core_type<sc_vector_subcore>, window_params = [{transform_indices = #map}, {transform_indices = #map1}, {transform_indices = #map}, {transform_indices = #map}]} {
    %mul3A = arith.constant 2 : i32
    %mul3A_0 = arith.muli %arg1, %mul3A : i32
    %add3A = arith.addi %mul3A_0, %arg0 : i32
    %mul3A_1 = arith.constant 632 : i32
    %mul3A_2 = arith.muli %arg1, %mul3A_1 : i32
    %mul3A_3 = arith.constant 10000 : i32
    %mul3A_4 = arith.muli %add3A, %mul3A_3 : i32
    %add3A_5 = arith.constant 0 : i32
    %add3A_6 = arith.addi %mul3A_4, %add3A_5 : i32
    "tpu.region"() ({
      %run_scoped3A = tpu.sem_alloc : memref<!tpu.dma_semaphore, #tpu.memory_space<semaphore_mem>>
      %dma_start3A_455 = tpu.memref_slice %arg3[%add3A_6] : memref<640000xi32, #tpu.memory_space<hbm>> -> memref<80xi32, #tpu.memory_space<hbm>>
      %dma_start3A_456 = tpu.memref_slice %arg3[%add3A_6] : memref<640000xi32, #tpu.memory_space<hbm>> -> memref<80xi32, #tpu.memory_space<hbm>>
      tpu.enqueue_dma source(%dma_start3A_456 : memref<80xi32, #tpu.memory_space<hbm>>) target(%arg21 : memref<80xi32, #tpu.memory_space<vmem>>) target_semaphore(%run_scoped3A : memref<!tpu.dma_semaphore, #tpu.memory_space<semaphore_mem>>)
      %dma_wait3A_457 = tpu.memref_slice %arg3[%add3A_6] : memref<640000xi32, #tpu.memory_space<hbm>> -> memref<80xi32, #tpu.memory_space<hbm>>
      %dma_wait3A_458 = tpu.memref_slice %arg3[%add3A_6] : memref<640000xi32, #tpu.memory_space<hbm>> -> memref<80xi32, #tpu.memory_space<hbm>>
      tpu.wait_dma2 semaphore(%run_scoped3A : memref<!tpu.dma_semaphore, #tpu.memory_space<semaphore_mem>>) src(%dma_wait3A_458 : memref<80xi32, #tpu.memory_space<hbm>>) dst(%arg21 : memref<80xi32, #tpu.memory_space<vmem>>)
      tpu.yield
    }) : () -> ()
    %add3A_7 = arith.constant 320000 : i32
    %add3A_8 = arith.addi %add3A_7, %mul3A_4 : i32
    %add3A_9 = arith.constant 0 : i32
    %add3A_10 = arith.addi %add3A_8, %add3A_9 : i32
    "tpu.region"() ({
      %run_scoped3A = tpu.sem_alloc : memref<!tpu.dma_semaphore, #tpu.memory_space<semaphore_mem>>
      %dma_start3A_455 = tpu.memref_slice %arg3[%add3A_10] : memref<640000xi32, #tpu.memory_space<hbm>> -> memref<80xi32, #tpu.memory_space<hbm>>
      %dma_start3A_456 = tpu.memref_slice %arg3[%add3A_10] : memref<640000xi32, #tpu.memory_space<hbm>> -> memref<80xi32, #tpu.memory_space<hbm>>
      tpu.enqueue_dma source(%dma_start3A_456 : memref<80xi32, #tpu.memory_space<hbm>>) target(%arg7 : memref<80xi32, #tpu.memory_space<vmem>>) target_semaphore(%run_scoped3A : memref<!tpu.dma_semaphore, #tpu.memory_space<semaphore_mem>>)
      %dma_wait3A_457 = tpu.memref_slice %arg3[%add3A_10] : memref<640000xi32, #tpu.memory_space<hbm>> -> memref<80xi32, #tpu.memory_space<hbm>>
      %dma_wait3A_458 = tpu.memref_slice %arg3[%add3A_10] : memref<640000xi32, #tpu.memory_space<hbm>> -> memref<80xi32, #tpu.memory_space<hbm>>
      tpu.wait_dma2 semaphore(%run_scoped3A : memref<!tpu.dma_semaphore, #tpu.memory_space<semaphore_mem>>) src(%dma_wait3A_458 : memref<80xi32, #tpu.memory_space<hbm>>) dst(%arg7 : memref<80xi32, #tpu.memory_space<vmem>>)
      tpu.yield
    }) : () -> ()
    %add3A_11 = arith.constant 80 : i32
    %add3A_12 = arith.addi %mul3A_4, %add3A_11 : i32
    "tpu.region"() ({
      %run_scoped3A = tpu.sem_alloc : memref<!tpu.dma_semaphore, #tpu.memory_space<semaphore_mem>>
      %dma_start3A_455 = tpu.memref_slice %arg3[%add3A_12] : memref<640000xi32, #tpu.memory_space<hbm>> -> memref<80xi32, #tpu.memory_space<hbm>>
      %dma_start3A_456 = tpu.memref_slice %arg3[%add3A_12] : memref<640000xi32, #tpu.memory_space<hbm>> -> memref<80xi32, #tpu.memory_space<hbm>>
      tpu.enqueue_dma source(%dma_start3A_456 : memref<80xi32, #tpu.memory_space<hbm>>) target(%arg22 : memref<80xi32, #tpu.memory_space<vmem>>) target_semaphore(%run_scoped3A : memref<!tpu.dma_semaphore, #tpu.memory_space<semaphore_mem>>)
      %dma_wait3A_457 = tpu.memref_slice %arg3[%add3A_12] : memref<640000xi32, #tpu.memory_space<hbm>> -> memref<80xi32, #tpu.memory_space<hbm>>
      %dma_wait3A_458 = tpu.memref_slice %arg3[%add3A_12] : memref<640000xi32, #tpu.memory_space<hbm>> -> memref<80xi32, #tpu.memory_space<hbm>>
      tpu.wait_dma2 semaphore(%run_scoped3A : memref<!tpu.dma_semaphore, #tpu.memory_space<semaphore_mem>>) src(%dma_wait3A_458 : memref<80xi32, #tpu.memory_space<hbm>>) dst(%arg22 : memref<80xi32, #tpu.memory_space<vmem>>)
      tpu.yield
    }) : () -> ()
    %add3A_13 = arith.constant 320000 : i32
    %add3A_14 = arith.addi %add3A_13, %mul3A_4 : i32
    %add3A_15 = arith.constant 80 : i32
    %add3A_16 = arith.addi %add3A_14, %add3A_15 : i32
    "tpu.region"() ({
      %run_scoped3A = tpu.sem_alloc : memref<!tpu.dma_semaphore, #tpu.memory_space<semaphore_mem>>
      %dma_start3A_455 = tpu.memref_slice %arg3[%add3A_16] : memref<640000xi32, #tpu.memory_space<hbm>> -> memref<80xi32, #tpu.memory_space<hbm>>
      %dma_start3A_456 = tpu.memref_slice %arg3[%add3A_16] : memref<640000xi32, #tpu.memory_space<hbm>> -> memref<80xi32, #tpu.memory_space<hbm>>
      tpu.enqueue_dma source(%dma_start3A_456 : memref<80xi32, #tpu.memory_space<hbm>>) target(%arg8 : memref<80xi32, #tpu.memory_space<vmem>>) target_semaphore(%run_scoped3A : memref<!tpu.dma_semaphore, #tpu.memory_space<semaphore_mem>>)
      %dma_wait3A_457 = tpu.memref_slice %arg3[%add3A_16] : memref<640000xi32, #tpu.memory_space<hbm>> -> memref<80xi32, #tpu.memory_space<hbm>>
      %dma_wait3A_458 = tpu.memref_slice %arg3[%add3A_16] : memref<640000xi32, #tpu.memory_space<hbm>> -> memref<80xi32, #tpu.memory_space<hbm>>
      tpu.wait_dma2 semaphore(%run_scoped3A : memref<!tpu.dma_semaphore, #tpu.memory_space<semaphore_mem>>) src(%dma_wait3A_458 : memref<80xi32, #tpu.memory_space<hbm>>) dst(%arg8 : memref<80xi32, #tpu.memory_space<vmem>>)
      tpu.yield
    }) : () -> ()
    %add3A_17 = arith.constant 160 : i32
    %add3A_18 = arith.addi %mul3A_4, %add3A_17 : i32
    "tpu.region"() ({
      %run_scoped3A = tpu.sem_alloc : memref<!tpu.dma_semaphore, #tpu.memory_space<semaphore_mem>>
      %dma_start3A_455 = tpu.memref_slice %arg3[%add3A_18] : memref<640000xi32, #tpu.memory_space<hbm>> -> memref<80xi32, #tpu.memory_space<hbm>>
      %dma_start3A_456 = tpu.memref_slice %arg3[%add3A_18] : memref<640000xi32, #tpu.memory_space<hbm>> -> memref<80xi32, #tpu.memory_space<hbm>>
      tpu.enqueue_dma source(%dma_start3A_456 : memref<80xi32, #tpu.memory_space<hbm>>) target(%arg23 : memref<80xi32, #tpu.memory_space<vmem>>) target_semaphore(%run_scoped3A : memref<!tpu.dma_semaphore, #tpu.memory_space<semaphore_mem>>)
      %dma_wait3A_457 = tpu.memref_slice %arg3[%add3A_18] : memref<640000xi32, #tpu.memory_space<hbm>> -> memref<80xi32, #tpu.memory_space<hbm>>
      %dma_wait3A_458 = tpu.memref_slice %arg3[%add3A_18] : memref<640000xi32, #tpu.memory_space<hbm>> -> memref<80xi32, #tpu.memory_space<hbm>>
      tpu.wait_dma2 semaphore(%run_scoped3A : memref<!tpu.dma_semaphore, #tpu.memory_space<semaphore_mem>>) src(%dma_wait3A_458 : memref<80xi32, #tpu.memory_space<hbm>>) dst(%arg23 : memref<80xi32, #tpu.memory_space<vmem>>)
      tpu.yield
    }) : () -> ()
    %add3A_19 = arith.constant 320000 : i32
    %add3A_20 = arith.addi %add3A_19, %mul3A_4 : i32
    %add3A_21 = arith.constant 160 : i32
    %add3A_22 = arith.addi %add3A_20, %add3A_21 : i32
    "tpu.region"() ({
      %run_scoped3A = tpu.sem_alloc : memref<!tpu.dma_semaphore, #tpu.memory_space<semaphore_mem>>
      %dma_start3A_455 = tpu.memref_slice %arg3[%add3A_22] : memref<640000xi32, #tpu.memory_space<hbm>> -> memref<80xi32, #tpu.memory_space<hbm>>
      %dma_start3A_456 = tpu.memref_slice %arg3[%add3A_22] : memref<640000xi32, #tpu.memory_space<hbm>> -> memref<80xi32, #tpu.memory_space<hbm>>
      tpu.enqueue_dma source(%dma_start3A_456 : memref<80xi32, #tpu.memory_space<hbm>>) target(%arg9 : memref<80xi32, #tpu.memory_space<vmem>>) target_semaphore(%run_scoped3A : memref<!tpu.dma_semaphore, #tpu.memory_space<semaphore_mem>>)
      %dma_wait3A_457 = tpu.memref_slice %arg3[%add3A_22] : memref<640000xi32, #tpu.memory_space<hbm>> -> memref<80xi32, #tpu.memory_space<hbm>>
      %dma_wait3A_458 = tpu.memref_slice %arg3[%add3A_22] : memref<640000xi32, #tpu.memory_space<hbm>> -> memref<80xi32, #tpu.memory_space<hbm>>
      tpu.wait_dma2 semaphore(%run_scoped3A : memref<!tpu.dma_semaphore, #tpu.memory_space<semaphore_mem>>) src(%dma_wait3A_458 : memref<80xi32, #tpu.memory_space<hbm>>) dst(%arg9 : memref<80xi32, #tpu.memory_space<vmem>>)
      tpu.yield
    }) : () -> ()
    %add3A_23 = arith.constant 240 : i32
    %add3A_24 = arith.addi %mul3A_4, %add3A_23 : i32
    %dma_start3A = tpu.memref_slice %arg3[%add3A_24] : memref<640000xi32, #tpu.memory_space<hbm>> -> memref<80xi32, #tpu.memory_space<hbm>>
    %dma_start3A_25 = tpu.memref_slice %arg3[%add3A_24] : memref<640000xi32, #tpu.memory_space<hbm>> -> memref<80xi32, #tpu.memory_space<hbm>>
    tpu.enqueue_dma source(%dma_start3A_25 : memref<80xi32, #tpu.memory_space<hbm>>) target(%arg24 : memref<80xi32, #tpu.memory_space<vmem>>) target_semaphore(%arg16 : memref<!tpu.dma_semaphore, #tpu.memory_space<semaphore_mem>>)
    %add3A_26 = arith.constant 320000 : i32
    %add3A_27 = arith.addi %add3A_26, %mul3A_4 : i32
    %add3A_28 = arith.constant 240 : i32
    %add3A_29 = arith.addi %add3A_27, %add3A_28 : i32
    %dma_start3A_30 = tpu.memref_slice %arg3[%add3A_29] : memref<640000xi32, #tpu.memory_space<hbm>> -> memref<80xi32, #tpu.memory_space<hbm>>
    %dma_start3A_31 = tpu.memref_slice %arg3[%add3A_29] : memref<640000xi32, #tpu.memory_space<hbm>> -> memref<80xi32, #tpu.memory_space<hbm>>
    tpu.enqueue_dma source(%dma_start3A_31 : memref<80xi32, #tpu.memory_space<hbm>>) target(%arg10 : memref<80xi32, #tpu.memory_space<vmem>>) target_semaphore(%arg16 : memref<!tpu.dma_semaphore, #tpu.memory_space<semaphore_mem>>)
    %dma_start3A_32 = arith.constant 0 : i32
    %dma_start3A_33 = arith.constant 0 : i32
    %dma_start3A_34 = tpu.memref_slice %arg2[%dma_start3A_32, %dma_start3A_33] : memref<10000x128xf32, #tpu.memory_space<hbm>> -> memref<10000x128xf32, #tpu.memory_space<hbm>>
    tpu.enqueue_indirect_dma source(%dma_start3A_34 : memref<10000x128xf32, #tpu.memory_space<hbm>>) target(%arg17 : memref<80x128xf32, #tpu.memory_space<vmem>>) offsets(%arg21 : memref<80xi32, #tpu.memory_space<vmem>>) semaphore(%arg15 : memref<!tpu.dma_semaphore, #tpu.memory_space<semaphore_mem>>)
    %dma_start3A_35 = arith.constant 0 : i32
    %dma_start3A_36 = arith.constant 0 : i32
    %dma_start3A_37 = tpu.memref_slice %arg2[%dma_start3A_35, %dma_start3A_36] : memref<10000x128xf32, #tpu.memory_space<hbm>> -> memref<10000x128xf32, #tpu.memory_space<hbm>>
    tpu.enqueue_indirect_dma source(%dma_start3A_37 : memref<10000x128xf32, #tpu.memory_space<hbm>>) target(%arg18 : memref<80x128xf32, #tpu.memory_space<vmem>>) offsets(%arg22 : memref<80xi32, #tpu.memory_space<vmem>>) semaphore(%arg15 : memref<!tpu.dma_semaphore, #tpu.memory_space<semaphore_mem>>)
    %dma_start3A_38 = arith.constant 0 : i32
    %dma_start3A_39 = arith.constant 0 : i32
    %dma_start3A_40 = tpu.memref_slice %arg2[%dma_start3A_38, %dma_start3A_39] : memref<10000x128xf32, #tpu.memory_space<hbm>> -> memref<10000x128xf32, #tpu.memory_space<hbm>>
    tpu.enqueue_indirect_dma source(%dma_start3A_40 : memref<10000x128xf32, #tpu.memory_space<hbm>>) target(%arg19 : memref<80x128xf32, #tpu.memory_space<vmem>>) offsets(%arg23 : memref<80xi32, #tpu.memory_space<vmem>>) semaphore(%arg15 : memref<!tpu.dma_semaphore, #tpu.memory_space<semaphore_mem>>)
    %broadcast_in_dim3A = arith.constant 0.000000e+00 : f32
    %broadcast_in_dim3A_41 = vector.broadcast %broadcast_in_dim3A : f32 to vector<16xf32>
    %swap3A = arith.constant 0 : i32
    %swap3A_42 = arith.index_cast %swap3A : i32 to index
    %swap3A_43 = arith.constant 0 : index
    %swap3A_44 = tpu.vector_load %arg30[%swap3A_42, %swap3A_43] {strides = array<i32>} : memref<8x128xf32, #tpu.memory_space<vmem>>, vector<1x16xf32>,
    %swap3A_45 = vector.shape_cast %swap3A_44 : vector<1x16xf32> to vector<16xf32>
    %swap3A_46 = vector.shape_cast %broadcast_in_dim3A_41 : vector<16xf32> to vector<1x16xf32>
    tpu.vector_store %arg30[%swap3A_42, %swap3A_43], %swap3A_46 {strides = array<i32>} : memref<8x128xf32, #tpu.memory_space<vmem>>, vector<1x16xf32>,
    %swap3A_47 = arith.constant 0 : i32
    %swap3A_48 = arith.index_cast %swap3A_47 : i32 to index
    %swap3A_49 = arith.constant 16 : index
    %swap3A_50 = tpu.vector_load %arg30[%swap3A_48, %swap3A_49] {strides = array<i32>} : memref<8x128xf32, #tpu.memory_space<vmem>>, vector<1x16xf32>,
    %swap3A_51 = vector.shape_cast %swap3A_50 : vector<1x16xf32> to vector<16xf32>
    %swap3A_52 = vector.shape_cast %broadcast_in_dim3A_41 : vector<16xf32> to vector<1x16xf32>
    tpu.vector_store %arg30[%swap3A_48, %swap3A_49], %swap3A_52 {strides = array<i32>} : memref<8x128xf32, #tpu.memory_space<vmem>>, vector<1x16xf32>,
    %swap3A_53 = arith.constant 0 : i32
    %swap3A_54 = arith.index_cast %swap3A_53 : i32 to index
    %swap3A_55 = arith.constant 32 : index
    %swap3A_56 = tpu.vector_load %arg30[%swap3A_54, %swap3A_55] {strides = array<i32>} : memref<8x128xf32, #tpu.memory_space<vmem>>, vector<1x16xf32>,
    %swap3A_57 = vector.shape_cast %swap3A_56 : vector<1x16xf32> to vector<16xf32>
    %swap3A_58 = vector.shape_cast %broadcast_in_dim3A_41 : vector<16xf32> to vector<1x16xf32>
    tpu.vector_store %arg30[%swap3A_54, %swap3A_55], %swap3A_58 {strides = array<i32>} : memref<8x128xf32, #tpu.memory_space<vmem>>, vector<1x16xf32>,
    %swap3A_59 = arith.constant 0 : i32
    %swap3A_60 = arith.index_cast %swap3A_59 : i32 to index
    %swap3A_61 = arith.constant 48 : index
    %swap3A_62 = tpu.vector_load %arg30[%swap3A_60, %swap3A_61] {strides = array<i32>} : memref<8x128xf32, #tpu.memory_space<vmem>>, vector<1x16xf32>,
    %swap3A_63 = vector.shape_cast %swap3A_62 : vector<1x16xf32> to vector<16xf32>
    %swap3A_64 = vector.shape_cast %broadcast_in_dim3A_41 : vector<16xf32> to vector<1x16xf32>
    tpu.vector_store %arg30[%swap3A_60, %swap3A_61], %swap3A_64 {strides = array<i32>} : memref<8x128xf32, #tpu.memory_space<vmem>>, vector<1x16xf32>,
    %swap3A_65 = arith.constant 0 : i32
    %swap3A_66 = arith.index_cast %swap3A_65 : i32 to index
    %swap3A_67 = arith.constant 64 : index
    %swap3A_68 = tpu.vector_load %arg30[%swap3A_66, %swap3A_67] {strides = array<i32>} : memref<8x128xf32, #tpu.memory_space<vmem>>, vector<1x16xf32>,
    %swap3A_69 = vector.shape_cast %swap3A_68 : vector<1x16xf32> to vector<16xf32>
    %swap3A_70 = vector.shape_cast %broadcast_in_dim3A_41 : vector<16xf32> to vector<1x16xf32>
    tpu.vector_store %arg30[%swap3A_66, %swap3A_67], %swap3A_70 {strides = array<i32>} : memref<8x128xf32, #tpu.memory_space<vmem>>, vector<1x16xf32>,
    %swap3A_71 = arith.constant 0 : i32
    %swap3A_72 = arith.index_cast %swap3A_71 : i32 to index
    %swap3A_73 = arith.constant 80 : index
    %swap3A_74 = tpu.vector_load %arg30[%swap3A_72, %swap3A_73] {strides = array<i32>} : memref<8x128xf32, #tpu.memory_space<vmem>>, vector<1x16xf32>,
    %swap3A_75 = vector.shape_cast %swap3A_74 : vector<1x16xf32> to vector<16xf32>
    %swap3A_76 = vector.shape_cast %broadcast_in_dim3A_41 : vector<16xf32> to vector<1x16xf32>
    tpu.vector_store %arg30[%swap3A_72, %swap3A_73], %swap3A_76 {strides = array<i32>} : memref<8x128xf32, #tpu.memory_space<vmem>>, vector<1x16xf32>,
    %swap3A_77 = arith.constant 0 : i32
    %swap3A_78 = arith.index_cast %swap3A_77 : i32 to index
    %swap3A_79 = arith.constant 96 : index
    %swap3A_80 = tpu.vector_load %arg30[%swap3A_78, %swap3A_79] {strides = array<i32>} : memref<8x128xf32, #tpu.memory_space<vmem>>, vector<1x16xf32>,
    %swap3A_81 = vector.shape_cast %swap3A_80 : vector<1x16xf32> to vector<16xf32>
    %swap3A_82 = vector.shape_cast %broadcast_in_dim3A_41 : vector<16xf32> to vector<1x16xf32>
    tpu.vector_store %arg30[%swap3A_78, %swap3A_79], %swap3A_82 {strides = array<i32>} : memref<8x128xf32, #tpu.memory_space<vmem>>, vector<1x16xf32>,
    %swap3A_83 = arith.constant 0 : i32
    %swap3A_84 = arith.index_cast %swap3A_83 : i32 to index
    %swap3A_85 = arith.constant 112 : index
    %swap3A_86 = tpu.vector_load %arg30[%swap3A_84, %swap3A_85] {strides = array<i32>} : memref<8x128xf32, #tpu.memory_space<vmem>>, vector<1x16xf32>,
    %swap3A_87 = vector.shape_cast %swap3A_86 : vector<1x16xf32> to vector<16xf32>
    %swap3A_88 = vector.shape_cast %broadcast_in_dim3A_41 : vector<16xf32> to vector<1x16xf32>
    tpu.vector_store %arg30[%swap3A_84, %swap3A_85], %swap3A_88 {strides = array<i32>} : memref<8x128xf32, #tpu.memory_space<vmem>>, vector<1x16xf32>,
    %swap3A_89 = arith.constant 1 : i32
    %swap3A_90 = arith.index_cast %swap3A_89 : i32 to index
    %swap3A_91 = arith.constant 0 : index
    %swap3A_92 = tpu.vector_load %arg30[%swap3A_90, %swap3A_91] {strides = array<i32>} : memref<8x128xf32, #tpu.memory_space<vmem>>, vector<1x16xf32>,
    %swap3A_93 = vector.shape_cast %swap3A_92 : vector<1x16xf32> to vector<16xf32>
    %swap3A_94 = vector.shape_cast %broadcast_in_dim3A_41 : vector<16xf32> to vector<1x16xf32>
    tpu.vector_store %arg30[%swap3A_90, %swap3A_91], %swap3A_94 {strides = array<i32>} : memref<8x128xf32, #tpu.memory_space<vmem>>, vector<1x16xf32>,
    %swap3A_95 = arith.constant 1 : i32
    %swap3A_96 = arith.index_cast %swap3A_95 : i32 to index
    %swap3A_97 = arith.constant 16 : index
    %swap3A_98 = tpu.vector_load %arg30[%swap3A_96, %swap3A_97] {strides = array<i32>} : memref<8x128xf32, #tpu.memory_space<vmem>>, vector<1x16xf32>,
    %swap3A_99 = vector.shape_cast %swap3A_98 : vector<1x16xf32> to vector<16xf32>
    %swap3A_100 = vector.shape_cast %broadcast_in_dim3A_41 : vector<16xf32> to vector<1x16xf32>
    tpu.vector_store %arg30[%swap3A_96, %swap3A_97], %swap3A_100 {strides = array<i32>} : memref<8x128xf32, #tpu.memory_space<vmem>>, vector<1x16xf32>,
    %swap3A_101 = arith.constant 1 : i32
    %swap3A_102 = arith.index_cast %swap3A_101 : i32 to index
    %swap3A_103 = arith.constant 32 : index
    %swap3A_104 = tpu.vector_load %arg30[%swap3A_102, %swap3A_103] {strides = array<i32>} : memref<8x128xf32, #tpu.memory_space<vmem>>, vector<1x16xf32>,
    %swap3A_105 = vector.shape_cast %swap3A_104 : vector<1x16xf32> to vector<16xf32>
    %swap3A_106 = vector.shape_cast %broadcast_in_dim3A_41 : vector<16xf32> to vector<1x16xf32>
    tpu.vector_store %arg30[%swap3A_102, %swap3A_103], %swap3A_106 {strides = array<i32>} : memref<8x128xf32, #tpu.memory_space<vmem>>, vector<1x16xf32>,
    %swap3A_107 = arith.constant 1 : i32
    %swap3A_108 = arith.index_cast %swap3A_107 : i32 to index
    %swap3A_109 = arith.constant 48 : index
    %swap3A_110 = tpu.vector_load %arg30[%swap3A_108, %swap3A_109] {strides = array<i32>} : memref<8x128xf32, #tpu.memory_space<vmem>>, vector<1x16xf32>,
    %swap3A_111 = vector.shape_cast %swap3A_110 : vector<1x16xf32> to vector<16xf32>
    %swap3A_112 = vector.shape_cast %broadcast_in_dim3A_41 : vector<16xf32> to vector<1x16xf32>
    tpu.vector_store %arg30[%swap3A_108, %swap3A_109], %swap3A_112 {strides = array<i32>} : memref<8x128xf32, #tpu.memory_space<vmem>>, vector<1x16xf32>,
    %swap3A_113 = arith.constant 1 : i32
    %swap3A_114 = arith.index_cast %swap3A_113 : i32 to index
    %swap3A_115 = arith.constant 64 : index
    %swap3A_116 = tpu.vector_load %arg30[%swap3A_114, %swap3A_115] {strides = array<i32>} : memref<8x128xf32, #tpu.memory_space<vmem>>, vector<1x16xf32>,
    %swap3A_117 = vector.shape_cast %swap3A_116 : vector<1x16xf32> to vector<16xf32>
    %swap3A_118 = vector.shape_cast %broadcast_in_dim3A_41 : vector<16xf32> to vector<1x16xf32>
    tpu.vector_store %arg30[%swap3A_114, %swap3A_115], %swap3A_118 {strides = array<i32>} : memref<8x128xf32, #tpu.memory_space<vmem>>, vector<1x16xf32>,
    %swap3A_119 = arith.constant 1 : i32
    %swap3A_120 = arith.index_cast %swap3A_119 : i32 to index
    %swap3A_121 = arith.constant 80 : index
    %swap3A_122 = tpu.vector_load %arg30[%swap3A_120, %swap3A_121] {strides = array<i32>} : memref<8x128xf32, #tpu.memory_space<vmem>>, vector<1x16xf32>,
    %swap3A_123 = vector.shape_cast %swap3A_122 : vector<1x16xf32> to vector<16xf32>
    %swap3A_124 = vector.shape_cast %broadcast_in_dim3A_41 : vector<16xf32> to vector<1x16xf32>
    tpu.vector_store %arg30[%swap3A_120, %swap3A_121], %swap3A_124 {strides = array<i32>} : memref<8x128xf32, #tpu.memory_space<vmem>>, vector<1x16xf32>,
    %swap3A_125 = arith.constant 1 : i32
    %swap3A_126 = arith.index_cast %swap3A_125 : i32 to index
    %swap3A_127 = arith.constant 96 : index
    %swap3A_128 = tpu.vector_load %arg30[%swap3A_126, %swap3A_127] {strides = array<i32>} : memref<8x128xf32, #tpu.memory_space<vmem>>, vector<1x16xf32>,
    %swap3A_129 = vector.shape_cast %swap3A_128 : vector<1x16xf32> to vector<16xf32>
    %swap3A_130 = vector.shape_cast %broadcast_in_dim3A_41 : vector<16xf32> to vector<1x16xf32>
    tpu.vector_store %arg30[%swap3A_126, %swap3A_127], %swap3A_130 {strides = array<i32>} : memref<8x128xf32, #tpu.memory_space<vmem>>, vector<1x16xf32>,
    %swap3A_131 = arith.constant 1 : i32
    %swap3A_132 = arith.index_cast %swap3A_131 : i32 to index
    %swap3A_133 = arith.constant 112 : index
    %swap3A_134 = tpu.vector_load %arg30[%swap3A_132, %swap3A_133] {strides = array<i32>} : memref<8x128xf32, #tpu.memory_space<vmem>>, vector<1x16xf32>,
    %swap3A_135 = vector.shape_cast %swap3A_134 : vector<1x16xf32> to vector<16xf32>
    %swap3A_136 = vector.shape_cast %broadcast_in_dim3A_41 : vector<16xf32> to vector<1x16xf32>
    tpu.vector_store %arg30[%swap3A_132, %swap3A_133], %swap3A_136 {strides = array<i32>} : memref<8x128xf32, #tpu.memory_space<vmem>>, vector<1x16xf32>,
    %swap3A_137 = arith.constant 2 : i32
    %swap3A_138 = arith.index_cast %swap3A_137 : i32 to index
    %swap3A_139 = arith.constant 0 : index
    %swap3A_140 = tpu.vector_load %arg30[%swap3A_138, %swap3A_139] {strides = array<i32>} : memref<8x128xf32, #tpu.memory_space<vmem>>, vector<1x16xf32>,
    %swap3A_141 = vector.shape_cast %swap3A_140 : vector<1x16xf32> to vector<16xf32>
    %swap3A_142 = vector.shape_cast %broadcast_in_dim3A_41 : vector<16xf32> to vector<1x16xf32>
    tpu.vector_store %arg30[%swap3A_138, %swap3A_139], %swap3A_142 {strides = array<i32>} : memref<8x128xf32, #tpu.memory_space<vmem>>, vector<1x16xf32>,
    %swap3A_143 = arith.constant 2 : i32
    %swap3A_144 = arith.index_cast %swap3A_143 : i32 to index
    %swap3A_145 = arith.constant 16 : index
    %swap3A_146 = tpu.vector_load %arg30[%swap3A_144, %swap3A_145] {strides = array<i32>} : memref<8x128xf32, #tpu.memory_space<vmem>>, vector<1x16xf32>,
    %swap3A_147 = vector.shape_cast %swap3A_146 : vector<1x16xf32> to vector<16xf32>
    %swap3A_148 = vector.shape_cast %broadcast_in_dim3A_41 : vector<16xf32> to vector<1x16xf32>
    tpu.vector_store %arg30[%swap3A_144, %swap3A_145], %swap3A_148 {strides = array<i32>} : memref<8x128xf32, #tpu.memory_space<vmem>>, vector<1x16xf32>,
    %swap3A_149 = arith.constant 2 : i32
    %swap3A_150 = arith.index_cast %swap3A_149 : i32 to index
    %swap3A_151 = arith.constant 32 : index
    %swap3A_152 = tpu.vector_load %arg30[%swap3A_150, %swap3A_151] {strides = array<i32>} : memref<8x128xf32, #tpu.memory_space<vmem>>, vector<1x16xf32>,
    %swap3A_153 = vector.shape_cast %swap3A_152 : vector<1x16xf32> to vector<16xf32>
    %swap3A_154 = vector.shape_cast %broadcast_in_dim3A_41 : vector<16xf32> to vector<1x16xf32>
    tpu.vector_store %arg30[%swap3A_150, %swap3A_151], %swap3A_154 {strides = array<i32>} : memref<8x128xf32, #tpu.memory_space<vmem>>, vector<1x16xf32>,
    %swap3A_155 = arith.constant 2 : i32
    %swap3A_156 = arith.index_cast %swap3A_155 : i32 to index
    %swap3A_157 = arith.constant 48 : index
    %swap3A_158 = tpu.vector_load %arg30[%swap3A_156, %swap3A_157] {strides = array<i32>} : memref<8x128xf32, #tpu.memory_space<vmem>>, vector<1x16xf32>,
    %swap3A_159 = vector.shape_cast %swap3A_158 : vector<1x16xf32> to vector<16xf32>
    %swap3A_160 = vector.shape_cast %broadcast_in_dim3A_41 : vector<16xf32> to vector<1x16xf32>
    tpu.vector_store %arg30[%swap3A_156, %swap3A_157], %swap3A_160 {strides = array<i32>} : memref<8x128xf32, #tpu.memory_space<vmem>>, vector<1x16xf32>,
    %swap3A_161 = arith.constant 2 : i32
    %swap3A_162 = arith.index_cast %swap3A_161 : i32 to index
    %swap3A_163 = arith.constant 64 : index
    %swap3A_164 = tpu.vector_load %arg30[%swap3A_162, %swap3A_163] {strides = array<i32>} : memref<8x128xf32, #tpu.memory_space<vmem>>, vector<1x16xf32>,
    %swap3A_165 = vector.shape_cast %swap3A_164 : vector<1x16xf32> to vector<16xf32>
    %swap3A_166 = vector.shape_cast %broadcast_in_dim3A_41 : vector<16xf32> to vector<1x16xf32>
    tpu.vector_store %arg30[%swap3A_162, %swap3A_163], %swap3A_166 {strides = array<i32>} : memref<8x128xf32, #tpu.memory_space<vmem>>, vector<1x16xf32>,
    %swap3A_167 = arith.constant 2 : i32
    %swap3A_168 = arith.index_cast %swap3A_167 : i32 to index
    %swap3A_169 = arith.constant 80 : index
    %swap3A_170 = tpu.vector_load %arg30[%swap3A_168, %swap3A_169] {strides = array<i32>} : memref<8x128xf32, #tpu.memory_space<vmem>>, vector<1x16xf32>,
    %swap3A_171 = vector.shape_cast %swap3A_170 : vector<1x16xf32> to vector<16xf32>
    %swap3A_172 = vector.shape_cast %broadcast_in_dim3A_41 : vector<16xf32> to vector<1x16xf32>
    tpu.vector_store %arg30[%swap3A_168, %swap3A_169], %swap3A_172 {strides = array<i32>} : memref<8x128xf32, #tpu.memory_space<vmem>>, vector<1x16xf32>,
    %swap3A_173 = arith.constant 2 : i32
    %swap3A_174 = arith.index_cast %swap3A_173 : i32 to index
    %swap3A_175 = arith.constant 96 : index
    %swap3A_176 = tpu.vector_load %arg30[%swap3A_174, %swap3A_175] {strides = array<i32>} : memref<8x128xf32, #tpu.memory_space<vmem>>, vector<1x16xf32>,
    %swap3A_177 = vector.shape_cast %swap3A_176 : vector<1x16xf32> to vector<16xf32>
    %swap3A_178 = vector.shape_cast %broadcast_in_dim3A_41 : vector<16xf32> to vector<1x16xf32>
    tpu.vector_store %arg30[%swap3A_174, %swap3A_175], %swap3A_178 {strides = array<i32>} : memref<8x128xf32, #tpu.memory_space<vmem>>, vector<1x16xf32>,
    %swap3A_179 = arith.constant 2 : i32
    %swap3A_180 = arith.index_cast %swap3A_179 : i32 to index
    %swap3A_181 = arith.constant 112 : index
    %swap3A_182 = tpu.vector_load %arg30[%swap3A_180, %swap3A_181] {strides = array<i32>} : memref<8x128xf32, #tpu.memory_space<vmem>>, vector<1x16xf32>,
    %swap3A_183 = vector.shape_cast %swap3A_182 : vector<1x16xf32> to vector<16xf32>
    %swap3A_184 = vector.shape_cast %broadcast_in_dim3A_41 : vector<16xf32> to vector<1x16xf32>
    tpu.vector_store %arg30[%swap3A_180, %swap3A_181], %swap3A_184 {strides = array<i32>} : memref<8x128xf32, #tpu.memory_space<vmem>>, vector<1x16xf32>,
    %swap3A_185 = arith.constant 3 : i32
    %swap3A_186 = arith.index_cast %swap3A_185 : i32 to index
    %swap3A_187 = arith.constant 0 : index
    %swap3A_188 = tpu.vector_load %arg30[%swap3A_186, %swap3A_187] {strides = array<i32>} : memref<8x128xf32, #tpu.memory_space<vmem>>, vector<1x16xf32>,
    %swap3A_189 = vector.shape_cast %swap3A_188 : vector<1x16xf32> to vector<16xf32>
    %swap3A_190 = vector.shape_cast %broadcast_in_dim3A_41 : vector<16xf32> to vector<1x16xf32>
    tpu.vector_store %arg30[%swap3A_186, %swap3A_187], %swap3A_190 {strides = array<i32>} : memref<8x128xf32, #tpu.memory_space<vmem>>, vector<1x16xf32>,
    %swap3A_191 = arith.constant 3 : i32
    %swap3A_192 = arith.index_cast %swap3A_191 : i32 to index
    %swap3A_193 = arith.constant 16 : index
    %swap3A_194 = tpu.vector_load %arg30[%swap3A_192, %swap3A_193] {strides = array<i32>} : memref<8x128xf32, #tpu.memory_space<vmem>>, vector<1x16xf32>,
    %swap3A_195 = vector.shape_cast %swap3A_194 : vector<1x16xf32> to vector<16xf32>
    %swap3A_196 = vector.shape_cast %broadcast_in_dim3A_41 : vector<16xf32> to vector<1x16xf32>
    tpu.vector_store %arg30[%swap3A_192, %swap3A_193], %swap3A_196 {strides = array<i32>} : memref<8x128xf32, #tpu.memory_space<vmem>>, vector<1x16xf32>,
    %swap3A_197 = arith.constant 3 : i32
    %swap3A_198 = arith.index_cast %swap3A_197 : i32 to index
    %swap3A_199 = arith.constant 32 : index
    %swap3A_200 = tpu.vector_load %arg30[%swap3A_198, %swap3A_199] {strides = array<i32>} : memref<8x128xf32, #tpu.memory_space<vmem>>, vector<1x16xf32>,
    %swap3A_201 = vector.shape_cast %swap3A_200 : vector<1x16xf32> to vector<16xf32>
    %swap3A_202 = vector.shape_cast %broadcast_in_dim3A_41 : vector<16xf32> to vector<1x16xf32>
    tpu.vector_store %arg30[%swap3A_198, %swap3A_199], %swap3A_202 {strides = array<i32>} : memref<8x128xf32, #tpu.memory_space<vmem>>, vector<1x16xf32>,
    %swap3A_203 = arith.constant 3 : i32
    %swap3A_204 = arith.index_cast %swap3A_203 : i32 to index
    %swap3A_205 = arith.constant 48 : index
    %swap3A_206 = tpu.vector_load %arg30[%swap3A_204, %swap3A_205] {strides = array<i32>} : memref<8x128xf32, #tpu.memory_space<vmem>>, vector<1x16xf32>,
    %swap3A_207 = vector.shape_cast %swap3A_206 : vector<1x16xf32> to vector<16xf32>
    %swap3A_208 = vector.shape_cast %broadcast_in_dim3A_41 : vector<16xf32> to vector<1x16xf32>
    tpu.vector_store %arg30[%swap3A_204, %swap3A_205], %swap3A_208 {strides = array<i32>} : memref<8x128xf32, #tpu.memory_space<vmem>>, vector<1x16xf32>,
    %swap3A_209 = arith.constant 3 : i32
    %swap3A_210 = arith.index_cast %swap3A_209 : i32 to index
    %swap3A_211 = arith.constant 64 : index
    %swap3A_212 = tpu.vector_load %arg30[%swap3A_210, %swap3A_211] {strides = array<i32>} : memref<8x128xf32, #tpu.memory_space<vmem>>, vector<1x16xf32>,
    %swap3A_213 = vector.shape_cast %swap3A_212 : vector<1x16xf32> to vector<16xf32>
    %swap3A_214 = vector.shape_cast %broadcast_in_dim3A_41 : vector<16xf32> to vector<1x16xf32>
    tpu.vector_store %arg30[%swap3A_210, %swap3A_211], %swap3A_214 {strides = array<i32>} : memref<8x128xf32, #tpu.memory_space<vmem>>, vector<1x16xf32>,
    %swap3A_215 = arith.constant 3 : i32
    %swap3A_216 = arith.index_cast %swap3A_215 : i32 to index
    %swap3A_217 = arith.constant 80 : index
    %swap3A_218 = tpu.vector_load %arg30[%swap3A_216, %swap3A_217] {strides = array<i32>} : memref<8x128xf32, #tpu.memory_space<vmem>>, vector<1x16xf32>,
    %swap3A_219 = vector.shape_cast %swap3A_218 : vector<1x16xf32> to vector<16xf32>
    %swap3A_220 = vector.shape_cast %broadcast_in_dim3A_41 : vector<16xf32> to vector<1x16xf32>
    tpu.vector_store %arg30[%swap3A_216, %swap3A_217], %swap3A_220 {strides = array<i32>} : memref<8x128xf32, #tpu.memory_space<vmem>>, vector<1x16xf32>,
    %swap3A_221 = arith.constant 3 : i32
    %swap3A_222 = arith.index_cast %swap3A_221 : i32 to index
    %swap3A_223 = arith.constant 96 : index
    %swap3A_224 = tpu.vector_load %arg30[%swap3A_222, %swap3A_223] {strides = array<i32>} : memref<8x128xf32, #tpu.memory_space<vmem>>, vector<1x16xf32>,
    %swap3A_225 = vector.shape_cast %swap3A_224 : vector<1x16xf32> to vector<16xf32>
    %swap3A_226 = vector.shape_cast %broadcast_in_dim3A_41 : vector<16xf32> to vector<1x16xf32>
    tpu.vector_store %arg30[%swap3A_222, %swap3A_223], %swap3A_226 {strides = array<i32>} : memref<8x128xf32, #tpu.memory_space<vmem>>, vector<1x16xf32>,
    %swap3A_227 = arith.constant 3 : i32
    %swap3A_228 = arith.index_cast %swap3A_227 : i32 to index
    %swap3A_229 = arith.constant 112 : index
    %swap3A_230 = tpu.vector_load %arg30[%swap3A_228, %swap3A_229] {strides = array<i32>} : memref<8x128xf32, #tpu.memory_space<vmem>>, vector<1x16xf32>,
    %swap3A_231 = vector.shape_cast %swap3A_230 : vector<1x16xf32> to vector<16xf32>
    %swap3A_232 = vector.shape_cast %broadcast_in_dim3A_41 : vector<16xf32> to vector<1x16xf32>
    tpu.vector_store %arg30[%swap3A_228, %swap3A_229], %swap3A_232 {strides = array<i32>} : memref<8x128xf32, #tpu.memory_space<vmem>>, vector<1x16xf32>,
    %swap3A_233 = arith.constant 4 : i32
    %swap3A_234 = arith.index_cast %swap3A_233 : i32 to index
    %swap3A_235 = arith.constant 0 : index
    %swap3A_236 = tpu.vector_load %arg30[%swap3A_234, %swap3A_235] {strides = array<i32>} : memref<8x128xf32, #tpu.memory_space<vmem>>, vector<1x16xf32>,
    %swap3A_237 = vector.shape_cast %swap3A_236 : vector<1x16xf32> to vector<16xf32>
    %swap3A_238 = vector.shape_cast %broadcast_in_dim3A_41 : vector<16xf32> to vector<1x16xf32>
    tpu.vector_store %arg30[%swap3A_234, %swap3A_235], %swap3A_238 {strides = array<i32>} : memref<8x128xf32, #tpu.memory_space<vmem>>, vector<1x16xf32>,
    %swap3A_239 = arith.constant 4 : i32
    %swap3A_240 = arith.index_cast %swap3A_239 : i32 to index
    %swap3A_241 = arith.constant 16 : index
    %swap3A_242 = tpu.vector_load %arg30[%swap3A_240, %swap3A_241] {strides = array<i32>} : memref<8x128xf32, #tpu.memory_space<vmem>>, vector<1x16xf32>,
    %swap3A_243 = vector.shape_cast %swap3A_242 : vector<1x16xf32> to vector<16xf32>
    %swap3A_244 = vector.shape_cast %broadcast_in_dim3A_41 : vector<16xf32> to vector<1x16xf32>
    tpu.vector_store %arg30[%swap3A_240, %swap3A_241], %swap3A_244 {strides = array<i32>} : memref<8x128xf32, #tpu.memory_space<vmem>>, vector<1x16xf32>,
    %swap3A_245 = arith.constant 4 : i32
    %swap3A_246 = arith.index_cast %swap3A_245 : i32 to index
    %swap3A_247 = arith.constant 32 : index
    %swap3A_248 = tpu.vector_load %arg30[%swap3A_246, %swap3A_247] {strides = array<i32>} : memref<8x128xf32, #tpu.memory_space<vmem>>, vector<1x16xf32>,
    %swap3A_249 = vector.shape_cast %swap3A_248 : vector<1x16xf32> to vector<16xf32>
    %swap3A_250 = vector.shape_cast %broadcast_in_dim3A_41 : vector<16xf32> to vector<1x16xf32>
    tpu.vector_store %arg30[%swap3A_246, %swap3A_247], %swap3A_250 {strides = array<i32>} : memref<8x128xf32, #tpu.memory_space<vmem>>, vector<1x16xf32>,
    %swap3A_251 = arith.constant 4 : i32
    %swap3A_252 = arith.index_cast %swap3A_251 : i32 to index
    %swap3A_253 = arith.constant 48 : index
    %swap3A_254 = tpu.vector_load %arg30[%swap3A_252, %swap3A_253] {strides = array<i32>} : memref<8x128xf32, #tpu.memory_space<vmem>>, vector<1x16xf32>,
    %swap3A_255 = vector.shape_cast %swap3A_254 : vector<1x16xf32> to vector<16xf32>
    %swap3A_256 = vector.shape_cast %broadcast_in_dim3A_41 : vector<16xf32> to vector<1x16xf32>
    tpu.vector_store %arg30[%swap3A_252, %swap3A_253], %swap3A_256 {strides = array<i32>} : memref<8x128xf32, #tpu.memory_space<vmem>>, vector<1x16xf32>,
    %swap3A_257 = arith.constant 4 : i32
    %swap3A_258 = arith.index_cast %swap3A_257 : i32 to index
    %swap3A_259 = arith.constant 64 : index
    %swap3A_260 = tpu.vector_load %arg30[%swap3A_258, %swap3A_259] {strides = array<i32>} : memref<8x128xf32, #tpu.memory_space<vmem>>, vector<1x16xf32>,
    %swap3A_261 = vector.shape_cast %swap3A_260 : vector<1x16xf32> to vector<16xf32>
    %swap3A_262 = vector.shape_cast %broadcast_in_dim3A_41 : vector<16xf32> to vector<1x16xf32>
    tpu.vector_store %arg30[%swap3A_258, %swap3A_259], %swap3A_262 {strides = array<i32>} : memref<8x128xf32, #tpu.memory_space<vmem>>, vector<1x16xf32>,
    %swap3A_263 = arith.constant 4 : i32
    %swap3A_264 = arith.index_cast %swap3A_263 : i32 to index
    %swap3A_265 = arith.constant 80 : index
    %swap3A_266 = tpu.vector_load %arg30[%swap3A_264, %swap3A_265] {strides = array<i32>} : memref<8x128xf32, #tpu.memory_space<vmem>>, vector<1x16xf32>,
    %swap3A_267 = vector.shape_cast %swap3A_266 : vector<1x16xf32> to vector<16xf32>
    %swap3A_268 = vector.shape_cast %broadcast_in_dim3A_41 : vector<16xf32> to vector<1x16xf32>
    tpu.vector_store %arg30[%swap3A_264, %swap3A_265], %swap3A_268 {strides = array<i32>} : memref<8x128xf32, #tpu.memory_space<vmem>>, vector<1x16xf32>,
    %swap3A_269 = arith.constant 4 : i32
    %swap3A_270 = arith.index_cast %swap3A_269 : i32 to index
    %swap3A_271 = arith.constant 96 : index
    %swap3A_272 = tpu.vector_load %arg30[%swap3A_270, %swap3A_271] {strides = array<i32>} : memref<8x128xf32, #tpu.memory_space<vmem>>, vector<1x16xf32>,
    %swap3A_273 = vector.shape_cast %swap3A_272 : vector<1x16xf32> to vector<16xf32>
    %swap3A_274 = vector.shape_cast %broadcast_in_dim3A_41 : vector<16xf32> to vector<1x16xf32>
    tpu.vector_store %arg30[%swap3A_270, %swap3A_271], %swap3A_274 {strides = array<i32>} : memref<8x128xf32, #tpu.memory_space<vmem>>, vector<1x16xf32>,
    %swap3A_275 = arith.constant 4 : i32
    %swap3A_276 = arith.index_cast %swap3A_275 : i32 to index
    %swap3A_277 = arith.constant 112 : index
    %swap3A_278 = tpu.vector_load %arg30[%swap3A_276, %swap3A_277] {strides = array<i32>} : memref<8x128xf32, #tpu.memory_space<vmem>>, vector<1x16xf32>,
    %swap3A_279 = vector.shape_cast %swap3A_278 : vector<1x16xf32> to vector<16xf32>
    %swap3A_280 = vector.shape_cast %broadcast_in_dim3A_41 : vector<16xf32> to vector<1x16xf32>
    tpu.vector_store %arg30[%swap3A_276, %swap3A_277], %swap3A_280 {strides = array<i32>} : memref<8x128xf32, #tpu.memory_space<vmem>>, vector<1x16xf32>,
    %swap3A_281 = arith.constant 5 : i32
    %swap3A_282 = arith.index_cast %swap3A_281 : i32 to index
    %swap3A_283 = arith.constant 0 : index
    %swap3A_284 = tpu.vector_load %arg30[%swap3A_282, %swap3A_283] {strides = array<i32>} : memref<8x128xf32, #tpu.memory_space<vmem>>, vector<1x16xf32>,
    %swap3A_285 = vector.shape_cast %swap3A_284 : vector<1x16xf32> to vector<16xf32>
    %swap3A_286 = vector.shape_cast %broadcast_in_dim3A_41 : vector<16xf32> to vector<1x16xf32>
    tpu.vector_store %arg30[%swap3A_282, %swap3A_283], %swap3A_286 {strides = array<i32>} : memref<8x128xf32, #tpu.memory_space<vmem>>, vector<1x16xf32>,
    %swap3A_287 = arith.constant 5 : i32
    %swap3A_288 = arith.index_cast %swap3A_287 : i32 to index
    %swap3A_289 = arith.constant 16 : index
    %swap3A_290 = tpu.vector_load %arg30[%swap3A_288, %swap3A_289] {strides = array<i32>} : memref<8x128xf32, #tpu.memory_space<vmem>>, vector<1x16xf32>,
    %swap3A_291 = vector.shape_cast %swap3A_290 : vector<1x16xf32> to vector<16xf32>
    %swap3A_292 = vector.shape_cast %broadcast_in_dim3A_41 : vector<16xf32> to vector<1x16xf32>
    tpu.vector_store %arg30[%swap3A_288, %swap3A_289], %swap3A_292 {strides = array<i32>} : memref<8x128xf32, #tpu.memory_space<vmem>>, vector<1x16xf32>,
    %swap3A_293 = arith.constant 5 : i32
    %swap3A_294 = arith.index_cast %swap3A_293 : i32 to index
    %swap3A_295 = arith.constant 32 : index
    %swap3A_296 = tpu.vector_load %arg30[%swap3A_294, %swap3A_295] {strides = array<i32>} : memref<8x128xf32, #tpu.memory_space<vmem>>, vector<1x16xf32>,
    %swap3A_297 = vector.shape_cast %swap3A_296 : vector<1x16xf32> to vector<16xf32>
    %swap3A_298 = vector.shape_cast %broadcast_in_dim3A_41 : vector<16xf32> to vector<1x16xf32>
    tpu.vector_store %arg30[%swap3A_294, %swap3A_295], %swap3A_298 {strides = array<i32>} : memref<8x128xf32, #tpu.memory_space<vmem>>, vector<1x16xf32>,
    %swap3A_299 = arith.constant 5 : i32
    %swap3A_300 = arith.index_cast %swap3A_299 : i32 to index
    %swap3A_301 = arith.constant 48 : index
    %swap3A_302 = tpu.vector_load %arg30[%swap3A_300, %swap3A_301] {strides = array<i32>} : memref<8x128xf32, #tpu.memory_space<vmem>>, vector<1x16xf32>,
    %swap3A_303 = vector.shape_cast %swap3A_302 : vector<1x16xf32> to vector<16xf32>
    %swap3A_304 = vector.shape_cast %broadcast_in_dim3A_41 : vector<16xf32> to vector<1x16xf32>
    tpu.vector_store %arg30[%swap3A_300, %swap3A_301], %swap3A_304 {strides = array<i32>} : memref<8x128xf32, #tpu.memory_space<vmem>>, vector<1x16xf32>,
    %swap3A_305 = arith.constant 5 : i32
    %swap3A_306 = arith.index_cast %swap3A_305 : i32 to index
    %swap3A_307 = arith.constant 64 : index
    %swap3A_308 = tpu.vector_load %arg30[%swap3A_306, %swap3A_307] {strides = array<i32>} : memref<8x128xf32, #tpu.memory_space<vmem>>, vector<1x16xf32>,
    %swap3A_309 = vector.shape_cast %swap3A_308 : vector<1x16xf32> to vector<16xf32>
    %swap3A_310 = vector.shape_cast %broadcast_in_dim3A_41 : vector<16xf32> to vector<1x16xf32>
    tpu.vector_store %arg30[%swap3A_306, %swap3A_307], %swap3A_310 {strides = array<i32>} : memref<8x128xf32, #tpu.memory_space<vmem>>, vector<1x16xf32>,
    %swap3A_311 = arith.constant 5 : i32
    %swap3A_312 = arith.index_cast %swap3A_311 : i32 to index
    %swap3A_313 = arith.constant 80 : index
    %swap3A_314 = tpu.vector_load %arg30[%swap3A_312, %swap3A_313] {strides = array<i32>} : memref<8x128xf32, #tpu.memory_space<vmem>>, vector<1x16xf32>,
    %swap3A_315 = vector.shape_cast %swap3A_314 : vector<1x16xf32> to vector<16xf32>
    %swap3A_316 = vector.shape_cast %broadcast_in_dim3A_41 : vector<16xf32> to vector<1x16xf32>
    tpu.vector_store %arg30[%swap3A_312, %swap3A_313], %swap3A_316 {strides = array<i32>} : memref<8x128xf32, #tpu.memory_space<vmem>>, vector<1x16xf32>,
    %swap3A_317 = arith.constant 5 : i32
    %swap3A_318 = arith.index_cast %swap3A_317 : i32 to index
    %swap3A_319 = arith.constant 96 : index
    %swap3A_320 = tpu.vector_load %arg30[%swap3A_318, %swap3A_319] {strides = array<i32>} : memref<8x128xf32, #tpu.memory_space<vmem>>, vector<1x16xf32>,
    %swap3A_321 = vector.shape_cast %swap3A_320 : vector<1x16xf32> to vector<16xf32>
    %swap3A_322 = vector.shape_cast %broadcast_in_dim3A_41 : vector<16xf32> to vector<1x16xf32>
    tpu.vector_store %arg30[%swap3A_318, %swap3A_319], %swap3A_322 {strides = array<i32>} : memref<8x128xf32, #tpu.memory_space<vmem>>, vector<1x16xf32>,
    %swap3A_323 = arith.constant 5 : i32
    %swap3A_324 = arith.index_cast %swap3A_323 : i32 to index
    %swap3A_325 = arith.constant 112 : index
    %swap3A_326 = tpu.vector_load %arg30[%swap3A_324, %swap3A_325] {strides = array<i32>} : memref<8x128xf32, #tpu.memory_space<vmem>>, vector<1x16xf32>,
    %swap3A_327 = vector.shape_cast %swap3A_326 : vector<1x16xf32> to vector<16xf32>
    %swap3A_328 = vector.shape_cast %broadcast_in_dim3A_41 : vector<16xf32> to vector<1x16xf32>
    tpu.vector_store %arg30[%swap3A_324, %swap3A_325], %swap3A_328 {strides = array<i32>} : memref<8x128xf32, #tpu.memory_space<vmem>>, vector<1x16xf32>,
    %swap3A_329 = arith.constant 6 : i32
    %swap3A_330 = arith.index_cast %swap3A_329 : i32 to index
    %swap3A_331 = arith.constant 0 : index
    %swap3A_332 = tpu.vector_load %arg30[%swap3A_330, %swap3A_331] {strides = array<i32>} : memref<8x128xf32, #tpu.memory_space<vmem>>, vector<1x16xf32>,
    %swap3A_333 = vector.shape_cast %swap3A_332 : vector<1x16xf32> to vector<16xf32>
    %swap3A_334 = vector.shape_cast %broadcast_in_dim3A_41 : vector<16xf32> to vector<1x16xf32>
    tpu.vector_store %arg30[%swap3A_330, %swap3A_331], %swap3A_334 {strides = array<i32>} : memref<8x128xf32, #tpu.memory_space<vmem>>, vector<1x16xf32>,
    %swap3A_335 = arith.constant 6 : i32
    %swap3A_336 = arith.index_cast %swap3A_335 : i32 to index
    %swap3A_337 = arith.constant 16 : index
    %swap3A_338 = tpu.vector_load %arg30[%swap3A_336, %swap3A_337] {strides = array<i32>} : memref<8x128xf32, #tpu.memory_space<vmem>>, vector<1x16xf32>,
    %swap3A_339 = vector.shape_cast %swap3A_338 : vector<1x16xf32> to vector<16xf32>
    %swap3A_340 = vector.shape_cast %broadcast_in_dim3A_41 : vector<16xf32> to vector<1x16xf32>
    tpu.vector_store %arg30[%swap3A_336, %swap3A_337], %swap3A_340 {strides = array<i32>} : memref<8x128xf32, #tpu.memory_space<vmem>>, vector<1x16xf32>,
    %swap3A_341 = arith.constant 6 : i32
    %swap3A_342 = arith.index_cast %swap3A_341 : i32 to index
    %swap3A_343 = arith.constant 32 : index
    %swap3A_344 = tpu.vector_load %arg30[%swap3A_342, %swap3A_343] {strides = array<i32>} : memref<8x128xf32, #tpu.memory_space<vmem>>, vector<1x16xf32>,
    %swap3A_345 = vector.shape_cast %swap3A_344 : vector<1x16xf32> to vector<16xf32>
    %swap3A_346 = vector.shape_cast %broadcast_in_dim3A_41 : vector<16xf32> to vector<1x16xf32>
    tpu.vector_store %arg30[%swap3A_342, %swap3A_343], %swap3A_346 {strides = array<i32>} : memref<8x128xf32, #tpu.memory_space<vmem>>, vector<1x16xf32>,
    %swap3A_347 = arith.constant 6 : i32
    %swap3A_348 = arith.index_cast %swap3A_347 : i32 to index
    %swap3A_349 = arith.constant 48 : index
    %swap3A_350 = tpu.vector_load %arg30[%swap3A_348, %swap3A_349] {strides = array<i32>} : memref<8x128xf32, #tpu.memory_space<vmem>>, vector<1x16xf32>,
    %swap3A_351 = vector.shape_cast %swap3A_350 : vector<1x16xf32> to vector<16xf32>
    %swap3A_352 = vector.shape_cast %broadcast_in_dim3A_41 : vector<16xf32> to vector<1x16xf32>
    tpu.vector_store %arg30[%swap3A_348, %swap3A_349], %swap3A_352 {strides = array<i32>} : memref<8x128xf32, #tpu.memory_space<vmem>>, vector<1x16xf32>,
    %swap3A_353 = arith.constant 6 : i32
    %swap3A_354 = arith.index_cast %swap3A_353 : i32 to index
    %swap3A_355 = arith.constant 64 : index
    %swap3A_356 = tpu.vector_load %arg30[%swap3A_354, %swap3A_355] {strides = array<i32>} : memref<8x128xf32, #tpu.memory_space<vmem>>, vector<1x16xf32>,
    %swap3A_357 = vector.shape_cast %swap3A_356 : vector<1x16xf32> to vector<16xf32>
    %swap3A_358 = vector.shape_cast %broadcast_in_dim3A_41 : vector<16xf32> to vector<1x16xf32>
    tpu.vector_store %arg30[%swap3A_354, %swap3A_355], %swap3A_358 {strides = array<i32>} : memref<8x128xf32, #tpu.memory_space<vmem>>, vector<1x16xf32>,
    %swap3A_359 = arith.constant 6 : i32
    %swap3A_360 = arith.index_cast %swap3A_359 : i32 to index
    %swap3A_361 = arith.constant 80 : index
    %swap3A_362 = tpu.vector_load %arg30[%swap3A_360, %swap3A_361] {strides = array<i32>} : memref<8x128xf32, #tpu.memory_space<vmem>>, vector<1x16xf32>,
    %swap3A_363 = vector.shape_cast %swap3A_362 : vector<1x16xf32> to vector<16xf32>
    %swap3A_364 = vector.shape_cast %broadcast_in_dim3A_41 : vector<16xf32> to vector<1x16xf32>
    tpu.vector_store %arg30[%swap3A_360, %swap3A_361], %swap3A_364 {strides = array<i32>} : memref<8x128xf32, #tpu.memory_space<vmem>>, vector<1x16xf32>,
    %swap3A_365 = arith.constant 6 : i32
    %swap3A_366 = arith.index_cast %swap3A_365 : i32 to index
    %swap3A_367 = arith.constant 96 : index
    %swap3A_368 = tpu.vector_load %arg30[%swap3A_366, %swap3A_367] {strides = array<i32>} : memref<8x128xf32, #tpu.memory_space<vmem>>, vector<1x16xf32>,
    %swap3A_369 = vector.shape_cast %swap3A_368 : vector<1x16xf32> to vector<16xf32>
    %swap3A_370 = vector.shape_cast %broadcast_in_dim3A_41 : vector<16xf32> to vector<1x16xf32>
    tpu.vector_store %arg30[%swap3A_366, %swap3A_367], %swap3A_370 {strides = array<i32>} : memref<8x128xf32, #tpu.memory_space<vmem>>, vector<1x16xf32>,
    %swap3A_371 = arith.constant 6 : i32
    %swap3A_372 = arith.index_cast %swap3A_371 : i32 to index
    %swap3A_373 = arith.constant 112 : index
    %swap3A_374 = tpu.vector_load %arg30[%swap3A_372, %swap3A_373] {strides = array<i32>} : memref<8x128xf32, #tpu.memory_space<vmem>>, vector<1x16xf32>,
    %swap3A_375 = vector.shape_cast %swap3A_374 : vector<1x16xf32> to vector<16xf32>
    %swap3A_376 = vector.shape_cast %broadcast_in_dim3A_41 : vector<16xf32> to vector<1x16xf32>
    tpu.vector_store %arg30[%swap3A_372, %swap3A_373], %swap3A_376 {strides = array<i32>} : memref<8x128xf32, #tpu.memory_space<vmem>>, vector<1x16xf32>,
    %swap3A_377 = arith.constant 7 : i32
    %swap3A_378 = arith.index_cast %swap3A_377 : i32 to index
    %swap3A_379 = arith.constant 0 : index
    %swap3A_380 = tpu.vector_load %arg30[%swap3A_378, %swap3A_379] {strides = array<i32>} : memref<8x128xf32, #tpu.memory_space<vmem>>, vector<1x16xf32>,
    %swap3A_381 = vector.shape_cast %swap3A_380 : vector<1x16xf32> to vector<16xf32>
    %swap3A_382 = vector.shape_cast %broadcast_in_dim3A_41 : vector<16xf32> to vector<1x16xf32>
    tpu.vector_store %arg30[%swap3A_378, %swap3A_379], %swap3A_382 {strides = array<i32>} : memref<8x128xf32, #tpu.memory_space<vmem>>, vector<1x16xf32>,
    %swap3A_383 = arith.constant 7 : i32
    %swap3A_384 = arith.index_cast %swap3A_383 : i32 to index
    %swap3A_385 = arith.constant 16 : index
    %swap3A_386 = tpu.vector_load %arg30[%swap3A_384, %swap3A_385] {strides = array<i32>} : memref<8x128xf32, #tpu.memory_space<vmem>>, vector<1x16xf32>,
    %swap3A_387 = vector.shape_cast %swap3A_386 : vector<1x16xf32> to vector<16xf32>
    %swap3A_388 = vector.shape_cast %broadcast_in_dim3A_41 : vector<16xf32> to vector<1x16xf32>
    tpu.vector_store %arg30[%swap3A_384, %swap3A_385], %swap3A_388 {strides = array<i32>} : memref<8x128xf32, #tpu.memory_space<vmem>>, vector<1x16xf32>,
    %swap3A_389 = arith.constant 7 : i32
    %swap3A_390 = arith.index_cast %swap3A_389 : i32 to index
    %swap3A_391 = arith.constant 32 : index
    %swap3A_392 = tpu.vector_load %arg30[%swap3A_390, %swap3A_391] {strides = array<i32>} : memref<8x128xf32, #tpu.memory_space<vmem>>, vector<1x16xf32>,
    %swap3A_393 = vector.shape_cast %swap3A_392 : vector<1x16xf32> to vector<16xf32>
    %swap3A_394 = vector.shape_cast %broadcast_in_dim3A_41 : vector<16xf32> to vector<1x16xf32>
    tpu.vector_store %arg30[%swap3A_390, %swap3A_391], %swap3A_394 {strides = array<i32>} : memref<8x128xf32, #tpu.memory_space<vmem>>, vector<1x16xf32>,
    %swap3A_395 = arith.constant 7 : i32
    %swap3A_396 = arith.index_cast %swap3A_395 : i32 to index
    %swap3A_397 = arith.constant 48 : index
    %swap3A_398 = tpu.vector_load %arg30[%swap3A_396, %swap3A_397] {strides = array<i32>} : memref<8x128xf32, #tpu.memory_space<vmem>>, vector<1x16xf32>,
    %swap3A_399 = vector.shape_cast %swap3A_398 : vector<1x16xf32> to vector<16xf32>
    %swap3A_400 = vector.shape_cast %broadcast_in_dim3A_41 : vector<16xf32> to vector<1x16xf32>
    tpu.vector_store %arg30[%swap3A_396, %swap3A_397], %swap3A_400 {strides = array<i32>} : memref<8x128xf32, #tpu.memory_space<vmem>>, vector<1x16xf32>,
    %swap3A_401 = arith.constant 7 : i32
    %swap3A_402 = arith.index_cast %swap3A_401 : i32 to index
    %swap3A_403 = arith.constant 64 : index
    %swap3A_404 = tpu.vector_load %arg30[%swap3A_402, %swap3A_403] {strides = array<i32>} : memref<8x128xf32, #tpu.memory_space<vmem>>, vector<1x16xf32>,
    %swap3A_405 = vector.shape_cast %swap3A_404 : vector<1x16xf32> to vector<16xf32>
    %swap3A_406 = vector.shape_cast %broadcast_in_dim3A_41 : vector<16xf32> to vector<1x16xf32>
    tpu.vector_store %arg30[%swap3A_402, %swap3A_403], %swap3A_406 {strides = array<i32>} : memref<8x128xf32, #tpu.memory_space<vmem>>, vector<1x16xf32>,
    %swap3A_407 = arith.constant 7 : i32
    %swap3A_408 = arith.index_cast %swap3A_407 : i32 to index
    %swap3A_409 = arith.constant 80 : index
    %swap3A_410 = tpu.vector_load %arg30[%swap3A_408, %swap3A_409] {strides = array<i32>} : memref<8x128xf32, #tpu.memory_space<vmem>>, vector<1x16xf32>,
    %swap3A_411 = vector.shape_cast %swap3A_410 : vector<1x16xf32> to vector<16xf32>
    %swap3A_412 = vector.shape_cast %broadcast_in_dim3A_41 : vector<16xf32> to vector<1x16xf32>
    tpu.vector_store %arg30[%swap3A_408, %swap3A_409], %swap3A_412 {strides = array<i32>} : memref<8x128xf32, #tpu.memory_space<vmem>>, vector<1x16xf32>,
    %swap3A_413 = arith.constant 7 : i32
    %swap3A_414 = arith.index_cast %swap3A_413 : i32 to index
    %swap3A_415 = arith.constant 96 : index
    %swap3A_416 = tpu.vector_load %arg30[%swap3A_414, %swap3A_415] {strides = array<i32>} : memref<8x128xf32, #tpu.memory_space<vmem>>, vector<1x16xf32>,
    %swap3A_417 = vector.shape_cast %swap3A_416 : vector<1x16xf32> to vector<16xf32>
    %swap3A_418 = vector.shape_cast %broadcast_in_dim3A_41 : vector<16xf32> to vector<1x16xf32>
    tpu.vector_store %arg30[%swap3A_414, %swap3A_415], %swap3A_418 {strides = array<i32>} : memref<8x128xf32, #tpu.memory_space<vmem>>, vector<1x16xf32>,
    %swap3A_419 = arith.constant 7 : i32
    %swap3A_420 = arith.index_cast %swap3A_419 : i32 to index
    %swap3A_421 = arith.constant 112 : index
    %swap3A_422 = tpu.vector_load %arg30[%swap3A_420, %swap3A_421] {strides = array<i32>} : memref<8x128xf32, #tpu.memory_space<vmem>>, vector<1x16xf32>,
    %swap3A_423 = vector.shape_cast %swap3A_422 : vector<1x16xf32> to vector<16xf32>
    %swap3A_424 = vector.shape_cast %broadcast_in_dim3A_41 : vector<16xf32> to vector<1x16xf32>
    tpu.vector_store %arg30[%swap3A_420, %swap3A_421], %swap3A_424 {strides = array<i32>} : memref<8x128xf32, #tpu.memory_space<vmem>>, vector<1x16xf32>,
    %scan3A = arith.constant 0 : i32
    %scan3A_425 = arith.constant 0 : i32
    %scan3A_426 = arith.constant 79 : i32
    %scan3A_427 = arith.addi %scan3A_425, %scan3A_426 : i32
    %scan3A_428 = arith.constant 1 : i32
    scf.for %scan3A_455 = %scan3A_425 to %scan3A_427 step %scan3A_428  : i32 {
      %mul3A_456 = arith.constant 8 : i32
      %mul3A_457 = arith.muli %scan3A_455, %mul3A_456 : i32
      %add3A_458 = arith.addi %mul3A_2, %mul3A_457 : i32
      "tpu.region"() ({
        %run_scoped3A = tpu.sem_alloc : memref<!tpu.dma_semaphore, #tpu.memory_space<semaphore_mem>>
        %dma_start3A_459 = arith.constant 0 : i32
        %dma_start3A_460 = tpu.memref_slice %arg6[%add3A_458, %dma_start3A_459] : memref<10112x128xf32, #tpu.memory_space<vmem_shared>> -> memref<8x128xf32, #tpu.memory_space<vmem_shared>>
        %dma_start3A_461 = arith.constant 0 : i32
        %dma_start3A_462 = tpu.memref_slice %arg6[%add3A_458, %dma_start3A_461] : memref<10112x128xf32, #tpu.memory_space<vmem_shared>> -> memref<8x128xf32, #tpu.memory_space<vmem_shared>>
        tpu.enqueue_dma source(%arg30 : memref<8x128xf32, #tpu.memory_space<vmem>>) target(%dma_start3A_462 : memref<8x128xf32, #tpu.memory_space<vmem_shared>>) target_semaphore(%run_scoped3A : memref<!tpu.dma_semaphore, #tpu.memory_space<semaphore_mem>>)
        %dma_wait3A_463 = arith.constant 0 : i32
        %dma_wait3A_464 = tpu.memref_slice %arg6[%add3A_458, %dma_wait3A_463] : memref<10112x128xf32, #tpu.memory_space<vmem_shared>> -> memref<8x128xf32, #tpu.memory_space<vmem_shared>>
        %dma_wait3A_465 = arith.constant 0 : i32
        %dma_wait3A_466 = tpu.memref_slice %arg6[%add3A_458, %dma_wait3A_465] : memref<10112x128xf32, #tpu.memory_space<vmem_shared>> -> memref<8x128xf32, #tpu.memory_space<vmem_shared>>
        tpu.wait_dma2 semaphore(%run_scoped3A : memref<!tpu.dma_semaphore, #tpu.memory_space<semaphore_mem>>) src(%arg30 : memref<8x128xf32, #tpu.memory_space<vmem>>) dst(%dma_wait3A_466 : memref<8x128xf32, #tpu.memory_space<vmem_shared>>)
        tpu.yield
      }) : () -> ()
    }
    %scan3A_429 = arith.constant 79 : i32
    %barrier3A = arith.constant 0 : index
    tpu.barrier barrier_id(%barrier3A)
    %scan3A_430 = arith.constant 0 : i32
    %scan3A_431 = arith.constant 0 : i32
    %scan3A_432 = arith.constant 16 : i32
    %scan3A_433 = arith.addi %scan3A_431, %scan3A_432 : i32
    %scan3A_434 = arith.constant 1 : i32
    scf.for %scan3A_455 = %scan3A_431 to %scan3A_433 step %scan3A_434  : i32 {
      %mul3A_456 = arith.constant 8 : i32
      %mul3A_457 = arith.muli %scan3A_455, %mul3A_456 : i32
      %add3A_458 = arith.constant 0 : i32
      %add3A_459 = arith.addi %mul3A_457, %add3A_458 : i32
      %lt3A = arith.constant 125 : i32
      %lt3A_460 = arith.cmpi slt, %add3A_459, %lt3A : i32
      %convert_element_type3A_461 = arith.extui %lt3A_460 : i1 to i32
      %cond3A_462 = arith.constant 0 : i32
      %cond3A_463 = arith.cmpi ne, %convert_element_type3A_461, %cond3A_462 : i32
      scf.if %cond3A_463 {
        %dma_wait3A_527 = arith.constant 0 : i32
        %dma_wait3A_528 = arith.constant 0 : i32
        %dma_wait3A_529 = tpu.memref_slice %arg2[%dma_wait3A_527, %dma_wait3A_528] : memref<10000x128xf32, #tpu.memory_space<hbm>> -> memref<10000x128xf32, #tpu.memory_space<hbm>>
        tpu.wait_indirect_dma semaphore(%arg15 : memref<!tpu.dma_semaphore, #tpu.memory_space<semaphore_mem>>) src(%dma_wait3A_529 : memref<10000x128xf32, #tpu.memory_space<hbm>>) dst(%arg17 : memref<80x128xf32, #tpu.memory_space<vmem>>)
        %add3A_530 = arith.constant 3 : i32
        %add3A_531 = arith.addi %add3A_459, %add3A_530 : i32
        %lt3A_532 = arith.constant 125 : i32
        %lt3A_533 = arith.cmpi slt, %add3A_531, %lt3A_532 : i32
        %convert_element_type3A_534 = arith.extui %lt3A_533 : i1 to i32
        %cond3A_535 = arith.constant 0 : i32
        %cond3A_536 = arith.cmpi ne, %convert_element_type3A_534, %cond3A_535 : i32
        scf.if %cond3A_536 {
          %dma_wait3A_547 = tpu.memref_slice %arg3[%mul3A_4] : memref<640000xi32, #tpu.memory_space<hbm>> -> memref<80xi32, #tpu.memory_space<hbm>>
          %dma_wait3A_548 = tpu.memref_slice %arg3[%mul3A_4] : memref<640000xi32, #tpu.memory_space<hbm>> -> memref<80xi32, #tpu.memory_space<hbm>>
          tpu.wait_dma2 semaphore(%arg16 : memref<!tpu.dma_semaphore, #tpu.memory_space<semaphore_mem>>) src(%dma_wait3A_548 : memref<80xi32, #tpu.memory_space<hbm>>) dst(%arg24 : memref<80xi32, #tpu.memory_space<vmem>>)
          %dma_wait3A_549 = tpu.memref_slice %arg3[%mul3A_4] : memref<640000xi32, #tpu.memory_space<hbm>> -> memref<80xi32, #tpu.memory_space<hbm>>
          %dma_wait3A_550 = tpu.memref_slice %arg3[%mul3A_4] : memref<640000xi32, #tpu.memory_space<hbm>> -> memref<80xi32, #tpu.memory_space<hbm>>
          tpu.wait_dma2 semaphore(%arg16 : memref<!tpu.dma_semaphore, #tpu.memory_space<semaphore_mem>>) src(%dma_wait3A_550 : memref<80xi32, #tpu.memory_space<hbm>>) dst(%arg10 : memref<80xi32, #tpu.memory_space<vmem>>)
          %gt3A = arith.constant 0 : i32
          %gt3A_551 = arith.cmpi sgt, %add3A_459, %gt3A : i32
          %convert_element_type3A_552 = arith.extui %gt3A_551 : i1 to i32
          %cond3A_553 = arith.constant 0 : i32
          %cond3A_554 = arith.cmpi ne, %convert_element_type3A_552, %cond3A_553 : i32
          scf.if %cond3A_554 {
            %dma_wait3A_558 = arith.constant 0 : i32
            %dma_wait3A_559 = arith.constant 0 : i32
            %dma_wait3A_560 = tpu.memref_slice %arg6[%dma_wait3A_558, %dma_wait3A_559] : memref<10112x128xf32, #tpu.memory_space<vmem_shared>> -> memref<10112x128xf32, #tpu.memory_space<vmem_shared>>
            tpu.wait_indirect_dma semaphore(%arg29 : memref<!tpu.dma_semaphore, #tpu.memory_space<semaphore_mem>>) src(%arg20 : memref<80x128xf32, #tpu.memory_space<vmem>>) dst(%dma_wait3A_560 : memref<10112x128xf32, #tpu.memory_space<vmem_shared>>)
          } else {
          }
          %dma_start3A_555 = arith.constant 0 : i32
          %dma_start3A_556 = arith.constant 0 : i32
          %dma_start3A_557 = tpu.memref_slice %arg2[%dma_start3A_555, %dma_start3A_556] : memref<10000x128xf32, #tpu.memory_space<hbm>> -> memref<10000x128xf32, #tpu.memory_space<hbm>>
          tpu.enqueue_indirect_dma source(%dma_start3A_557 : memref<10000x128xf32, #tpu.memory_space<hbm>>) target(%arg20 : memref<80x128xf32, #tpu.memory_space<vmem>>) offsets(%arg24 : memref<80xi32, #tpu.memory_space<vmem>>) semaphore(%arg15 : memref<!tpu.dma_semaphore, #tpu.memory_space<semaphore_mem>>)
        } else {
        }
        %add3A_537 = arith.constant 4 : i32
        %add3A_538 = arith.addi %add3A_459, %add3A_537 : i32
        %lt3A_539 = arith.constant 125 : i32
        %lt3A_540 = arith.cmpi slt, %add3A_538, %lt3A_539 : i32
        %convert_element_type3A_541 = arith.extui %lt3A_540 : i1 to i32
        %cond3A_542 = arith.constant 0 : i32
        %cond3A_543 = arith.cmpi ne, %convert_element_type3A_541, %cond3A_542 : i32
        scf.if %cond3A_543 {
          %add3A_547 = arith.constant 4 : i32
          %add3A_548 = arith.addi %add3A_459, %add3A_547 : i32
          %mul3A_549 = arith.constant 80 : i32
          %mul3A_550 = arith.muli %add3A_548, %mul3A_549 : i32
          %add3A_551 = arith.addi %mul3A_4, %mul3A_550 : i32
          %dma_start3A_552 = tpu.memref_slice %arg3[%add3A_551] : memref<640000xi32, #tpu.memory_space<hbm>> -> memref<80xi32, #tpu.memory_space<hbm>>
          %dma_start3A_553 = tpu.memref_slice %arg3[%add3A_551] : memref<640000xi32, #tpu.memory_space<hbm>> -> memref<80xi32, #tpu.memory_space<hbm>>
          tpu.enqueue_dma source(%dma_start3A_553 : memref<80xi32, #tpu.memory_space<hbm>>) target(%arg25 : memref<80xi32, #tpu.memory_space<vmem>>) target_semaphore(%arg16 : memref<!tpu.dma_semaphore, #tpu.memory_space<semaphore_mem>>)
          %add3A_554 = arith.constant 320000 : i32
          %add3A_555 = arith.addi %add3A_554, %add3A_551 : i32
          %dma_start3A_556 = tpu.memref_slice %arg3[%add3A_555] : memref<640000xi32, #tpu.memory_space<hbm>> -> memref<80xi32, #tpu.memory_space<hbm>>
          %dma_start3A_557 = tpu.memref_slice %arg3[%add3A_555] : memref<640000xi32, #tpu.memory_space<hbm>> -> memref<80xi32, #tpu.memory_space<hbm>>
          tpu.enqueue_dma source(%dma_start3A_557 : memref<80xi32, #tpu.memory_space<hbm>>) target(%arg11 : memref<80xi32, #tpu.memory_space<vmem>>) target_semaphore(%arg16 : memref<!tpu.dma_semaphore, #tpu.memory_space<semaphore_mem>>)
        } else {
        }
        %dma_start3A_544 = arith.constant 0 : i32
        %dma_start3A_545 = arith.constant 0 : i32
        %dma_start3A_546 = tpu.memref_slice %arg6[%dma_start3A_544, %dma_start3A_545] : memref<10112x128xf32, #tpu.memory_space<vmem_shared>> -> memref<10112x128xf32, #tpu.memory_space<vmem_shared>>
        tpu.enqueue_indirect_dma source(%arg17 : memref<80x128xf32, #tpu.memory_space<vmem>>) target(%dma_start3A_546 : memref<10112x128xf32, #tpu.memory_space<vmem_shared>>) offsets(%arg7 : memref<80xi32, #tpu.memory_space<vmem>>) semaphore(%arg29 : memref<!tpu.dma_semaphore, #tpu.memory_space<semaphore_mem>>) {add = true}
      } else {
      }
      %mul3A_464 = arith.constant 8 : i32
      %mul3A_465 = arith.muli %scan3A_455, %mul3A_464 : i32
      %add3A_466 = arith.constant 1 : i32
      %add3A_467 = arith.addi %mul3A_465, %add3A_466 : i32
      %lt3A_468 = arith.constant 125 : i32
      %lt3A_469 = arith.cmpi slt, %add3A_467, %lt3A_468 : i32
      %convert_element_type3A_470 = arith.extui %lt3A_469 : i1 to i32
      %cond3A_471 = arith.constant 0 : i32
      %cond3A_472 = arith.cmpi ne, %convert_element_type3A_470, %cond3A_471 : i32
      scf.if %cond3A_472 {
        %dma_wait3A_527 = arith.constant 0 : i32
        %dma_wait3A_528 = arith.constant 0 : i32
        %dma_wait3A_529 = tpu.memref_slice %arg2[%dma_wait3A_527, %dma_wait3A_528] : memref<10000x128xf32, #tpu.memory_space<hbm>> -> memref<10000x128xf32, #tpu.memory_space<hbm>>
        tpu.wait_indirect_dma semaphore(%arg15 : memref<!tpu.dma_semaphore, #tpu.memory_space<semaphore_mem>>) src(%dma_wait3A_529 : memref<10000x128xf32, #tpu.memory_space<hbm>>) dst(%arg18 : memref<80x128xf32, #tpu.memory_space<vmem>>)
        %add3A_530 = arith.constant 3 : i32
        %add3A_531 = arith.addi %add3A_467, %add3A_530 : i32
        %lt3A_532 = arith.constant 125 : i32
        %lt3A_533 = arith.cmpi slt, %add3A_531, %lt3A_532 : i32
        %convert_element_type3A_534 = arith.extui %lt3A_533 : i1 to i32
        %cond3A_535 = arith.constant 0 : i32
        %cond3A_536 = arith.cmpi ne, %convert_element_type3A_534, %cond3A_535 : i32
        scf.if %cond3A_536 {
          %dma_wait3A_547 = tpu.memref_slice %arg3[%mul3A_4] : memref<640000xi32, #tpu.memory_space<hbm>> -> memref<80xi32, #tpu.memory_space<hbm>>
          %dma_wait3A_548 = tpu.memref_slice %arg3[%mul3A_4] : memref<640000xi32, #tpu.memory_space<hbm>> -> memref<80xi32, #tpu.memory_space<hbm>>
          tpu.wait_dma2 semaphore(%arg16 : memref<!tpu.dma_semaphore, #tpu.memory_space<semaphore_mem>>) src(%dma_wait3A_548 : memref<80xi32, #tpu.memory_space<hbm>>) dst(%arg25 : memref<80xi32, #tpu.memory_space<vmem>>)
          %dma_wait3A_549 = tpu.memref_slice %arg3[%mul3A_4] : memref<640000xi32, #tpu.memory_space<hbm>> -> memref<80xi32, #tpu.memory_space<hbm>>
          %dma_wait3A_550 = tpu.memref_slice %arg3[%mul3A_4] : memref<640000xi32, #tpu.memory_space<hbm>> -> memref<80xi32, #tpu.memory_space<hbm>>
          tpu.wait_dma2 semaphore(%arg16 : memref<!tpu.dma_semaphore, #tpu.memory_space<semaphore_mem>>) src(%dma_wait3A_550 : memref<80xi32, #tpu.memory_space<hbm>>) dst(%arg11 : memref<80xi32, #tpu.memory_space<vmem>>)
          %gt3A = arith.constant 0 : i32
          %gt3A_551 = arith.cmpi sgt, %add3A_467, %gt3A : i32
          %convert_element_type3A_552 = arith.extui %gt3A_551 : i1 to i32
          %cond3A_553 = arith.constant 0 : i32
          %cond3A_554 = arith.cmpi ne, %convert_element_type3A_552, %cond3A_553 : i32
          scf.if %cond3A_554 {
            %dma_wait3A_558 = arith.constant 0 : i32
            %dma_wait3A_559 = arith.constant 0 : i32
            %dma_wait3A_560 = tpu.memref_slice %arg6[%dma_wait3A_558, %dma_wait3A_559] : memref<10112x128xf32, #tpu.memory_space<vmem_shared>> -> memref<10112x128xf32, #tpu.memory_space<vmem_shared>>
            tpu.wait_indirect_dma semaphore(%arg29 : memref<!tpu.dma_semaphore, #tpu.memory_space<semaphore_mem>>) src(%arg17 : memref<80x128xf32, #tpu.memory_space<vmem>>) dst(%dma_wait3A_560 : memref<10112x128xf32, #tpu.memory_space<vmem_shared>>)
          } else {
          }
          %dma_start3A_555 = arith.constant 0 : i32
          %dma_start3A_556 = arith.constant 0 : i32
          %dma_start3A_557 = tpu.memref_slice %arg2[%dma_start3A_555, %dma_start3A_556] : memref<10000x128xf32, #tpu.memory_space<hbm>> -> memref<10000x128xf32, #tpu.memory_space<hbm>>
          tpu.enqueue_indirect_dma source(%dma_start3A_557 : memref<10000x128xf32, #tpu.memory_space<hbm>>) target(%arg17 : memref<80x128xf32, #tpu.memory_space<vmem>>) offsets(%arg25 : memref<80xi32, #tpu.memory_space<vmem>>) semaphore(%arg15 : memref<!tpu.dma_semaphore, #tpu.memory_space<semaphore_mem>>)
        } else {
        }
        %add3A_537 = arith.constant 4 : i32
        %add3A_538 = arith.addi %add3A_467, %add3A_537 : i32
        %lt3A_539 = arith.constant 125 : i32
        %lt3A_540 = arith.cmpi slt, %add3A_538, %lt3A_539 : i32
        %convert_element_type3A_541 = arith.extui %lt3A_540 : i1 to i32
        %cond3A_542 = arith.constant 0 : i32
        %cond3A_543 = arith.cmpi ne, %convert_element_type3A_541, %cond3A_542 : i32
        scf.if %cond3A_543 {
          %add3A_547 = arith.constant 4 : i32
          %add3A_548 = arith.addi %add3A_467, %add3A_547 : i32
          %mul3A_549 = arith.constant 80 : i32
          %mul3A_550 = arith.muli %add3A_548, %mul3A_549 : i32
          %add3A_551 = arith.addi %mul3A_4, %mul3A_550 : i32
          %dma_start3A_552 = tpu.memref_slice %arg3[%add3A_551] : memref<640000xi32, #tpu.memory_space<hbm>> -> memref<80xi32, #tpu.memory_space<hbm>>
          %dma_start3A_553 = tpu.memref_slice %arg3[%add3A_551] : memref<640000xi32, #tpu.memory_space<hbm>> -> memref<80xi32, #tpu.memory_space<hbm>>
          tpu.enqueue_dma source(%dma_start3A_553 : memref<80xi32, #tpu.memory_space<hbm>>) target(%arg26 : memref<80xi32, #tpu.memory_space<vmem>>) target_semaphore(%arg16 : memref<!tpu.dma_semaphore, #tpu.memory_space<semaphore_mem>>)
          %add3A_554 = arith.constant 320000 : i32
          %add3A_555 = arith.addi %add3A_554, %add3A_551 : i32
          %dma_start3A_556 = tpu.memref_slice %arg3[%add3A_555] : memref<640000xi32, #tpu.memory_space<hbm>> -> memref<80xi32, #tpu.memory_space<hbm>>
          %dma_start3A_557 = tpu.memref_slice %arg3[%add3A_555] : memref<640000xi32, #tpu.memory_space<hbm>> -> memref<80xi32, #tpu.memory_space<hbm>>
          tpu.enqueue_dma source(%dma_start3A_557 : memref<80xi32, #tpu.memory_space<hbm>>) target(%arg12 : memref<80xi32, #tpu.memory_space<vmem>>) target_semaphore(%arg16 : memref<!tpu.dma_semaphore, #tpu.memory_space<semaphore_mem>>)
        } else {
        }
        %dma_start3A_544 = arith.constant 0 : i32
        %dma_start3A_545 = arith.constant 0 : i32
        %dma_start3A_546 = tpu.memref_slice %arg6[%dma_start3A_544, %dma_start3A_545] : memref<10112x128xf32, #tpu.memory_space<vmem_shared>> -> memref<10112x128xf32, #tpu.memory_space<vmem_shared>>
        tpu.enqueue_indirect_dma source(%arg18 : memref<80x128xf32, #tpu.memory_space<vmem>>) target(%dma_start3A_546 : memref<10112x128xf32, #tpu.memory_space<vmem_shared>>) offsets(%arg8 : memref<80xi32, #tpu.memory_space<vmem>>) semaphore(%arg29 : memref<!tpu.dma_semaphore, #tpu.memory_space<semaphore_mem>>) {add = true}
      } else {
      }
      %mul3A_473 = arith.constant 8 : i32
      %mul3A_474 = arith.muli %scan3A_455, %mul3A_473 : i32
      %add3A_475 = arith.constant 2 : i32
      %add3A_476 = arith.addi %mul3A_474, %add3A_475 : i32
      %lt3A_477 = arith.constant 125 : i32
      %lt3A_478 = arith.cmpi slt, %add3A_476, %lt3A_477 : i32
      %convert_element_type3A_479 = arith.extui %lt3A_478 : i1 to i32
      %cond3A_480 = arith.constant 0 : i32
      %cond3A_481 = arith.cmpi ne, %convert_element_type3A_479, %cond3A_480 : i32
      scf.if %cond3A_481 {
        %dma_wait3A_527 = arith.constant 0 : i32
        %dma_wait3A_528 = arith.constant 0 : i32
        %dma_wait3A_529 = tpu.memref_slice %arg2[%dma_wait3A_527, %dma_wait3A_528] : memref<10000x128xf32, #tpu.memory_space<hbm>> -> memref<10000x128xf32, #tpu.memory_space<hbm>>
        tpu.wait_indirect_dma semaphore(%arg15 : memref<!tpu.dma_semaphore, #tpu.memory_space<semaphore_mem>>) src(%dma_wait3A_529 : memref<10000x128xf32, #tpu.memory_space<hbm>>) dst(%arg19 : memref<80x128xf32, #tpu.memory_space<vmem>>)
        %add3A_530 = arith.constant 3 : i32
        %add3A_531 = arith.addi %add3A_476, %add3A_530 : i32
        %lt3A_532 = arith.constant 125 : i32
        %lt3A_533 = arith.cmpi slt, %add3A_531, %lt3A_532 : i32
        %convert_element_type3A_534 = arith.extui %lt3A_533 : i1 to i32
        %cond3A_535 = arith.constant 0 : i32
        %cond3A_536 = arith.cmpi ne, %convert_element_type3A_534, %cond3A_535 : i32
        scf.if %cond3A_536 {
          %dma_wait3A_547 = tpu.memref_slice %arg3[%mul3A_4] : memref<640000xi32, #tpu.memory_space<hbm>> -> memref<80xi32, #tpu.memory_space<hbm>>
          %dma_wait3A_548 = tpu.memref_slice %arg3[%mul3A_4] : memref<640000xi32, #tpu.memory_space<hbm>> -> memref<80xi32, #tpu.memory_space<hbm>>
          tpu.wait_dma2 semaphore(%arg16 : memref<!tpu.dma_semaphore, #tpu.memory_space<semaphore_mem>>) src(%dma_wait3A_548 : memref<80xi32, #tpu.memory_space<hbm>>) dst(%arg26 : memref<80xi32, #tpu.memory_space<vmem>>)
          %dma_wait3A_549 = tpu.memref_slice %arg3[%mul3A_4] : memref<640000xi32, #tpu.memory_space<hbm>> -> memref<80xi32, #tpu.memory_space<hbm>>
          %dma_wait3A_550 = tpu.memref_slice %arg3[%mul3A_4] : memref<640000xi32, #tpu.memory_space<hbm>> -> memref<80xi32, #tpu.memory_space<hbm>>
          tpu.wait_dma2 semaphore(%arg16 : memref<!tpu.dma_semaphore, #tpu.memory_space<semaphore_mem>>) src(%dma_wait3A_550 : memref<80xi32, #tpu.memory_space<hbm>>) dst(%arg12 : memref<80xi32, #tpu.memory_space<vmem>>)
          %gt3A = arith.constant 0 : i32
          %gt3A_551 = arith.cmpi sgt, %add3A_476, %gt3A : i32
          %convert_element_type3A_552 = arith.extui %gt3A_551 : i1 to i32
          %cond3A_553 = arith.constant 0 : i32
          %cond3A_554 = arith.cmpi ne, %convert_element_type3A_552, %cond3A_553 : i32
          scf.if %cond3A_554 {
            %dma_wait3A_558 = arith.constant 0 : i32
            %dma_wait3A_559 = arith.constant 0 : i32
            %dma_wait3A_560 = tpu.memref_slice %arg6[%dma_wait3A_558, %dma_wait3A_559] : memref<10112x128xf32, #tpu.memory_space<vmem_shared>> -> memref<10112x128xf32, #tpu.memory_space<vmem_shared>>
            tpu.wait_indirect_dma semaphore(%arg29 : memref<!tpu.dma_semaphore, #tpu.memory_space<semaphore_mem>>) src(%arg18 : memref<80x128xf32, #tpu.memory_space<vmem>>) dst(%dma_wait3A_560 : memref<10112x128xf32, #tpu.memory_space<vmem_shared>>)
          } else {
          }
          %dma_start3A_555 = arith.constant 0 : i32
          %dma_start3A_556 = arith.constant 0 : i32
          %dma_start3A_557 = tpu.memref_slice %arg2[%dma_start3A_555, %dma_start3A_556] : memref<10000x128xf32, #tpu.memory_space<hbm>> -> memref<10000x128xf32, #tpu.memory_space<hbm>>
          tpu.enqueue_indirect_dma source(%dma_start3A_557 : memref<10000x128xf32, #tpu.memory_space<hbm>>) target(%arg18 : memref<80x128xf32, #tpu.memory_space<vmem>>) offsets(%arg26 : memref<80xi32, #tpu.memory_space<vmem>>) semaphore(%arg15 : memref<!tpu.dma_semaphore, #tpu.memory_space<semaphore_mem>>)
        } else {
        }
        %add3A_537 = arith.constant 4 : i32
        %add3A_538 = arith.addi %add3A_476, %add3A_537 : i32
        %lt3A_539 = arith.constant 125 : i32
        %lt3A_540 = arith.cmpi slt, %add3A_538, %lt3A_539 : i32
        %convert_element_type3A_541 = arith.extui %lt3A_540 : i1 to i32
        %cond3A_542 = arith.constant 0 : i32
        %cond3A_543 = arith.cmpi ne, %convert_element_type3A_541, %cond3A_542 : i32
        scf.if %cond3A_543 {
          %add3A_547 = arith.constant 4 : i32
          %add3A_548 = arith.addi %add3A_476, %add3A_547 : i32
          %mul3A_549 = arith.constant 80 : i32
          %mul3A_550 = arith.muli %add3A_548, %mul3A_549 : i32
          %add3A_551 = arith.addi %mul3A_4, %mul3A_550 : i32
          %dma_start3A_552 = tpu.memref_slice %arg3[%add3A_551] : memref<640000xi32, #tpu.memory_space<hbm>> -> memref<80xi32, #tpu.memory_space<hbm>>
          %dma_start3A_553 = tpu.memref_slice %arg3[%add3A_551] : memref<640000xi32, #tpu.memory_space<hbm>> -> memref<80xi32, #tpu.memory_space<hbm>>
          tpu.enqueue_dma source(%dma_start3A_553 : memref<80xi32, #tpu.memory_space<hbm>>) target(%arg27 : memref<80xi32, #tpu.memory_space<vmem>>) target_semaphore(%arg16 : memref<!tpu.dma_semaphore, #tpu.memory_space<semaphore_mem>>)
          %add3A_554 = arith.constant 320000 : i32
          %add3A_555 = arith.addi %add3A_554, %add3A_551 : i32
          %dma_start3A_556 = tpu.memref_slice %arg3[%add3A_555] : memref<640000xi32, #tpu.memory_space<hbm>> -> memref<80xi32, #tpu.memory_space<hbm>>
          %dma_start3A_557 = tpu.memref_slice %arg3[%add3A_555] : memref<640000xi32, #tpu.memory_space<hbm>> -> memref<80xi32, #tpu.memory_space<hbm>>
          tpu.enqueue_dma source(%dma_start3A_557 : memref<80xi32, #tpu.memory_space<hbm>>) target(%arg13 : memref<80xi32, #tpu.memory_space<vmem>>) target_semaphore(%arg16 : memref<!tpu.dma_semaphore, #tpu.memory_space<semaphore_mem>>)
        } else {
        }
        %dma_start3A_544 = arith.constant 0 : i32
        %dma_start3A_545 = arith.constant 0 : i32
        %dma_start3A_546 = tpu.memref_slice %arg6[%dma_start3A_544, %dma_start3A_545] : memref<10112x128xf32, #tpu.memory_space<vmem_shared>> -> memref<10112x128xf32, #tpu.memory_space<vmem_shared>>
        tpu.enqueue_indirect_dma source(%arg19 : memref<80x128xf32, #tpu.memory_space<vmem>>) target(%dma_start3A_546 : memref<10112x128xf32, #tpu.memory_space<vmem_shared>>) offsets(%arg9 : memref<80xi32, #tpu.memory_space<vmem>>) semaphore(%arg29 : memref<!tpu.dma_semaphore, #tpu.memory_space<semaphore_mem>>) {add = true}
      } else {
      }
      %mul3A_482 = arith.constant 8 : i32
      %mul3A_483 = arith.muli %scan3A_455, %mul3A_482 : i32
      %add3A_484 = arith.constant 3 : i32
      %add3A_485 = arith.addi %mul3A_483, %add3A_484 : i32
      %lt3A_486 = arith.constant 125 : i32
      %lt3A_487 = arith.cmpi slt, %add3A_485, %lt3A_486 : i32
      %convert_element_type3A_488 = arith.extui %lt3A_487 : i1 to i32
      %cond3A_489 = arith.constant 0 : i32
      %cond3A_490 = arith.cmpi ne, %convert_element_type3A_488, %cond3A_489 : i32
      scf.if %cond3A_490 {
        %dma_wait3A_527 = arith.constant 0 : i32
        %dma_wait3A_528 = arith.constant 0 : i32
        %dma_wait3A_529 = tpu.memref_slice %arg2[%dma_wait3A_527, %dma_wait3A_528] : memref<10000x128xf32, #tpu.memory_space<hbm>> -> memref<10000x128xf32, #tpu.memory_space<hbm>>
        tpu.wait_indirect_dma semaphore(%arg15 : memref<!tpu.dma_semaphore, #tpu.memory_space<semaphore_mem>>) src(%dma_wait3A_529 : memref<10000x128xf32, #tpu.memory_space<hbm>>) dst(%arg20 : memref<80x128xf32, #tpu.memory_space<vmem>>)
        %add3A_530 = arith.constant 3 : i32
        %add3A_531 = arith.addi %add3A_485, %add3A_530 : i32
        %lt3A_532 = arith.constant 125 : i32
        %lt3A_533 = arith.cmpi slt, %add3A_531, %lt3A_532 : i32
        %convert_element_type3A_534 = arith.extui %lt3A_533 : i1 to i32
        %cond3A_535 = arith.constant 0 : i32
        %cond3A_536 = arith.cmpi ne, %convert_element_type3A_534, %cond3A_535 : i32
        scf.if %cond3A_536 {
          %dma_wait3A_547 = tpu.memref_slice %arg3[%mul3A_4] : memref<640000xi32, #tpu.memory_space<hbm>> -> memref<80xi32, #tpu.memory_space<hbm>>
          %dma_wait3A_548 = tpu.memref_slice %arg3[%mul3A_4] : memref<640000xi32, #tpu.memory_space<hbm>> -> memref<80xi32, #tpu.memory_space<hbm>>
          tpu.wait_dma2 semaphore(%arg16 : memref<!tpu.dma_semaphore, #tpu.memory_space<semaphore_mem>>) src(%dma_wait3A_548 : memref<80xi32, #tpu.memory_space<hbm>>) dst(%arg27 : memref<80xi32, #tpu.memory_space<vmem>>)
          %dma_wait3A_549 = tpu.memref_slice %arg3[%mul3A_4] : memref<640000xi32, #tpu.memory_space<hbm>> -> memref<80xi32, #tpu.memory_space<hbm>>
          %dma_wait3A_550 = tpu.memref_slice %arg3[%mul3A_4] : memref<640000xi32, #tpu.memory_space<hbm>> -> memref<80xi32, #tpu.memory_space<hbm>>
          tpu.wait_dma2 semaphore(%arg16 : memref<!tpu.dma_semaphore, #tpu.memory_space<semaphore_mem>>) src(%dma_wait3A_550 : memref<80xi32, #tpu.memory_space<hbm>>) dst(%arg13 : memref<80xi32, #tpu.memory_space<vmem>>)
          %gt3A = arith.constant 0 : i32
          %gt3A_551 = arith.cmpi sgt, %add3A_485, %gt3A : i32
          %convert_element_type3A_552 = arith.extui %gt3A_551 : i1 to i32
          %cond3A_553 = arith.constant 0 : i32
          %cond3A_554 = arith.cmpi ne, %convert_element_type3A_552, %cond3A_553 : i32
          scf.if %cond3A_554 {
            %dma_wait3A_558 = arith.constant 0 : i32
            %dma_wait3A_559 = arith.constant 0 : i32
            %dma_wait3A_560 = tpu.memref_slice %arg6[%dma_wait3A_558, %dma_wait3A_559] : memref<10112x128xf32, #tpu.memory_space<vmem_shared>> -> memref<10112x128xf32, #tpu.memory_space<vmem_shared>>
            tpu.wait_indirect_dma semaphore(%arg29 : memref<!tpu.dma_semaphore, #tpu.memory_space<semaphore_mem>>) src(%arg19 : memref<80x128xf32, #tpu.memory_space<vmem>>) dst(%dma_wait3A_560 : memref<10112x128xf32, #tpu.memory_space<vmem_shared>>)
          } else {
          }
          %dma_start3A_555 = arith.constant 0 : i32
          %dma_start3A_556 = arith.constant 0 : i32
          %dma_start3A_557 = tpu.memref_slice %arg2[%dma_start3A_555, %dma_start3A_556] : memref<10000x128xf32, #tpu.memory_space<hbm>> -> memref<10000x128xf32, #tpu.memory_space<hbm>>
          tpu.enqueue_indirect_dma source(%dma_start3A_557 : memref<10000x128xf32, #tpu.memory_space<hbm>>) target(%arg19 : memref<80x128xf32, #tpu.memory_space<vmem>>) offsets(%arg27 : memref<80xi32, #tpu.memory_space<vmem>>) semaphore(%arg15 : memref<!tpu.dma_semaphore, #tpu.memory_space<semaphore_mem>>)
        } else {
        }
        %add3A_537 = arith.constant 4 : i32
        %add3A_538 = arith.addi %add3A_485, %add3A_537 : i32
        %lt3A_539 = arith.constant 125 : i32
        %lt3A_540 = arith.cmpi slt, %add3A_538, %lt3A_539 : i32
        %convert_element_type3A_541 = arith.extui %lt3A_540 : i1 to i32
        %cond3A_542 = arith.constant 0 : i32
        %cond3A_543 = arith.cmpi ne, %convert_element_type3A_541, %cond3A_542 : i32
        scf.if %cond3A_543 {
          %add3A_547 = arith.constant 4 : i32
          %add3A_548 = arith.addi %add3A_485, %add3A_547 : i32
          %mul3A_549 = arith.constant 80 : i32
          %mul3A_550 = arith.muli %add3A_548, %mul3A_549 : i32
          %add3A_551 = arith.addi %mul3A_4, %mul3A_550 : i32
          %dma_start3A_552 = tpu.memref_slice %arg3[%add3A_551] : memref<640000xi32, #tpu.memory_space<hbm>> -> memref<80xi32, #tpu.memory_space<hbm>>
          %dma_start3A_553 = tpu.memref_slice %arg3[%add3A_551] : memref<640000xi32, #tpu.memory_space<hbm>> -> memref<80xi32, #tpu.memory_space<hbm>>
          tpu.enqueue_dma source(%dma_start3A_553 : memref<80xi32, #tpu.memory_space<hbm>>) target(%arg28 : memref<80xi32, #tpu.memory_space<vmem>>) target_semaphore(%arg16 : memref<!tpu.dma_semaphore, #tpu.memory_space<semaphore_mem>>)
          %add3A_554 = arith.constant 320000 : i32
          %add3A_555 = arith.addi %add3A_554, %add3A_551 : i32
          %dma_start3A_556 = tpu.memref_slice %arg3[%add3A_555] : memref<640000xi32, #tpu.memory_space<hbm>> -> memref<80xi32, #tpu.memory_space<hbm>>
          %dma_start3A_557 = tpu.memref_slice %arg3[%add3A_555] : memref<640000xi32, #tpu.memory_space<hbm>> -> memref<80xi32, #tpu.memory_space<hbm>>
          tpu.enqueue_dma source(%dma_start3A_557 : memref<80xi32, #tpu.memory_space<hbm>>) target(%arg14 : memref<80xi32, #tpu.memory_space<vmem>>) target_semaphore(%arg16 : memref<!tpu.dma_semaphore, #tpu.memory_space<semaphore_mem>>)
        } else {
        }
        %dma_start3A_544 = arith.constant 0 : i32
        %dma_start3A_545 = arith.constant 0 : i32
        %dma_start3A_546 = tpu.memref_slice %arg6[%dma_start3A_544, %dma_start3A_545] : memref<10112x128xf32, #tpu.memory_space<vmem_shared>> -> memref<10112x128xf32, #tpu.memory_space<vmem_shared>>
        tpu.enqueue_indirect_dma source(%arg20 : memref<80x128xf32, #tpu.memory_space<vmem>>) target(%dma_start3A_546 : memref<10112x128xf32, #tpu.memory_space<vmem_shared>>) offsets(%arg10 : memref<80xi32, #tpu.memory_space<vmem>>) semaphore(%arg29 : memref<!tpu.dma_semaphore, #tpu.memory_space<semaphore_mem>>) {add = true}
      } else {
      }
      %mul3A_491 = arith.constant 8 : i32
      %mul3A_492 = arith.muli %scan3A_455, %mul3A_491 : i32
      %add3A_493 = arith.constant 4 : i32
      %add3A_494 = arith.addi %mul3A_492, %add3A_493 : i32
      %lt3A_495 = arith.constant 125 : i32
      %lt3A_496 = arith.cmpi slt, %add3A_494, %lt3A_495 : i32
      %convert_element_type3A_497 = arith.extui %lt3A_496 : i1 to i32
      %cond3A_498 = arith.constant 0 : i32
      %cond3A_499 = arith.cmpi ne, %convert_element_type3A_497, %cond3A_498 : i32
      scf.if %cond3A_499 {
        %dma_wait3A_527 = arith.constant 0 : i32
        %dma_wait3A_528 = arith.constant 0 : i32
        %dma_wait3A_529 = tpu.memref_slice %arg2[%dma_wait3A_527, %dma_wait3A_528] : memref<10000x128xf32, #tpu.memory_space<hbm>> -> memref<10000x128xf32, #tpu.memory_space<hbm>>
        tpu.wait_indirect_dma semaphore(%arg15 : memref<!tpu.dma_semaphore, #tpu.memory_space<semaphore_mem>>) src(%dma_wait3A_529 : memref<10000x128xf32, #tpu.memory_space<hbm>>) dst(%arg17 : memref<80x128xf32, #tpu.memory_space<vmem>>)
        %add3A_530 = arith.constant 3 : i32
        %add3A_531 = arith.addi %add3A_494, %add3A_530 : i32
        %lt3A_532 = arith.constant 125 : i32
        %lt3A_533 = arith.cmpi slt, %add3A_531, %lt3A_532 : i32
        %convert_element_type3A_534 = arith.extui %lt3A_533 : i1 to i32
        %cond3A_535 = arith.constant 0 : i32
        %cond3A_536 = arith.cmpi ne, %convert_element_type3A_534, %cond3A_535 : i32
        scf.if %cond3A_536 {
          %dma_wait3A_547 = tpu.memref_slice %arg3[%mul3A_4] : memref<640000xi32, #tpu.memory_space<hbm>> -> memref<80xi32, #tpu.memory_space<hbm>>
          %dma_wait3A_548 = tpu.memref_slice %arg3[%mul3A_4] : memref<640000xi32, #tpu.memory_space<hbm>> -> memref<80xi32, #tpu.memory_space<hbm>>
          tpu.wait_dma2 semaphore(%arg16 : memref<!tpu.dma_semaphore, #tpu.memory_space<semaphore_mem>>) src(%dma_wait3A_548 : memref<80xi32, #tpu.memory_space<hbm>>) dst(%arg28 : memref<80xi32, #tpu.memory_space<vmem>>)
          %dma_wait3A_549 = tpu.memref_slice %arg3[%mul3A_4] : memref<640000xi32, #tpu.memory_space<hbm>> -> memref<80xi32, #tpu.memory_space<hbm>>
          %dma_wait3A_550 = tpu.memref_slice %arg3[%mul3A_4] : memref<640000xi32, #tpu.memory_space<hbm>> -> memref<80xi32, #tpu.memory_space<hbm>>
          tpu.wait_dma2 semaphore(%arg16 : memref<!tpu.dma_semaphore, #tpu.memory_space<semaphore_mem>>) src(%dma_wait3A_550 : memref<80xi32, #tpu.memory_space<hbm>>) dst(%arg14 : memref<80xi32, #tpu.memory_space<vmem>>)
          %gt3A = arith.constant 0 : i32
          %gt3A_551 = arith.cmpi sgt, %add3A_494, %gt3A : i32
          %convert_element_type3A_552 = arith.extui %gt3A_551 : i1 to i32
          %cond3A_553 = arith.constant 0 : i32
          %cond3A_554 = arith.cmpi ne, %convert_element_type3A_552, %cond3A_553 : i32
          scf.if %cond3A_554 {
            %dma_wait3A_558 = arith.constant 0 : i32
            %dma_wait3A_559 = arith.constant 0 : i32
            %dma_wait3A_560 = tpu.memref_slice %arg6[%dma_wait3A_558, %dma_wait3A_559] : memref<10112x128xf32, #tpu.memory_space<vmem_shared>> -> memref<10112x128xf32, #tpu.memory_space<vmem_shared>>
            tpu.wait_indirect_dma semaphore(%arg29 : memref<!tpu.dma_semaphore, #tpu.memory_space<semaphore_mem>>) src(%arg20 : memref<80x128xf32, #tpu.memory_space<vmem>>) dst(%dma_wait3A_560 : memref<10112x128xf32, #tpu.memory_space<vmem_shared>>)
          } else {
          }
          %dma_start3A_555 = arith.constant 0 : i32
          %dma_start3A_556 = arith.constant 0 : i32
          %dma_start3A_557 = tpu.memref_slice %arg2[%dma_start3A_555, %dma_start3A_556] : memref<10000x128xf32, #tpu.memory_space<hbm>> -> memref<10000x128xf32, #tpu.memory_space<hbm>>
          tpu.enqueue_indirect_dma source(%dma_start3A_557 : memref<10000x128xf32, #tpu.memory_space<hbm>>) target(%arg20 : memref<80x128xf32, #tpu.memory_space<vmem>>) offsets(%arg28 : memref<80xi32, #tpu.memory_space<vmem>>) semaphore(%arg15 : memref<!tpu.dma_semaphore, #tpu.memory_space<semaphore_mem>>)
        } else {
        }
        %add3A_537 = arith.constant 4 : i32
        %add3A_538 = arith.addi %add3A_494, %add3A_537 : i32
        %lt3A_539 = arith.constant 125 : i32
        %lt3A_540 = arith.cmpi slt, %add3A_538, %lt3A_539 : i32
        %convert_element_type3A_541 = arith.extui %lt3A_540 : i1 to i32
        %cond3A_542 = arith.constant 0 : i32
        %cond3A_543 = arith.cmpi ne, %convert_element_type3A_541, %cond3A_542 : i32
        scf.if %cond3A_543 {
          %add3A_547 = arith.constant 4 : i32
          %add3A_548 = arith.addi %add3A_494, %add3A_547 : i32
          %mul3A_549 = arith.constant 80 : i32
          %mul3A_550 = arith.muli %add3A_548, %mul3A_549 : i32
          %add3A_551 = arith.addi %mul3A_4, %mul3A_550 : i32
          %dma_start3A_552 = tpu.memref_slice %arg3[%add3A_551] : memref<640000xi32, #tpu.memory_space<hbm>> -> memref<80xi32, #tpu.memory_space<hbm>>
          %dma_start3A_553 = tpu.memref_slice %arg3[%add3A_551] : memref<640000xi32, #tpu.memory_space<hbm>> -> memref<80xi32, #tpu.memory_space<hbm>>
          tpu.enqueue_dma source(%dma_start3A_553 : memref<80xi32, #tpu.memory_space<hbm>>) target(%arg21 : memref<80xi32, #tpu.memory_space<vmem>>) target_semaphore(%arg16 : memref<!tpu.dma_semaphore, #tpu.memory_space<semaphore_mem>>)
          %add3A_554 = arith.constant 320000 : i32
          %add3A_555 = arith.addi %add3A_554, %add3A_551 : i32
          %dma_start3A_556 = tpu.memref_slice %arg3[%add3A_555] : memref<640000xi32, #tpu.memory_space<hbm>> -> memref<80xi32, #tpu.memory_space<hbm>>
          %dma_start3A_557 = tpu.memref_slice %arg3[%add3A_555] : memref<640000xi32, #tpu.memory_space<hbm>> -> memref<80xi32, #tpu.memory_space<hbm>>
          tpu.enqueue_dma source(%dma_start3A_557 : memref<80xi32, #tpu.memory_space<hbm>>) target(%arg7 : memref<80xi32, #tpu.memory_space<vmem>>) target_semaphore(%arg16 : memref<!tpu.dma_semaphore, #tpu.memory_space<semaphore_mem>>)
        } else {
        }
        %dma_start3A_544 = arith.constant 0 : i32
        %dma_start3A_545 = arith.constant 0 : i32
        %dma_start3A_546 = tpu.memref_slice %arg6[%dma_start3A_544, %dma_start3A_545] : memref<10112x128xf32, #tpu.memory_space<vmem_shared>> -> memref<10112x128xf32, #tpu.memory_space<vmem_shared>>
        tpu.enqueue_indirect_dma source(%arg17 : memref<80x128xf32, #tpu.memory_space<vmem>>) target(%dma_start3A_546 : memref<10112x128xf32, #tpu.memory_space<vmem_shared>>) offsets(%arg11 : memref<80xi32, #tpu.memory_space<vmem>>) semaphore(%arg29 : memref<!tpu.dma_semaphore, #tpu.memory_space<semaphore_mem>>) {add = true}
      } else {
      }
      %mul3A_500 = arith.constant 8 : i32
      %mul3A_501 = arith.muli %scan3A_455, %mul3A_500 : i32
      %add3A_502 = arith.constant 5 : i32
      %add3A_503 = arith.addi %mul3A_501, %add3A_502 : i32
      %lt3A_504 = arith.constant 125 : i32
      %lt3A_505 = arith.cmpi slt, %add3A_503, %lt3A_504 : i32
      %convert_element_type3A_506 = arith.extui %lt3A_505 : i1 to i32
      %cond3A_507 = arith.constant 0 : i32
      %cond3A_508 = arith.cmpi ne, %convert_element_type3A_506, %cond3A_507 : i32
      scf.if %cond3A_508 {
        %dma_wait3A_527 = arith.constant 0 : i32
        %dma_wait3A_528 = arith.constant 0 : i32
        %dma_wait3A_529 = tpu.memref_slice %arg2[%dma_wait3A_527, %dma_wait3A_528] : memref<10000x128xf32, #tpu.memory_space<hbm>> -> memref<10000x128xf32, #tpu.memory_space<hbm>>
        tpu.wait_indirect_dma semaphore(%arg15 : memref<!tpu.dma_semaphore, #tpu.memory_space<semaphore_mem>>) src(%dma_wait3A_529 : memref<10000x128xf32, #tpu.memory_space<hbm>>) dst(%arg18 : memref<80x128xf32, #tpu.memory_space<vmem>>)
        %add3A_530 = arith.constant 3 : i32
        %add3A_531 = arith.addi %add3A_503, %add3A_530 : i32
        %lt3A_532 = arith.constant 125 : i32
        %lt3A_533 = arith.cmpi slt, %add3A_531, %lt3A_532 : i32
        %convert_element_type3A_534 = arith.extui %lt3A_533 : i1 to i32
        %cond3A_535 = arith.constant 0 : i32
        %cond3A_536 = arith.cmpi ne, %convert_element_type3A_534, %cond3A_535 : i32
        scf.if %cond3A_536 {
          %dma_wait3A_547 = tpu.memref_slice %arg3[%mul3A_4] : memref<640000xi32, #tpu.memory_space<hbm>> -> memref<80xi32, #tpu.memory_space<hbm>>
          %dma_wait3A_548 = tpu.memref_slice %arg3[%mul3A_4] : memref<640000xi32, #tpu.memory_space<hbm>> -> memref<80xi32, #tpu.memory_space<hbm>>
          tpu.wait_dma2 semaphore(%arg16 : memref<!tpu.dma_semaphore, #tpu.memory_space<semaphore_mem>>) src(%dma_wait3A_548 : memref<80xi32, #tpu.memory_space<hbm>>) dst(%arg21 : memref<80xi32, #tpu.memory_space<vmem>>)
          %dma_wait3A_549 = tpu.memref_slice %arg3[%mul3A_4] : memref<640000xi32, #tpu.memory_space<hbm>> -> memref<80xi32, #tpu.memory_space<hbm>>
          %dma_wait3A_550 = tpu.memref_slice %arg3[%mul3A_4] : memref<640000xi32, #tpu.memory_space<hbm>> -> memref<80xi32, #tpu.memory_space<hbm>>
          tpu.wait_dma2 semaphore(%arg16 : memref<!tpu.dma_semaphore, #tpu.memory_space<semaphore_mem>>) src(%dma_wait3A_550 : memref<80xi32, #tpu.memory_space<hbm>>) dst(%arg7 : memref<80xi32, #tpu.memory_space<vmem>>)
          %gt3A = arith.constant 0 : i32
          %gt3A_551 = arith.cmpi sgt, %add3A_503, %gt3A : i32
          %convert_element_type3A_552 = arith.extui %gt3A_551 : i1 to i32
          %cond3A_553 = arith.constant 0 : i32
          %cond3A_554 = arith.cmpi ne, %convert_element_type3A_552, %cond3A_553 : i32
          scf.if %cond3A_554 {
            %dma_wait3A_558 = arith.constant 0 : i32
            %dma_wait3A_559 = arith.constant 0 : i32
            %dma_wait3A_560 = tpu.memref_slice %arg6[%dma_wait3A_558, %dma_wait3A_559] : memref<10112x128xf32, #tpu.memory_space<vmem_shared>> -> memref<10112x128xf32, #tpu.memory_space<vmem_shared>>
            tpu.wait_indirect_dma semaphore(%arg29 : memref<!tpu.dma_semaphore, #tpu.memory_space<semaphore_mem>>) src(%arg17 : memref<80x128xf32, #tpu.memory_space<vmem>>) dst(%dma_wait3A_560 : memref<10112x128xf32, #tpu.memory_space<vmem_shared>>)
          } else {
          }
          %dma_start3A_555 = arith.constant 0 : i32
          %dma_start3A_556 = arith.constant 0 : i32
          %dma_start3A_557 = tpu.memref_slice %arg2[%dma_start3A_555, %dma_start3A_556] : memref<10000x128xf32, #tpu.memory_space<hbm>> -> memref<10000x128xf32, #tpu.memory_space<hbm>>
          tpu.enqueue_indirect_dma source(%dma_start3A_557 : memref<10000x128xf32, #tpu.memory_space<hbm>>) target(%arg17 : memref<80x128xf32, #tpu.memory_space<vmem>>) offsets(%arg21 : memref<80xi32, #tpu.memory_space<vmem>>) semaphore(%arg15 : memref<!tpu.dma_semaphore, #tpu.memory_space<semaphore_mem>>)
        } else {
        }
        %add3A_537 = arith.constant 4 : i32
        %add3A_538 = arith.addi %add3A_503, %add3A_537 : i32
        %lt3A_539 = arith.constant 125 : i32
        %lt3A_540 = arith.cmpi slt, %add3A_538, %lt3A_539 : i32
        %convert_element_type3A_541 = arith.extui %lt3A_540 : i1 to i32
        %cond3A_542 = arith.constant 0 : i32
        %cond3A_543 = arith.cmpi ne, %convert_element_type3A_541, %cond3A_542 : i32
        scf.if %cond3A_543 {
          %add3A_547 = arith.constant 4 : i32
          %add3A_548 = arith.addi %add3A_503, %add3A_547 : i32
          %mul3A_549 = arith.constant 80 : i32
          %mul3A_550 = arith.muli %add3A_548, %mul3A_549 : i32
          %add3A_551 = arith.addi %mul3A_4, %mul3A_550 : i32
          %dma_start3A_552 = tpu.memref_slice %arg3[%add3A_551] : memref<640000xi32, #tpu.memory_space<hbm>> -> memref<80xi32, #tpu.memory_space<hbm>>
          %dma_start3A_553 = tpu.memref_slice %arg3[%add3A_551] : memref<640000xi32, #tpu.memory_space<hbm>> -> memref<80xi32, #tpu.memory_space<hbm>>
          tpu.enqueue_dma source(%dma_start3A_553 : memref<80xi32, #tpu.memory_space<hbm>>) target(%arg22 : memref<80xi32, #tpu.memory_space<vmem>>) target_semaphore(%arg16 : memref<!tpu.dma_semaphore, #tpu.memory_space<semaphore_mem>>)
          %add3A_554 = arith.constant 320000 : i32
          %add3A_555 = arith.addi %add3A_554, %add3A_551 : i32
          %dma_start3A_556 = tpu.memref_slice %arg3[%add3A_555] : memref<640000xi32, #tpu.memory_space<hbm>> -> memref<80xi32, #tpu.memory_space<hbm>>
          %dma_start3A_557 = tpu.memref_slice %arg3[%add3A_555] : memref<640000xi32, #tpu.memory_space<hbm>> -> memref<80xi32, #tpu.memory_space<hbm>>
          tpu.enqueue_dma source(%dma_start3A_557 : memref<80xi32, #tpu.memory_space<hbm>>) target(%arg8 : memref<80xi32, #tpu.memory_space<vmem>>) target_semaphore(%arg16 : memref<!tpu.dma_semaphore, #tpu.memory_space<semaphore_mem>>)
        } else {
        }
        %dma_start3A_544 = arith.constant 0 : i32
        %dma_start3A_545 = arith.constant 0 : i32
        %dma_start3A_546 = tpu.memref_slice %arg6[%dma_start3A_544, %dma_start3A_545] : memref<10112x128xf32, #tpu.memory_space<vmem_shared>> -> memref<10112x128xf32, #tpu.memory_space<vmem_shared>>
        tpu.enqueue_indirect_dma source(%arg18 : memref<80x128xf32, #tpu.memory_space<vmem>>) target(%dma_start3A_546 : memref<10112x128xf32, #tpu.memory_space<vmem_shared>>) offsets(%arg12 : memref<80xi32, #tpu.memory_space<vmem>>) semaphore(%arg29 : memref<!tpu.dma_semaphore, #tpu.memory_space<semaphore_mem>>) {add = true}
      } else {
      }
      %mul3A_509 = arith.constant 8 : i32
      %mul3A_510 = arith.muli %scan3A_455, %mul3A_509 : i32
      %add3A_511 = arith.constant 6 : i32
      %add3A_512 = arith.addi %mul3A_510, %add3A_511 : i32
      %lt3A_513 = arith.constant 125 : i32
      %lt3A_514 = arith.cmpi slt, %add3A_512, %lt3A_513 : i32
      %convert_element_type3A_515 = arith.extui %lt3A_514 : i1 to i32
      %cond3A_516 = arith.constant 0 : i32
      %cond3A_517 = arith.cmpi ne, %convert_element_type3A_515, %cond3A_516 : i32
      scf.if %cond3A_517 {
        %dma_wait3A_527 = arith.constant 0 : i32
        %dma_wait3A_528 = arith.constant 0 : i32
        %dma_wait3A_529 = tpu.memref_slice %arg2[%dma_wait3A_527, %dma_wait3A_528] : memref<10000x128xf32, #tpu.memory_space<hbm>> -> memref<10000x128xf32, #tpu.memory_space<hbm>>
        tpu.wait_indirect_dma semaphore(%arg15 : memref<!tpu.dma_semaphore, #tpu.memory_space<semaphore_mem>>) src(%dma_wait3A_529 : memref<10000x128xf32, #tpu.memory_space<hbm>>) dst(%arg19 : memref<80x128xf32, #tpu.memory_space<vmem>>)
        %add3A_530 = arith.constant 3 : i32
        %add3A_531 = arith.addi %add3A_512, %add3A_530 : i32
        %lt3A_532 = arith.constant 125 : i32
        %lt3A_533 = arith.cmpi slt, %add3A_531, %lt3A_532 : i32
        %convert_element_type3A_534 = arith.extui %lt3A_533 : i1 to i32
        %cond3A_535 = arith.constant 0 : i32
        %cond3A_536 = arith.cmpi ne, %convert_element_type3A_534, %cond3A_535 : i32
        scf.if %cond3A_536 {
          %dma_wait3A_547 = tpu.memref_slice %arg3[%mul3A_4] : memref<640000xi32, #tpu.memory_space<hbm>> -> memref<80xi32, #tpu.memory_space<hbm>>
          %dma_wait3A_548 = tpu.memref_slice %arg3[%mul3A_4] : memref<640000xi32, #tpu.memory_space<hbm>> -> memref<80xi32, #tpu.memory_space<hbm>>
          tpu.wait_dma2 semaphore(%arg16 : memref<!tpu.dma_semaphore, #tpu.memory_space<semaphore_mem>>) src(%dma_wait3A_548 : memref<80xi32, #tpu.memory_space<hbm>>) dst(%arg22 : memref<80xi32, #tpu.memory_space<vmem>>)
          %dma_wait3A_549 = tpu.memref_slice %arg3[%mul3A_4] : memref<640000xi32, #tpu.memory_space<hbm>> -> memref<80xi32, #tpu.memory_space<hbm>>
          %dma_wait3A_550 = tpu.memref_slice %arg3[%mul3A_4] : memref<640000xi32, #tpu.memory_space<hbm>> -> memref<80xi32, #tpu.memory_space<hbm>>
          tpu.wait_dma2 semaphore(%arg16 : memref<!tpu.dma_semaphore, #tpu.memory_space<semaphore_mem>>) src(%dma_wait3A_550 : memref<80xi32, #tpu.memory_space<hbm>>) dst(%arg8 : memref<80xi32, #tpu.memory_space<vmem>>)
          %gt3A = arith.constant 0 : i32
          %gt3A_551 = arith.cmpi sgt, %add3A_512, %gt3A : i32
          %convert_element_type3A_552 = arith.extui %gt3A_551 : i1 to i32
          %cond3A_553 = arith.constant 0 : i32
          %cond3A_554 = arith.cmpi ne, %convert_element_type3A_552, %cond3A_553 : i32
          scf.if %cond3A_554 {
            %dma_wait3A_558 = arith.constant 0 : i32
            %dma_wait3A_559 = arith.constant 0 : i32
            %dma_wait3A_560 = tpu.memref_slice %arg6[%dma_wait3A_558, %dma_wait3A_559] : memref<10112x128xf32, #tpu.memory_space<vmem_shared>> -> memref<10112x128xf32, #tpu.memory_space<vmem_shared>>
            tpu.wait_indirect_dma semaphore(%arg29 : memref<!tpu.dma_semaphore, #tpu.memory_space<semaphore_mem>>) src(%arg18 : memref<80x128xf32, #tpu.memory_space<vmem>>) dst(%dma_wait3A_560 : memref<10112x128xf32, #tpu.memory_space<vmem_shared>>)
          } else {
          }
          %dma_start3A_555 = arith.constant 0 : i32
          %dma_start3A_556 = arith.constant 0 : i32
          %dma_start3A_557 = tpu.memref_slice %arg2[%dma_start3A_555, %dma_start3A_556] : memref<10000x128xf32, #tpu.memory_space<hbm>> -> memref<10000x128xf32, #tpu.memory_space<hbm>>
          tpu.enqueue_indirect_dma source(%dma_start3A_557 : memref<10000x128xf32, #tpu.memory_space<hbm>>) target(%arg18 : memref<80x128xf32, #tpu.memory_space<vmem>>) offsets(%arg22 : memref<80xi32, #tpu.memory_space<vmem>>) semaphore(%arg15 : memref<!tpu.dma_semaphore, #tpu.memory_space<semaphore_mem>>)
        } else {
        }
        %add3A_537 = arith.constant 4 : i32
        %add3A_538 = arith.addi %add3A_512, %add3A_537 : i32
        %lt3A_539 = arith.constant 125 : i32
        %lt3A_540 = arith.cmpi slt, %add3A_538, %lt3A_539 : i32
        %convert_element_type3A_541 = arith.extui %lt3A_540 : i1 to i32
        %cond3A_542 = arith.constant 0 : i32
        %cond3A_543 = arith.cmpi ne, %convert_element_type3A_541, %cond3A_542 : i32
        scf.if %cond3A_543 {
          %add3A_547 = arith.constant 4 : i32
          %add3A_548 = arith.addi %add3A_512, %add3A_547 : i32
          %mul3A_549 = arith.constant 80 : i32
          %mul3A_550 = arith.muli %add3A_548, %mul3A_549 : i32
          %add3A_551 = arith.addi %mul3A_4, %mul3A_550 : i32
          %dma_start3A_552 = tpu.memref_slice %arg3[%add3A_551] : memref<640000xi32, #tpu.memory_space<hbm>> -> memref<80xi32, #tpu.memory_space<hbm>>
          %dma_start3A_553 = tpu.memref_slice %arg3[%add3A_551] : memref<640000xi32, #tpu.memory_space<hbm>> -> memref<80xi32, #tpu.memory_space<hbm>>
          tpu.enqueue_dma source(%dma_start3A_553 : memref<80xi32, #tpu.memory_space<hbm>>) target(%arg23 : memref<80xi32, #tpu.memory_space<vmem>>) target_semaphore(%arg16 : memref<!tpu.dma_semaphore, #tpu.memory_space<semaphore_mem>>)
          %add3A_554 = arith.constant 320000 : i32
          %add3A_555 = arith.addi %add3A_554, %add3A_551 : i32
          %dma_start3A_556 = tpu.memref_slice %arg3[%add3A_555] : memref<640000xi32, #tpu.memory_space<hbm>> -> memref<80xi32, #tpu.memory_space<hbm>>
          %dma_start3A_557 = tpu.memref_slice %arg3[%add3A_555] : memref<640000xi32, #tpu.memory_space<hbm>> -> memref<80xi32, #tpu.memory_space<hbm>>
          tpu.enqueue_dma source(%dma_start3A_557 : memref<80xi32, #tpu.memory_space<hbm>>) target(%arg9 : memref<80xi32, #tpu.memory_space<vmem>>) target_semaphore(%arg16 : memref<!tpu.dma_semaphore, #tpu.memory_space<semaphore_mem>>)
        } else {
        }
        %dma_start3A_544 = arith.constant 0 : i32
        %dma_start3A_545 = arith.constant 0 : i32
        %dma_start3A_546 = tpu.memref_slice %arg6[%dma_start3A_544, %dma_start3A_545] : memref<10112x128xf32, #tpu.memory_space<vmem_shared>> -> memref<10112x128xf32, #tpu.memory_space<vmem_shared>>
        tpu.enqueue_indirect_dma source(%arg19 : memref<80x128xf32, #tpu.memory_space<vmem>>) target(%dma_start3A_546 : memref<10112x128xf32, #tpu.memory_space<vmem_shared>>) offsets(%arg13 : memref<80xi32, #tpu.memory_space<vmem>>) semaphore(%arg29 : memref<!tpu.dma_semaphore, #tpu.memory_space<semaphore_mem>>) {add = true}
      } else {
      }
      %mul3A_518 = arith.constant 8 : i32
      %mul3A_519 = arith.muli %scan3A_455, %mul3A_518 : i32
      %add3A_520 = arith.constant 7 : i32
      %add3A_521 = arith.addi %mul3A_519, %add3A_520 : i32
      %lt3A_522 = arith.constant 125 : i32
      %lt3A_523 = arith.cmpi slt, %add3A_521, %lt3A_522 : i32
      %convert_element_type3A_524 = arith.extui %lt3A_523 : i1 to i32
      %cond3A_525 = arith.constant 0 : i32
      %cond3A_526 = arith.cmpi ne, %convert_element_type3A_524, %cond3A_525 : i32
      scf.if %cond3A_526 {
        %dma_wait3A_527 = arith.constant 0 : i32
        %dma_wait3A_528 = arith.constant 0 : i32
        %dma_wait3A_529 = tpu.memref_slice %arg2[%dma_wait3A_527, %dma_wait3A_528] : memref<10000x128xf32, #tpu.memory_space<hbm>> -> memref<10000x128xf32, #tpu.memory_space<hbm>>
        tpu.wait_indirect_dma semaphore(%arg15 : memref<!tpu.dma_semaphore, #tpu.memory_space<semaphore_mem>>) src(%dma_wait3A_529 : memref<10000x128xf32, #tpu.memory_space<hbm>>) dst(%arg20 : memref<80x128xf32, #tpu.memory_space<vmem>>)
        %add3A_530 = arith.constant 3 : i32
        %add3A_531 = arith.addi %add3A_521, %add3A_530 : i32
        %lt3A_532 = arith.constant 125 : i32
        %lt3A_533 = arith.cmpi slt, %add3A_531, %lt3A_532 : i32
        %convert_element_type3A_534 = arith.extui %lt3A_533 : i1 to i32
        %cond3A_535 = arith.constant 0 : i32
        %cond3A_536 = arith.cmpi ne, %convert_element_type3A_534, %cond3A_535 : i32
        scf.if %cond3A_536 {
          %dma_wait3A_547 = tpu.memref_slice %arg3[%mul3A_4] : memref<640000xi32, #tpu.memory_space<hbm>> -> memref<80xi32, #tpu.memory_space<hbm>>
          %dma_wait3A_548 = tpu.memref_slice %arg3[%mul3A_4] : memref<640000xi32, #tpu.memory_space<hbm>> -> memref<80xi32, #tpu.memory_space<hbm>>
          tpu.wait_dma2 semaphore(%arg16 : memref<!tpu.dma_semaphore, #tpu.memory_space<semaphore_mem>>) src(%dma_wait3A_548 : memref<80xi32, #tpu.memory_space<hbm>>) dst(%arg23 : memref<80xi32, #tpu.memory_space<vmem>>)
          %dma_wait3A_549 = tpu.memref_slice %arg3[%mul3A_4] : memref<640000xi32, #tpu.memory_space<hbm>> -> memref<80xi32, #tpu.memory_space<hbm>>
          %dma_wait3A_550 = tpu.memref_slice %arg3[%mul3A_4] : memref<640000xi32, #tpu.memory_space<hbm>> -> memref<80xi32, #tpu.memory_space<hbm>>
          tpu.wait_dma2 semaphore(%arg16 : memref<!tpu.dma_semaphore, #tpu.memory_space<semaphore_mem>>) src(%dma_wait3A_550 : memref<80xi32, #tpu.memory_space<hbm>>) dst(%arg9 : memref<80xi32, #tpu.memory_space<vmem>>)
          %gt3A = arith.constant 0 : i32
          %gt3A_551 = arith.cmpi sgt, %add3A_521, %gt3A : i32
          %convert_element_type3A_552 = arith.extui %gt3A_551 : i1 to i32
          %cond3A_553 = arith.constant 0 : i32
          %cond3A_554 = arith.cmpi ne, %convert_element_type3A_552, %cond3A_553 : i32
          scf.if %cond3A_554 {
            %dma_wait3A_558 = arith.constant 0 : i32
            %dma_wait3A_559 = arith.constant 0 : i32
            %dma_wait3A_560 = tpu.memref_slice %arg6[%dma_wait3A_558, %dma_wait3A_559] : memref<10112x128xf32, #tpu.memory_space<vmem_shared>> -> memref<10112x128xf32, #tpu.memory_space<vmem_shared>>
            tpu.wait_indirect_dma semaphore(%arg29 : memref<!tpu.dma_semaphore, #tpu.memory_space<semaphore_mem>>) src(%arg19 : memref<80x128xf32, #tpu.memory_space<vmem>>) dst(%dma_wait3A_560 : memref<10112x128xf32, #tpu.memory_space<vmem_shared>>)
          } else {
          }
          %dma_start3A_555 = arith.constant 0 : i32
          %dma_start3A_556 = arith.constant 0 : i32
          %dma_start3A_557 = tpu.memref_slice %arg2[%dma_start3A_555, %dma_start3A_556] : memref<10000x128xf32, #tpu.memory_space<hbm>> -> memref<10000x128xf32, #tpu.memory_space<hbm>>
          tpu.enqueue_indirect_dma source(%dma_start3A_557 : memref<10000x128xf32, #tpu.memory_space<hbm>>) target(%arg19 : memref<80x128xf32, #tpu.memory_space<vmem>>) offsets(%arg23 : memref<80xi32, #tpu.memory_space<vmem>>) semaphore(%arg15 : memref<!tpu.dma_semaphore, #tpu.memory_space<semaphore_mem>>)
        } else {
        }
        %add3A_537 = arith.constant 4 : i32
        %add3A_538 = arith.addi %add3A_521, %add3A_537 : i32
        %lt3A_539 = arith.constant 125 : i32
        %lt3A_540 = arith.cmpi slt, %add3A_538, %lt3A_539 : i32
        %convert_element_type3A_541 = arith.extui %lt3A_540 : i1 to i32
        %cond3A_542 = arith.constant 0 : i32
        %cond3A_543 = arith.cmpi ne, %convert_element_type3A_541, %cond3A_542 : i32
        scf.if %cond3A_543 {
          %add3A_547 = arith.constant 4 : i32
          %add3A_548 = arith.addi %add3A_521, %add3A_547 : i32
          %mul3A_549 = arith.constant 80 : i32
          %mul3A_550 = arith.muli %add3A_548, %mul3A_549 : i32
          %add3A_551 = arith.addi %mul3A_4, %mul3A_550 : i32
          %dma_start3A_552 = tpu.memref_slice %arg3[%add3A_551] : memref<640000xi32, #tpu.memory_space<hbm>> -> memref<80xi32, #tpu.memory_space<hbm>>
          %dma_start3A_553 = tpu.memref_slice %arg3[%add3A_551] : memref<640000xi32, #tpu.memory_space<hbm>> -> memref<80xi32, #tpu.memory_space<hbm>>
          tpu.enqueue_dma source(%dma_start3A_553 : memref<80xi32, #tpu.memory_space<hbm>>) target(%arg24 : memref<80xi32, #tpu.memory_space<vmem>>) target_semaphore(%arg16 : memref<!tpu.dma_semaphore, #tpu.memory_space<semaphore_mem>>)
          %add3A_554 = arith.constant 320000 : i32
          %add3A_555 = arith.addi %add3A_554, %add3A_551 : i32
          %dma_start3A_556 = tpu.memref_slice %arg3[%add3A_555] : memref<640000xi32, #tpu.memory_space<hbm>> -> memref<80xi32, #tpu.memory_space<hbm>>
          %dma_start3A_557 = tpu.memref_slice %arg3[%add3A_555] : memref<640000xi32, #tpu.memory_space<hbm>> -> memref<80xi32, #tpu.memory_space<hbm>>
          tpu.enqueue_dma source(%dma_start3A_557 : memref<80xi32, #tpu.memory_space<hbm>>) target(%arg10 : memref<80xi32, #tpu.memory_space<vmem>>) target_semaphore(%arg16 : memref<!tpu.dma_semaphore, #tpu.memory_space<semaphore_mem>>)
        } else {
        }
        %dma_start3A_544 = arith.constant 0 : i32
        %dma_start3A_545 = arith.constant 0 : i32
        %dma_start3A_546 = tpu.memref_slice %arg6[%dma_start3A_544, %dma_start3A_545] : memref<10112x128xf32, #tpu.memory_space<vmem_shared>> -> memref<10112x128xf32, #tpu.memory_space<vmem_shared>>
        tpu.enqueue_indirect_dma source(%arg20 : memref<80x128xf32, #tpu.memory_space<vmem>>) target(%dma_start3A_546 : memref<10112x128xf32, #tpu.memory_space<vmem_shared>>) offsets(%arg14 : memref<80xi32, #tpu.memory_space<vmem>>) semaphore(%arg29 : memref<!tpu.dma_semaphore, #tpu.memory_space<semaphore_mem>>) {add = true}
      } else {
      }
    }
    %scan3A_435 = arith.constant 16 : i32
    %dma_wait3A = arith.constant 0 : i32
    %dma_wait3A_436 = arith.constant 0 : i32
    %dma_wait3A_437 = tpu.memref_slice %arg6[%dma_wait3A, %dma_wait3A_436] : memref<10112x128xf32, #tpu.memory_space<vmem_shared>> -> memref<10112x128xf32, #tpu.memory_space<vmem_shared>>
    tpu.wait_indirect_dma semaphore(%arg29 : memref<!tpu.dma_semaphore, #tpu.memory_space<semaphore_mem>>) src(%arg17 : memref<80x128xf32, #tpu.memory_space<vmem>>) dst(%dma_wait3A_437 : memref<10112x128xf32, #tpu.memory_space<vmem_shared>>)
    %dma_wait3A_438 = arith.constant 0 : i32
    %dma_wait3A_439 = arith.constant 0 : i32
    %dma_wait3A_440 = tpu.memref_slice %arg6[%dma_wait3A_438, %dma_wait3A_439] : memref<10112x128xf32, #tpu.memory_space<vmem_shared>> -> memref<10112x128xf32, #tpu.memory_space<vmem_shared>>
    tpu.wait_indirect_dma semaphore(%arg29 : memref<!tpu.dma_semaphore, #tpu.memory_space<semaphore_mem>>) src(%arg17 : memref<80x128xf32, #tpu.memory_space<vmem>>) dst(%dma_wait3A_440 : memref<10112x128xf32, #tpu.memory_space<vmem_shared>>)
    %dma_wait3A_441 = arith.constant 0 : i32
    %dma_wait3A_442 = arith.constant 0 : i32
    %dma_wait3A_443 = tpu.memref_slice %arg6[%dma_wait3A_441, %dma_wait3A_442] : memref<10112x128xf32, #tpu.memory_space<vmem_shared>> -> memref<10112x128xf32, #tpu.memory_space<vmem_shared>>
    tpu.wait_indirect_dma semaphore(%arg29 : memref<!tpu.dma_semaphore, #tpu.memory_space<semaphore_mem>>) src(%arg17 : memref<80x128xf32, #tpu.memory_space<vmem>>) dst(%dma_wait3A_443 : memref<10112x128xf32, #tpu.memory_space<vmem_shared>>)
    %dma_wait3A_444 = arith.constant 0 : i32
    %dma_wait3A_445 = arith.constant 0 : i32
    %dma_wait3A_446 = tpu.memref_slice %arg6[%dma_wait3A_444, %dma_wait3A_445] : memref<10112x128xf32, #tpu.memory_space<vmem_shared>> -> memref<10112x128xf32, #tpu.memory_space<vmem_shared>>
    tpu.wait_indirect_dma semaphore(%arg29 : memref<!tpu.dma_semaphore, #tpu.memory_space<semaphore_mem>>) src(%arg17 : memref<80x128xf32, #tpu.memory_space<vmem>>) dst(%dma_wait3A_446 : memref<10112x128xf32, #tpu.memory_space<vmem_shared>>)
    %barrier3A_447 = arith.constant 0 : index
    tpu.barrier barrier_id(%barrier3A_447)
    %eq3A = arith.constant 0 : i32
    %eq3A_448 = arith.cmpi eq, %arg0, %eq3A : i32
    %convert_element_type3A = arith.extui %eq3A_448 : i1 to i32
    %cond3A = arith.constant 0 : i32
    %cond3A_449 = arith.cmpi ne, %convert_element_type3A, %cond3A : i32
    scf.if %cond3A_449 {
      "tpu.region"() ({
        %run_scoped3A = tpu.sem_alloc : memref<!tpu.dma_semaphore, #tpu.memory_space<semaphore_mem>>
        %dma_start3A_455 = arith.constant 0 : i32
        %dma_start3A_456 = tpu.memref_slice %arg4[%mul3A_2, %dma_start3A_455] : memref<10112x128xf32, #tpu.memory_space<hbm>> -> memref<632x128xf32, #tpu.memory_space<hbm>>
        %dma_start3A_457 = arith.constant 0 : i32
        %dma_start3A_458 = tpu.memref_slice %arg6[%mul3A_2, %dma_start3A_457] : memref<10112x128xf32, #tpu.memory_space<vmem_shared>> -> memref<632x128xf32, #tpu.memory_space<vmem_shared>>
        tpu.enqueue_dma source(%dma_start3A_458 : memref<632x128xf32, #tpu.memory_space<vmem_shared>>) target(%dma_start3A_456 : memref<632x128xf32, #tpu.memory_space<hbm>>) target_semaphore(%run_scoped3A : memref<!tpu.dma_semaphore, #tpu.memory_space<semaphore_mem>>)
        %dma_wait3A_459 = arith.constant 0 : i32
        %dma_wait3A_460 = tpu.memref_slice %arg4[%mul3A_2, %dma_wait3A_459] : memref<10112x128xf32, #tpu.memory_space<hbm>> -> memref<632x128xf32, #tpu.memory_space<hbm>>
        %dma_wait3A_461 = arith.constant 0 : i32
        %dma_wait3A_462 = tpu.memref_slice %arg6[%mul3A_2, %dma_wait3A_461] : memref<10112x128xf32, #tpu.memory_space<vmem_shared>> -> memref<632x128xf32, #tpu.memory_space<vmem_shared>>
        tpu.wait_dma2 semaphore(%run_scoped3A : memref<!tpu.dma_semaphore, #tpu.memory_space<semaphore_mem>>) src(%dma_wait3A_462 : memref<632x128xf32, #tpu.memory_space<vmem_shared>>) dst(%dma_wait3A_460 : memref<632x128xf32, #tpu.memory_space<hbm>>)
        tpu.yield
      }) : () -> ()
    } else {
    }
    %eq3A_450 = arith.constant 1 : i32
    %eq3A_451 = arith.cmpi eq, %arg0, %eq3A_450 : i32
    %convert_element_type3A_452 = arith.extui %eq3A_451 : i1 to i32
    %cond3A_453 = arith.constant 0 : i32
    %cond3A_454 = arith.cmpi ne, %convert_element_type3A_452, %cond3A_453 : i32
    scf.if %cond3A_454 {
      "tpu.region"() ({
        %run_scoped3A = tpu.sem_alloc : memref<!tpu.dma_semaphore, #tpu.memory_space<semaphore_mem>>
        %dma_start3A_455 = arith.constant 0 : i32
        %dma_start3A_456 = tpu.memref_slice %arg5[%mul3A_2, %dma_start3A_455] : memref<10112x128xf32, #tpu.memory_space<hbm>> -> memref<632x128xf32, #tpu.memory_space<hbm>>
        %dma_start3A_457 = arith.constant 0 : i32
        %dma_start3A_458 = tpu.memref_slice %arg6[%mul3A_2, %dma_start3A_457] : memref<10112x128xf32, #tpu.memory_space<vmem_shared>> -> memref<632x128xf32, #tpu.memory_space<vmem_shared>>
        tpu.enqueue_dma source(%dma_start3A_458 : memref<632x128xf32, #tpu.memory_space<vmem_shared>>) target(%dma_start3A_456 : memref<632x128xf32, #tpu.memory_space<hbm>>) target_semaphore(%run_scoped3A : memref<!tpu.dma_semaphore, #tpu.memory_space<semaphore_mem>>)
        %dma_wait3A_459 = arith.constant 0 : i32
        %dma_wait3A_460 = tpu.memref_slice %arg5[%mul3A_2, %dma_wait3A_459] : memref<10112x128xf32, #tpu.memory_space<hbm>> -> memref<632x128xf32, #tpu.memory_space<hbm>>
        %dma_wait3A_461 = arith.constant 0 : i32
        %dma_wait3A_462 = tpu.memref_slice %arg6[%mul3A_2, %dma_wait3A_461] : memref<10112x128xf32, #tpu.memory_space<vmem_shared>> -> memref<632x128xf32, #tpu.memory_space<vmem_shared>>
        tpu.wait_dma2 semaphore(%run_scoped3A : memref<!tpu.dma_semaphore, #tpu.memory_space<semaphore_mem>>) src(%dma_wait3A_462 : memref<632x128xf32, #tpu.memory_space<vmem_shared>>) dst(%dma_wait3A_460 : memref<632x128xf32, #tpu.memory_space<hbm>>)
        tpu.yield
      }) : () -> ()
    } else {
    }
    return
  }
}

module attributes {stable_mosaic.version = 14 : i64} {
  func.func @_final_body(%arg0: i32, %arg1: memref<1000x128xf32, #tpu.memory_space<vmem>>, %arg2: memref<1000x128xf32, #tpu.memory_space<vmem>>, %arg3: memref<1x128xf32, #tpu.memory_space<vmem>>, %arg4: memref<1000x128xf32, #tpu.memory_space<vmem>>, %arg5: memref<1000x128xf32, #tpu.memory_space<vmem>>, %arg6: memref<1000x128xf32, #tpu.memory_space<vmem>>, %arg7: memref<512x128xf32, #tpu.memory_space<vmem>>, %arg8: memref<1x128xf32, #tpu.memory_space<vmem>>, %arg9: memref<1000x128xf32, #tpu.memory_space<vmem>>) attributes {dimension_semantics = [#tpu.dimension_semantics<arbitrary>], iteration_bounds = array<i64: 10>, scalar_prefetch = 0 : i64, scratch_operands = 0 : i64, tpu.core_type = #tpu.core_type<tc>, window_params = [{transform_indices = @transform_0, window_bounds = array<i64: 1000, 128>}, {transform_indices = @transform_1, window_bounds = array<i64: 1000, 128>}, {pipeline_mode = #tpu.pipeline_mode<synchronous>, transform_indices = @transform_2, window_bounds = array<i64: 1, 128>}, {transform_indices = @transform_3, window_bounds = array<i64: 1000, 128>}, {transform_indices = @transform_4, window_bounds = array<i64: 1000, 128>}, {transform_indices = @transform_5, window_bounds = array<i64: 1000, 128>}, {pipeline_mode = #tpu.pipeline_mode<synchronous>, transform_indices = @transform_6, window_bounds = array<i64: 512, 128>}, {pipeline_mode = #tpu.pipeline_mode<synchronous>, transform_indices = @transform_7, window_bounds = array<i64: 1, 128>}, {transform_indices = @transform_8, window_bounds = array<i64: 1000, 128>}]} {
    %get3A = arith.constant 0 : index
    %get3A_0 = arith.constant 0 : index
    %get3A_1 = vector.load %arg1[%get3A, %get3A_0] : memref<1000x128xf32, #tpu.memory_space<vmem>>, vector<1000x128xf32>
    %get3A_2 = arith.constant 0 : index
    %get3A_3 = arith.constant 0 : index
    %get3A_4 = vector.load %arg2[%get3A_2, %get3A_3] : memref<1000x128xf32, #tpu.memory_space<vmem>>, vector<1000x128xf32>
    %add3A = arith.addf %get3A_1, %get3A_4 : vector<1000x128xf32>
    %get3A_5 = arith.constant 0 : index
    %get3A_6 = arith.constant 0 : index
    %get3A_7 = vector.load %arg3[%get3A_5, %get3A_6] : memref<1x128xf32, #tpu.memory_space<vmem>>, vector<1x128xf32>
    %add3A_8 = vector.broadcast %get3A_7 : vector<1x128xf32> to vector<1000x128xf32>
    %add3A_9 = arith.addf %add3A, %add3A_8 : vector<1000x128xf32>
    %gt3A = arith.constant 0.000000e+00 : f32
    %gt3A_10 = vector.broadcast %gt3A : f32 to vector<1000x128xf32>
    %gt3A_11 = arith.cmpf ogt, %add3A_9, %gt3A_10 : vector<1000x128xf32>
    %mul3A = arith.constant 1.000000e-01 : f32
    %mul3A_12 = vector.broadcast %mul3A : f32 to vector<1000x128xf32>
    %mul3A_13 = arith.mulf %mul3A_12, %add3A_9 : vector<1000x128xf32>
    %select_n3A = arith.select %gt3A_11, %add3A_9, %mul3A_13 : vector<1000x128xi1>, vector<1000x128xf32>
    %get3A_14 = arith.constant 0 : index
    %get3A_15 = arith.constant 0 : index
    %get3A_16 = vector.load %arg7[%get3A_14, %get3A_15] : memref<512x128xf32, #tpu.memory_space<vmem>>, vector<512x128xf32>
    %get3A_17 = arith.constant 0 : index
    %get3A_18 = arith.constant 0 : index
    %get3A_19 = vector.load %arg4[%get3A_17, %get3A_18] : memref<1000x128xf32, #tpu.memory_space<vmem>>, vector<1000x128xf32>
    %slice3A = vector.extract_strided_slice %get3A_16 {offsets = [0, 0], sizes = [128, 128], strides = [1, 1]} : vector<512x128xf32> to vector<128x128xf32>
    %dot_general3A = arith.constant dense<0.000000e+00> : vector<1000x128xf32>
    %dot_general3A_20 = tpu.matmul %get3A_19, %slice3A, %dot_general3A {dimension_numbers = #tpu.dot_dimension_numbers<[1], [0], [0], [1], [0, 0, 1, 1], [], []>, transpose_lhs_hint = false} : vector<1000x128xf32>, vector<128x128xf32>, vector<1000x128xf32> -> vector<1000x128xf32>
    %get3A_21 = arith.constant 0 : index
    %get3A_22 = arith.constant 0 : index
    %get3A_23 = vector.load %arg5[%get3A_21, %get3A_22] : memref<1000x128xf32, #tpu.memory_space<vmem>>, vector<1000x128xf32>
    %slice3A_24 = vector.extract_strided_slice %get3A_16 {offsets = [128, 0], sizes = [128, 128], strides = [1, 1]} : vector<512x128xf32> to vector<128x128xf32>
    %dot_general3A_25 = arith.constant dense<0.000000e+00> : vector<1000x128xf32>
    %dot_general3A_26 = tpu.matmul %get3A_23, %slice3A_24, %dot_general3A_25 {dimension_numbers = #tpu.dot_dimension_numbers<[1], [0], [0], [1], [0, 0, 1, 1], [], []>, transpose_lhs_hint = false} : vector<1000x128xf32>, vector<128x128xf32>, vector<1000x128xf32> -> vector<1000x128xf32>
    %add3A_27 = arith.addf %dot_general3A_20, %dot_general3A_26 : vector<1000x128xf32>
    %get3A_28 = arith.constant 0 : index
    %get3A_29 = arith.constant 0 : index
    %get3A_30 = vector.load %arg6[%get3A_28, %get3A_29] : memref<1000x128xf32, #tpu.memory_space<vmem>>, vector<1000x128xf32>
    %slice3A_31 = vector.extract_strided_slice %get3A_16 {offsets = [256, 0], sizes = [128, 128], strides = [1, 1]} : vector<512x128xf32> to vector<128x128xf32>
    %dot_general3A_32 = arith.constant dense<0.000000e+00> : vector<1000x128xf32>
    %dot_general3A_33 = tpu.matmul %get3A_30, %slice3A_31, %dot_general3A_32 {dimension_numbers = #tpu.dot_dimension_numbers<[1], [0], [0], [1], [0, 0, 1, 1], [], []>, transpose_lhs_hint = false} : vector<1000x128xf32>, vector<128x128xf32>, vector<1000x128xf32> -> vector<1000x128xf32>
    %add3A_34 = arith.addf %add3A_27, %dot_general3A_33 : vector<1000x128xf32>
    %slice3A_35 = vector.extract_strided_slice %get3A_16 {offsets = [384, 0], sizes = [128, 128], strides = [1, 1]} : vector<512x128xf32> to vector<128x128xf32>
    %dot_general3A_36 = arith.constant dense<0.000000e+00> : vector<1000x128xf32>
    %dot_general3A_37 = tpu.matmul %select_n3A, %slice3A_35, %dot_general3A_36 {dimension_numbers = #tpu.dot_dimension_numbers<[1], [0], [0], [1], [0, 0, 1, 1], [], []>, transpose_lhs_hint = false} : vector<1000x128xf32>, vector<128x128xf32>, vector<1000x128xf32> -> vector<1000x128xf32>
    %add3A_38 = arith.addf %add3A_34, %dot_general3A_37 : vector<1000x128xf32>
    %get3A_39 = arith.constant 0 : index
    %get3A_40 = arith.constant 0 : index
    %get3A_41 = vector.load %arg8[%get3A_39, %get3A_40] : memref<1x128xf32, #tpu.memory_space<vmem>>, vector<1x128xf32>
    %add3A_42 = vector.broadcast %get3A_41 : vector<1x128xf32> to vector<1000x128xf32>
    %add3A_43 = arith.addf %add3A_38, %add3A_42 : vector<1000x128xf32>
    %gt3A_44 = arith.constant 0.000000e+00 : f32
    %gt3A_45 = vector.broadcast %gt3A_44 : f32 to vector<1000x128xf32>
    %gt3A_46 = arith.cmpf ogt, %add3A_43, %gt3A_45 : vector<1000x128xf32>
    %mul3A_47 = arith.constant 1.000000e-01 : f32
    %mul3A_48 = vector.broadcast %mul3A_47 : f32 to vector<1000x128xf32>
    %mul3A_49 = arith.mulf %mul3A_48, %add3A_43 : vector<1000x128xf32>
    %select_n3A_50 = arith.select %gt3A_46, %add3A_43, %mul3A_49 : vector<1000x128xi1>, vector<1000x128xf32>
    %swap3A = arith.constant 0 : index
    %swap3A_51 = arith.constant 0 : index
    %swap3A_52 = vector.load %arg9[%swap3A, %swap3A_51] : memref<1000x128xf32, #tpu.memory_space<vmem>>, vector<1000x128xf32>
    tpu.vector_store %arg9[%swap3A, %swap3A_51], %select_n3A_50 {strides = array<i32>} : memref<1000x128xf32, #tpu.memory_space<vmem>>, vector<1000x128xf32>,
    return
  }
  func.func @transform_0(%arg0: i32) -> (i32, i32) {
    %c0_i32 = arith.constant 0 : i32
    %c0_i32_0 = arith.constant 0 : i32
    return %arg0, %c0_i32 : i32, i32
  }
  func.func @transform_1(%arg0: i32) -> (i32, i32) {
    %c0_i32 = arith.constant 0 : i32
    %c0_i32_0 = arith.constant 0 : i32
    return %arg0, %c0_i32 : i32, i32
  }
  func.func @transform_2(%arg0: i32) -> (i32, i32) {
    %c0_i32 = arith.constant 0 : i32
    %c0_i32_0 = arith.constant 0 : i32
    %c0_i32_1 = arith.constant 0 : i32
    return %c0_i32, %c0_i32_0 : i32, i32
  }
  func.func @transform_3(%arg0: i32) -> (i32, i32) {
    %c0_i32 = arith.constant 0 : i32
    %c0_i32_0 = arith.constant 0 : i32
    return %arg0, %c0_i32 : i32, i32
  }
  func.func @transform_4(%arg0: i32) -> (i32, i32) {
    %c0_i32 = arith.constant 0 : i32
    %c0_i32_0 = arith.constant 0 : i32
    return %arg0, %c0_i32 : i32, i32
  }
  func.func @transform_5(%arg0: i32) -> (i32, i32) {
    %c0_i32 = arith.constant 0 : i32
    %c0_i32_0 = arith.constant 0 : i32
    return %arg0, %c0_i32 : i32, i32
  }
  func.func @transform_6(%arg0: i32) -> (i32, i32) {
    %c0_i32 = arith.constant 0 : i32
    %c0_i32_0 = arith.constant 0 : i32
    %c0_i32_1 = arith.constant 0 : i32
    return %c0_i32, %c0_i32_0 : i32, i32
  }
  func.func @transform_7(%arg0: i32) -> (i32, i32) {
    %c0_i32 = arith.constant 0 : i32
    %c0_i32_0 = arith.constant 0 : i32
    %c0_i32_1 = arith.constant 0 : i32
    return %c0_i32, %c0_i32_0 : i32, i32
  }
  func.func @transform_8(%arg0: i32) -> (i32, i32) {
    %c0_i32 = arith.constant 0 : i32
    %c0_i32_0 = arith.constant 0 : i32
    return %arg0, %c0_i32 : i32, i32
  }
}

module attributes {stable_mosaic.version = 14 : i64} {
  func.func @_fuse_body(%arg0: i32, %arg1: memref<1000x128xf32, #tpu.memory_space<vmem>>, %arg2: memref<1000x128xf32, #tpu.memory_space<vmem>>, %arg3: memref<1x128xf32, #tpu.memory_space<vmem>>, %arg4: memref<128x128xf32, #tpu.memory_space<vmem>>, %arg5: memref<1000x128xf32, #tpu.memory_space<vmem>>, %arg6: memref<1000x128xf32, #tpu.memory_space<vmem>>) attributes {dimension_semantics = [#tpu.dimension_semantics<arbitrary>], iteration_bounds = array<i64: 10>, scalar_prefetch = 0 : i64, scratch_operands = 0 : i64, tpu.core_type = #tpu.core_type<tc>, window_params = [{transform_indices = @transform_0, window_bounds = array<i64: 1000, 128>}, {transform_indices = @transform_1, window_bounds = array<i64: 1000, 128>}, {pipeline_mode = #tpu.pipeline_mode<synchronous>, transform_indices = @transform_2, window_bounds = array<i64: 1, 128>}, {pipeline_mode = #tpu.pipeline_mode<synchronous>, transform_indices = @transform_3, window_bounds = array<i64: 128, 128>}, {transform_indices = @transform_4, window_bounds = array<i64: 1000, 128>}, {transform_indices = @transform_5, window_bounds = array<i64: 1000, 128>}]} {
    %get3A = arith.constant 0 : index
    %get3A_0 = arith.constant 0 : index
    %get3A_1 = vector.load %arg1[%get3A, %get3A_0] : memref<1000x128xf32, #tpu.memory_space<vmem>>, vector<1000x128xf32>
    %get3A_2 = arith.constant 0 : index
    %get3A_3 = arith.constant 0 : index
    %get3A_4 = vector.load %arg2[%get3A_2, %get3A_3] : memref<1000x128xf32, #tpu.memory_space<vmem>>, vector<1000x128xf32>
    %add3A = arith.addf %get3A_1, %get3A_4 : vector<1000x128xf32>
    %get3A_5 = arith.constant 0 : index
    %get3A_6 = arith.constant 0 : index
    %get3A_7 = vector.load %arg3[%get3A_5, %get3A_6] : memref<1x128xf32, #tpu.memory_space<vmem>>, vector<1x128xf32>
    %add3A_8 = vector.broadcast %get3A_7 : vector<1x128xf32> to vector<1000x128xf32>
    %add3A_9 = arith.addf %add3A, %add3A_8 : vector<1000x128xf32>
    %gt3A = arith.constant 0.000000e+00 : f32
    %gt3A_10 = vector.broadcast %gt3A : f32 to vector<1000x128xf32>
    %gt3A_11 = arith.cmpf ogt, %add3A_9, %gt3A_10 : vector<1000x128xf32>
    %mul3A = arith.constant 1.000000e-01 : f32
    %mul3A_12 = vector.broadcast %mul3A : f32 to vector<1000x128xf32>
    %mul3A_13 = arith.mulf %mul3A_12, %add3A_9 : vector<1000x128xf32>
    %select_n3A = arith.select %gt3A_11, %add3A_9, %mul3A_13 : vector<1000x128xi1>, vector<1000x128xf32>
    %swap3A = arith.constant 0 : index
    %swap3A_14 = arith.constant 0 : index
    %swap3A_15 = vector.load %arg5[%swap3A, %swap3A_14] : memref<1000x128xf32, #tpu.memory_space<vmem>>, vector<1000x128xf32>
    tpu.vector_store %arg5[%swap3A, %swap3A_14], %select_n3A {strides = array<i32>} : memref<1000x128xf32, #tpu.memory_space<vmem>>, vector<1000x128xf32>,
    %get3A_16 = arith.constant 0 : index
    %get3A_17 = arith.constant 0 : index
    %get3A_18 = vector.load %arg4[%get3A_16, %get3A_17] : memref<128x128xf32, #tpu.memory_space<vmem>>, vector<128x128xf32>
    %dot_general3A = arith.constant dense<0.000000e+00> : vector<1000x128xf32>
    %dot_general3A_19 = tpu.matmul %select_n3A, %get3A_18, %dot_general3A {dimension_numbers = #tpu.dot_dimension_numbers<[1], [0], [0], [1], [0, 0, 1, 1], [], []>, transpose_lhs_hint = false} : vector<1000x128xf32>, vector<128x128xf32>, vector<1000x128xf32> -> vector<1000x128xf32>
    %swap3A_20 = arith.constant 0 : index
    %swap3A_21 = arith.constant 0 : index
    %swap3A_22 = vector.load %arg6[%swap3A_20, %swap3A_21] : memref<1000x128xf32, #tpu.memory_space<vmem>>, vector<1000x128xf32>
    tpu.vector_store %arg6[%swap3A_20, %swap3A_21], %dot_general3A_19 {strides = array<i32>} : memref<1000x128xf32, #tpu.memory_space<vmem>>, vector<1000x128xf32>,
    return
  }
  func.func @transform_0(%arg0: i32) -> (i32, i32) {
    %c0_i32 = arith.constant 0 : i32
    %c0_i32_0 = arith.constant 0 : i32
    return %arg0, %c0_i32 : i32, i32
  }
  func.func @transform_1(%arg0: i32) -> (i32, i32) {
    %c0_i32 = arith.constant 0 : i32
    %c0_i32_0 = arith.constant 0 : i32
    return %arg0, %c0_i32 : i32, i32
  }
  func.func @transform_2(%arg0: i32) -> (i32, i32) {
    %c0_i32 = arith.constant 0 : i32
    %c0_i32_0 = arith.constant 0 : i32
    %c0_i32_1 = arith.constant 0 : i32
    return %c0_i32, %c0_i32_0 : i32, i32
  }
  func.func @transform_3(%arg0: i32) -> (i32, i32) {
    %c0_i32 = arith.constant 0 : i32
    %c0_i32_0 = arith.constant 0 : i32
    %c0_i32_1 = arith.constant 0 : i32
    return %c0_i32, %c0_i32_0 : i32, i32
  }
  func.func @transform_4(%arg0: i32) -> (i32, i32) {
    %c0_i32 = arith.constant 0 : i32
    %c0_i32_0 = arith.constant 0 : i32
    return %arg0, %c0_i32 : i32, i32
  }
  func.func @transform_5(%arg0: i32) -> (i32, i32) {
    %c0_i32 = arith.constant 0 : i32
    %c0_i32_0 = arith.constant 0 : i32
    return %arg0, %c0_i32 : i32, i32
  }
}

module attributes {stable_mosaic.version = 14 : i64} {
  func.func @_mm_body(%arg0: i32, %arg1: memref<1000x128xf32, #tpu.memory_space<vmem>>, %arg2: memref<128x128xf32, #tpu.memory_space<vmem>>, %arg3: memref<1000x128xf32, #tpu.memory_space<vmem>>) attributes {dimension_semantics = [#tpu.dimension_semantics<arbitrary>], iteration_bounds = array<i64: 10>, scalar_prefetch = 0 : i64, scratch_operands = 0 : i64, tpu.core_type = #tpu.core_type<tc>, window_params = [{transform_indices = @transform_0, window_bounds = array<i64: 1000, 128>}, {pipeline_mode = #tpu.pipeline_mode<synchronous>, transform_indices = @transform_1, window_bounds = array<i64: 128, 128>}, {transform_indices = @transform_2, window_bounds = array<i64: 1000, 128>}]} {
    %get3A = arith.constant 0 : index
    %get3A_0 = arith.constant 0 : index
    %get3A_1 = vector.load %arg1[%get3A, %get3A_0] : memref<1000x128xf32, #tpu.memory_space<vmem>>, vector<1000x128xf32>
    %get3A_2 = arith.constant 0 : index
    %get3A_3 = arith.constant 0 : index
    %get3A_4 = vector.load %arg2[%get3A_2, %get3A_3] : memref<128x128xf32, #tpu.memory_space<vmem>>, vector<128x128xf32>
    %dot_general3A = arith.constant dense<0.000000e+00> : vector<1000x128xf32>
    %dot_general3A_5 = tpu.matmul %get3A_1, %get3A_4, %dot_general3A {dimension_numbers = #tpu.dot_dimension_numbers<[1], [0], [0], [1], [0, 0, 1, 1], [], []>, transpose_lhs_hint = false} : vector<1000x128xf32>, vector<128x128xf32>, vector<1000x128xf32> -> vector<1000x128xf32>
    %swap3A = arith.constant 0 : index
    %swap3A_6 = arith.constant 0 : index
    %swap3A_7 = vector.load %arg3[%swap3A, %swap3A_6] : memref<1000x128xf32, #tpu.memory_space<vmem>>, vector<1000x128xf32>
    tpu.vector_store %arg3[%swap3A, %swap3A_6], %dot_general3A_5 {strides = array<i32>} : memref<1000x128xf32, #tpu.memory_space<vmem>>, vector<1000x128xf32>,
    return
  }
  func.func @transform_0(%arg0: i32) -> (i32, i32) {
    %c0_i32 = arith.constant 0 : i32
    %c0_i32_0 = arith.constant 0 : i32
    return %arg0, %c0_i32 : i32, i32
  }
  func.func @transform_1(%arg0: i32) -> (i32, i32) {
    %c0_i32 = arith.constant 0 : i32
    %c0_i32_0 = arith.constant 0 : i32
    %c0_i32_1 = arith.constant 0 : i32
    return %c0_i32, %c0_i32_0 : i32, i32
  }
  func.func @transform_2(%arg0: i32) -> (i32, i32) {
    %c0_i32 = arith.constant 0 : i32
    %c0_i32_0 = arith.constant 0 : i32
    return %arg0, %c0_i32 : i32, i32
  }
}

</mosaic_0001>

<sc_bundles>
// kernel: kernel.12.cloned.1.call-start
scs
__scs_entry_jumppad:
0x0: {  	(pc) =	sbr.rel $0x88, $3  }
0x1: {  	(tag) =	ssettag $0x0;
	lr =	simm.s32 $0x1  }
0x2: {  	[smem:$0x3F97] =	sst lr;
	_ =	strace $0xD0000000  }
0x3: {  	_ = 	snop  }
0x4: {  	_ = 	snop  }
0x5: {  	_ = 	snop  }
0x6: {  	_ = 	snop  }
0x7: {  	_ = 	snop  }
__scs_overlays_trampoline_lowered:
0x8: {  	[smem:$0x3FA6] =	sst s0  }
0x9: {  	[smem:$0x3FA7] =	sst s1  }
0xa: {  	[smem:$0x3FA8] =	sst s2  }
0xb: {  	[smem:$0x3FA9] =	sst s3  }
0xc: {  	[smem:$0x3FAA] =	sst s4  }
0xd: {  	[smem:$0x3FAB] =	sst s5  }
0xe: {  	[smem:$0x3FAC] =	sst s6  }
0xf: {  	[smem:$0x3FAD] =	sst s7  }
0x10: {  	[smem:$0x3FAE] =	sst s8  }
0x11: {  	[smem:$0x3FAF] =	sst s9;
	s0 =	simm.s32 @!p0 $0x0  }
0x12: {  	s1 =	sld [smem:$0x3F95];
	s0 =	simm.s32 @p0 $0x1  }
0x13: {  	[smem:$0x3FB0] =	sst s0;
	s0 =	simm.s32 @!p1 $0x0  }
0x14: {  	s2 =	sld [smem:$0x3F94];
	s0 =	simm.s32 @p1 $0x1  }
0x15: {  	[smem:$0x3FB1] =	sst s0;
	s0 =	simm.s32 @!p2 $0x0  }
0x16: {  	s3 =	sld [smem:$0x3FDB];
	s0 =	simm.s32 @p2 $0x1  }
0x17: {  	s4 =	simm.s32 $0x1BF5;
	[smem:$0x3FB3] =	sst s0  }
0x18: {  	s0 =	sld [smem:$0x3F96];
	_ =	swait.ge [sflag:s4], $0x0  }
0x19: {  	s7 =	sld [smem:$0x3F97]  }
0x1a: {  	s8 =	sadd.s32 $0xFFFFE003, lr  }
0x1b: {  	s9 =	sadd.s32 $0xFFFFFEF7, lr;
	s5 =	simm.s32 $0xFFFFFFFF;
	p2 =	slt.u32 s8, $0xFFFFF086  }
0x1c: {  	p1 =	slt.u32 s9, $0xF7A;
	s5 =	simm.s32 @!p2 $0x0  }
0x1d: {  	s5 =	simm.s32 @p1 $0x1;
	p0 =	seq.s32 s7, s2  }
0x1e: {  	s7 =	smul.u32 @!p0 $0xF7A, s2;
	p2 =	seq.s32 @!p0 s5, $0x0  }
0x1f: {  	s9 =	smul.u32 $0xF7A, s1;
	s8 =	simm.s32 @!p0 $0x1BF5;
	p2 =	por !p2, p0  }
0x20: {  	[sflag:s8] =	ssyncset.s32 @!p0 $0xFFFFF086;
	s6 =	sadd.s32 @!p0 s3, s7;
	s7 =	simm.s32 @!p0 $0x108  }
0x21: {  	s3 =	sadd.s32 s3, s9;
	s6 =	sadd.s32 @!p0 $0x88, s6;
	s7 =	simm.s32 @p2 $0x1082  }
0x22: {  	[simem:s7], [sflag:s8] =	dma.local @!p0 [hbm:s6], $0xF7A  }
0x23: {  	s9 =	sor.u32 $0xD0000000, s2;
	s6 =	simm.s32 $0x108;
	_ =	swait.ge @!p0 [sflag:s8], $0x0  }
0x24: {  	s3 =	sadd.s32 $0x88, s3;
	s6 =	simm.s32 @!p1 $0x1082;
	[sflag:s4] =	ssyncset.s32 $0xFFFFF086  }
0x25: {  	[simem:s6], [sflag:s4] =	dma.local [hbm:s3], $0xF7A  }
0x26: {  	[smem:$0x3F97] =	sst s1;
	(tag) =	ssettag s2;
	_ =	strace s9  }
0x27: {  	s1 =	sld [smem:$0x3FA7]  }
0x28: {  	s2 =	sld [smem:$0x3FA8]  }
0x29: {  	s4 =	sld [smem:$0x3FAA]  }
0x2a: {  	p0 =	seq.s32 s5, $0x0;
	s5 =	sld [smem:$0x3FAB]  }
0x2b: {  	s6 =	sld [smem:$0x3FAC]  }
0x2c: {  	s7 =	sld [smem:$0x3FAD]  }
0x2d: {  	s3 =	simm.s32 $0x108;
	s8 =	sld [smem:$0x3FAE]  }
0x2e: {  	s3 =	simm.s32 @!p0 $0x1082;
	s9 =	sld [smem:$0x3FAF]  }
0x2f: {  	lr =	sadd.s32 s0, s3;
	s0 =	sld [smem:$0x3FA6]  }
0x30: {  	s3 =	sld [smem:$0x3FA9]  }
0x31: {  	[smem:$0x3FB2] =	sst s10  }
0x32: {  	s10 =	sld [smem:$0x3FB0];
	_ =	sdelay $0x3  }
0x33: {  	p0 =	seq.s32 s10, $0x1;
	s10 =	sld [smem:$0x3FB2];
	_ =	sdelay $0x3  }
0x34: {  	[smem:$0x3FB2] =	sst s10  }
0x35: {  	s10 =	sld [smem:$0x3FB1];
	_ =	sdelay $0x3  }
0x36: {  	p1 =	seq.s32 s10, $0x1;
	s10 =	sld [smem:$0x3FB2];
	_ =	sdelay $0x3  }
0x37: {  	[smem:$0x3FB2] =	sst s10  }
0x38: {  	s10 =	sld [smem:$0x3FB3]  }
0x39: {  	_ = 	snop;
	(pc) =	sbr.ind lr, $3  }
0x3a: {  	_ = 	snop  }
0x3b: {  	_ = 	snop  }
0x3c: {  	p2 =	seq.s32 s10, $0x1;
	s10 =	sld [smem:$0x3FB2]  }
0x3d: {  	_ =	shalt  }
0x3e: {  	_ =	shalt  }
0x3f: {  	_ =	shalt  }
0x40: {  	_ =	shalt  }
0x41: {  	_ =	shalt  }
0x42: {  	_ =	shalt  }
0x43: {  	_ =	shalt  }
0x44: {  	_ =	shalt  }
0x45: {  	_ =	shalt  }
0x46: {  	_ =	shalt  }
0x47: {  	_ =	shalt  }
0x48: {  	_ =	shalt  }
0x49: {  	_ =	shalt  }
0x4a: {  	_ =	shalt  }
0x4b: {  	_ =	shalt  }
0x4c: {  	_ =	shalt  }
0x4d: {  	_ =	shalt  }
0x4e: {  	_ =	shalt  }
0x4f: {  	_ =	shalt  }
0x50: {  	_ =	shalt  }
0x51: {  	_ =	shalt  }
0x52: {  	_ =	shalt  }
0x53: {  	_ =	shalt  }
0x54: {  	_ =	shalt  }
0x55: {  	_ =	shalt  }
0x56: {  	_ =	shalt  }
0x57: {  	_ =	shalt  }
0x58: {  	_ =	shalt  }
0x59: {  	_ =	shalt  }
0x5a: {  	_ =	shalt  }
0x5b: {  	_ =	shalt  }
0x5c: {  	_ =	shalt  }
0x5d: {  	_ =	shalt  }
0x5e: {  	_ =	shalt  }
0x5f: {  	_ =	shalt  }
0x60: {  	_ =	shalt  }
0x61: {  	_ =	shalt  }
0x62: {  	_ =	shalt  }
0x63: {  	_ =	shalt  }
0x64: {  	_ =	shalt  }
0x65: {  	_ =	shalt  }
0x66: {  	_ =	shalt  }
0x67: {  	_ =	shalt  }
0x68: {  	_ =	shalt  }
0x69: {  	_ =	shalt  }
0x6a: {  	_ =	shalt  }
0x6b: {  	_ =	shalt  }
0x6c: {  	_ =	shalt  }
0x6d: {  	_ =	shalt  }
0x6e: {  	_ =	shalt  }
0x6f: {  	_ =	shalt  }
0x70: {  	_ =	shalt  }
0x71: {  	_ =	shalt  }
0x72: {  	_ =	shalt  }
0x73: {  	_ =	shalt  }
0x74: {  	_ =	shalt  }
0x75: {  	_ =	shalt  }
0x76: {  	_ =	shalt  }
0x77: {  	_ =	shalt  }
0x78: {  	_ =	shalt  }
0x79: {  	_ =	shalt  }
0x7a: {  	_ =	shalt  }
0x7b: {  	_ =	shalt  }
0x7c: {  	_ =	shalt  }
0x7d: {  	_ =	shalt  }
0x7e: {  	_ =	shalt  }
0x7f: {  	_ =	shalt  }
0x80: {  	_ =	shalt  }
0x81: {  	_ =	shalt  }
0x82: {  	_ =	shalt  }
0x83: {  	_ =	shalt  }
0x84: {  	_ =	shalt  }
0x85: {  	_ =	shalt  }
0x86: {  	_ =	shalt  }
0x87: {  	_ =	shalt  }
.Lfunc_end0:
.L_simem_size_0:
called_computation.1_lowered:
.L_overlay_start_0:
0x88: {  	s2 =	sld [smem:$0x3FD9]  }
0x89: {  	s3 =	sld [smem:$0x3FFE];
	_ =	sdelay $0x1  }
0x8a: {  	s1 =	srdreg.scid  }
0x8b: {  	s0 =	sand.u32 $0x1, s1  }
0x8c: {  	s17 =	sshll.u32 s0, $0xA;
	s2 =	sadd.s32 s3, s2  }
0x8d: {  	s2 =	sadd.s32 s2, s17  }
0x8e: {  	[smem:$0x3FBE] =	sst s2  }
0x8f: {  	_ = 	snop  }
0x90: {  	s2 =	sld [smem:$0x3FD0];
	(tm) =	ssettm $0x1  }
0x91: {  	s18 =	sld [smem:$0x3FFB];
	_ =	sdelay $0x3  }
0x92: {  	_ =	strace s18  }
0x93: {  	s3 =	sld [smem:$0x3FFC];
	_ =	sdelay $0x3  }
0x94: {  	_ =	strace s3  }
0x95: {  	s3 =	sld [smem:$0x3FFD];
	_ =	sdelay $0x3  }
0x96: {  	_ =	strace s3  }
0x97: {  	_ =	strace $0x8FFFFFFF  }
0x98: {  	s19 =	sld [smem:$0x3FDB];
	_ =	sdelay $0x1  }
0x99: {  	s4 =	simm.s32 $_scs_section_size  }
0x9a: {  	s5 =	simm.s32 $_size__tile_overlayer_lowered;
	s6 =	simm.s32 $_tile_overlayer_lowered  }
0x9b: {  	s22 =	simm.s32 $0x1BFF;
	s21 =	sshll.u32 s6, $0x1;
	s3 =	sadd.s32 s4, s19  }
0x9c: {  	s7 =	simm.s32 $0x0;
	s20 =	sshll.u32 s5, $0x1;
	s5 =	sadd.s32 s21, s3  }
0x9d: {  	[timem:s7], [sflag:s22] =	dma.local [hbm:s5], s20  }
0x9e: {  	_ =	swait.ge [sflag:s22], s20  }
0x9f: {  	s4 =	ssub.s32 $0x0, s20;
	[sflag:s22] =	ssyncset.done $0x0  }
0xa0: {  	[sflag:s22] =	ssyncadd.s32 s4;
	_ =	sdelay $0x1  }
0xa1: {  	s23 =	simm.s32 $0x1B8B  }
0xa2: {  	_ =	swait.ge [sflag:s23], $0x1  }
0xa3: {  	[sflag:s23] =	ssyncset.done $0x0  }
0xa4: {  	s25 =	simm.s32 $0x1B8E;
	s24 =	sld [smem:$0x3FFE];
	[sflag:s23] =	ssyncadd.s32 $0xFFFFFFFF  }
0xa5: {  	s26 =	simm.s32 $execute0_lowered;
	[smem:$0x3FD2] =	sst s25  }
0xa6: {  	s5 =	sshll.u32 s26, $0x1;
	_ =	strace $0x80000049;
	[dreg:$0x1] =	wrdreg $0xFFFFFFFF  }
0xa7: {  	s28 =	simm.s32 $_size_execute0_lowered;
	s3 =	sadd.s32 s3, s5;
	[dreg:$0x0] =	wrdreg $0x0  }
0xa8: {  	s5 =	sshll.u32 s28, $0x1;
	[dreg:$0x2] =	wrdreg s3  }
0xa9: {  	[dreg:$0x3] =	wrdreg s5  }
0xaa: {  	[dreg:$0x4] =	wrdreg $0xC0  }
0xab: {  	_ =	task [dreg:s7], $0x5FFFF  }
0xac: {  	[dreg:$0x1] =	wrdreg $0xFFFFFFFF  }
0xad: {  	[dreg:$0x0] =	wrdreg $0x60  }
0xae: {  	[dreg:$0x2] =	wrdreg s2  }
0xaf: {  	[dreg:$0x3] =	wrdreg s24  }
0xb0: {  	[dreg:$0x4] =	wrdreg $0x0  }
0xb1: {  	[dreg:$0x5] =	wrdreg $0x9  }
0xb2: {  	_ =	task.clear_ibuf [dreg:s7], $0x6FFFF;
	_ =	strace $0x90000049  }
0xb3: {  	s29 =	simm.s32 $0x9;
	_ =	strace $0x8000004B  }
0xb4: {  	_ =	swait.ge [sflag:s29], $0x1  }
0xb5: {  	[sflag:s29] =	ssyncadd.s32 $0xFFFFFFFF  }
0xb6: {  	_ =	strace $0x9000004B  }
0xb7: {  	_ =	sfence  }
0xb8: {  	s30 =	sld [smem:$0x0];
	_ =	sdelay $0x2  }
0xb9: {  	s31 =	sshll.u32 s1, $0xD;
	s1 =	sshrl.u32 s1, $0x2  }
0xba: {  	s3 =	sand.u32 $0x4000, s31;
	s1 =	sadd.s32 s1, s30  }
0xbb: {  	s0 =	sor.u32 s3, s0;
	s1 =	sshll.u32 s1, $0x11  }
0xbc: {  	s0 =	sor.u32 s1, s0  }
0xbd: {  	s0 =	sadd.s32 $0x8F2B, s0  }
0xbe: {  	[sflag:s0] =	ssyncadd.remote.s32 $0x1  }
0xbf: {  	_ =	sfence.sel $0xFFFF  }
0xc0: {  	[dreg:$0x0] =	wrdreg $0xFFFFFFFF;
	(pc) =	sbr.abs _section_cstart, $3  }
0xc1: {  	[dreg:$0x1] =	wrdreg $0xFFFFFFFF  }
0xc2: {  	_ =	task.clear_ibuf [dreg:s7], $0x2FFFF;
	_ =	strace $0x9FFFFFFF  }
0xc3: {  	(tm) =	ssettm $0x7FFFFFFF  }
tec
execute0_lowered:
.L_overlay_start_1:
0x0: {  	(tag) =	ssettag $0x1  }
0x1: {  	s1 =	rddreg [dreg:$0x0];
	s0 =	srdreg.scid  }
0x2: {  	s11 =	stileid.u32;
	s2 =	rddreg [dreg:$0x1]  }
0x3: {  	s3 =	rddreg [dreg:$0x2];
	s28 =	simm.s32 $0x13D80;
	s29 =	simm.s32 $0x50  }
0x4: {  	s30 =	simm.s32 $0x14000;
	s31 =	simm.s32 $0x16800;
	s12 =	simm.s32 $0x3  }
0x5: {  	s13 =	simm.s32 $0x1B800;
	s0 =	sand.u32 $0x1, s0;
	s25 =	smul.u32 $0x4F000, s11  }
0x6: {  	s4 =	sshll.u32 s11, $0x1;
	s6 =	sadd.s32 $0x4200, s2;
	s26 =	smul.u32 $0x2780, s11  }
0x7: {  	s11 =	smul.u32 $0x4E20, s11;
	s5 =	sor.u32 s0, s4;
	s4 =	simm.s32 $0x0  }
0x8: {  	s7 =	ssub.s32 $0x2, s0;
	p0 =	seq.s32 s0, $0x1;
	s0 =	smul.u32 $0x2710, s0  }
0x9: {  	s5 =	smul.u32 $0x2710, s5;
	[smem:$0x7FF] =	sst s4;
	s8 =	sshrl.u32 s7, $0x1  }
0xa: {  	_ =	strace $0x8000004A;
	s7 =	ssub.s32 s7, s8;
	s8 =	sshrl.u32 s25, $0x2  }
0xb: {  	s18 =	sadd.s32 s0, s11;
	s9 =	sshrl.u32 s5, $0x3;
	s7 =	smax.u32 s7, $0x1  }
0xc: {  	s0 =	simm.s32 $0x1E400;
	s9 =	sadd.s32 s6, s9;
	[dreg:$0xc] =	wrdreg s7  }
0xd: {  	s11 =	simm.s32 $0x13E00;
	s20 =	sadd.s32 $0x9C40, s9;
	[dreg:$0x4] =	wrdreg s9  }
0xe: {  	s15 =	sadd.s32 s8, s3;
	s21 =	sadd.s32 $0xA, s9;
	[dreg:$0x5] =	wrdreg s20  }
0xf: {  	s8 =	simm.s32 $0x1;
	s22 =	sadd.s32 $0x9C4A, s9;
	[dreg:$0x6] =	wrdreg s21  }
0x10: {  	s7 =	simm.s32 $0x0;
	s23 =	sadd.s32 $0x14, s9;
	[dreg:$0x7] =	wrdreg s22  }
0x11: {  	s24 =	sadd.s32 $0x9C54, s9;
	s10 =	sadd.s32 $0x1E, s9;
	[dreg:$0x8] =	wrdreg s23  }
.Ltmp0:
0x12: {  	[dreg:$0xa] =	wrdreg s10;
	s10 =	simm.s32 $0x3F400;
	(pc) =	sbr.rel .LBB2_1-.Ltmp0, $4  }
0x13: {  	s9 =	sadd.s32 $0x9C5E, s9;
	[dreg:$0x9] =	wrdreg s24;
	s10 =	simm.s32 @!p0 $0x17C00  }
0x14: {  	[dreg:$0xb] =	wrdreg s9;
	s20 =	simm.s32 $0x4;
	s2 =	sadd.s32 s10, s2  }
0x15: {  	s21 =	simm.s32 $0x13C00;
	s9 =	simm.s32 $0x2;
	s2 =	sadd.s32 s2, s26  }
0x16: {  	v0 =	vimm.f32 $0.0e+00;
	s23 =	simm.s32 $0x1E000;
	s10 =	simm.s32 $0x1E200;
	[dreg:$0xd] =	wrdreg s2  }
.LBB2_10:
0x17: {  	[spmem:s3] =	stream.indirect.scatter.add.f32 [tilespmem:s30], [sflag:$0x3], $0x80, s11, s29, $0xb8;
	[tilespmem:$0x1E800] =	vst v63  }
0x18: {  	_ =	swait.ge [sflag:s12], $0x2800  }
0x19: {  	[sflag:s12] =	ssyncset.done $0x0  }
0x1a: {  	[sflag:s12] =	ssyncadd.s32 $0xFFFFD800  }
0x1b: {  	_ =	swait.ge [sflag:s12], $0x2800  }
0x1c: {  	[sflag:s12] =	ssyncset.done $0x0  }
0x1d: {  	[sflag:s12] =	ssyncadd.s32 $0xFFFFD800  }
0x1e: {  	_ =	swait.ge [sflag:s12], $0x2800  }
0x1f: {  	[sflag:s12] =	ssyncset.done $0x0  }
0x20: {  	[sflag:s12] =	ssyncadd.s32 $0xFFFFD800  }
0x21: {  	_ =	swait.ge [sflag:s12], $0x2800  }
0x22: {  	[sflag:s12] =	ssyncset.done $0x0  }
0x23: {  	s2 =	stileid.u32;
	[sflag:s12] =	ssyncadd.s32 $0xFFFFD800  }
0x24: {  	s2 =	sshll.u32 s2, $0x6;
	[bflag:$0x0] =	sbarrier.arrive $0xFFFF  }
0x25: {  	s7 =	sshrl.u32 s15, $0x3;
	s2 =	sor.u32 $0x1C04, s2;
	s14 =	rddreg [dreg:$0xd]  }
0x26: {  	[hbm:s14], [sflag:s2] =	dma.local [spmem:s7], $0x2780  }
0x27: {  	_ =	swait.ge [sflag:s20], $0x2780  }
0x28: {  	s25 =	rddreg [dreg:$0xe]  }
0x29: {  	s26 =	rddreg [dreg:$0xc];
	s7 =	sadd.s32 $0x1, s25  }
0x2a: {  	p0 =	sne.s32 s7, s26  }
.Ltmp1:
0x2b: {  	_ = 	snop;
	(pc) =	sbr.rel @!p0 .LBB2_11-.Ltmp1, $3  }
0x2c: {  	_ =	sdelay $0x1  }
0x2d: {  	[sflag:s20] =	ssyncset.done $0x0  }
0x2e: {  	[sflag:s20] =	ssyncadd.s32 $0xFFFFD880  }
.LBB2_1:
0x2f: {  	[dreg:$0xe] =	wrdreg s7  }
0x30: {  	s2 =	rddreg [dreg:$0x4];
	s7 =	simm.s32 $0x1E000  }
0x31: {  	[tilespmem:s7], [sflag:$0x4] =	stream.linear.gather [hbm4b:s2+s4], $0x50, $0x38;
	[tilespmem:$0x1E800] =	vst v63  }
0x32: {  	_ =	swait.ge [sflag:s20], $0x50  }
0x33: {  	[sflag:s20] =	ssyncset.done $0x0  }
0x34: {  	s19 =	rddreg [dreg:$0x5];
	[sflag:s20] =	ssyncadd.s32 $0xFFFFFFB0  }
0x35: {  	[tilespmem:s21], [sflag:$0x4] =	stream.linear.gather [hbm4b:s19+s4], $0x50, $0x38;
	[tilespmem:$0x1E800] =	vst v63  }
0x36: {  	_ =	swait.ge [sflag:s20], $0x50  }
0x37: {  	[sflag:s20] =	ssyncset.done $0x0  }
0x38: {  	s14 =	simm.s32 $0x1E080;
	s22 =	rddreg [dreg:$0x6];
	[sflag:s20] =	ssyncadd.s32 $0xFFFFFFB0  }
0x39: {  	[tilespmem:s14], [sflag:$0x4] =	stream.linear.gather [hbm4b:s22+s4], $0x50, $0x38;
	[tilespmem:$0x1E800] =	vst v63  }
0x3a: {  	_ =	swait.ge [sflag:s20], $0x50  }
0x3b: {  	[sflag:s20] =	ssyncset.done $0x0  }
0x3c: {  	s16 =	simm.s32 $0x13C80;
	s24 =	rddreg [dreg:$0x7];
	[sflag:s20] =	ssyncadd.s32 $0xFFFFFFB0  }
0x3d: {  	[tilespmem:s16], [sflag:$0x4] =	stream.linear.gather [hbm4b:s24+s4], $0x50, $0x38;
	[tilespmem:$0x1E800] =	vst v63  }
0x3e: {  	_ =	swait.ge [sflag:s20], $0x50  }
0x3f: {  	[sflag:s20] =	ssyncset.done $0x0  }
0x40: {  	s16 =	simm.s32 $0x1E100;
	s25 =	rddreg [dreg:$0x8];
	[sflag:s20] =	ssyncadd.s32 $0xFFFFFFB0  }
0x41: {  	[tilespmem:s16], [sflag:$0x4] =	stream.linear.gather [hbm4b:s25+s4], $0x50, $0x38;
	[tilespmem:$0x1E800] =	vst v63  }
0x42: {  	_ =	swait.ge [sflag:s20], $0x50  }
0x43: {  	[sflag:s20] =	ssyncset.done $0x0  }
0x44: {  	s17 =	simm.s32 $0x13D00;
	s26 =	rddreg [dreg:$0x9];
	[sflag:s20] =	ssyncadd.s32 $0xFFFFFFB0  }
0x45: {  	[tilespmem:s17], [sflag:$0x4] =	stream.linear.gather [hbm4b:s26+s4], $0x50, $0x38;
	[tilespmem:$0x1E800] =	vst v63  }
0x46: {  	_ =	swait.ge [sflag:s20], $0x50  }
0x47: {  	[sflag:s20] =	ssyncset.done $0x0  }
0x48: {  	s22 =	simm.s32 $0x1E180;
	s19 =	rddreg [dreg:$0xa];
	[sflag:s20] =	ssyncadd.s32 $0xFFFFFFB0  }
0x49: {  	[tilespmem:s22], [sflag:$0x2] =	stream.linear.gather [hbm4b:s19+s4], $0x50, $0x38;
	[tilespmem:$0x1E800] =	vst v63  }
0x4a: {  	s24 =	rddreg [dreg:$0xb]  }
0x4b: {  	[tilespmem:s28], [sflag:$0x2] =	stream.linear.gather [hbm4b:s24+s4], $0x50, $0x38;
	[tilespmem:$0x1E800] =	vst v63  }
0x4c: {  	_ = 	snop  }
0x4d: {  	[tilespmem:s30], [sflag:$0x1] =	stream.indirect.gather [hbm4b:s1+s29], $0x80, s7, s29, $0xb8;
	[tilespmem:$0x1E800] =	vst v63  }
0x4e: {  	_ = 	snop  }
0x4f: {  	[tilespmem:s31], [sflag:$0x1] =	stream.indirect.gather [hbm4b:s1+s29], $0x80, s14, s29, $0xb8;
	[tilespmem:$0x1E800] =	vst v63  }
0x50: {  	s25 =	simm.s32 $0x19000  }
0x51: {  	[tilespmem:s25], [sflag:$0x1] =	stream.indirect.gather [hbm4b:s1+s29], $0x80, s16, s29, $0xb8;
	[tilespmem:$0x1E800] =	vst v63  }
0x52: {  	[tilespmem:$0x1E400] =	vst v0  }
0x53: {  	[tilespmem:$0x1E410] =	vst v0  }
0x54: {  	[tilespmem:$0x1E420] =	vst v0  }
0x55: {  	[tilespmem:$0x1E430] =	vst v0  }
0x56: {  	[tilespmem:$0x1E440] =	vst v0  }
0x57: {  	[tilespmem:$0x1E450] =	vst v0  }
0x58: {  	[tilespmem:$0x1E460] =	vst v0  }
0x59: {  	[tilespmem:$0x1E470] =	vst v0  }
0x5a: {  	[tilespmem:$0x1E480] =	vst v0  }
0x5b: {  	[tilespmem:$0x1E490] =	vst v0  }
0x5c: {  	[tilespmem:$0x1E4A0] =	vst v0  }
0x5d: {  	[tilespmem:$0x1E4B0] =	vst v0  }
0x5e: {  	[tilespmem:$0x1E4C0] =	vst v0  }
0x5f: {  	[tilespmem:$0x1E4D0] =	vst v0  }
0x60: {  	[tilespmem:$0x1E4E0] =	vst v0  }
0x61: {  	[tilespmem:$0x1E4F0] =	vst v0  }
0x62: {  	[tilespmem:$0x1E500] =	vst v0  }
0x63: {  	[tilespmem:$0x1E510] =	vst v0  }
0x64: {  	[tilespmem:$0x1E520] =	vst v0  }
0x65: {  	[tilespmem:$0x1E530] =	vst v0  }
0x66: {  	[tilespmem:$0x1E540] =	vst v0  }
0x67: {  	[tilespmem:$0x1E550] =	vst v0  }
0x68: {  	[tilespmem:$0x1E560] =	vst v0  }
0x69: {  	[tilespmem:$0x1E570] =	vst v0  }
0x6a: {  	[tilespmem:$0x1E580] =	vst v0  }
0x6b: {  	[tilespmem:$0x1E590] =	vst v0  }
0x6c: {  	[tilespmem:$0x1E5A0] =	vst v0  }
0x6d: {  	[tilespmem:$0x1E5B0] =	vst v0  }
0x6e: {  	[tilespmem:$0x1E5C0] =	vst v0  }
0x6f: {  	[tilespmem:$0x1E5D0] =	vst v0  }
0x70: {  	[tilespmem:$0x1E5E0] =	vst v0  }
0x71: {  	[tilespmem:$0x1E5F0] =	vst v0  }
0x72: {  	[tilespmem:$0x1E600] =	vst v0  }
0x73: {  	[tilespmem:$0x1E610] =	vst v0  }
0x74: {  	[tilespmem:$0x1E620] =	vst v0  }
0x75: {  	[tilespmem:$0x1E630] =	vst v0  }
0x76: {  	[tilespmem:$0x1E640] =	vst v0  }
0x77: {  	[tilespmem:$0x1E650] =	vst v0  }
0x78: {  	[tilespmem:$0x1E660] =	vst v0  }
0x79: {  	[tilespmem:$0x1E670] =	vst v0  }
0x7a: {  	[tilespmem:$0x1E680] =	vst v0  }
0x7b: {  	[tilespmem:$0x1E690] =	vst v0  }
0x7c: {  	[tilespmem:$0x1E6A0] =	vst v0  }
0x7d: {  	[tilespmem:$0x1E6B0] =	vst v0  }
0x7e: {  	[tilespmem:$0x1E6C0] =	vst v0  }
0x7f: {  	[tilespmem:$0x1E6D0] =	vst v0  }
0x80: {  	[tilespmem:$0x1E6E0] =	vst v0  }
0x81: {  	[tilespmem:$0x1E6F0] =	vst v0  }
0x82: {  	[tilespmem:$0x1E700] =	vst v0  }
0x83: {  	[tilespmem:$0x1E710] =	vst v0  }
0x84: {  	[tilespmem:$0x1E720] =	vst v0  }
0x85: {  	[tilespmem:$0x1E730] =	vst v0  }
0x86: {  	[tilespmem:$0x1E740] =	vst v0  }
0x87: {  	[tilespmem:$0x1E750] =	vst v0  }
0x88: {  	[tilespmem:$0x1E760] =	vst v0  }
0x89: {  	[tilespmem:$0x1E770] =	vst v0  }
0x8a: {  	[tilespmem:$0x1E780] =	vst v0  }
0x8b: {  	[tilespmem:$0x1E790] =	vst v0  }
0x8c: {  	[tilespmem:$0x1E7A0] =	vst v0  }
0x8d: {  	[tilespmem:$0x1E7B0] =	vst v0  }
0x8e: {  	[tilespmem:$0x1E7C0] =	vst v0  }
0x8f: {  	[tilespmem:$0x1E7D0] =	vst v0  }
0x90: {  	[tilespmem:$0x1E7E0] =	vst v0  }
0x91: {  	s26 =	sadd.s32 $0x0, s15;
	[tilespmem:$0x1E7F0] =	vst v0  }
0x92: {  	[spmem:s26] =	stream.linear.scatter [tilespmem:s0], [sflag:$0x4], $0x400, $0x38;
	[tilespmem:$0x1E800] =	vst v63  }
0x93: {  	s16 =	simm.s32 $0x1000;
	_ =	swait.ge [sflag:s20], $0x400  }
.LBB2_2:
0x94: {  	s17 =	sshra.s32 s16, $0x2;
	[sflag:s20] =	ssyncset.done $0x0;
	p0 =	sne.s32 s16, $0x4E000  }
.Ltmp2:
0x95: {  	s17 =	sadd.s32 s17, s15;
	[sflag:s20] =	ssyncadd.s32 $0xFFFFFC00;
	(pc) =	sbr.rel @p0 .LBB2_2-.Ltmp2, $3  }
0x96: {  	[spmem:s17] =	stream.linear.scatter [tilespmem:s0], [sflag:$0x4], $0x400, $0x38;
	[tilespmem:$0x1E800] =	vst v63  }
0x97: {  	s16 =	sadd.s32 $0x1000, s16;
	_ =	sdelay $0x1  }
0x98: {  	_ =	swait.ge [sflag:s20], $0x400  }
.Ltmp3:
0x99: {  	(pc) =	sbr.rel .LBB2_4-.Ltmp3, $4  }
0x9a: {  	[sflag:s20] =	ssyncset.done $0x0  }
0x9b: {  	[sflag:s20] =	ssyncadd.s32 $0xFFFFFC00  }
0x9c: {  	[bflag:$0x0] =	sbarrier.arrive $0xFFFF  }
0x9d: {  	s25 =	simm.s32 $0x0;
	s26 =	simm.s32 $0x7;
	s16 =	simm.s32 $0x0  }
.LBB2_9:
0x9e: {  	s16 =	sadd.s32 $0x1, s16;
	s25 =	sadd.s32 $0x280, s25;
	s26 =	sadd.s32 $0x8, s26  }
.LBB2_4:
0x9f: {  	_ =	swait.ge [sflag:s8], $0x2800  }
0xa0: {  	[sflag:s8] =	ssyncset.done $0x0  }
0xa1: {  	[sflag:s8] =	ssyncadd.s32 $0xFFFFD800  }
0xa2: {  	_ =	swait.ge [sflag:s9], $0x50  }
0xa3: {  	[sflag:s9] =	ssyncset.done $0x0  }
0xa4: {  	[sflag:s9] =	ssyncadd.s32 $0xFFFFFFB0  }
0xa5: {  	_ =	swait.ge [sflag:s9], $0x50  }
0xa6: {  	p0 =	sne.s32 s16, $0x0;
	[sflag:s9] =	ssyncset.done $0x0  }
0xa7: {  	s17 =	simm.s32 @p0 $0x3;
	[sflag:s9] =	ssyncadd.s32 $0xFFFFFFB0  }
0xa8: {  	_ =	swait.ge @p0 [sflag:s17], $0x2800  }
0xa9: {  	s7 =	simm.s32 @p0 $0x1E180;
	[sflag:s17] =	ssyncset.done @p0 $0x0  }
0xaa: {  	s14 =	simm.s32 @p0 $0x1B800;
	[sflag:s17] =	ssyncadd.s32 @p0 $0xFFFFD800;
	s17 =	simm.s32 @p0 $0x50  }
0xab: {  	[tilespmem:s14], [sflag:$0x1] =	stream.indirect.gather @p0 [hbm4b:s1+s17], $0x80, s7, s17, $0xb8;
	[tilespmem:$0x1E800] =	vst v63  }
0xac: {  	s22 =	simm.s32 @!p0 $0x1B800;
	s7 =	sadd.s32 @p0 $0x140, s25  }
0xad: {  	s14 =	simm.s32 @!p0 $0x50;
	s17 =	simm.s32 @!p0 $0x1E180;
	s7 =	simm.s32 @!p0 $0x140  }
0xae: {  	[tilespmem:s22], [sflag:$0x1] =	stream.indirect.gather @!p0 [hbm4b:s1+s14], $0x80, s17, s14, $0xb8;
	[tilespmem:$0x1E800] =	vst v63  }
0xaf: {  	s7 =	sadd.s32 s5, s7  }
0xb0: {  	s7 =	sshrl.u32 s7, $0x3  }
0xb1: {  	s7 =	sadd.s32 s6, s7  }
0xb2: {  	[tilespmem:s10], [sflag:$0x2] =	stream.linear.gather [hbm4b:s7+s4], $0x50, $0x38;
	[tilespmem:$0x1E800] =	vst v63  }
0xb3: {  	s7 =	sadd.s32 $0x9C40, s7  }
0xb4: {  	[tilespmem:s11], [sflag:$0x2] =	stream.linear.gather [hbm4b:s7+s4], $0x50, $0x38;
	[tilespmem:$0x1E800] =	vst v63  }
0xb5: {  	_ = 	snop  }
0xb6: {  	[spmem:s3] =	stream.indirect.scatter.add.f32 [tilespmem:s30], [sflag:$0x3], $0x80, s21, s29, $0xb8;
	[tilespmem:$0x1E800] =	vst v63  }
0xb7: {  	_ =	swait.ge [sflag:s8], $0x2800  }
0xb8: {  	[sflag:s8] =	ssyncset.done $0x0  }
0xb9: {  	[sflag:s8] =	ssyncadd.s32 $0xFFFFD800  }
0xba: {  	_ =	swait.ge [sflag:s9], $0x50  }
0xbb: {  	[sflag:s9] =	ssyncset.done $0x0  }
0xbc: {  	[sflag:s9] =	ssyncadd.s32 $0xFFFFFFB0  }
0xbd: {  	_ =	swait.ge [sflag:s9], $0x50  }
0xbe: {  	s24 =	sadd.s32 $0xFFFFFFFE, s26;
	[sflag:s9] =	ssyncset.done $0x0  }
0xbf: {  	p0 =	sgt.u32 s24, $0x7C;
	[sflag:s9] =	ssyncadd.s32 $0xFFFFFFB0  }
0xc0: {  	s7 =	sadd.s32 @!p0 s25, s18;
	_ =	swait.ge [sflag:s12], $0x2800  }
0xc1: {  	s17 =	simm.s32 @!p0 $0x0;
	s14 =	sadd.s32 @!p0 $0x190, s7;
	[sflag:s12] =	ssyncset.done $0x0  }
0xc2: {  	s7 =	sadd.s32 @!p0 $0x4E390, s7;
	s14 =	sshrl.u32 @!p0 s14, $0x3;
	[sflag:s12] =	ssyncadd.s32 $0xFFFFD800  }
0xc3: {  	[tilespmem:s30], [sflag:$0x1] =	stream.indirect.gather [hbm4b:s1+s29], $0x80, s10, s29, $0xb8;
	[tilespmem:$0x1E800] =	vst v63  }
0xc4: {  	s22 =	simm.s32 @!p0 $0x1E280;
	s7 =	sshrl.u32 @!p0 s7, $0x3;
	s14 =	sadd.s32 @!p0 s6, s14  }
0xc5: {  	[tilespmem:s22], [sflag:$0x2] =	stream.linear.gather @!p0 [hbm4b:s14+s17], $0x50, $0x38;
	[tilespmem:$0x1E800] =	vst v63  }
0xc6: {  	s7 =	sadd.s32 @!p0 s6, s7;
	s14 =	simm.s32 @!p0 $0x13E80  }
0xc7: {  	[tilespmem:s14], [sflag:$0x2] =	stream.linear.gather @!p0 [hbm4b:s7+s17], $0x50, $0x38;
	[tilespmem:$0x1E800] =	vst v63  }
0xc8: {  	s2 =	simm.s32 $0x13C80  }
0xc9: {  	[spmem:s3] =	stream.indirect.scatter.add.f32 [tilespmem:s31], [sflag:$0x3], $0x80, s2, s29, $0xb8;
	[tilespmem:$0x1E800] =	vst v63  }
0xca: {  	p0 =	sgt.u32 s16, $0xE;
	_ =	swait.ge [sflag:s8], $0x2800  }
0xcb: {  	s7 =	simm.s32 @p0 $0x50;
	[sflag:s8] =	ssyncset.done $0x0  }
0xcc: {  	s14 =	simm.s32 @p0 $0x13D00;
	s17 =	simm.s32 @p0 $0x19000;
	[sflag:s8] =	ssyncadd.s32 $0xFFFFD800  }
0xcd: {  	[spmem:s3] =	stream.indirect.scatter.add.f32 @p0 [tilespmem:s17], [sflag:$0x3], $0x80, s14, s7, $0xb8;
	[tilespmem:$0x1E800] =	vst v63  }
0xce: {  	s7 =	simm.s32 @p0 $0x1  }
0xcf: {  	_ =	swait.ge @p0 [sflag:s7], $0x2800  }
0xd0: {  	[sflag:s7] =	ssyncset.done @p0 $0x0  }
0xd1: {  	[sflag:s7] =	ssyncadd.s32 @p0 $0xFFFFD800;
	s7 =	simm.s32 @!p0 $0x2  }
0xd2: {  	_ =	swait.ge @!p0 [sflag:s7], $0x50  }
0xd3: {  	[sflag:s7] =	ssyncset.done @!p0 $0x0  }
0xd4: {  	[sflag:s7] =	ssyncadd.s32 @!p0 $0xFFFFFFB0  }
0xd5: {  	_ =	swait.ge @!p0 [sflag:s7], $0x50  }
0xd6: {  	[sflag:s7] =	ssyncset.done @!p0 $0x0  }
0xd7: {  	s14 =	simm.s32 @!p0 $0x3;
	[sflag:s7] =	ssyncadd.s32 @!p0 $0xFFFFFFB0  }
0xd8: {  	_ =	swait.ge @!p0 [sflag:s14], $0x2800  }
0xd9: {  	s22 =	simm.s32 @!p0 $0x1E280;
	[sflag:s14] =	ssyncset.done @!p0 $0x0  }
0xda: {  	s24 =	simm.s32 @!p0 $0x16800;
	s17 =	simm.s32 @!p0 $0x50;
	[sflag:s14] =	ssyncadd.s32 @!p0 $0xFFFFD800  }
0xdb: {  	[tilespmem:s24], [sflag:$0x1] =	stream.indirect.gather @!p0 [hbm4b:s1+s17], $0x80, s22, s17, $0xb8;
	[tilespmem:$0x1E800] =	vst v63  }
0xdc: {  	s22 =	sadd.s32 @!p0 s25, s18  }
0xdd: {  	s24 =	sadd.s32 @!p0 $0x1E0, s22  }
0xde: {  	s19 =	simm.s32 @!p0 $0x1E300;
	s22 =	sadd.s32 @!p0 $0x4E3E0, s22;
	s24 =	sshrl.u32 @!p0 s24, $0x3  }
0xdf: {  	s2 =	simm.s32 @!p0 $0x0;
	s22 =	sshrl.u32 @!p0 s22, $0x3;
	s24 =	sadd.s32 @!p0 s6, s24  }
0xe0: {  	[tilespmem:s19], [sflag:$0x2] =	stream.linear.gather @!p0 [hbm4b:s24+s2], $0x50, $0x38;
	[tilespmem:$0x1E800] =	vst v63  }
0xe1: {  	s22 =	sadd.s32 @!p0 s6, s22;
	s24 =	simm.s32 @!p0 $0x13F00  }
0xe2: {  	[tilespmem:s24], [sflag:$0x2] =	stream.linear.gather @!p0 [hbm4b:s22+s2], $0x50, $0x38;
	[tilespmem:$0x1E800] =	vst v63  }
0xe3: {  	s2 =	simm.s32 @!p0 $0x13D00;
	s22 =	simm.s32 @!p0 $0x19000  }
0xe4: {  	[spmem:s3] =	stream.indirect.scatter.add.f32 @!p0 [tilespmem:s22], [sflag:$0x3], $0x80, s2, s17, $0xb8;
	[tilespmem:$0x1E800] =	vst v63  }
0xe5: {  	s2 =	simm.s32 @!p0 $0x1  }
0xe6: {  	_ =	swait.ge @!p0 [sflag:s2], $0x2800  }
0xe7: {  	[sflag:s2] =	ssyncset.done @!p0 $0x0  }
0xe8: {  	[sflag:s2] =	ssyncadd.s32 @!p0 $0xFFFFD800  }
0xe9: {  	_ =	swait.ge @!p0 [sflag:s7], $0x50  }
0xea: {  	[sflag:s7] =	ssyncset.done @!p0 $0x0  }
0xeb: {  	[sflag:s7] =	ssyncadd.s32 @!p0 $0xFFFFFFB0  }
0xec: {  	_ =	swait.ge @!p0 [sflag:s7], $0x50  }
0xed: {  	[sflag:s7] =	ssyncset.done @!p0 $0x0  }
0xee: {  	p1 =	sgt.u32 s26, $0x7C;
	[sflag:s7] =	ssyncadd.s32 @!p0 $0xFFFFFFB0  }
0xef: {  	s2 =	sadd.s32 @!p1 s25, s18;
	_ =	swait.ge @!p0 [sflag:s14], $0x2800  }
0xf0: {  	s7 =	sadd.s32 @!p1 $0x230, s2;
	s2 =	sadd.s32 @!p1 $0x4E430, s2;
	[sflag:s14] =	ssyncset.done @!p0 $0x0  }
0xf1: {  	s7 =	sshrl.u32 @!p1 s7, $0x3;
	s2 =	sshrl.u32 @!p1 s2, $0x3;
	[sflag:s14] =	ssyncadd.s32 @!p0 $0xFFFFD800  }
0xf2: {  	[tilespmem:s22], [sflag:$0x1] =	stream.indirect.gather @!p0 [hbm4b:s1+s17], $0x80, s19, s17, $0xb8;
	[tilespmem:$0x1E800] =	vst v63  }
0xf3: {  	s7 =	sadd.s32 @!p1 s6, s7;
	s14 =	simm.s32 @!p1 $0x0;
	s17 =	simm.s32 @!p1 $0x1E380  }
0xf4: {  	[tilespmem:s17], [sflag:$0x2] =	stream.linear.gather @!p1 [hbm4b:s7+s14], $0x50, $0x38;
	[tilespmem:$0x1E800] =	vst v63  }
0xf5: {  	s2 =	sadd.s32 @!p1 s6, s2;
	s7 =	simm.s32 @!p1 $0x13F80  }
0xf6: {  	[tilespmem:s7], [sflag:$0x2] =	stream.linear.gather @!p1 [hbm4b:s2+s14], $0x50, $0x38;
	[tilespmem:$0x1E800] =	vst v63  }
.Ltmp4:
0xf7: {  	_ = 	snop;
	(pc) =	sbr.rel @p0 .LBB2_6-.Ltmp4, $4  }
0xf8: {  	[spmem:s3] =	stream.indirect.scatter.add.f32 [tilespmem:s13], [sflag:$0x3], $0x80, s28, s29, $0xb8;
	[tilespmem:$0x1E800] =	vst v63  }
0xf9: {  	_ =	swait.ge [sflag:s8], $0x2800  }
0xfa: {  	[sflag:s8] =	ssyncset.done $0x0  }
0xfb: {  	[sflag:s8] =	ssyncadd.s32 $0xFFFFD800  }
0xfc: {  	_ =	swait.ge [sflag:s9], $0x50  }
0xfd: {  	[sflag:s9] =	ssyncset.done $0x0  }
0xfe: {  	[sflag:s9] =	ssyncadd.s32 $0xFFFFFFB0  }
0xff: {  	_ =	swait.ge [sflag:s9], $0x50  }
0x100: {  	[sflag:s9] =	ssyncset.done $0x0  }
.Ltmp5:
0x101: {  	[sflag:s9] =	ssyncadd.s32 $0xFFFFFFB0;
	(pc) =	sbr.rel .LBB2_7-.Ltmp5, $4  }
0x102: {  	_ =	swait.ge [sflag:s12], $0x2800  }
0x103: {  	[sflag:s12] =	ssyncset.done $0x0  }
0x104: {  	s2 =	simm.s32 $0x1E380;
	[sflag:s12] =	ssyncadd.s32 $0xFFFFD800  }
0x105: {  	[tilespmem:s13], [sflag:$0x1] =	stream.indirect.gather [hbm4b:s1+s29], $0x80, s2, s29, $0xb8;
	[tilespmem:$0x1E800] =	vst v63  }
.LBB2_6:
0x106: {  	p1 =	seq.s32 s16, $0xF  }
.Ltmp6:
0x107: {  	_ = 	snop;
	(pc) =	sbr.rel @p1 .LBB2_10-.Ltmp6, $1  }
0x108: {  	_ =	sdelay $0x3  }
.LBB2_7:
0x109: {  	s17 =	sadd.s32 s25, s18  }
0x10a: {  	s2 =	sadd.s32 $0x280, s17  }
0x10b: {  	s2 =	sshrl.u32 s2, $0x3  }
0x10c: {  	s24 =	sadd.s32 $0x4E480, s17;
	s2 =	sadd.s32 s6, s2  }
0x10d: {  	[tilespmem:s23], [sflag:$0x2] =	stream.linear.gather [hbm4b:s2+s4], $0x50, $0x38;
	[tilespmem:$0x1E800] =	vst v63  }
.Ltmp7:
0x10e: {  	s2 =	sshrl.u32 s24, $0x3;
	(pc) =	sbr.rel @p0 .LBB2_9-.Ltmp7, $4  }
0x10f: {  	s2 =	sadd.s32 s6, s2  }
0x110: {  	[tilespmem:s21], [sflag:$0x2] =	stream.linear.gather [hbm4b:s2+s4], $0x50, $0x38;
	[tilespmem:$0x1E800] =	vst v63  }
0x111: {  	_ = 	snop  }
0x112: {  	[spmem:s3] =	stream.indirect.scatter.add.f32 [tilespmem:s30], [sflag:$0x3], $0x80, s11, s29, $0xb8;
	[tilespmem:$0x1E800] =	vst v63  }
0x113: {  	_ =	swait.ge [sflag:s8], $0x2800  }
0x114: {  	[sflag:s8] =	ssyncset.done $0x0  }
0x115: {  	[sflag:s8] =	ssyncadd.s32 $0xFFFFD800  }
0x116: {  	_ =	swait.ge [sflag:s9], $0x50  }
0x117: {  	[sflag:s9] =	ssyncset.done $0x0  }
0x118: {  	[sflag:s9] =	ssyncadd.s32 $0xFFFFFFB0  }
0x119: {  	_ =	swait.ge [sflag:s9], $0x50  }
0x11a: {  	[sflag:s9] =	ssyncset.done $0x0  }
0x11b: {  	[sflag:s9] =	ssyncadd.s32 $0xFFFFFFB0  }
0x11c: {  	_ =	swait.ge [sflag:s12], $0x2800  }
0x11d: {  	s2 =	sadd.s32 $0x2D0, s17;
	[sflag:s12] =	ssyncset.done $0x0  }
0x11e: {  	s2 =	sshrl.u32 s2, $0x3;
	[sflag:s12] =	ssyncadd.s32 $0xFFFFD800  }
0x11f: {  	[tilespmem:s30], [sflag:$0x1] =	stream.indirect.gather [hbm4b:s1+s29], $0x80, s23, s29, $0xb8;
	[tilespmem:$0x1E800] =	vst v63  }
0x120: {  	s7 =	simm.s32 $0x1E080;
	s22 =	sadd.s32 $0x4E4D0, s17;
	s2 =	sadd.s32 s6, s2  }
0x121: {  	[tilespmem:s7], [sflag:$0x2] =	stream.linear.gather [hbm4b:s2+s4], $0x50, $0x38;
	[tilespmem:$0x1E800] =	vst v63  }
0x122: {  	s2 =	sshrl.u32 s22, $0x3  }
0x123: {  	s14 =	simm.s32 $0x13C80;
	s2 =	sadd.s32 s6, s2  }
0x124: {  	[tilespmem:s14], [sflag:$0x2] =	stream.linear.gather [hbm4b:s2+s4], $0x50, $0x38;
	[tilespmem:$0x1E800] =	vst v63  }
0x125: {  	s24 =	simm.s32 $0x13E80  }
0x126: {  	[spmem:s3] =	stream.indirect.scatter.add.f32 [tilespmem:s31], [sflag:$0x3], $0x80, s24, s29, $0xb8;
	[tilespmem:$0x1E800] =	vst v63  }
0x127: {  	_ =	swait.ge [sflag:s8], $0x2800  }
0x128: {  	[sflag:s8] =	ssyncset.done $0x0  }
0x129: {  	[sflag:s8] =	ssyncadd.s32 $0xFFFFD800  }
0x12a: {  	_ =	swait.ge [sflag:s9], $0x50  }
0x12b: {  	[sflag:s9] =	ssyncset.done $0x0  }
0x12c: {  	[sflag:s9] =	ssyncadd.s32 $0xFFFFFFB0  }
0x12d: {  	_ =	swait.ge [sflag:s9], $0x50  }
0x12e: {  	[sflag:s9] =	ssyncset.done $0x0  }
0x12f: {  	[sflag:s9] =	ssyncadd.s32 $0xFFFFFFB0  }
0x130: {  	_ =	swait.ge [sflag:s12], $0x2800  }
0x131: {  	[sflag:s12] =	ssyncset.done $0x0  }
0x132: {  	[sflag:s12] =	ssyncadd.s32 $0xFFFFD800  }
0x133: {  	[tilespmem:s31], [sflag:$0x1] =	stream.indirect.gather [hbm4b:s1+s29], $0x80, s7, s29, $0xb8;
	[tilespmem:$0x1E800] =	vst v63  }
0x134: {  	s7 =	sadd.s32 $0x320, s17  }
0x135: {  	s2 =	sshrl.u32 s7, $0x3  }
0x136: {  	s14 =	sadd.s32 $0x4E520, s17;
	s7 =	simm.s32 $0x1E100;
	s2 =	sadd.s32 s6, s2  }
0x137: {  	[tilespmem:s7], [sflag:$0x2] =	stream.linear.gather [hbm4b:s2+s4], $0x50, $0x38;
	[tilespmem:$0x1E800] =	vst v63  }
0x138: {  	s2 =	sshrl.u32 s14, $0x3  }
0x139: {  	s19 =	simm.s32 $0x13D00;
	s2 =	sadd.s32 s6, s2  }
0x13a: {  	[tilespmem:s19], [sflag:$0x2] =	stream.linear.gather [hbm4b:s2+s4], $0x50, $0x38;
	[tilespmem:$0x1E800] =	vst v63  }
0x13b: {  	s22 =	simm.s32 $0x19000;
	s24 =	simm.s32 $0x13F00  }
0x13c: {  	[spmem:s3] =	stream.indirect.scatter.add.f32 [tilespmem:s22], [sflag:$0x3], $0x80, s24, s29, $0xb8;
	[tilespmem:$0x1E800] =	vst v63  }
0x13d: {  	_ =	swait.ge [sflag:s8], $0x2800  }
0x13e: {  	[sflag:s8] =	ssyncset.done $0x0  }
0x13f: {  	[sflag:s8] =	ssyncadd.s32 $0xFFFFD800  }
0x140: {  	_ =	swait.ge [sflag:s9], $0x50  }
0x141: {  	[sflag:s9] =	ssyncset.done $0x0  }
0x142: {  	[sflag:s9] =	ssyncadd.s32 $0xFFFFFFB0  }
0x143: {  	_ =	swait.ge [sflag:s9], $0x50  }
0x144: {  	[sflag:s9] =	ssyncset.done $0x0  }
0x145: {  	[sflag:s9] =	ssyncadd.s32 $0xFFFFFFB0  }
0x146: {  	_ =	swait.ge [sflag:s12], $0x2800  }
0x147: {  	s14 =	sadd.s32 $0x370, s17;
	[sflag:s12] =	ssyncset.done $0x0  }
0x148: {  	s2 =	sshrl.u32 s14, $0x3;
	[sflag:s12] =	ssyncadd.s32 $0xFFFFD800  }
0x149: {  	[tilespmem:s22], [sflag:$0x1] =	stream.indirect.gather [hbm4b:s1+s29], $0x80, s7, s29, $0xb8;
	[tilespmem:$0x1E800] =	vst v63  }
0x14a: {  	s19 =	simm.s32 $0x1E180;
	s2 =	sadd.s32 s6, s2;
	s22 =	sadd.s32 $0x4E570, s17  }
0x14b: {  	[tilespmem:s19], [sflag:$0x2] =	stream.linear.gather [hbm4b:s2+s4], $0x50, $0x38;
	[tilespmem:$0x1E800] =	vst v63  }
.Ltmp8:
0x14c: {  	s2 =	sshrl.u32 s22, $0x3;
	(pc) =	sbr.rel .LBB2_9-.Ltmp8, $4  }
0x14d: {  	s2 =	sadd.s32 s6, s2  }
0x14e: {  	[tilespmem:s28], [sflag:$0x2] =	stream.linear.gather [hbm4b:s2+s4], $0x50, $0x38;
	[tilespmem:$0x1E800] =	vst v63  }
0x14f: {  	s24 =	simm.s32 $0x13F80  }
0x150: {  	[spmem:s3] =	stream.indirect.scatter.add.f32 [tilespmem:s13], [sflag:$0x3], $0x80, s24, s29, $0xb8;
	[tilespmem:$0x1E800] =	vst v63  }
.LBB2_11:
0x151: {  	_ =	sfence.sel $0x180000  }
0x152: {  	[bflag:$0x0] =	sbarrier.arrive $0xFFFF  }
0x153: {  	_ =	strace $0x9000004A  }
0x154: {  	s0 =	stileid.u32;
	[bflag:$0x2] =	sbarrier.arrive $0xFFFF  }
0x155: {  	p0 =	sne.s32 s0, $0x0;
	s0 =	rddreg [dreg:$0x3]  }
0x156: {  	s0 =	sadd.s32 @!p0 $0x100000, s0  }
0x157: {  	[sflag:s0] =	ssyncadd.tile.s32 @!p0 $0x1;
	_ =	shalt  }
.Lfunc_end2:
_tile_overlayer_lowered:
.L_overlay_start_2:
0x158: {  	(tag) =	ssettag $0x2  }
0x159: {  	s0 =	rddreg [dreg:$0x0];
	s2 =	stileid.u32  }
0x15a: {  	s1 =	rddreg [dreg:$0x1];
	p0 =	sne.s32 s2, $0x0  }
0x15b: {  	s3 =	rddreg [dreg:$0x2];
	[bflag:$0x3] =	sbarrier.arrive $0xFFFF;
	s2 =	simm.s32 @!p0 $0x1C04  }
0x15c: {  	[timem:s3], [sflag:s2] =	dma.local @!p0 [hbm:s0], s1  }
0x15d: {  	s0 =	simm.s32 @!p0 $0x4  }
0x15e: {  	_ =	swait.ge @!p0 [sflag:s0], s1  }
0x15f: {  	s1 =	ssub.s32 @!p0 $0x0, s1;
	[sflag:s0] =	ssyncset.done @!p0 $0x0  }
0x160: {  	[sflag:s0] =	ssyncadd.s32 @!p0 s1  }
0x161: {  	[bflag:$0x3] =	sbarrier.arrive $0xFFFF  }
0x162: {  	_ =	shalt  }

// kernel: kernel.15.cloned.1.call-start
scs
__scs_entry_jumppad:
0x0: {  	(pc) =	sbr.rel $0x88, $3  }
0x1: {  	(tag) =	ssettag $0x0;
	lr =	simm.s32 $0x1  }
0x2: {  	[smem:$0x3F97] =	sst lr;
	_ =	strace $0xD0000000  }
0x3: {  	_ = 	snop  }
0x4: {  	_ = 	snop  }
0x5: {  	_ = 	snop  }
0x6: {  	_ = 	snop  }
0x7: {  	_ = 	snop  }
__scs_overlays_trampoline_lowered:
0x8: {  	[smem:$0x3FA6] =	sst s0  }
0x9: {  	[smem:$0x3FA7] =	sst s1  }
0xa: {  	[smem:$0x3FA8] =	sst s2  }
0xb: {  	[smem:$0x3FA9] =	sst s3  }
0xc: {  	[smem:$0x3FAA] =	sst s4  }
0xd: {  	[smem:$0x3FAB] =	sst s5  }
0xe: {  	[smem:$0x3FAC] =	sst s6  }
0xf: {  	[smem:$0x3FAD] =	sst s7  }
0x10: {  	[smem:$0x3FAE] =	sst s8  }
0x11: {  	[smem:$0x3FAF] =	sst s9;
	s0 =	simm.s32 @!p0 $0x0  }
0x12: {  	s1 =	sld [smem:$0x3F95];
	s0 =	simm.s32 @p0 $0x1  }
0x13: {  	[smem:$0x3FB0] =	sst s0;
	s0 =	simm.s32 @!p1 $0x0  }
0x14: {  	s2 =	sld [smem:$0x3F94];
	s0 =	simm.s32 @p1 $0x1  }
0x15: {  	[smem:$0x3FB1] =	sst s0;
	s0 =	simm.s32 @!p2 $0x0  }
0x16: {  	s3 =	sld [smem:$0x3FDB];
	s0 =	simm.s32 @p2 $0x1  }
0x17: {  	s4 =	simm.s32 $0x1BF5;
	[smem:$0x3FB3] =	sst s0  }
0x18: {  	s0 =	sld [smem:$0x3F96];
	_ =	swait.ge [sflag:s4], $0x0  }
0x19: {  	s7 =	sld [smem:$0x3F97]  }
0x1a: {  	s8 =	sadd.s32 $0xFFFFE003, lr  }
0x1b: {  	s9 =	sadd.s32 $0xFFFFFEF7, lr;
	s5 =	simm.s32 $0xFFFFFFFF;
	p2 =	slt.u32 s8, $0xFFFFF086  }
0x1c: {  	p1 =	slt.u32 s9, $0xF7A;
	s5 =	simm.s32 @!p2 $0x0  }
0x1d: {  	s5 =	simm.s32 @p1 $0x1;
	p0 =	seq.s32 s7, s2  }
0x1e: {  	s7 =	smul.u32 @!p0 $0xF7A, s2;
	p2 =	seq.s32 @!p0 s5, $0x0  }
0x1f: {  	s9 =	smul.u32 $0xF7A, s1;
	s8 =	simm.s32 @!p0 $0x1BF5;
	p2 =	por !p2, p0  }
0x20: {  	[sflag:s8] =	ssyncset.s32 @!p0 $0xFFFFF086;
	s6 =	sadd.s32 @!p0 s3, s7;
	s7 =	simm.s32 @!p0 $0x108  }
0x21: {  	s3 =	sadd.s32 s3, s9;
	s6 =	sadd.s32 @!p0 $0x88, s6;
	s7 =	simm.s32 @p2 $0x1082  }
0x22: {  	[simem:s7], [sflag:s8] =	dma.local @!p0 [hbm:s6], $0xF7A  }
0x23: {  	s9 =	sor.u32 $0xD0000000, s2;
	s6 =	simm.s32 $0x108;
	_ =	swait.ge @!p0 [sflag:s8], $0x0  }
0x24: {  	s3 =	sadd.s32 $0x88, s3;
	s6 =	simm.s32 @!p1 $0x1082;
	[sflag:s4] =	ssyncset.s32 $0xFFFFF086  }
0x25: {  	[simem:s6], [sflag:s4] =	dma.local [hbm:s3], $0xF7A  }
0x26: {  	[smem:$0x3F97] =	sst s1;
	(tag) =	ssettag s2;
	_ =	strace s9  }
0x27: {  	s1 =	sld [smem:$0x3FA7]  }
0x28: {  	s2 =	sld [smem:$0x3FA8]  }
0x29: {  	s4 =	sld [smem:$0x3FAA]  }
0x2a: {  	p0 =	seq.s32 s5, $0x0;
	s5 =	sld [smem:$0x3FAB]  }
0x2b: {  	s6 =	sld [smem:$0x3FAC]  }
0x2c: {  	s7 =	sld [smem:$0x3FAD]  }
0x2d: {  	s3 =	simm.s32 $0x108;
	s8 =	sld [smem:$0x3FAE]  }
0x2e: {  	s3 =	simm.s32 @!p0 $0x1082;
	s9 =	sld [smem:$0x3FAF]  }
0x2f: {  	lr =	sadd.s32 s0, s3;
	s0 =	sld [smem:$0x3FA6]  }
0x30: {  	s3 =	sld [smem:$0x3FA9]  }
0x31: {  	[smem:$0x3FB2] =	sst s10  }
0x32: {  	s10 =	sld [smem:$0x3FB0];
	_ =	sdelay $0x3  }
0x33: {  	p0 =	seq.s32 s10, $0x1;
	s10 =	sld [smem:$0x3FB2];
	_ =	sdelay $0x3  }
0x34: {  	[smem:$0x3FB2] =	sst s10  }
0x35: {  	s10 =	sld [smem:$0x3FB1];
	_ =	sdelay $0x3  }
0x36: {  	p1 =	seq.s32 s10, $0x1;
	s10 =	sld [smem:$0x3FB2];
	_ =	sdelay $0x3  }
0x37: {  	[smem:$0x3FB2] =	sst s10  }
0x38: {  	s10 =	sld [smem:$0x3FB3]  }
0x39: {  	_ = 	snop;
	(pc) =	sbr.ind lr, $3  }
0x3a: {  	_ = 	snop  }
0x3b: {  	_ = 	snop  }
0x3c: {  	p2 =	seq.s32 s10, $0x1;
	s10 =	sld [smem:$0x3FB2]  }
0x3d: {  	_ =	shalt  }
0x3e: {  	_ =	shalt  }
0x3f: {  	_ =	shalt  }
0x40: {  	_ =	shalt  }
0x41: {  	_ =	shalt  }
0x42: {  	_ =	shalt  }
0x43: {  	_ =	shalt  }
0x44: {  	_ =	shalt  }
0x45: {  	_ =	shalt  }
0x46: {  	_ =	shalt  }
0x47: {  	_ =	shalt  }
0x48: {  	_ =	shalt  }
0x49: {  	_ =	shalt  }
0x4a: {  	_ =	shalt  }
0x4b: {  	_ =	shalt  }
0x4c: {  	_ =	shalt  }
0x4d: {  	_ =	shalt  }
0x4e: {  	_ =	shalt  }
0x4f: {  	_ =	shalt  }
0x50: {  	_ =	shalt  }
0x51: {  	_ =	shalt  }
0x52: {  	_ =	shalt  }
0x53: {  	_ =	shalt  }
0x54: {  	_ =	shalt  }
0x55: {  	_ =	shalt  }
0x56: {  	_ =	shalt  }
0x57: {  	_ =	shalt  }
0x58: {  	_ =	shalt  }
0x59: {  	_ =	shalt  }
0x5a: {  	_ =	shalt  }
0x5b: {  	_ =	shalt  }
0x5c: {  	_ =	shalt  }
0x5d: {  	_ =	shalt  }
0x5e: {  	_ =	shalt  }
0x5f: {  	_ =	shalt  }
0x60: {  	_ =	shalt  }
0x61: {  	_ =	shalt  }
0x62: {  	_ =	shalt  }
0x63: {  	_ =	shalt  }
0x64: {  	_ =	shalt  }
0x65: {  	_ =	shalt  }
0x66: {  	_ =	shalt  }
0x67: {  	_ =	shalt  }
0x68: {  	_ =	shalt  }
0x69: {  	_ =	shalt  }
0x6a: {  	_ =	shalt  }
0x6b: {  	_ =	shalt  }
0x6c: {  	_ =	shalt  }
0x6d: {  	_ =	shalt  }
0x6e: {  	_ =	shalt  }
0x6f: {  	_ =	shalt  }
0x70: {  	_ =	shalt  }
0x71: {  	_ =	shalt  }
0x72: {  	_ =	shalt  }
0x73: {  	_ =	shalt  }
0x74: {  	_ =	shalt  }
0x75: {  	_ =	shalt  }
0x76: {  	_ =	shalt  }
0x77: {  	_ =	shalt  }
0x78: {  	_ =	shalt  }
0x79: {  	_ =	shalt  }
0x7a: {  	_ =	shalt  }
0x7b: {  	_ =	shalt  }
0x7c: {  	_ =	shalt  }
0x7d: {  	_ =	shalt  }
0x7e: {  	_ =	shalt  }
0x7f: {  	_ =	shalt  }
0x80: {  	_ =	shalt  }
0x81: {  	_ =	shalt  }
0x82: {  	_ =	shalt  }
0x83: {  	_ =	shalt  }
0x84: {  	_ =	shalt  }
0x85: {  	_ =	shalt  }
0x86: {  	_ =	shalt  }
0x87: {  	_ =	shalt  }
.Lfunc_end0:
.L_simem_size_0:
called_computation.2_lowered:
.L_overlay_start_0:
0x88: {  	s2 =	sld [smem:$0x3FD9]  }
0x89: {  	s3 =	sld [smem:$0x3FFE];
	_ =	sdelay $0x1  }
0x8a: {  	s1 =	srdreg.scid  }
0x8b: {  	s0 =	sand.u32 $0x1, s1  }
0x8c: {  	s17 =	sshll.u32 s0, $0xA;
	s2 =	sadd.s32 s3, s2  }
0x8d: {  	s2 =	sadd.s32 s2, s17  }
0x8e: {  	[smem:$0x3FBE] =	sst s2  }
0x8f: {  	_ = 	snop  }
0x90: {  	s2 =	sld [smem:$0x3FD0];
	(tm) =	ssettm $0x1  }
0x91: {  	s18 =	sld [smem:$0x3FFB];
	_ =	sdelay $0x3  }
0x92: {  	_ =	strace s18  }
0x93: {  	s3 =	sld [smem:$0x3FFC];
	_ =	sdelay $0x3  }
0x94: {  	_ =	strace s3  }
0x95: {  	s3 =	sld [smem:$0x3FFD];
	_ =	sdelay $0x3  }
0x96: {  	_ =	strace s3  }
0x97: {  	_ =	strace $0x8FFFFFFF  }
0x98: {  	s19 =	sld [smem:$0x3FDB];
	_ =	sdelay $0x1  }
0x99: {  	s4 =	simm.s32 $_scs_section_size  }
0x9a: {  	s5 =	simm.s32 $_size__tile_overlayer_lowered;
	s6 =	simm.s32 $_tile_overlayer_lowered  }
0x9b: {  	s22 =	simm.s32 $0x1BFF;
	s21 =	sshll.u32 s6, $0x1;
	s3 =	sadd.s32 s4, s19  }
0x9c: {  	s7 =	simm.s32 $0x0;
	s20 =	sshll.u32 s5, $0x1;
	s5 =	sadd.s32 s21, s3  }
0x9d: {  	[timem:s7], [sflag:s22] =	dma.local [hbm:s5], s20  }
0x9e: {  	_ =	swait.ge [sflag:s22], s20  }
0x9f: {  	s4 =	ssub.s32 $0x0, s20;
	[sflag:s22] =	ssyncset.done $0x0  }
0xa0: {  	[sflag:s22] =	ssyncadd.s32 s4;
	_ =	sdelay $0x1  }
0xa1: {  	s23 =	simm.s32 $0x1B8B  }
0xa2: {  	_ =	swait.ge [sflag:s23], $0x1  }
0xa3: {  	[sflag:s23] =	ssyncset.done $0x0  }
0xa4: {  	s25 =	simm.s32 $0x1B8E;
	s24 =	sld [smem:$0x3FFE];
	[sflag:s23] =	ssyncadd.s32 $0xFFFFFFFF  }
0xa5: {  	s26 =	simm.s32 $execute0_lowered;
	[smem:$0x3FD2] =	sst s25  }
0xa6: {  	s5 =	sshll.u32 s26, $0x1;
	_ =	strace $0x8000004C;
	[dreg:$0x1] =	wrdreg $0xFFFFFFFF  }
0xa7: {  	s28 =	simm.s32 $_size_execute0_lowered;
	s3 =	sadd.s32 s3, s5;
	[dreg:$0x0] =	wrdreg $0x0  }
0xa8: {  	s5 =	sshll.u32 s28, $0x1;
	[dreg:$0x2] =	wrdreg s3  }
0xa9: {  	[dreg:$0x3] =	wrdreg s5  }
0xaa: {  	[dreg:$0x4] =	wrdreg $0xC0  }
0xab: {  	_ =	task [dreg:s7], $0x5FFFF  }
0xac: {  	[dreg:$0x1] =	wrdreg $0xFFFFFFFF  }
0xad: {  	[dreg:$0x0] =	wrdreg $0x60  }
0xae: {  	[dreg:$0x2] =	wrdreg s2  }
0xaf: {  	[dreg:$0x3] =	wrdreg s24  }
0xb0: {  	[dreg:$0x4] =	wrdreg $0x0  }
0xb1: {  	[dreg:$0x5] =	wrdreg $0x9  }
0xb2: {  	_ =	task.clear_ibuf [dreg:s7], $0x6FFFF;
	_ =	strace $0x9000004C  }
0xb3: {  	s29 =	simm.s32 $0x9;
	_ =	strace $0x8000004E  }
0xb4: {  	_ =	swait.ge [sflag:s29], $0x1  }
0xb5: {  	[sflag:s29] =	ssyncadd.s32 $0xFFFFFFFF  }
0xb6: {  	_ =	strace $0x9000004E  }
0xb7: {  	_ =	sfence  }
0xb8: {  	s30 =	sld [smem:$0x0];
	_ =	sdelay $0x2  }
0xb9: {  	s31 =	sshll.u32 s1, $0xD;
	s1 =	sshrl.u32 s1, $0x2  }
0xba: {  	s3 =	sand.u32 $0x4000, s31;
	s1 =	sadd.s32 s1, s30  }
0xbb: {  	s0 =	sor.u32 s3, s0;
	s1 =	sshll.u32 s1, $0x11  }
0xbc: {  	s0 =	sor.u32 s1, s0  }
0xbd: {  	s0 =	sadd.s32 $0x8F2B, s0  }
0xbe: {  	[sflag:s0] =	ssyncadd.remote.s32 $0x1  }
0xbf: {  	_ =	sfence.sel $0xFFFF  }
0xc0: {  	[dreg:$0x0] =	wrdreg $0xFFFFFFFF;
	(pc) =	sbr.abs _section_cstart, $3  }
0xc1: {  	[dreg:$0x1] =	wrdreg $0xFFFFFFFF  }
0xc2: {  	_ =	task.clear_ibuf [dreg:s7], $0x2FFFF;
	_ =	strace $0x9FFFFFFF  }
0xc3: {  	(tm) =	ssettm $0x7FFFFFFF  }
tec
execute0_lowered:
.L_overlay_start_1:
0x0: {  	(tag) =	ssettag $0x1  }
0x1: {  	s1 =	rddreg [dreg:$0x0];
	s0 =	srdreg.scid  }
0x2: {  	s11 =	stileid.u32;
	s2 =	rddreg [dreg:$0x1]  }
0x3: {  	s3 =	rddreg [dreg:$0x2];
	s28 =	simm.s32 $0x13D80;
	s29 =	simm.s32 $0x50  }
0x4: {  	s30 =	simm.s32 $0x14000;
	s31 =	simm.s32 $0x16800;
	s12 =	simm.s32 $0x3  }
0x5: {  	s13 =	simm.s32 $0x1B800;
	s0 =	sand.u32 $0x1, s0;
	s25 =	smul.u32 $0x4F000, s11  }
0x6: {  	s4 =	sshll.u32 s11, $0x1;
	s6 =	sadd.s32 $0x4200, s2;
	s26 =	smul.u32 $0x2780, s11  }
0x7: {  	s11 =	smul.u32 $0x4E20, s11;
	s5 =	sor.u32 s0, s4;
	s4 =	simm.s32 $0x0  }
0x8: {  	s7 =	ssub.s32 $0x2, s0;
	p0 =	seq.s32 s0, $0x1;
	s0 =	smul.u32 $0x2710, s0  }
0x9: {  	s5 =	smul.u32 $0x2710, s5;
	[smem:$0x7FF] =	sst s4;
	s8 =	sshrl.u32 s7, $0x1  }
0xa: {  	_ =	strace $0x8000004D;
	s7 =	ssub.s32 s7, s8;
	s8 =	sshrl.u32 s25, $0x2  }
0xb: {  	s18 =	sadd.s32 s0, s11;
	s9 =	sshrl.u32 s5, $0x3;
	s7 =	smax.u32 s7, $0x1  }
0xc: {  	s0 =	simm.s32 $0x1E400;
	s9 =	sadd.s32 s6, s9;
	[dreg:$0xc] =	wrdreg s7  }
0xd: {  	s11 =	simm.s32 $0x13E00;
	s20 =	sadd.s32 $0x9C40, s9;
	[dreg:$0x4] =	wrdreg s9  }
0xe: {  	s15 =	sadd.s32 s8, s3;
	s21 =	sadd.s32 $0xA, s9;
	[dreg:$0x5] =	wrdreg s20  }
0xf: {  	s8 =	simm.s32 $0x1;
	s22 =	sadd.s32 $0x9C4A, s9;
	[dreg:$0x6] =	wrdreg s21  }
0x10: {  	s7 =	simm.s32 $0x0;
	s23 =	sadd.s32 $0x14, s9;
	[dreg:$0x7] =	wrdreg s22  }
0x11: {  	s24 =	sadd.s32 $0x9C54, s9;
	s10 =	sadd.s32 $0x1E, s9;
	[dreg:$0x8] =	wrdreg s23  }
.Ltmp0:
0x12: {  	[dreg:$0xa] =	wrdreg s10;
	s10 =	simm.s32 $0x66600;
	(pc) =	sbr.rel .LBB2_1-.Ltmp0, $4  }
0x13: {  	s9 =	sadd.s32 $0x9C5E, s9;
	[dreg:$0x9] =	wrdreg s24;
	s10 =	simm.s32 @!p0 $0x3EE00  }
0x14: {  	[dreg:$0xb] =	wrdreg s9;
	s20 =	simm.s32 $0x4;
	s2 =	sadd.s32 s10, s2  }
0x15: {  	s21 =	simm.s32 $0x13C00;
	s9 =	simm.s32 $0x2;
	s2 =	sadd.s32 s2, s26  }
0x16: {  	v0 =	vimm.f32 $0.0e+00;
	s23 =	simm.s32 $0x1E000;
	s10 =	simm.s32 $0x1E200;
	[dreg:$0xd] =	wrdreg s2  }
.LBB2_10:
0x17: {  	[spmem:s3] =	stream.indirect.scatter.add.f32 [tilespmem:s30], [sflag:$0x3], $0x80, s11, s29, $0xb8;
	[tilespmem:$0x1E800] =	vst v63  }
0x18: {  	_ =	swait.ge [sflag:s12], $0x2800  }
0x19: {  	[sflag:s12] =	ssyncset.done $0x0  }
0x1a: {  	[sflag:s12] =	ssyncadd.s32 $0xFFFFD800  }
0x1b: {  	_ =	swait.ge [sflag:s12], $0x2800  }
0x1c: {  	[sflag:s12] =	ssyncset.done $0x0  }
0x1d: {  	[sflag:s12] =	ssyncadd.s32 $0xFFFFD800  }
0x1e: {  	_ =	swait.ge [sflag:s12], $0x2800  }
0x1f: {  	[sflag:s12] =	ssyncset.done $0x0  }
0x20: {  	[sflag:s12] =	ssyncadd.s32 $0xFFFFD800  }
0x21: {  	_ =	swait.ge [sflag:s12], $0x2800  }
0x22: {  	[sflag:s12] =	ssyncset.done $0x0  }
0x23: {  	s2 =	stileid.u32;
	[sflag:s12] =	ssyncadd.s32 $0xFFFFD800  }
0x24: {  	s2 =	sshll.u32 s2, $0x6;
	[bflag:$0x0] =	sbarrier.arrive $0xFFFF  }
0x25: {  	s7 =	sshrl.u32 s15, $0x3;
	s2 =	sor.u32 $0x1C04, s2;
	s14 =	rddreg [dreg:$0xd]  }
0x26: {  	[hbm:s14], [sflag:s2] =	dma.local [spmem:s7], $0x2780  }
0x27: {  	_ =	swait.ge [sflag:s20], $0x2780  }
0x28: {  	s25 =	rddreg [dreg:$0xe]  }
0x29: {  	s26 =	rddreg [dreg:$0xc];
	s7 =	sadd.s32 $0x1, s25  }
0x2a: {  	p0 =	sne.s32 s7, s26  }
.Ltmp1:
0x2b: {  	_ = 	snop;
	(pc) =	sbr.rel @!p0 .LBB2_11-.Ltmp1, $3  }
0x2c: {  	_ =	sdelay $0x1  }
0x2d: {  	[sflag:s20] =	ssyncset.done $0x0  }
0x2e: {  	[sflag:s20] =	ssyncadd.s32 $0xFFFFD880  }
.LBB2_1:
0x2f: {  	[dreg:$0xe] =	wrdreg s7  }
0x30: {  	s2 =	rddreg [dreg:$0x4];
	s7 =	simm.s32 $0x1E000  }
0x31: {  	[tilespmem:s7], [sflag:$0x4] =	stream.linear.gather [hbm4b:s2+s4], $0x50, $0x38;
	[tilespmem:$0x1E800] =	vst v63  }
0x32: {  	_ =	swait.ge [sflag:s20], $0x50  }
0x33: {  	[sflag:s20] =	ssyncset.done $0x0  }
0x34: {  	s19 =	rddreg [dreg:$0x5];
	[sflag:s20] =	ssyncadd.s32 $0xFFFFFFB0  }
0x35: {  	[tilespmem:s21], [sflag:$0x4] =	stream.linear.gather [hbm4b:s19+s4], $0x50, $0x38;
	[tilespmem:$0x1E800] =	vst v63  }
0x36: {  	_ =	swait.ge [sflag:s20], $0x50  }
0x37: {  	[sflag:s20] =	ssyncset.done $0x0  }
0x38: {  	s14 =	simm.s32 $0x1E080;
	s22 =	rddreg [dreg:$0x6];
	[sflag:s20] =	ssyncadd.s32 $0xFFFFFFB0  }
0x39: {  	[tilespmem:s14], [sflag:$0x4] =	stream.linear.gather [hbm4b:s22+s4], $0x50, $0x38;
	[tilespmem:$0x1E800] =	vst v63  }
0x3a: {  	_ =	swait.ge [sflag:s20], $0x50  }
0x3b: {  	[sflag:s20] =	ssyncset.done $0x0  }
0x3c: {  	s16 =	simm.s32 $0x13C80;
	s24 =	rddreg [dreg:$0x7];
	[sflag:s20] =	ssyncadd.s32 $0xFFFFFFB0  }
0x3d: {  	[tilespmem:s16], [sflag:$0x4] =	stream.linear.gather [hbm4b:s24+s4], $0x50, $0x38;
	[tilespmem:$0x1E800] =	vst v63  }
0x3e: {  	_ =	swait.ge [sflag:s20], $0x50  }
0x3f: {  	[sflag:s20] =	ssyncset.done $0x0  }
0x40: {  	s16 =	simm.s32 $0x1E100;
	s25 =	rddreg [dreg:$0x8];
	[sflag:s20] =	ssyncadd.s32 $0xFFFFFFB0  }
0x41: {  	[tilespmem:s16], [sflag:$0x4] =	stream.linear.gather [hbm4b:s25+s4], $0x50, $0x38;
	[tilespmem:$0x1E800] =	vst v63  }
0x42: {  	_ =	swait.ge [sflag:s20], $0x50  }
0x43: {  	[sflag:s20] =	ssyncset.done $0x0  }
0x44: {  	s17 =	simm.s32 $0x13D00;
	s26 =	rddreg [dreg:$0x9];
	[sflag:s20] =	ssyncadd.s32 $0xFFFFFFB0  }
0x45: {  	[tilespmem:s17], [sflag:$0x4] =	stream.linear.gather [hbm4b:s26+s4], $0x50, $0x38;
	[tilespmem:$0x1E800] =	vst v63  }
0x46: {  	_ =	swait.ge [sflag:s20], $0x50  }
0x47: {  	[sflag:s20] =	ssyncset.done $0x0  }
0x48: {  	s22 =	simm.s32 $0x1E180;
	s19 =	rddreg [dreg:$0xa];
	[sflag:s20] =	ssyncadd.s32 $0xFFFFFFB0  }
0x49: {  	[tilespmem:s22], [sflag:$0x2] =	stream.linear.gather [hbm4b:s19+s4], $0x50, $0x38;
	[tilespmem:$0x1E800] =	vst v63  }
0x4a: {  	s24 =	rddreg [dreg:$0xb]  }
0x4b: {  	[tilespmem:s28], [sflag:$0x2] =	stream.linear.gather [hbm4b:s24+s4], $0x50, $0x38;
	[tilespmem:$0x1E800] =	vst v63  }
0x4c: {  	_ = 	snop  }
0x4d: {  	[tilespmem:s30], [sflag:$0x1] =	stream.indirect.gather [hbm4b:s1+s29], $0x80, s7, s29, $0xb8;
	[tilespmem:$0x1E800] =	vst v63  }
0x4e: {  	_ = 	snop  }
0x4f: {  	[tilespmem:s31], [sflag:$0x1] =	stream.indirect.gather [hbm4b:s1+s29], $0x80, s14, s29, $0xb8;
	[tilespmem:$0x1E800] =	vst v63  }
0x50: {  	s25 =	simm.s32 $0x19000  }
0x51: {  	[tilespmem:s25], [sflag:$0x1] =	stream.indirect.gather [hbm4b:s1+s29], $0x80, s16, s29, $0xb8;
	[tilespmem:$0x1E800] =	vst v63  }
0x52: {  	[tilespmem:$0x1E400] =	vst v0  }
0x53: {  	[tilespmem:$0x1E410] =	vst v0  }
0x54: {  	[tilespmem:$0x1E420] =	vst v0  }
0x55: {  	[tilespmem:$0x1E430] =	vst v0  }
0x56: {  	[tilespmem:$0x1E440] =	vst v0  }
0x57: {  	[tilespmem:$0x1E450] =	vst v0  }
0x58: {  	[tilespmem:$0x1E460] =	vst v0  }
0x59: {  	[tilespmem:$0x1E470] =	vst v0  }
0x5a: {  	[tilespmem:$0x1E480] =	vst v0  }
0x5b: {  	[tilespmem:$0x1E490] =	vst v0  }
0x5c: {  	[tilespmem:$0x1E4A0] =	vst v0  }
0x5d: {  	[tilespmem:$0x1E4B0] =	vst v0  }
0x5e: {  	[tilespmem:$0x1E4C0] =	vst v0  }
0x5f: {  	[tilespmem:$0x1E4D0] =	vst v0  }
0x60: {  	[tilespmem:$0x1E4E0] =	vst v0  }
0x61: {  	[tilespmem:$0x1E4F0] =	vst v0  }
0x62: {  	[tilespmem:$0x1E500] =	vst v0  }
0x63: {  	[tilespmem:$0x1E510] =	vst v0  }
0x64: {  	[tilespmem:$0x1E520] =	vst v0  }
0x65: {  	[tilespmem:$0x1E530] =	vst v0  }
0x66: {  	[tilespmem:$0x1E540] =	vst v0  }
0x67: {  	[tilespmem:$0x1E550] =	vst v0  }
0x68: {  	[tilespmem:$0x1E560] =	vst v0  }
0x69: {  	[tilespmem:$0x1E570] =	vst v0  }
0x6a: {  	[tilespmem:$0x1E580] =	vst v0  }
0x6b: {  	[tilespmem:$0x1E590] =	vst v0  }
0x6c: {  	[tilespmem:$0x1E5A0] =	vst v0  }
0x6d: {  	[tilespmem:$0x1E5B0] =	vst v0  }
0x6e: {  	[tilespmem:$0x1E5C0] =	vst v0  }
0x6f: {  	[tilespmem:$0x1E5D0] =	vst v0  }
0x70: {  	[tilespmem:$0x1E5E0] =	vst v0  }
0x71: {  	[tilespmem:$0x1E5F0] =	vst v0  }
0x72: {  	[tilespmem:$0x1E600] =	vst v0  }
0x73: {  	[tilespmem:$0x1E610] =	vst v0  }
0x74: {  	[tilespmem:$0x1E620] =	vst v0  }
0x75: {  	[tilespmem:$0x1E630] =	vst v0  }
0x76: {  	[tilespmem:$0x1E640] =	vst v0  }
0x77: {  	[tilespmem:$0x1E650] =	vst v0  }
0x78: {  	[tilespmem:$0x1E660] =	vst v0  }
0x79: {  	[tilespmem:$0x1E670] =	vst v0  }
0x7a: {  	[tilespmem:$0x1E680] =	vst v0  }
0x7b: {  	[tilespmem:$0x1E690] =	vst v0  }
0x7c: {  	[tilespmem:$0x1E6A0] =	vst v0  }
0x7d: {  	[tilespmem:$0x1E6B0] =	vst v0  }
0x7e: {  	[tilespmem:$0x1E6C0] =	vst v0  }
0x7f: {  	[tilespmem:$0x1E6D0] =	vst v0  }
0x80: {  	[tilespmem:$0x1E6E0] =	vst v0  }
0x81: {  	[tilespmem:$0x1E6F0] =	vst v0  }
0x82: {  	[tilespmem:$0x1E700] =	vst v0  }
0x83: {  	[tilespmem:$0x1E710] =	vst v0  }
0x84: {  	[tilespmem:$0x1E720] =	vst v0  }
0x85: {  	[tilespmem:$0x1E730] =	vst v0  }
0x86: {  	[tilespmem:$0x1E740] =	vst v0  }
0x87: {  	[tilespmem:$0x1E750] =	vst v0  }
0x88: {  	[tilespmem:$0x1E760] =	vst v0  }
0x89: {  	[tilespmem:$0x1E770] =	vst v0  }
0x8a: {  	[tilespmem:$0x1E780] =	vst v0  }
0x8b: {  	[tilespmem:$0x1E790] =	vst v0  }
0x8c: {  	[tilespmem:$0x1E7A0] =	vst v0  }
0x8d: {  	[tilespmem:$0x1E7B0] =	vst v0  }
0x8e: {  	[tilespmem:$0x1E7C0] =	vst v0  }
0x8f: {  	[tilespmem:$0x1E7D0] =	vst v0  }
0x90: {  	[tilespmem:$0x1E7E0] =	vst v0  }
0x91: {  	s26 =	sadd.s32 $0x0, s15;
	[tilespmem:$0x1E7F0] =	vst v0  }
0x92: {  	[spmem:s26] =	stream.linear.scatter [tilespmem:s0], [sflag:$0x4], $0x400, $0x38;
	[tilespmem:$0x1E800] =	vst v63  }
0x93: {  	s16 =	simm.s32 $0x1000;
	_ =	swait.ge [sflag:s20], $0x400  }
.LBB2_2:
0x94: {  	s17 =	sshra.s32 s16, $0x2;
	[sflag:s20] =	ssyncset.done $0x0;
	p0 =	sne.s32 s16, $0x4E000  }
.Ltmp2:
0x95: {  	s17 =	sadd.s32 s17, s15;
	[sflag:s20] =	ssyncadd.s32 $0xFFFFFC00;
	(pc) =	sbr.rel @p0 .LBB2_2-.Ltmp2, $3  }
0x96: {  	[spmem:s17] =	stream.linear.scatter [tilespmem:s0], [sflag:$0x4], $0x400, $0x38;
	[tilespmem:$0x1E800] =	vst v63  }
0x97: {  	s16 =	sadd.s32 $0x1000, s16;
	_ =	sdelay $0x1  }
0x98: {  	_ =	swait.ge [sflag:s20], $0x400  }
.Ltmp3:
0x99: {  	(pc) =	sbr.rel .LBB2_4-.Ltmp3, $4  }
0x9a: {  	[sflag:s20] =	ssyncset.done $0x0  }
0x9b: {  	[sflag:s20] =	ssyncadd.s32 $0xFFFFFC00  }
0x9c: {  	[bflag:$0x0] =	sbarrier.arrive $0xFFFF  }
0x9d: {  	s25 =	simm.s32 $0x0;
	s26 =	simm.s32 $0x7;
	s16 =	simm.s32 $0x0  }
.LBB2_9:
0x9e: {  	s16 =	sadd.s32 $0x1, s16;
	s25 =	sadd.s32 $0x280, s25;
	s26 =	sadd.s32 $0x8, s26  }
.LBB2_4:
0x9f: {  	_ =	swait.ge [sflag:s8], $0x2800  }
0xa0: {  	[sflag:s8] =	ssyncset.done $0x0  }
0xa1: {  	[sflag:s8] =	ssyncadd.s32 $0xFFFFD800  }
0xa2: {  	_ =	swait.ge [sflag:s9], $0x50  }
0xa3: {  	[sflag:s9] =	ssyncset.done $0x0  }
0xa4: {  	[sflag:s9] =	ssyncadd.s32 $0xFFFFFFB0  }
0xa5: {  	_ =	swait.ge [sflag:s9], $0x50  }
0xa6: {  	p0 =	sne.s32 s16, $0x0;
	[sflag:s9] =	ssyncset.done $0x0  }
0xa7: {  	s17 =	simm.s32 @p0 $0x3;
	[sflag:s9] =	ssyncadd.s32 $0xFFFFFFB0  }
0xa8: {  	_ =	swait.ge @p0 [sflag:s17], $0x2800  }
0xa9: {  	s7 =	simm.s32 @p0 $0x1E180;
	[sflag:s17] =	ssyncset.done @p0 $0x0  }
0xaa: {  	s14 =	simm.s32 @p0 $0x1B800;
	[sflag:s17] =	ssyncadd.s32 @p0 $0xFFFFD800;
	s17 =	simm.s32 @p0 $0x50  }
0xab: {  	[tilespmem:s14], [sflag:$0x1] =	stream.indirect.gather @p0 [hbm4b:s1+s17], $0x80, s7, s17, $0xb8;
	[tilespmem:$0x1E800] =	vst v63  }
0xac: {  	s22 =	simm.s32 @!p0 $0x1B800;
	s7 =	sadd.s32 @p0 $0x140, s25  }
0xad: {  	s14 =	simm.s32 @!p0 $0x50;
	s17 =	simm.s32 @!p0 $0x1E180;
	s7 =	simm.s32 @!p0 $0x140  }
0xae: {  	[tilespmem:s22], [sflag:$0x1] =	stream.indirect.gather @!p0 [hbm4b:s1+s14], $0x80, s17, s14, $0xb8;
	[tilespmem:$0x1E800] =	vst v63  }
0xaf: {  	s7 =	sadd.s32 s5, s7  }
0xb0: {  	s7 =	sshrl.u32 s7, $0x3  }
0xb1: {  	s7 =	sadd.s32 s6, s7  }
0xb2: {  	[tilespmem:s10], [sflag:$0x2] =	stream.linear.gather [hbm4b:s7+s4], $0x50, $0x38;
	[tilespmem:$0x1E800] =	vst v63  }
0xb3: {  	s7 =	sadd.s32 $0x9C40, s7  }
0xb4: {  	[tilespmem:s11], [sflag:$0x2] =	stream.linear.gather [hbm4b:s7+s4], $0x50, $0x38;
	[tilespmem:$0x1E800] =	vst v63  }
0xb5: {  	_ = 	snop  }
0xb6: {  	[spmem:s3] =	stream.indirect.scatter.add.f32 [tilespmem:s30], [sflag:$0x3], $0x80, s21, s29, $0xb8;
	[tilespmem:$0x1E800] =	vst v63  }
0xb7: {  	_ =	swait.ge [sflag:s8], $0x2800  }
0xb8: {  	[sflag:s8] =	ssyncset.done $0x0  }
0xb9: {  	[sflag:s8] =	ssyncadd.s32 $0xFFFFD800  }
0xba: {  	_ =	swait.ge [sflag:s9], $0x50  }
0xbb: {  	[sflag:s9] =	ssyncset.done $0x0  }
0xbc: {  	[sflag:s9] =	ssyncadd.s32 $0xFFFFFFB0  }
0xbd: {  	_ =	swait.ge [sflag:s9], $0x50  }
0xbe: {  	s24 =	sadd.s32 $0xFFFFFFFE, s26;
	[sflag:s9] =	ssyncset.done $0x0  }
0xbf: {  	p0 =	sgt.u32 s24, $0x7C;
	[sflag:s9] =	ssyncadd.s32 $0xFFFFFFB0  }
0xc0: {  	s7 =	sadd.s32 @!p0 s25, s18;
	_ =	swait.ge [sflag:s12], $0x2800  }
0xc1: {  	s17 =	simm.s32 @!p0 $0x0;
	s14 =	sadd.s32 @!p0 $0x190, s7;
	[sflag:s12] =	ssyncset.done $0x0  }
0xc2: {  	s7 =	sadd.s32 @!p0 $0x4E390, s7;
	s14 =	sshrl.u32 @!p0 s14, $0x3;
	[sflag:s12] =	ssyncadd.s32 $0xFFFFD800  }
0xc3: {  	[tilespmem:s30], [sflag:$0x1] =	stream.indirect.gather [hbm4b:s1+s29], $0x80, s10, s29, $0xb8;
	[tilespmem:$0x1E800] =	vst v63  }
0xc4: {  	s22 =	simm.s32 @!p0 $0x1E280;
	s7 =	sshrl.u32 @!p0 s7, $0x3;
	s14 =	sadd.s32 @!p0 s6, s14  }
0xc5: {  	[tilespmem:s22], [sflag:$0x2] =	stream.linear.gather @!p0 [hbm4b:s14+s17], $0x50, $0x38;
	[tilespmem:$0x1E800] =	vst v63  }
0xc6: {  	s7 =	sadd.s32 @!p0 s6, s7;
	s14 =	simm.s32 @!p0 $0x13E80  }
0xc7: {  	[tilespmem:s14], [sflag:$0x2] =	stream.linear.gather @!p0 [hbm4b:s7+s17], $0x50, $0x38;
	[tilespmem:$0x1E800] =	vst v63  }
0xc8: {  	s2 =	simm.s32 $0x13C80  }
0xc9: {  	[spmem:s3] =	stream.indirect.scatter.add.f32 [tilespmem:s31], [sflag:$0x3], $0x80, s2, s29, $0xb8;
	[tilespmem:$0x1E800] =	vst v63  }
0xca: {  	p0 =	sgt.u32 s16, $0xE;
	_ =	swait.ge [sflag:s8], $0x2800  }
0xcb: {  	s7 =	simm.s32 @p0 $0x50;
	[sflag:s8] =	ssyncset.done $0x0  }
0xcc: {  	s14 =	simm.s32 @p0 $0x13D00;
	s17 =	simm.s32 @p0 $0x19000;
	[sflag:s8] =	ssyncadd.s32 $0xFFFFD800  }
0xcd: {  	[spmem:s3] =	stream.indirect.scatter.add.f32 @p0 [tilespmem:s17], [sflag:$0x3], $0x80, s14, s7, $0xb8;
	[tilespmem:$0x1E800] =	vst v63  }
0xce: {  	s7 =	simm.s32 @p0 $0x1  }
0xcf: {  	_ =	swait.ge @p0 [sflag:s7], $0x2800  }
0xd0: {  	[sflag:s7] =	ssyncset.done @p0 $0x0  }
0xd1: {  	[sflag:s7] =	ssyncadd.s32 @p0 $0xFFFFD800;
	s7 =	simm.s32 @!p0 $0x2  }
0xd2: {  	_ =	swait.ge @!p0 [sflag:s7], $0x50  }
0xd3: {  	[sflag:s7] =	ssyncset.done @!p0 $0x0  }
0xd4: {  	[sflag:s7] =	ssyncadd.s32 @!p0 $0xFFFFFFB0  }
0xd5: {  	_ =	swait.ge @!p0 [sflag:s7], $0x50  }
0xd6: {  	[sflag:s7] =	ssyncset.done @!p0 $0x0  }
0xd7: {  	s14 =	simm.s32 @!p0 $0x3;
	[sflag:s7] =	ssyncadd.s32 @!p0 $0xFFFFFFB0  }
0xd8: {  	_ =	swait.ge @!p0 [sflag:s14], $0x2800  }
0xd9: {  	s22 =	simm.s32 @!p0 $0x1E280;
	[sflag:s14] =	ssyncset.done @!p0 $0x0  }
0xda: {  	s24 =	simm.s32 @!p0 $0x16800;
	s17 =	simm.s32 @!p0 $0x50;
	[sflag:s14] =	ssyncadd.s32 @!p0 $0xFFFFD800  }
0xdb: {  	[tilespmem:s24], [sflag:$0x1] =	stream.indirect.gather @!p0 [hbm4b:s1+s17], $0x80, s22, s17, $0xb8;
	[tilespmem:$0x1E800] =	vst v63  }
0xdc: {  	s22 =	sadd.s32 @!p0 s25, s18  }
0xdd: {  	s24 =	sadd.s32 @!p0 $0x1E0, s22  }
0xde: {  	s19 =	simm.s32 @!p0 $0x1E300;
	s22 =	sadd.s32 @!p0 $0x4E3E0, s22;
	s24 =	sshrl.u32 @!p0 s24, $0x3  }
0xdf: {  	s2 =	simm.s32 @!p0 $0x0;
	s22 =	sshrl.u32 @!p0 s22, $0x3;
	s24 =	sadd.s32 @!p0 s6, s24  }
0xe0: {  	[tilespmem:s19], [sflag:$0x2] =	stream.linear.gather @!p0 [hbm4b:s24+s2], $0x50, $0x38;
	[tilespmem:$0x1E800] =	vst v63  }
0xe1: {  	s22 =	sadd.s32 @!p0 s6, s22;
	s24 =	simm.s32 @!p0 $0x13F00  }
0xe2: {  	[tilespmem:s24], [sflag:$0x2] =	stream.linear.gather @!p0 [hbm4b:s22+s2], $0x50, $0x38;
	[tilespmem:$0x1E800] =	vst v63  }
0xe3: {  	s2 =	simm.s32 @!p0 $0x13D00;
	s22 =	simm.s32 @!p0 $0x19000  }
0xe4: {  	[spmem:s3] =	stream.indirect.scatter.add.f32 @!p0 [tilespmem:s22], [sflag:$0x3], $0x80, s2, s17, $0xb8;
	[tilespmem:$0x1E800] =	vst v63  }
0xe5: {  	s2 =	simm.s32 @!p0 $0x1  }
0xe6: {  	_ =	swait.ge @!p0 [sflag:s2], $0x2800  }
0xe7: {  	[sflag:s2] =	ssyncset.done @!p0 $0x0  }
0xe8: {  	[sflag:s2] =	ssyncadd.s32 @!p0 $0xFFFFD800  }
0xe9: {  	_ =	swait.ge @!p0 [sflag:s7], $0x50  }
0xea: {  	[sflag:s7] =	ssyncset.done @!p0 $0x0  }
0xeb: {  	[sflag:s7] =	ssyncadd.s32 @!p0 $0xFFFFFFB0  }
0xec: {  	_ =	swait.ge @!p0 [sflag:s7], $0x50  }
0xed: {  	[sflag:s7] =	ssyncset.done @!p0 $0x0  }
0xee: {  	p1 =	sgt.u32 s26, $0x7C;
	[sflag:s7] =	ssyncadd.s32 @!p0 $0xFFFFFFB0  }
0xef: {  	s2 =	sadd.s32 @!p1 s25, s18;
	_ =	swait.ge @!p0 [sflag:s14], $0x2800  }
0xf0: {  	s7 =	sadd.s32 @!p1 $0x230, s2;
	s2 =	sadd.s32 @!p1 $0x4E430, s2;
	[sflag:s14] =	ssyncset.done @!p0 $0x0  }
0xf1: {  	s7 =	sshrl.u32 @!p1 s7, $0x3;
	s2 =	sshrl.u32 @!p1 s2, $0x3;
	[sflag:s14] =	ssyncadd.s32 @!p0 $0xFFFFD800  }
0xf2: {  	[tilespmem:s22], [sflag:$0x1] =	stream.indirect.gather @!p0 [hbm4b:s1+s17], $0x80, s19, s17, $0xb8;
	[tilespmem:$0x1E800] =	vst v63  }
0xf3: {  	s7 =	sadd.s32 @!p1 s6, s7;
	s14 =	simm.s32 @!p1 $0x0;
	s17 =	simm.s32 @!p1 $0x1E380  }
0xf4: {  	[tilespmem:s17], [sflag:$0x2] =	stream.linear.gather @!p1 [hbm4b:s7+s14], $0x50, $0x38;
	[tilespmem:$0x1E800] =	vst v63  }
0xf5: {  	s2 =	sadd.s32 @!p1 s6, s2;
	s7 =	simm.s32 @!p1 $0x13F80  }
0xf6: {  	[tilespmem:s7], [sflag:$0x2] =	stream.linear.gather @!p1 [hbm4b:s2+s14], $0x50, $0x38;
	[tilespmem:$0x1E800] =	vst v63  }
.Ltmp4:
0xf7: {  	_ = 	snop;
	(pc) =	sbr.rel @p0 .LBB2_6-.Ltmp4, $4  }
0xf8: {  	[spmem:s3] =	stream.indirect.scatter.add.f32 [tilespmem:s13], [sflag:$0x3], $0x80, s28, s29, $0xb8;
	[tilespmem:$0x1E800] =	vst v63  }
0xf9: {  	_ =	swait.ge [sflag:s8], $0x2800  }
0xfa: {  	[sflag:s8] =	ssyncset.done $0x0  }
0xfb: {  	[sflag:s8] =	ssyncadd.s32 $0xFFFFD800  }
0xfc: {  	_ =	swait.ge [sflag:s9], $0x50  }
0xfd: {  	[sflag:s9] =	ssyncset.done $0x0  }
0xfe: {  	[sflag:s9] =	ssyncadd.s32 $0xFFFFFFB0  }
0xff: {  	_ =	swait.ge [sflag:s9], $0x50  }
0x100: {  	[sflag:s9] =	ssyncset.done $0x0  }
.Ltmp5:
0x101: {  	[sflag:s9] =	ssyncadd.s32 $0xFFFFFFB0;
	(pc) =	sbr.rel .LBB2_7-.Ltmp5, $4  }
0x102: {  	_ =	swait.ge [sflag:s12], $0x2800  }
0x103: {  	[sflag:s12] =	ssyncset.done $0x0  }
0x104: {  	s2 =	simm.s32 $0x1E380;
	[sflag:s12] =	ssyncadd.s32 $0xFFFFD800  }
0x105: {  	[tilespmem:s13], [sflag:$0x1] =	stream.indirect.gather [hbm4b:s1+s29], $0x80, s2, s29, $0xb8;
	[tilespmem:$0x1E800] =	vst v63  }
.LBB2_6:
0x106: {  	p1 =	seq.s32 s16, $0xF  }
.Ltmp6:
0x107: {  	_ = 	snop;
	(pc) =	sbr.rel @p1 .LBB2_10-.Ltmp6, $1  }
0x108: {  	_ =	sdelay $0x3  }
.LBB2_7:
0x109: {  	s17 =	sadd.s32 s25, s18  }
0x10a: {  	s2 =	sadd.s32 $0x280, s17  }
0x10b: {  	s2 =	sshrl.u32 s2, $0x3  }
0x10c: {  	s24 =	sadd.s32 $0x4E480, s17;
	s2 =	sadd.s32 s6, s2  }
0x10d: {  	[tilespmem:s23], [sflag:$0x2] =	stream.linear.gather [hbm4b:s2+s4], $0x50, $0x38;
	[tilespmem:$0x1E800] =	vst v63  }
.Ltmp7:
0x10e: {  	s2 =	sshrl.u32 s24, $0x3;
	(pc) =	sbr.rel @p0 .LBB2_9-.Ltmp7, $4  }
0x10f: {  	s2 =	sadd.s32 s6, s2  }
0x110: {  	[tilespmem:s21], [sflag:$0x2] =	stream.linear.gather [hbm4b:s2+s4], $0x50, $0x38;
	[tilespmem:$0x1E800] =	vst v63  }
0x111: {  	_ = 	snop  }
0x112: {  	[spmem:s3] =	stream.indirect.scatter.add.f32 [tilespmem:s30], [sflag:$0x3], $0x80, s11, s29, $0xb8;
	[tilespmem:$0x1E800] =	vst v63  }
0x113: {  	_ =	swait.ge [sflag:s8], $0x2800  }
0x114: {  	[sflag:s8] =	ssyncset.done $0x0  }
0x115: {  	[sflag:s8] =	ssyncadd.s32 $0xFFFFD800  }
0x116: {  	_ =	swait.ge [sflag:s9], $0x50  }
0x117: {  	[sflag:s9] =	ssyncset.done $0x0  }
0x118: {  	[sflag:s9] =	ssyncadd.s32 $0xFFFFFFB0  }
0x119: {  	_ =	swait.ge [sflag:s9], $0x50  }
0x11a: {  	[sflag:s9] =	ssyncset.done $0x0  }
0x11b: {  	[sflag:s9] =	ssyncadd.s32 $0xFFFFFFB0  }
0x11c: {  	_ =	swait.ge [sflag:s12], $0x2800  }
0x11d: {  	s2 =	sadd.s32 $0x2D0, s17;
	[sflag:s12] =	ssyncset.done $0x0  }
0x11e: {  	s2 =	sshrl.u32 s2, $0x3;
	[sflag:s12] =	ssyncadd.s32 $0xFFFFD800  }
0x11f: {  	[tilespmem:s30], [sflag:$0x1] =	stream.indirect.gather [hbm4b:s1+s29], $0x80, s23, s29, $0xb8;
	[tilespmem:$0x1E800] =	vst v63  }
0x120: {  	s7 =	simm.s32 $0x1E080;
	s22 =	sadd.s32 $0x4E4D0, s17;
	s2 =	sadd.s32 s6, s2  }
0x121: {  	[tilespmem:s7], [sflag:$0x2] =	stream.linear.gather [hbm4b:s2+s4], $0x50, $0x38;
	[tilespmem:$0x1E800] =	vst v63  }
0x122: {  	s2 =	sshrl.u32 s22, $0x3  }
0x123: {  	s14 =	simm.s32 $0x13C80;
	s2 =	sadd.s32 s6, s2  }
0x124: {  	[tilespmem:s14], [sflag:$0x2] =	stream.linear.gather [hbm4b:s2+s4], $0x50, $0x38;
	[tilespmem:$0x1E800] =	vst v63  }
0x125: {  	s24 =	simm.s32 $0x13E80  }
0x126: {  	[spmem:s3] =	stream.indirect.scatter.add.f32 [tilespmem:s31], [sflag:$0x3], $0x80, s24, s29, $0xb8;
	[tilespmem:$0x1E800] =	vst v63  }
0x127: {  	_ =	swait.ge [sflag:s8], $0x2800  }
0x128: {  	[sflag:s8] =	ssyncset.done $0x0  }
0x129: {  	[sflag:s8] =	ssyncadd.s32 $0xFFFFD800  }
0x12a: {  	_ =	swait.ge [sflag:s9], $0x50  }
0x12b: {  	[sflag:s9] =	ssyncset.done $0x0  }
0x12c: {  	[sflag:s9] =	ssyncadd.s32 $0xFFFFFFB0  }
0x12d: {  	_ =	swait.ge [sflag:s9], $0x50  }
0x12e: {  	[sflag:s9] =	ssyncset.done $0x0  }
0x12f: {  	[sflag:s9] =	ssyncadd.s32 $0xFFFFFFB0  }
0x130: {  	_ =	swait.ge [sflag:s12], $0x2800  }
0x131: {  	[sflag:s12] =	ssyncset.done $0x0  }
0x132: {  	[sflag:s12] =	ssyncadd.s32 $0xFFFFD800  }
0x133: {  	[tilespmem:s31], [sflag:$0x1] =	stream.indirect.gather [hbm4b:s1+s29], $0x80, s7, s29, $0xb8;
	[tilespmem:$0x1E800] =	vst v63  }
0x134: {  	s7 =	sadd.s32 $0x320, s17  }
0x135: {  	s2 =	sshrl.u32 s7, $0x3  }
0x136: {  	s14 =	sadd.s32 $0x4E520, s17;
	s7 =	simm.s32 $0x1E100;
	s2 =	sadd.s32 s6, s2  }
0x137: {  	[tilespmem:s7], [sflag:$0x2] =	stream.linear.gather [hbm4b:s2+s4], $0x50, $0x38;
	[tilespmem:$0x1E800] =	vst v63  }
0x138: {  	s2 =	sshrl.u32 s14, $0x3  }
0x139: {  	s19 =	simm.s32 $0x13D00;
	s2 =	sadd.s32 s6, s2  }
0x13a: {  	[tilespmem:s19], [sflag:$0x2] =	stream.linear.gather [hbm4b:s2+s4], $0x50, $0x38;
	[tilespmem:$0x1E800] =	vst v63  }
0x13b: {  	s22 =	simm.s32 $0x19000;
	s24 =	simm.s32 $0x13F00  }
0x13c: {  	[spmem:s3] =	stream.indirect.scatter.add.f32 [tilespmem:s22], [sflag:$0x3], $0x80, s24, s29, $0xb8;
	[tilespmem:$0x1E800] =	vst v63  }
0x13d: {  	_ =	swait.ge [sflag:s8], $0x2800  }
0x13e: {  	[sflag:s8] =	ssyncset.done $0x0  }
0x13f: {  	[sflag:s8] =	ssyncadd.s32 $0xFFFFD800  }
0x140: {  	_ =	swait.ge [sflag:s9], $0x50  }
0x141: {  	[sflag:s9] =	ssyncset.done $0x0  }
0x142: {  	[sflag:s9] =	ssyncadd.s32 $0xFFFFFFB0  }
0x143: {  	_ =	swait.ge [sflag:s9], $0x50  }
0x144: {  	[sflag:s9] =	ssyncset.done $0x0  }
0x145: {  	[sflag:s9] =	ssyncadd.s32 $0xFFFFFFB0  }
0x146: {  	_ =	swait.ge [sflag:s12], $0x2800  }
0x147: {  	s14 =	sadd.s32 $0x370, s17;
	[sflag:s12] =	ssyncset.done $0x0  }
0x148: {  	s2 =	sshrl.u32 s14, $0x3;
	[sflag:s12] =	ssyncadd.s32 $0xFFFFD800  }
0x149: {  	[tilespmem:s22], [sflag:$0x1] =	stream.indirect.gather [hbm4b:s1+s29], $0x80, s7, s29, $0xb8;
	[tilespmem:$0x1E800] =	vst v63  }
0x14a: {  	s19 =	simm.s32 $0x1E180;
	s2 =	sadd.s32 s6, s2;
	s22 =	sadd.s32 $0x4E570, s17  }
0x14b: {  	[tilespmem:s19], [sflag:$0x2] =	stream.linear.gather [hbm4b:s2+s4], $0x50, $0x38;
	[tilespmem:$0x1E800] =	vst v63  }
.Ltmp8:
0x14c: {  	s2 =	sshrl.u32 s22, $0x3;
	(pc) =	sbr.rel .LBB2_9-.Ltmp8, $4  }
0x14d: {  	s2 =	sadd.s32 s6, s2  }
0x14e: {  	[tilespmem:s28], [sflag:$0x2] =	stream.linear.gather [hbm4b:s2+s4], $0x50, $0x38;
	[tilespmem:$0x1E800] =	vst v63  }
0x14f: {  	s24 =	simm.s32 $0x13F80  }
0x150: {  	[spmem:s3] =	stream.indirect.scatter.add.f32 [tilespmem:s13], [sflag:$0x3], $0x80, s24, s29, $0xb8;
	[tilespmem:$0x1E800] =	vst v63  }
.LBB2_11:
0x151: {  	_ =	sfence.sel $0x180000  }
0x152: {  	[bflag:$0x0] =	sbarrier.arrive $0xFFFF  }
0x153: {  	_ =	strace $0x9000004D  }
0x154: {  	s0 =	stileid.u32;
	[bflag:$0x2] =	sbarrier.arrive $0xFFFF  }
0x155: {  	p0 =	sne.s32 s0, $0x0;
	s0 =	rddreg [dreg:$0x3]  }
0x156: {  	s0 =	sadd.s32 @!p0 $0x100000, s0  }
0x157: {  	[sflag:s0] =	ssyncadd.tile.s32 @!p0 $0x1;
	_ =	shalt  }
.Lfunc_end2:
_tile_overlayer_lowered:
.L_overlay_start_2:
0x158: {  	(tag) =	ssettag $0x2  }
0x159: {  	s0 =	rddreg [dreg:$0x0];
	s2 =	stileid.u32  }
0x15a: {  	s1 =	rddreg [dreg:$0x1];
	p0 =	sne.s32 s2, $0x0  }
0x15b: {  	s3 =	rddreg [dreg:$0x2];
	[bflag:$0x3] =	sbarrier.arrive $0xFFFF;
	s2 =	simm.s32 @!p0 $0x1C04  }
0x15c: {  	[timem:s3], [sflag:s2] =	dma.local @!p0 [hbm:s0], s1  }
0x15d: {  	s0 =	simm.s32 @!p0 $0x4  }
0x15e: {  	_ =	swait.ge @!p0 [sflag:s0], s1  }
0x15f: {  	s1 =	ssub.s32 @!p0 $0x0, s1;
	[sflag:s0] =	ssyncset.done @!p0 $0x0  }
0x160: {  	[sflag:s0] =	ssyncadd.s32 @!p0 s1  }
0x161: {  	[bflag:$0x3] =	sbarrier.arrive $0xFFFF  }
0x162: {  	_ =	shalt  }

// kernel: kernel.9.cloned.1.call-start
scs
__scs_entry_jumppad:
0x0: {  	(pc) =	sbr.rel $0x88, $3  }
0x1: {  	(tag) =	ssettag $0x0;
	lr =	simm.s32 $0x1  }
0x2: {  	[smem:$0x3F97] =	sst lr;
	_ =	strace $0xD0000000  }
0x3: {  	_ = 	snop  }
0x4: {  	_ = 	snop  }
0x5: {  	_ = 	snop  }
0x6: {  	_ = 	snop  }
0x7: {  	_ = 	snop  }
__scs_overlays_trampoline_lowered:
0x8: {  	[smem:$0x3FA6] =	sst s0  }
0x9: {  	[smem:$0x3FA7] =	sst s1  }
0xa: {  	[smem:$0x3FA8] =	sst s2  }
0xb: {  	[smem:$0x3FA9] =	sst s3  }
0xc: {  	[smem:$0x3FAA] =	sst s4  }
0xd: {  	[smem:$0x3FAB] =	sst s5  }
0xe: {  	[smem:$0x3FAC] =	sst s6  }
0xf: {  	[smem:$0x3FAD] =	sst s7  }
0x10: {  	[smem:$0x3FAE] =	sst s8  }
0x11: {  	[smem:$0x3FAF] =	sst s9;
	s0 =	simm.s32 @!p0 $0x0  }
0x12: {  	s1 =	sld [smem:$0x3F95];
	s0 =	simm.s32 @p0 $0x1  }
0x13: {  	[smem:$0x3FB0] =	sst s0;
	s0 =	simm.s32 @!p1 $0x0  }
0x14: {  	s2 =	sld [smem:$0x3F94];
	s0 =	simm.s32 @p1 $0x1  }
0x15: {  	[smem:$0x3FB1] =	sst s0;
	s0 =	simm.s32 @!p2 $0x0  }
0x16: {  	s3 =	sld [smem:$0x3FDB];
	s0 =	simm.s32 @p2 $0x1  }
0x17: {  	s4 =	simm.s32 $0x1BF5;
	[smem:$0x3FB3] =	sst s0  }
0x18: {  	s0 =	sld [smem:$0x3F96];
	_ =	swait.ge [sflag:s4], $0x0  }
0x19: {  	s7 =	sld [smem:$0x3F97]  }
0x1a: {  	s8 =	sadd.s32 $0xFFFFE003, lr  }
0x1b: {  	s9 =	sadd.s32 $0xFFFFFEF7, lr;
	s5 =	simm.s32 $0xFFFFFFFF;
	p2 =	slt.u32 s8, $0xFFFFF086  }
0x1c: {  	p1 =	slt.u32 s9, $0xF7A;
	s5 =	simm.s32 @!p2 $0x0  }
0x1d: {  	s5 =	simm.s32 @p1 $0x1;
	p0 =	seq.s32 s7, s2  }
0x1e: {  	s7 =	smul.u32 @!p0 $0xF7A, s2;
	p2 =	seq.s32 @!p0 s5, $0x0  }
0x1f: {  	s9 =	smul.u32 $0xF7A, s1;
	s8 =	simm.s32 @!p0 $0x1BF5;
	p2 =	por !p2, p0  }
0x20: {  	[sflag:s8] =	ssyncset.s32 @!p0 $0xFFFFF086;
	s6 =	sadd.s32 @!p0 s3, s7;
	s7 =	simm.s32 @!p0 $0x108  }
0x21: {  	s3 =	sadd.s32 s3, s9;
	s6 =	sadd.s32 @!p0 $0x88, s6;
	s7 =	simm.s32 @p2 $0x1082  }
0x22: {  	[simem:s7], [sflag:s8] =	dma.local @!p0 [hbm:s6], $0xF7A  }
0x23: {  	s9 =	sor.u32 $0xD0000000, s2;
	s6 =	simm.s32 $0x108;
	_ =	swait.ge @!p0 [sflag:s8], $0x0  }
0x24: {  	s3 =	sadd.s32 $0x88, s3;
	s6 =	simm.s32 @!p1 $0x1082;
	[sflag:s4] =	ssyncset.s32 $0xFFFFF086  }
0x25: {  	[simem:s6], [sflag:s4] =	dma.local [hbm:s3], $0xF7A  }
0x26: {  	[smem:$0x3F97] =	sst s1;
	(tag) =	ssettag s2;
	_ =	strace s9  }
0x27: {  	s1 =	sld [smem:$0x3FA7]  }
0x28: {  	s2 =	sld [smem:$0x3FA8]  }
0x29: {  	s4 =	sld [smem:$0x3FAA]  }
0x2a: {  	p0 =	seq.s32 s5, $0x0;
	s5 =	sld [smem:$0x3FAB]  }
0x2b: {  	s6 =	sld [smem:$0x3FAC]  }
0x2c: {  	s7 =	sld [smem:$0x3FAD]  }
0x2d: {  	s3 =	simm.s32 $0x108;
	s8 =	sld [smem:$0x3FAE]  }
0x2e: {  	s3 =	simm.s32 @!p0 $0x1082;
	s9 =	sld [smem:$0x3FAF]  }
0x2f: {  	lr =	sadd.s32 s0, s3;
	s0 =	sld [smem:$0x3FA6]  }
0x30: {  	s3 =	sld [smem:$0x3FA9]  }
0x31: {  	[smem:$0x3FB2] =	sst s10  }
0x32: {  	s10 =	sld [smem:$0x3FB0];
	_ =	sdelay $0x3  }
0x33: {  	p0 =	seq.s32 s10, $0x1;
	s10 =	sld [smem:$0x3FB2];
	_ =	sdelay $0x3  }
0x34: {  	[smem:$0x3FB2] =	sst s10  }
0x35: {  	s10 =	sld [smem:$0x3FB1];
	_ =	sdelay $0x3  }
0x36: {  	p1 =	seq.s32 s10, $0x1;
	s10 =	sld [smem:$0x3FB2];
	_ =	sdelay $0x3  }
0x37: {  	[smem:$0x3FB2] =	sst s10  }
0x38: {  	s10 =	sld [smem:$0x3FB3]  }
0x39: {  	_ = 	snop;
	(pc) =	sbr.ind lr, $3  }
0x3a: {  	_ = 	snop  }
0x3b: {  	_ = 	snop  }
0x3c: {  	p2 =	seq.s32 s10, $0x1;
	s10 =	sld [smem:$0x3FB2]  }
0x3d: {  	_ =	shalt  }
0x3e: {  	_ =	shalt  }
0x3f: {  	_ =	shalt  }
0x40: {  	_ =	shalt  }
0x41: {  	_ =	shalt  }
0x42: {  	_ =	shalt  }
0x43: {  	_ =	shalt  }
0x44: {  	_ =	shalt  }
0x45: {  	_ =	shalt  }
0x46: {  	_ =	shalt  }
0x47: {  	_ =	shalt  }
0x48: {  	_ =	shalt  }
0x49: {  	_ =	shalt  }
0x4a: {  	_ =	shalt  }
0x4b: {  	_ =	shalt  }
0x4c: {  	_ =	shalt  }
0x4d: {  	_ =	shalt  }
0x4e: {  	_ =	shalt  }
0x4f: {  	_ =	shalt  }
0x50: {  	_ =	shalt  }
0x51: {  	_ =	shalt  }
0x52: {  	_ =	shalt  }
0x53: {  	_ =	shalt  }
0x54: {  	_ =	shalt  }
0x55: {  	_ =	shalt  }
0x56: {  	_ =	shalt  }
0x57: {  	_ =	shalt  }
0x58: {  	_ =	shalt  }
0x59: {  	_ =	shalt  }
0x5a: {  	_ =	shalt  }
0x5b: {  	_ =	shalt  }
0x5c: {  	_ =	shalt  }
0x5d: {  	_ =	shalt  }
0x5e: {  	_ =	shalt  }
0x5f: {  	_ =	shalt  }
0x60: {  	_ =	shalt  }
0x61: {  	_ =	shalt  }
0x62: {  	_ =	shalt  }
0x63: {  	_ =	shalt  }
0x64: {  	_ =	shalt  }
0x65: {  	_ =	shalt  }
0x66: {  	_ =	shalt  }
0x67: {  	_ =	shalt  }
0x68: {  	_ =	shalt  }
0x69: {  	_ =	shalt  }
0x6a: {  	_ =	shalt  }
0x6b: {  	_ =	shalt  }
0x6c: {  	_ =	shalt  }
0x6d: {  	_ =	shalt  }
0x6e: {  	_ =	shalt  }
0x6f: {  	_ =	shalt  }
0x70: {  	_ =	shalt  }
0x71: {  	_ =	shalt  }
0x72: {  	_ =	shalt  }
0x73: {  	_ =	shalt  }
0x74: {  	_ =	shalt  }
0x75: {  	_ =	shalt  }
0x76: {  	_ =	shalt  }
0x77: {  	_ =	shalt  }
0x78: {  	_ =	shalt  }
0x79: {  	_ =	shalt  }
0x7a: {  	_ =	shalt  }
0x7b: {  	_ =	shalt  }
0x7c: {  	_ =	shalt  }
0x7d: {  	_ =	shalt  }
0x7e: {  	_ =	shalt  }
0x7f: {  	_ =	shalt  }
0x80: {  	_ =	shalt  }
0x81: {  	_ =	shalt  }
0x82: {  	_ =	shalt  }
0x83: {  	_ =	shalt  }
0x84: {  	_ =	shalt  }
0x85: {  	_ =	shalt  }
0x86: {  	_ =	shalt  }
0x87: {  	_ =	shalt  }
.Lfunc_end0:
.L_simem_size_0:
called_computation_lowered:
.L_overlay_start_0:
0x88: {  	s2 =	sld [smem:$0x3FD9]  }
0x89: {  	s3 =	sld [smem:$0x3FFE];
	_ =	sdelay $0x1  }
0x8a: {  	s1 =	srdreg.scid  }
0x8b: {  	s0 =	sand.u32 $0x1, s1  }
0x8c: {  	s17 =	sshll.u32 s0, $0xA;
	s2 =	sadd.s32 s3, s2  }
0x8d: {  	s2 =	sadd.s32 s2, s17  }
0x8e: {  	[smem:$0x3FBE] =	sst s2  }
0x8f: {  	_ = 	snop  }
0x90: {  	s2 =	sld [smem:$0x3FD0];
	(tm) =	ssettm $0x1  }
0x91: {  	s18 =	sld [smem:$0x3FFB];
	_ =	sdelay $0x3  }
0x92: {  	_ =	strace s18  }
0x93: {  	s3 =	sld [smem:$0x3FFC];
	_ =	sdelay $0x3  }
0x94: {  	_ =	strace s3  }
0x95: {  	s3 =	sld [smem:$0x3FFD];
	_ =	sdelay $0x3  }
0x96: {  	_ =	strace s3  }
0x97: {  	_ =	strace $0x8FFFFFFF  }
0x98: {  	s19 =	sld [smem:$0x3FDB];
	_ =	sdelay $0x1  }
0x99: {  	s4 =	simm.s32 $_scs_section_size  }
0x9a: {  	s5 =	simm.s32 $_size__tile_overlayer_lowered;
	s6 =	simm.s32 $_tile_overlayer_lowered  }
0x9b: {  	s22 =	simm.s32 $0x1BFF;
	s21 =	sshll.u32 s6, $0x1;
	s3 =	sadd.s32 s4, s19  }
0x9c: {  	s7 =	simm.s32 $0x0;
	s20 =	sshll.u32 s5, $0x1;
	s5 =	sadd.s32 s21, s3  }
0x9d: {  	[timem:s7], [sflag:s22] =	dma.local [hbm:s5], s20  }
0x9e: {  	_ =	swait.ge [sflag:s22], s20  }
0x9f: {  	s4 =	ssub.s32 $0x0, s20;
	[sflag:s22] =	ssyncset.done $0x0  }
0xa0: {  	[sflag:s22] =	ssyncadd.s32 s4;
	_ =	sdelay $0x1  }
0xa1: {  	s23 =	simm.s32 $0x1B8B  }
0xa2: {  	_ =	swait.ge [sflag:s23], $0x1  }
0xa3: {  	[sflag:s23] =	ssyncset.done $0x0  }
0xa4: {  	s25 =	simm.s32 $0x1B8E;
	s24 =	sld [smem:$0x3FFE];
	[sflag:s23] =	ssyncadd.s32 $0xFFFFFFFF  }
0xa5: {  	s26 =	simm.s32 $execute0_lowered;
	[smem:$0x3FD2] =	sst s25  }
0xa6: {  	s5 =	sshll.u32 s26, $0x1;
	_ =	strace $0x80000046;
	[dreg:$0x1] =	wrdreg $0xFFFFFFFF  }
0xa7: {  	s28 =	simm.s32 $_size_execute0_lowered;
	s3 =	sadd.s32 s3, s5;
	[dreg:$0x0] =	wrdreg $0x0  }
0xa8: {  	s5 =	sshll.u32 s28, $0x1;
	[dreg:$0x2] =	wrdreg s3  }
0xa9: {  	[dreg:$0x3] =	wrdreg s5  }
0xaa: {  	[dreg:$0x4] =	wrdreg $0xC0  }
0xab: {  	_ =	task [dreg:s7], $0x5FFFF  }
0xac: {  	[dreg:$0x1] =	wrdreg $0xFFFFFFFF  }
0xad: {  	[dreg:$0x0] =	wrdreg $0x60  }
0xae: {  	[dreg:$0x2] =	wrdreg s2  }
0xaf: {  	[dreg:$0x3] =	wrdreg s24  }
0xb0: {  	[dreg:$0x4] =	wrdreg $0x0  }
0xb1: {  	[dreg:$0x5] =	wrdreg $0x9  }
0xb2: {  	_ =	task.clear_ibuf [dreg:s7], $0x6FFFF;
	_ =	strace $0x90000046  }
0xb3: {  	s29 =	simm.s32 $0x9;
	_ =	strace $0x80000048  }
0xb4: {  	_ =	swait.ge [sflag:s29], $0x1  }
0xb5: {  	[sflag:s29] =	ssyncadd.s32 $0xFFFFFFFF  }
0xb6: {  	_ =	strace $0x90000048  }
0xb7: {  	_ =	sfence  }
0xb8: {  	s30 =	sld [smem:$0x0];
	_ =	sdelay $0x2  }
0xb9: {  	s31 =	sshll.u32 s1, $0xD;
	s1 =	sshrl.u32 s1, $0x2  }
0xba: {  	s3 =	sand.u32 $0x4000, s31;
	s1 =	sadd.s32 s1, s30  }
0xbb: {  	s0 =	sor.u32 s3, s0;
	s1 =	sshll.u32 s1, $0x11  }
0xbc: {  	s0 =	sor.u32 s1, s0  }
0xbd: {  	s0 =	sadd.s32 $0x8F2B, s0  }
0xbe: {  	[sflag:s0] =	ssyncadd.remote.s32 $0x1  }
0xbf: {  	_ =	sfence.sel $0xFFFF  }
0xc0: {  	[dreg:$0x0] =	wrdreg $0xFFFFFFFF;
	(pc) =	sbr.abs _section_cstart, $3  }
0xc1: {  	[dreg:$0x1] =	wrdreg $0xFFFFFFFF  }
0xc2: {  	_ =	task.clear_ibuf [dreg:s7], $0x2FFFF;
	_ =	strace $0x9FFFFFFF  }
0xc3: {  	(tm) =	ssettm $0x7FFFFFFF  }
tec
execute0_lowered:
.L_overlay_start_1:
0x0: {  	(tag) =	ssettag $0x1  }
0x1: {  	s1 =	rddreg [dreg:$0x0];
	s0 =	srdreg.scid  }
0x2: {  	s11 =	stileid.u32;
	s2 =	rddreg [dreg:$0x1]  }
0x3: {  	s3 =	rddreg [dreg:$0x2];
	s28 =	simm.s32 $0x13D80;
	s29 =	simm.s32 $0x50  }
0x4: {  	s30 =	simm.s32 $0x14000;
	s31 =	simm.s32 $0x16800;
	s12 =	simm.s32 $0x3  }
0x5: {  	s13 =	simm.s32 $0x1B800;
	s0 =	sand.u32 $0x1, s0;
	s25 =	smul.u32 $0x4F000, s11  }
0x6: {  	s4 =	sshll.u32 s11, $0x1;
	s6 =	sadd.s32 $0x4200, s2;
	s26 =	smul.u32 $0x2780, s11  }
0x7: {  	s11 =	smul.u32 $0x4E20, s11;
	s5 =	sor.u32 s0, s4;
	s4 =	simm.s32 $0x0  }
0x8: {  	s7 =	ssub.s32 $0x2, s0;
	p0 =	seq.s32 s0, $0x1;
	s0 =	smul.u32 $0x2710, s0  }
0x9: {  	s5 =	smul.u32 $0x2710, s5;
	[smem:$0x7FF] =	sst s4;
	s8 =	sshrl.u32 s7, $0x1  }
0xa: {  	_ =	strace $0x80000047;
	s7 =	ssub.s32 s7, s8;
	s8 =	sshrl.u32 s25, $0x2  }
0xb: {  	s18 =	sadd.s32 s0, s11;
	s9 =	sshrl.u32 s5, $0x3;
	s7 =	smax.u32 s7, $0x1  }
0xc: {  	s0 =	simm.s32 $0x1E400;
	s9 =	sadd.s32 s6, s9;
	[dreg:$0xc] =	wrdreg s7  }
0xd: {  	s11 =	simm.s32 $0x13E00;
	s20 =	sadd.s32 $0x9C40, s9;
	[dreg:$0x4] =	wrdreg s9  }
0xe: {  	s15 =	sadd.s32 s8, s3;
	s21 =	sadd.s32 $0xA, s9;
	[dreg:$0x5] =	wrdreg s20  }
0xf: {  	s8 =	simm.s32 $0x1;
	s22 =	sadd.s32 $0x9C4A, s9;
	[dreg:$0x6] =	wrdreg s21  }
0x10: {  	s7 =	simm.s32 $0x0;
	s23 =	sadd.s32 $0x14, s9;
	[dreg:$0x7] =	wrdreg s22  }
0x11: {  	s24 =	sadd.s32 $0x9C54, s9;
	s10 =	sadd.s32 $0x1E, s9;
	[dreg:$0x8] =	wrdreg s23  }
.Ltmp0:
0x12: {  	[dreg:$0xa] =	wrdreg s10;
	s10 =	simm.s32 $0x3F400;
	(pc) =	sbr.rel .LBB2_1-.Ltmp0, $4  }
0x13: {  	s9 =	sadd.s32 $0x9C5E, s9;
	[dreg:$0x9] =	wrdreg s24;
	s10 =	simm.s32 @!p0 $0x17C00  }
0x14: {  	[dreg:$0xb] =	wrdreg s9;
	s20 =	simm.s32 $0x4;
	s2 =	sadd.s32 s10, s2  }
0x15: {  	s21 =	simm.s32 $0x13C00;
	s9 =	simm.s32 $0x2;
	s2 =	sadd.s32 s2, s26  }
0x16: {  	v0 =	vimm.f32 $0.0e+00;
	s23 =	simm.s32 $0x1E000;
	s10 =	simm.s32 $0x1E200;
	[dreg:$0xd] =	wrdreg s2  }
.LBB2_10:
0x17: {  	[spmem:s3] =	stream.indirect.scatter.add.f32 [tilespmem:s30], [sflag:$0x3], $0x80, s11, s29, $0xb8;
	[tilespmem:$0x1E800] =	vst v63  }
0x18: {  	_ =	swait.ge [sflag:s12], $0x2800  }
0x19: {  	[sflag:s12] =	ssyncset.done $0x0  }
0x1a: {  	[sflag:s12] =	ssyncadd.s32 $0xFFFFD800  }
0x1b: {  	_ =	swait.ge [sflag:s12], $0x2800  }
0x1c: {  	[sflag:s12] =	ssyncset.done $0x0  }
0x1d: {  	[sflag:s12] =	ssyncadd.s32 $0xFFFFD800  }
0x1e: {  	_ =	swait.ge [sflag:s12], $0x2800  }
0x1f: {  	[sflag:s12] =	ssyncset.done $0x0  }
0x20: {  	[sflag:s12] =	ssyncadd.s32 $0xFFFFD800  }
0x21: {  	_ =	swait.ge [sflag:s12], $0x2800  }
0x22: {  	[sflag:s12] =	ssyncset.done $0x0  }
0x23: {  	s2 =	stileid.u32;
	[sflag:s12] =	ssyncadd.s32 $0xFFFFD800  }
0x24: {  	s2 =	sshll.u32 s2, $0x6;
	[bflag:$0x0] =	sbarrier.arrive $0xFFFF  }
0x25: {  	s7 =	sshrl.u32 s15, $0x3;
	s2 =	sor.u32 $0x1C04, s2;
	s14 =	rddreg [dreg:$0xd]  }
0x26: {  	[hbm:s14], [sflag:s2] =	dma.local [spmem:s7], $0x2780  }
0x27: {  	_ =	swait.ge [sflag:s20], $0x2780  }
0x28: {  	s25 =	rddreg [dreg:$0xe]  }
0x29: {  	s26 =	rddreg [dreg:$0xc];
	s7 =	sadd.s32 $0x1, s25  }
0x2a: {  	p0 =	sne.s32 s7, s26  }
.Ltmp1:
0x2b: {  	_ = 	snop;
	(pc) =	sbr.rel @!p0 .LBB2_11-.Ltmp1, $3  }
0x2c: {  	_ =	sdelay $0x1  }
0x2d: {  	[sflag:s20] =	ssyncset.done $0x0  }
0x2e: {  	[sflag:s20] =	ssyncadd.s32 $0xFFFFD880  }
.LBB2_1:
0x2f: {  	[dreg:$0xe] =	wrdreg s7  }
0x30: {  	s2 =	rddreg [dreg:$0x4];
	s7 =	simm.s32 $0x1E000  }
0x31: {  	[tilespmem:s7], [sflag:$0x4] =	stream.linear.gather [hbm4b:s2+s4], $0x50, $0x38;
	[tilespmem:$0x1E800] =	vst v63  }
0x32: {  	_ =	swait.ge [sflag:s20], $0x50  }
0x33: {  	[sflag:s20] =	ssyncset.done $0x0  }
0x34: {  	s19 =	rddreg [dreg:$0x5];
	[sflag:s20] =	ssyncadd.s32 $0xFFFFFFB0  }
0x35: {  	[tilespmem:s21], [sflag:$0x4] =	stream.linear.gather [hbm4b:s19+s4], $0x50, $0x38;
	[tilespmem:$0x1E800] =	vst v63  }
0x36: {  	_ =	swait.ge [sflag:s20], $0x50  }
0x37: {  	[sflag:s20] =	ssyncset.done $0x0  }
0x38: {  	s14 =	simm.s32 $0x1E080;
	s22 =	rddreg [dreg:$0x6];
	[sflag:s20] =	ssyncadd.s32 $0xFFFFFFB0  }
0x39: {  	[tilespmem:s14], [sflag:$0x4] =	stream.linear.gather [hbm4b:s22+s4], $0x50, $0x38;
	[tilespmem:$0x1E800] =	vst v63  }
0x3a: {  	_ =	swait.ge [sflag:s20], $0x50  }
0x3b: {  	[sflag:s20] =	ssyncset.done $0x0  }
0x3c: {  	s16 =	simm.s32 $0x13C80;
	s24 =	rddreg [dreg:$0x7];
	[sflag:s20] =	ssyncadd.s32 $0xFFFFFFB0  }
0x3d: {  	[tilespmem:s16], [sflag:$0x4] =	stream.linear.gather [hbm4b:s24+s4], $0x50, $0x38;
	[tilespmem:$0x1E800] =	vst v63  }
0x3e: {  	_ =	swait.ge [sflag:s20], $0x50  }
0x3f: {  	[sflag:s20] =	ssyncset.done $0x0  }
0x40: {  	s16 =	simm.s32 $0x1E100;
	s25 =	rddreg [dreg:$0x8];
	[sflag:s20] =	ssyncadd.s32 $0xFFFFFFB0  }
0x41: {  	[tilespmem:s16], [sflag:$0x4] =	stream.linear.gather [hbm4b:s25+s4], $0x50, $0x38;
	[tilespmem:$0x1E800] =	vst v63  }
0x42: {  	_ =	swait.ge [sflag:s20], $0x50  }
0x43: {  	[sflag:s20] =	ssyncset.done $0x0  }
0x44: {  	s17 =	simm.s32 $0x13D00;
	s26 =	rddreg [dreg:$0x9];
	[sflag:s20] =	ssyncadd.s32 $0xFFFFFFB0  }
0x45: {  	[tilespmem:s17], [sflag:$0x4] =	stream.linear.gather [hbm4b:s26+s4], $0x50, $0x38;
	[tilespmem:$0x1E800] =	vst v63  }
0x46: {  	_ =	swait.ge [sflag:s20], $0x50  }
0x47: {  	[sflag:s20] =	ssyncset.done $0x0  }
0x48: {  	s22 =	simm.s32 $0x1E180;
	s19 =	rddreg [dreg:$0xa];
	[sflag:s20] =	ssyncadd.s32 $0xFFFFFFB0  }
0x49: {  	[tilespmem:s22], [sflag:$0x2] =	stream.linear.gather [hbm4b:s19+s4], $0x50, $0x38;
	[tilespmem:$0x1E800] =	vst v63  }
0x4a: {  	s24 =	rddreg [dreg:$0xb]  }
0x4b: {  	[tilespmem:s28], [sflag:$0x2] =	stream.linear.gather [hbm4b:s24+s4], $0x50, $0x38;
	[tilespmem:$0x1E800] =	vst v63  }
0x4c: {  	_ = 	snop  }
0x4d: {  	[tilespmem:s30], [sflag:$0x1] =	stream.indirect.gather [hbm4b:s1+s29], $0x80, s7, s29, $0xb8;
	[tilespmem:$0x1E800] =	vst v63  }
0x4e: {  	_ = 	snop  }
0x4f: {  	[tilespmem:s31], [sflag:$0x1] =	stream.indirect.gather [hbm4b:s1+s29], $0x80, s14, s29, $0xb8;
	[tilespmem:$0x1E800] =	vst v63  }
0x50: {  	s25 =	simm.s32 $0x19000  }
0x51: {  	[tilespmem:s25], [sflag:$0x1] =	stream.indirect.gather [hbm4b:s1+s29], $0x80, s16, s29, $0xb8;
	[tilespmem:$0x1E800] =	vst v63  }
0x52: {  	[tilespmem:$0x1E400] =	vst v0  }
0x53: {  	[tilespmem:$0x1E410] =	vst v0  }
0x54: {  	[tilespmem:$0x1E420] =	vst v0  }
0x55: {  	[tilespmem:$0x1E430] =	vst v0  }
0x56: {  	[tilespmem:$0x1E440] =	vst v0  }
0x57: {  	[tilespmem:$0x1E450] =	vst v0  }
0x58: {  	[tilespmem:$0x1E460] =	vst v0  }
0x59: {  	[tilespmem:$0x1E470] =	vst v0  }
0x5a: {  	[tilespmem:$0x1E480] =	vst v0  }
0x5b: {  	[tilespmem:$0x1E490] =	vst v0  }
0x5c: {  	[tilespmem:$0x1E4A0] =	vst v0  }
0x5d: {  	[tilespmem:$0x1E4B0] =	vst v0  }
0x5e: {  	[tilespmem:$0x1E4C0] =	vst v0  }
0x5f: {  	[tilespmem:$0x1E4D0] =	vst v0  }
0x60: {  	[tilespmem:$0x1E4E0] =	vst v0  }
0x61: {  	[tilespmem:$0x1E4F0] =	vst v0  }
0x62: {  	[tilespmem:$0x1E500] =	vst v0  }
0x63: {  	[tilespmem:$0x1E510] =	vst v0  }
0x64: {  	[tilespmem:$0x1E520] =	vst v0  }
0x65: {  	[tilespmem:$0x1E530] =	vst v0  }
0x66: {  	[tilespmem:$0x1E540] =	vst v0  }
0x67: {  	[tilespmem:$0x1E550] =	vst v0  }
0x68: {  	[tilespmem:$0x1E560] =	vst v0  }
0x69: {  	[tilespmem:$0x1E570] =	vst v0  }
0x6a: {  	[tilespmem:$0x1E580] =	vst v0  }
0x6b: {  	[tilespmem:$0x1E590] =	vst v0  }
0x6c: {  	[tilespmem:$0x1E5A0] =	vst v0  }
0x6d: {  	[tilespmem:$0x1E5B0] =	vst v0  }
0x6e: {  	[tilespmem:$0x1E5C0] =	vst v0  }
0x6f: {  	[tilespmem:$0x1E5D0] =	vst v0  }
0x70: {  	[tilespmem:$0x1E5E0] =	vst v0  }
0x71: {  	[tilespmem:$0x1E5F0] =	vst v0  }
0x72: {  	[tilespmem:$0x1E600] =	vst v0  }
0x73: {  	[tilespmem:$0x1E610] =	vst v0  }
0x74: {  	[tilespmem:$0x1E620] =	vst v0  }
0x75: {  	[tilespmem:$0x1E630] =	vst v0  }
0x76: {  	[tilespmem:$0x1E640] =	vst v0  }
0x77: {  	[tilespmem:$0x1E650] =	vst v0  }
0x78: {  	[tilespmem:$0x1E660] =	vst v0  }
0x79: {  	[tilespmem:$0x1E670] =	vst v0  }
0x7a: {  	[tilespmem:$0x1E680] =	vst v0  }
0x7b: {  	[tilespmem:$0x1E690] =	vst v0  }
0x7c: {  	[tilespmem:$0x1E6A0] =	vst v0  }
0x7d: {  	[tilespmem:$0x1E6B0] =	vst v0  }
0x7e: {  	[tilespmem:$0x1E6C0] =	vst v0  }
0x7f: {  	[tilespmem:$0x1E6D0] =	vst v0  }
0x80: {  	[tilespmem:$0x1E6E0] =	vst v0  }
0x81: {  	[tilespmem:$0x1E6F0] =	vst v0  }
0x82: {  	[tilespmem:$0x1E700] =	vst v0  }
0x83: {  	[tilespmem:$0x1E710] =	vst v0  }
0x84: {  	[tilespmem:$0x1E720] =	vst v0  }
0x85: {  	[tilespmem:$0x1E730] =	vst v0  }
0x86: {  	[tilespmem:$0x1E740] =	vst v0  }
0x87: {  	[tilespmem:$0x1E750] =	vst v0  }
0x88: {  	[tilespmem:$0x1E760] =	vst v0  }
0x89: {  	[tilespmem:$0x1E770] =	vst v0  }
0x8a: {  	[tilespmem:$0x1E780] =	vst v0  }
0x8b: {  	[tilespmem:$0x1E790] =	vst v0  }
0x8c: {  	[tilespmem:$0x1E7A0] =	vst v0  }
0x8d: {  	[tilespmem:$0x1E7B0] =	vst v0  }
0x8e: {  	[tilespmem:$0x1E7C0] =	vst v0  }
0x8f: {  	[tilespmem:$0x1E7D0] =	vst v0  }
0x90: {  	[tilespmem:$0x1E7E0] =	vst v0  }
0x91: {  	s26 =	sadd.s32 $0x0, s15;
	[tilespmem:$0x1E7F0] =	vst v0  }
0x92: {  	[spmem:s26] =	stream.linear.scatter [tilespmem:s0], [sflag:$0x4], $0x400, $0x38;
	[tilespmem:$0x1E800] =	vst v63  }
0x93: {  	s16 =	simm.s32 $0x1000;
	_ =	swait.ge [sflag:s20], $0x400  }
.LBB2_2:
0x94: {  	s17 =	sshra.s32 s16, $0x2;
	[sflag:s20] =	ssyncset.done $0x0;
	p0 =	sne.s32 s16, $0x4E000  }
.Ltmp2:
0x95: {  	s17 =	sadd.s32 s17, s15;
	[sflag:s20] =	ssyncadd.s32 $0xFFFFFC00;
	(pc) =	sbr.rel @p0 .LBB2_2-.Ltmp2, $3  }
0x96: {  	[spmem:s17] =	stream.linear.scatter [tilespmem:s0], [sflag:$0x4], $0x400, $0x38;
	[tilespmem:$0x1E800] =	vst v63  }
0x97: {  	s16 =	sadd.s32 $0x1000, s16;
	_ =	sdelay $0x1  }
0x98: {  	_ =	swait.ge [sflag:s20], $0x400  }
.Ltmp3:
0x99: {  	(pc) =	sbr.rel .LBB2_4-.Ltmp3, $4  }
0x9a: {  	[sflag:s20] =	ssyncset.done $0x0  }
0x9b: {  	[sflag:s20] =	ssyncadd.s32 $0xFFFFFC00  }
0x9c: {  	[bflag:$0x0] =	sbarrier.arrive $0xFFFF  }
0x9d: {  	s25 =	simm.s32 $0x0;
	s26 =	simm.s32 $0x7;
	s16 =	simm.s32 $0x0  }
.LBB2_9:
0x9e: {  	s16 =	sadd.s32 $0x1, s16;
	s25 =	sadd.s32 $0x280, s25;
	s26 =	sadd.s32 $0x8, s26  }
.LBB2_4:
0x9f: {  	_ =	swait.ge [sflag:s8], $0x2800  }
0xa0: {  	[sflag:s8] =	ssyncset.done $0x0  }
0xa1: {  	[sflag:s8] =	ssyncadd.s32 $0xFFFFD800  }
0xa2: {  	_ =	swait.ge [sflag:s9], $0x50  }
0xa3: {  	[sflag:s9] =	ssyncset.done $0x0  }
0xa4: {  	[sflag:s9] =	ssyncadd.s32 $0xFFFFFFB0  }
0xa5: {  	_ =	swait.ge [sflag:s9], $0x50  }
0xa6: {  	p0 =	sne.s32 s16, $0x0;
	[sflag:s9] =	ssyncset.done $0x0  }
0xa7: {  	s17 =	simm.s32 @p0 $0x3;
	[sflag:s9] =	ssyncadd.s32 $0xFFFFFFB0  }
0xa8: {  	_ =	swait.ge @p0 [sflag:s17], $0x2800  }
0xa9: {  	s7 =	simm.s32 @p0 $0x1E180;
	[sflag:s17] =	ssyncset.done @p0 $0x0  }
0xaa: {  	s14 =	simm.s32 @p0 $0x1B800;
	[sflag:s17] =	ssyncadd.s32 @p0 $0xFFFFD800;
	s17 =	simm.s32 @p0 $0x50  }
0xab: {  	[tilespmem:s14], [sflag:$0x1] =	stream.indirect.gather @p0 [hbm4b:s1+s17], $0x80, s7, s17, $0xb8;
	[tilespmem:$0x1E800] =	vst v63  }
0xac: {  	s22 =	simm.s32 @!p0 $0x1B800;
	s7 =	sadd.s32 @p0 $0x140, s25  }
0xad: {  	s14 =	simm.s32 @!p0 $0x50;
	s17 =	simm.s32 @!p0 $0x1E180;
	s7 =	simm.s32 @!p0 $0x140  }
0xae: {  	[tilespmem:s22], [sflag:$0x1] =	stream.indirect.gather @!p0 [hbm4b:s1+s14], $0x80, s17, s14, $0xb8;
	[tilespmem:$0x1E800] =	vst v63  }
0xaf: {  	s7 =	sadd.s32 s5, s7  }
0xb0: {  	s7 =	sshrl.u32 s7, $0x3  }
0xb1: {  	s7 =	sadd.s32 s6, s7  }
0xb2: {  	[tilespmem:s10], [sflag:$0x2] =	stream.linear.gather [hbm4b:s7+s4], $0x50, $0x38;
	[tilespmem:$0x1E800] =	vst v63  }
0xb3: {  	s7 =	sadd.s32 $0x9C40, s7  }
0xb4: {  	[tilespmem:s11], [sflag:$0x2] =	stream.linear.gather [hbm4b:s7+s4], $0x50, $0x38;
	[tilespmem:$0x1E800] =	vst v63  }
0xb5: {  	_ = 	snop  }
0xb6: {  	[spmem:s3] =	stream.indirect.scatter.add.f32 [tilespmem:s30], [sflag:$0x3], $0x80, s21, s29, $0xb8;
	[tilespmem:$0x1E800] =	vst v63  }
0xb7: {  	_ =	swait.ge [sflag:s8], $0x2800  }
0xb8: {  	[sflag:s8] =	ssyncset.done $0x0  }
0xb9: {  	[sflag:s8] =	ssyncadd.s32 $0xFFFFD800  }
0xba: {  	_ =	swait.ge [sflag:s9], $0x50  }
0xbb: {  	[sflag:s9] =	ssyncset.done $0x0  }
0xbc: {  	[sflag:s9] =	ssyncadd.s32 $0xFFFFFFB0  }
0xbd: {  	_ =	swait.ge [sflag:s9], $0x50  }
0xbe: {  	s24 =	sadd.s32 $0xFFFFFFFE, s26;
	[sflag:s9] =	ssyncset.done $0x0  }
0xbf: {  	p0 =	sgt.u32 s24, $0x7C;
	[sflag:s9] =	ssyncadd.s32 $0xFFFFFFB0  }
0xc0: {  	s7 =	sadd.s32 @!p0 s25, s18;
	_ =	swait.ge [sflag:s12], $0x2800  }
0xc1: {  	s17 =	simm.s32 @!p0 $0x0;
	s14 =	sadd.s32 @!p0 $0x190, s7;
	[sflag:s12] =	ssyncset.done $0x0  }
0xc2: {  	s7 =	sadd.s32 @!p0 $0x4E390, s7;
	s14 =	sshrl.u32 @!p0 s14, $0x3;
	[sflag:s12] =	ssyncadd.s32 $0xFFFFD800  }
0xc3: {  	[tilespmem:s30], [sflag:$0x1] =	stream.indirect.gather [hbm4b:s1+s29], $0x80, s10, s29, $0xb8;
	[tilespmem:$0x1E800] =	vst v63  }
0xc4: {  	s22 =	simm.s32 @!p0 $0x1E280;
	s7 =	sshrl.u32 @!p0 s7, $0x3;
	s14 =	sadd.s32 @!p0 s6, s14  }
0xc5: {  	[tilespmem:s22], [sflag:$0x2] =	stream.linear.gather @!p0 [hbm4b:s14+s17], $0x50, $0x38;
	[tilespmem:$0x1E800] =	vst v63  }
0xc6: {  	s7 =	sadd.s32 @!p0 s6, s7;
	s14 =	simm.s32 @!p0 $0x13E80  }
0xc7: {  	[tilespmem:s14], [sflag:$0x2] =	stream.linear.gather @!p0 [hbm4b:s7+s17], $0x50, $0x38;
	[tilespmem:$0x1E800] =	vst v63  }
0xc8: {  	s2 =	simm.s32 $0x13C80  }
0xc9: {  	[spmem:s3] =	stream.indirect.scatter.add.f32 [tilespmem:s31], [sflag:$0x3], $0x80, s2, s29, $0xb8;
	[tilespmem:$0x1E800] =	vst v63  }
0xca: {  	p0 =	sgt.u32 s16, $0xE;
	_ =	swait.ge [sflag:s8], $0x2800  }
0xcb: {  	s7 =	simm.s32 @p0 $0x50;
	[sflag:s8] =	ssyncset.done $0x0  }
0xcc: {  	s14 =	simm.s32 @p0 $0x13D00;
	s17 =	simm.s32 @p0 $0x19000;
	[sflag:s8] =	ssyncadd.s32 $0xFFFFD800  }
0xcd: {  	[spmem:s3] =	stream.indirect.scatter.add.f32 @p0 [tilespmem:s17], [sflag:$0x3], $0x80, s14, s7, $0xb8;
	[tilespmem:$0x1E800] =	vst v63  }
0xce: {  	s7 =	simm.s32 @p0 $0x1  }
0xcf: {  	_ =	swait.ge @p0 [sflag:s7], $0x2800  }
0xd0: {  	[sflag:s7] =	ssyncset.done @p0 $0x0  }
0xd1: {  	[sflag:s7] =	ssyncadd.s32 @p0 $0xFFFFD800;
	s7 =	simm.s32 @!p0 $0x2  }
0xd2: {  	_ =	swait.ge @!p0 [sflag:s7], $0x50  }
0xd3: {  	[sflag:s7] =	ssyncset.done @!p0 $0x0  }
0xd4: {  	[sflag:s7] =	ssyncadd.s32 @!p0 $0xFFFFFFB0  }
0xd5: {  	_ =	swait.ge @!p0 [sflag:s7], $0x50  }
0xd6: {  	[sflag:s7] =	ssyncset.done @!p0 $0x0  }
0xd7: {  	s14 =	simm.s32 @!p0 $0x3;
	[sflag:s7] =	ssyncadd.s32 @!p0 $0xFFFFFFB0  }
0xd8: {  	_ =	swait.ge @!p0 [sflag:s14], $0x2800  }
0xd9: {  	s22 =	simm.s32 @!p0 $0x1E280;
	[sflag:s14] =	ssyncset.done @!p0 $0x0  }
0xda: {  	s24 =	simm.s32 @!p0 $0x16800;
	s17 =	simm.s32 @!p0 $0x50;
	[sflag:s14] =	ssyncadd.s32 @!p0 $0xFFFFD800  }
0xdb: {  	[tilespmem:s24], [sflag:$0x1] =	stream.indirect.gather @!p0 [hbm4b:s1+s17], $0x80, s22, s17, $0xb8;
	[tilespmem:$0x1E800] =	vst v63  }
0xdc: {  	s22 =	sadd.s32 @!p0 s25, s18  }
0xdd: {  	s24 =	sadd.s32 @!p0 $0x1E0, s22  }
0xde: {  	s19 =	simm.s32 @!p0 $0x1E300;
	s22 =	sadd.s32 @!p0 $0x4E3E0, s22;
	s24 =	sshrl.u32 @!p0 s24, $0x3  }
0xdf: {  	s2 =	simm.s32 @!p0 $0x0;
	s22 =	sshrl.u32 @!p0 s22, $0x3;
	s24 =	sadd.s32 @!p0 s6, s24  }
0xe0: {  	[tilespmem:s19], [sflag:$0x2] =	stream.linear.gather @!p0 [hbm4b:s24+s2], $0x50, $0x38;
	[tilespmem:$0x1E800] =	vst v63  }
0xe1: {  	s22 =	sadd.s32 @!p0 s6, s22;
	s24 =	simm.s32 @!p0 $0x13F00  }
0xe2: {  	[tilespmem:s24], [sflag:$0x2] =	stream.linear.gather @!p0 [hbm4b:s22+s2], $0x50, $0x38;
	[tilespmem:$0x1E800] =	vst v63  }
0xe3: {  	s2 =	simm.s32 @!p0 $0x13D00;
	s22 =	simm.s32 @!p0 $0x19000  }
0xe4: {  	[spmem:s3] =	stream.indirect.scatter.add.f32 @!p0 [tilespmem:s22], [sflag:$0x3], $0x80, s2, s17, $0xb8;
	[tilespmem:$0x1E800] =	vst v63  }
0xe5: {  	s2 =	simm.s32 @!p0 $0x1  }
0xe6: {  	_ =	swait.ge @!p0 [sflag:s2], $0x2800  }
0xe7: {  	[sflag:s2] =	ssyncset.done @!p0 $0x0  }
0xe8: {  	[sflag:s2] =	ssyncadd.s32 @!p0 $0xFFFFD800  }
0xe9: {  	_ =	swait.ge @!p0 [sflag:s7], $0x50  }
0xea: {  	[sflag:s7] =	ssyncset.done @!p0 $0x0  }
0xeb: {  	[sflag:s7] =	ssyncadd.s32 @!p0 $0xFFFFFFB0  }
0xec: {  	_ =	swait.ge @!p0 [sflag:s7], $0x50  }
0xed: {  	[sflag:s7] =	ssyncset.done @!p0 $0x0  }
0xee: {  	p1 =	sgt.u32 s26, $0x7C;
	[sflag:s7] =	ssyncadd.s32 @!p0 $0xFFFFFFB0  }
0xef: {  	s2 =	sadd.s32 @!p1 s25, s18;
	_ =	swait.ge @!p0 [sflag:s14], $0x2800  }
0xf0: {  	s7 =	sadd.s32 @!p1 $0x230, s2;
	s2 =	sadd.s32 @!p1 $0x4E430, s2;
	[sflag:s14] =	ssyncset.done @!p0 $0x0  }
0xf1: {  	s7 =	sshrl.u32 @!p1 s7, $0x3;
	s2 =	sshrl.u32 @!p1 s2, $0x3;
	[sflag:s14] =	ssyncadd.s32 @!p0 $0xFFFFD800  }
0xf2: {  	[tilespmem:s22], [sflag:$0x1] =	stream.indirect.gather @!p0 [hbm4b:s1+s17], $0x80, s19, s17, $0xb8;
	[tilespmem:$0x1E800] =	vst v63  }
0xf3: {  	s7 =	sadd.s32 @!p1 s6, s7;
	s14 =	simm.s32 @!p1 $0x0;
	s17 =	simm.s32 @!p1 $0x1E380  }
0xf4: {  	[tilespmem:s17], [sflag:$0x2] =	stream.linear.gather @!p1 [hbm4b:s7+s14], $0x50, $0x38;
	[tilespmem:$0x1E800] =	vst v63  }
0xf5: {  	s2 =	sadd.s32 @!p1 s6, s2;
	s7 =	simm.s32 @!p1 $0x13F80  }
0xf6: {  	[tilespmem:s7], [sflag:$0x2] =	stream.linear.gather @!p1 [hbm4b:s2+s14], $0x50, $0x38;
	[tilespmem:$0x1E800] =	vst v63  }
.Ltmp4:
0xf7: {  	_ = 	snop;
	(pc) =	sbr.rel @p0 .LBB2_6-.Ltmp4, $4  }
0xf8: {  	[spmem:s3] =	stream.indirect.scatter.add.f32 [tilespmem:s13], [sflag:$0x3], $0x80, s28, s29, $0xb8;
	[tilespmem:$0x1E800] =	vst v63  }
0xf9: {  	_ =	swait.ge [sflag:s8], $0x2800  }
0xfa: {  	[sflag:s8] =	ssyncset.done $0x0  }
0xfb: {  	[sflag:s8] =	ssyncadd.s32 $0xFFFFD800  }
0xfc: {  	_ =	swait.ge [sflag:s9], $0x50  }
0xfd: {  	[sflag:s9] =	ssyncset.done $0x0  }
0xfe: {  	[sflag:s9] =	ssyncadd.s32 $0xFFFFFFB0  }
0xff: {  	_ =	swait.ge [sflag:s9], $0x50  }
0x100: {  	[sflag:s9] =	ssyncset.done $0x0  }
.Ltmp5:
0x101: {  	[sflag:s9] =	ssyncadd.s32 $0xFFFFFFB0;
	(pc) =	sbr.rel .LBB2_7-.Ltmp5, $4  }
0x102: {  	_ =	swait.ge [sflag:s12], $0x2800  }
0x103: {  	[sflag:s12] =	ssyncset.done $0x0  }
0x104: {  	s2 =	simm.s32 $0x1E380;
	[sflag:s12] =	ssyncadd.s32 $0xFFFFD800  }
0x105: {  	[tilespmem:s13], [sflag:$0x1] =	stream.indirect.gather [hbm4b:s1+s29], $0x80, s2, s29, $0xb8;
	[tilespmem:$0x1E800] =	vst v63  }
.LBB2_6:
0x106: {  	p1 =	seq.s32 s16, $0xF  }
.Ltmp6:
0x107: {  	_ = 	snop;
	(pc) =	sbr.rel @p1 .LBB2_10-.Ltmp6, $1  }
0x108: {  	_ =	sdelay $0x3  }
.LBB2_7:
0x109: {  	s17 =	sadd.s32 s25, s18  }
0x10a: {  	s2 =	sadd.s32 $0x280, s17  }
0x10b: {  	s2 =	sshrl.u32 s2, $0x3  }
0x10c: {  	s24 =	sadd.s32 $0x4E480, s17;
	s2 =	sadd.s32 s6, s2  }
0x10d: {  	[tilespmem:s23], [sflag:$0x2] =	stream.linear.gather [hbm4b:s2+s4], $0x50, $0x38;
	[tilespmem:$0x1E800] =	vst v63  }
.Ltmp7:
0x10e: {  	s2 =	sshrl.u32 s24, $0x3;
	(pc) =	sbr.rel @p0 .LBB2_9-.Ltmp7, $4  }
0x10f: {  	s2 =	sadd.s32 s6, s2  }
0x110: {  	[tilespmem:s21], [sflag:$0x2] =	stream.linear.gather [hbm4b:s2+s4], $0x50, $0x38;
	[tilespmem:$0x1E800] =	vst v63  }
0x111: {  	_ = 	snop  }
0x112: {  	[spmem:s3] =	stream.indirect.scatter.add.f32 [tilespmem:s30], [sflag:$0x3], $0x80, s11, s29, $0xb8;
	[tilespmem:$0x1E800] =	vst v63  }
0x113: {  	_ =	swait.ge [sflag:s8], $0x2800  }
0x114: {  	[sflag:s8] =	ssyncset.done $0x0  }
0x115: {  	[sflag:s8] =	ssyncadd.s32 $0xFFFFD800  }
0x116: {  	_ =	swait.ge [sflag:s9], $0x50  }
0x117: {  	[sflag:s9] =	ssyncset.done $0x0  }
0x118: {  	[sflag:s9] =	ssyncadd.s32 $0xFFFFFFB0  }
0x119: {  	_ =	swait.ge [sflag:s9], $0x50  }
0x11a: {  	[sflag:s9] =	ssyncset.done $0x0  }
0x11b: {  	[sflag:s9] =	ssyncadd.s32 $0xFFFFFFB0  }
0x11c: {  	_ =	swait.ge [sflag:s12], $0x2800  }
0x11d: {  	s2 =	sadd.s32 $0x2D0, s17;
	[sflag:s12] =	ssyncset.done $0x0  }
0x11e: {  	s2 =	sshrl.u32 s2, $0x3;
	[sflag:s12] =	ssyncadd.s32 $0xFFFFD800  }
0x11f: {  	[tilespmem:s30], [sflag:$0x1] =	stream.indirect.gather [hbm4b:s1+s29], $0x80, s23, s29, $0xb8;
	[tilespmem:$0x1E800] =	vst v63  }
0x120: {  	s7 =	simm.s32 $0x1E080;
	s22 =	sadd.s32 $0x4E4D0, s17;
	s2 =	sadd.s32 s6, s2  }
0x121: {  	[tilespmem:s7], [sflag:$0x2] =	stream.linear.gather [hbm4b:s2+s4], $0x50, $0x38;
	[tilespmem:$0x1E800] =	vst v63  }
0x122: {  	s2 =	sshrl.u32 s22, $0x3  }
0x123: {  	s14 =	simm.s32 $0x13C80;
	s2 =	sadd.s32 s6, s2  }
0x124: {  	[tilespmem:s14], [sflag:$0x2] =	stream.linear.gather [hbm4b:s2+s4], $0x50, $0x38;
	[tilespmem:$0x1E800] =	vst v63  }
0x125: {  	s24 =	simm.s32 $0x13E80  }
0x126: {  	[spmem:s3] =	stream.indirect.scatter.add.f32 [tilespmem:s31], [sflag:$0x3], $0x80, s24, s29, $0xb8;
	[tilespmem:$0x1E800] =	vst v63  }
0x127: {  	_ =	swait.ge [sflag:s8], $0x2800  }
0x128: {  	[sflag:s8] =	ssyncset.done $0x0  }
0x129: {  	[sflag:s8] =	ssyncadd.s32 $0xFFFFD800  }
0x12a: {  	_ =	swait.ge [sflag:s9], $0x50  }
0x12b: {  	[sflag:s9] =	ssyncset.done $0x0  }
0x12c: {  	[sflag:s9] =	ssyncadd.s32 $0xFFFFFFB0  }
0x12d: {  	_ =	swait.ge [sflag:s9], $0x50  }
0x12e: {  	[sflag:s9] =	ssyncset.done $0x0  }
0x12f: {  	[sflag:s9] =	ssyncadd.s32 $0xFFFFFFB0  }
0x130: {  	_ =	swait.ge [sflag:s12], $0x2800  }
0x131: {  	[sflag:s12] =	ssyncset.done $0x0  }
0x132: {  	[sflag:s12] =	ssyncadd.s32 $0xFFFFD800  }
0x133: {  	[tilespmem:s31], [sflag:$0x1] =	stream.indirect.gather [hbm4b:s1+s29], $0x80, s7, s29, $0xb8;
	[tilespmem:$0x1E800] =	vst v63  }
0x134: {  	s7 =	sadd.s32 $0x320, s17  }
0x135: {  	s2 =	sshrl.u32 s7, $0x3  }
0x136: {  	s14 =	sadd.s32 $0x4E520, s17;
	s7 =	simm.s32 $0x1E100;
	s2 =	sadd.s32 s6, s2  }
0x137: {  	[tilespmem:s7], [sflag:$0x2] =	stream.linear.gather [hbm4b:s2+s4], $0x50, $0x38;
	[tilespmem:$0x1E800] =	vst v63  }
0x138: {  	s2 =	sshrl.u32 s14, $0x3  }
0x139: {  	s19 =	simm.s32 $0x13D00;
	s2 =	sadd.s32 s6, s2  }
0x13a: {  	[tilespmem:s19], [sflag:$0x2] =	stream.linear.gather [hbm4b:s2+s4], $0x50, $0x38;
	[tilespmem:$0x1E800] =	vst v63  }
0x13b: {  	s22 =	simm.s32 $0x19000;
	s24 =	simm.s32 $0x13F00  }
0x13c: {  	[spmem:s3] =	stream.indirect.scatter.add.f32 [tilespmem:s22], [sflag:$0x3], $0x80, s24, s29, $0xb8;
	[tilespmem:$0x1E800] =	vst v63  }
0x13d: {  	_ =	swait.ge [sflag:s8], $0x2800  }
0x13e: {  	[sflag:s8] =	ssyncset.done $0x0  }
0x13f: {  	[sflag:s8] =	ssyncadd.s32 $0xFFFFD800  }
0x140: {  	_ =	swait.ge [sflag:s9], $0x50  }
0x141: {  	[sflag:s9] =	ssyncset.done $0x0  }
0x142: {  	[sflag:s9] =	ssyncadd.s32 $0xFFFFFFB0  }
0x143: {  	_ =	swait.ge [sflag:s9], $0x50  }
0x144: {  	[sflag:s9] =	ssyncset.done $0x0  }
0x145: {  	[sflag:s9] =	ssyncadd.s32 $0xFFFFFFB0  }
0x146: {  	_ =	swait.ge [sflag:s12], $0x2800  }
0x147: {  	s14 =	sadd.s32 $0x370, s17;
	[sflag:s12] =	ssyncset.done $0x0  }
0x148: {  	s2 =	sshrl.u32 s14, $0x3;
	[sflag:s12] =	ssyncadd.s32 $0xFFFFD800  }
0x149: {  	[tilespmem:s22], [sflag:$0x1] =	stream.indirect.gather [hbm4b:s1+s29], $0x80, s7, s29, $0xb8;
	[tilespmem:$0x1E800] =	vst v63  }
0x14a: {  	s19 =	simm.s32 $0x1E180;
	s2 =	sadd.s32 s6, s2;
	s22 =	sadd.s32 $0x4E570, s17  }
0x14b: {  	[tilespmem:s19], [sflag:$0x2] =	stream.linear.gather [hbm4b:s2+s4], $0x50, $0x38;
	[tilespmem:$0x1E800] =	vst v63  }
.Ltmp8:
0x14c: {  	s2 =	sshrl.u32 s22, $0x3;
	(pc) =	sbr.rel .LBB2_9-.Ltmp8, $4  }
0x14d: {  	s2 =	sadd.s32 s6, s2  }
0x14e: {  	[tilespmem:s28], [sflag:$0x2] =	stream.linear.gather [hbm4b:s2+s4], $0x50, $0x38;
	[tilespmem:$0x1E800] =	vst v63  }
0x14f: {  	s24 =	simm.s32 $0x13F80  }
0x150: {  	[spmem:s3] =	stream.indirect.scatter.add.f32 [tilespmem:s13], [sflag:$0x3], $0x80, s24, s29, $0xb8;
	[tilespmem:$0x1E800] =	vst v63  }
.LBB2_11:
0x151: {  	_ =	sfence.sel $0x180000  }
0x152: {  	[bflag:$0x0] =	sbarrier.arrive $0xFFFF  }
0x153: {  	_ =	strace $0x90000047  }
0x154: {  	s0 =	stileid.u32;
	[bflag:$0x2] =	sbarrier.arrive $0xFFFF  }
0x155: {  	p0 =	sne.s32 s0, $0x0;
	s0 =	rddreg [dreg:$0x3]  }
0x156: {  	s0 =	sadd.s32 @!p0 $0x100000, s0  }
0x157: {  	[sflag:s0] =	ssyncadd.tile.s32 @!p0 $0x1;
	_ =	shalt  }
.Lfunc_end2:
_tile_overlayer_lowered:
.L_overlay_start_2:
0x158: {  	(tag) =	ssettag $0x2  }
0x159: {  	s0 =	rddreg [dreg:$0x0];
	s2 =	stileid.u32  }
0x15a: {  	s1 =	rddreg [dreg:$0x1];
	p0 =	sne.s32 s2, $0x0  }
0x15b: {  	s3 =	rddreg [dreg:$0x2];
	[bflag:$0x3] =	sbarrier.arrive $0xFFFF;
	s2 =	simm.s32 @!p0 $0x1C04  }
0x15c: {  	[timem:s3], [sflag:s2] =	dma.local @!p0 [hbm:s0], s1  }
0x15d: {  	s0 =	simm.s32 @!p0 $0x4  }
0x15e: {  	_ =	swait.ge @!p0 [sflag:s0], s1  }
0x15f: {  	s1 =	ssub.s32 @!p0 $0x0, s1;
	[sflag:s0] =	ssyncset.done @!p0 $0x0  }
0x160: {  	[sflag:s0] =	ssyncadd.s32 @!p0 s1  }
0x161: {  	[bflag:$0x3] =	sbarrier.arrive $0xFFFF  }
0x162: {  	_ =	shalt  }

</sc_bundles>
